<compile_context>
chip_gen: v7x
topology: tpu7x:2x2x1
jax: 0.10.2.dev20260603
libtpu: 0.0.44.dev20260713+nightly
codegen_flags: <defaults>
</compile_context>

<pallas_src>
import functools

import jax
import jax.numpy as jnp
from jax import lax
from jax.experimental import pallas as pl
from jax.experimental.pallas import tpu as pltpu
from jax.experimental.pallas import tpu_sc as plsc

N = 2048
E = N * (N - 1) // 2
VCPAD = 2170880
NT = 16



def _band_sizes(b):
    mx = 65008 - 1024 * b
    return (((mx + 2047) >> 11) << 11)


def _mesh():
    return plsc.VectorSubcoreMesh(core_axis_name="c", subcore_axis_name="s")



def _compact_body(adj_ref, vc_ref, cnt_ref,
                  rowbuf, vbuf, bcbuf):
    c = lax.axis_index("c")
    s = lax.axis_index("s")
    wid = c * NT + s
    ii = lax.iota(jnp.int32, 16)

    def pb(b, carry):
        pbase, pbl, pbh = carry
        pbl = jnp.where(b == wid, pbase, pbl)
        pbh = jnp.where(b == 63 - wid, pbase, pbh)
        return (pbase + _band_sizes(b), pbl, pbh)

    _, pbl, pbh = lax.fori_loop(0, 64, pb,
                                (jnp.int32(0), jnp.int32(0), jnp.int32(0)))

    def comp_band(row0, pbase, bslot):
        def chunk(cki, carry):
            r0 = row0 + cki * 16
            pltpu.sync_copy(adj_ref.at[pl.ds(r0 * N, 16 * N)], rowbuf)

            def rowb(r, carry):
                o, fl = carry
                i = r0 + r
                vstart = (i + 1) >> 4

                def vb_(vb, o):
                    x = rowbuf[pl.ds(r * N + vb * 16, 16)]
                    m = (x != 0.0) & ((vb * 16 + ii) > i)
                    mi = m.astype(jnp.int32)
                    pos = plsc.cumsum(mi)
                    t = (pos + (o - 1)) & 4095
                    plsc.store_scatter(vbuf, [t], x, mask=m)
                    return o + jnp.sum(mi)

                o = lax.fori_loop(vstart, 128, vb_, o)
                do = (o - fl) >= 2048

                @pl.when(do)
                def _():
                    pltpu.sync_copy(
                        vbuf.at[pl.ds(pl.multiple_of(fl & 4095, 2048), 2048)],
                        vc_ref.at[pl.ds(pl.multiple_of(pbase + fl, 2048), 2048)])

                fl = jnp.where(do, fl + 2048, fl)
                return (o, fl)

            return lax.fori_loop(0, 16, rowb, carry)

        o, fl = lax.fori_loop(0, 2, chunk, (jnp.int32(0), jnp.int32(0)))

        @pl.when(o > fl)
        def _():
            pltpu.sync_copy(
                vbuf.at[pl.ds(pl.multiple_of(fl & 4095, 2048), 2048)],
                vc_ref.at[pl.ds(pl.multiple_of(pbase + fl, 2048), 2048)])

        bcbuf[pl.ds(0, 16)] = jnp.full((16,), o, jnp.int32)
        pltpu.sync_copy(bcbuf, cnt_ref.at[pl.ds(bslot * 16, 16)])

    comp_band(wid * 32, pbl, wid)
    comp_band((63 - wid) * 32, pbh, 63 - wid)


_compact_call = functools.partial(
    pl.kernel,
    mesh=_mesh(),
    compiler_params=pltpu.CompilerParams(needs_layout_passes=False),
    out_type=(jax.ShapeDtypeStruct((VCPAD,), jnp.float32),
              jax.ShapeDtypeStruct((1024,), jnp.int32)),
    scratch_types=[
        pltpu.VMEM((16 * N,), jnp.float32),
        pltpu.VMEM((4096,), jnp.float32),
        pltpu.VMEM((16,), jnp.int32),
    ],
)(_compact_body)



def _scatter_body(vc_ref, src_ref, dst_ref, cnt_ref, w_ref,
                  wblk, zbuf, cntl, vbufv, sbuf2, dbuf2, idxring, valring, dsem):
    c = lax.axis_index("c")
    s = lax.axis_index("s")
    ii = lax.iota(jnp.int32, 16)
    zi = jnp.zeros((16,), jnp.int32)
    zf = jnp.zeros((16,), jnp.float32)

    pltpu.sync_copy(cnt_ref, cntl)

    t0, t1, t2, t3 = 2 * s, 2 * s + 1, 62 - 2 * s, 63 - 2 * s
    init = (jnp.int32(0), jnp.int32(0)) + (jnp.int32(0),) * 12

    def pb(b, carry):
        kb, pbase = carry[0], carry[1]
        snaps = list(carry[2:])
        s1 = cntl[pl.ds(b * 16, 16)][0]
        for j, t in enumerate((t0, t1, t2, t3)):
            hit = b == t
            snaps[3 * j] = jnp.where(hit, kb, snaps[3 * j])
            snaps[3 * j + 1] = jnp.where(hit, pbase, snaps[3 * j + 1])
            snaps[3 * j + 2] = jnp.where(hit, s1, snaps[3 * j + 2])
        return (kb + s1, pbase + _band_sizes(b)) + tuple(snaps)

    res = lax.fori_loop(0, 64, pb, init)
    bands = [(res[2 + 3 * j], res[3 + 3 * j], res[4 + 3 * j]) for j in range(4)]

    def zb(i, _):
        zbuf[pl.ds(i * 16, 16)] = zf
        return 0

    lax.fori_loop(0, 512, zb, 0)

    for rnd in range(2):
        q = 2 * c + rnd

        def z2(z, _):
            pltpu.sync_copy(zbuf, wblk.at[pl.ds(s * 65536 + z * 8192, 8192)])
            return 0

        lax.fori_loop(0, 8, z2, 0)
        plsc.subcore_barrier()

        o_fl = (jnp.int32(0), jnp.int32(0))
        for (kbase, pbase, cnt) in bands:
            nch = (cnt + 8191) >> 13

            def ch_body(ch, carry, kbase=kbase, pbase=pbase, cnt=cnt):
                pltpu.sync_copy(
                    vc_ref.at[pl.ds(pl.multiple_of(pbase + ch * 8192, 2048), 8192)],
                    vbufv)
                koff = kbase + ch * 8192
                ka = pl.multiple_of(jnp.minimum(koff & ~7, E - 8208), 8)
                sh = koff - ka
                pltpu.sync_copy(src_ref.at[pl.ds(ka, 8208)], sbuf2)
                pltpu.sync_copy(dst_ref.at[pl.ds(ka, 8208)], dbuf2)

                def vb_(vb, carry):
                    o, fl = carry
                    gi = jnp.minimum(sh + vb * 16 + ii, 8207)
                    sr = plsc.load_gather(sbuf2, [gi])
                    dt = plsc.load_gather(dbuf2, [gi])
                    x = vbufv[pl.ds(vb * 16, 16)]
                    tb = ch * 8192 + vb * 16 + ii
                    valid = ((dt >> 9) == q) & (tb < cnt)
                    lin = jnp.where(valid, ((dt & 511) << 11) | sr, 0)
                    xv = jnp.where(valid, x, 0.0)
                    mi = valid.astype(jnp.int32)
                    pos = plsc.cumsum(mi)
                    p = (pos + (o - 1)) & 8191
                    plsc.store_scatter(idxring, [p], lin, mask=valid)
                    plsc.store_scatter(valring, [p], xv, mask=valid)
                    o = o + jnp.sum(mi)
                    do = (o - fl) >= 4080

                    @pl.when(do)
                    def _():
                        k = fl + 4096 - o
                        pz = (o + ii) & 8191
                        mz = ii < k
                        plsc.store_scatter(idxring, [pz], zi, mask=mz)
                        plsc.store_scatter(valring, [pz], zf, mask=mz)
                        h = pl.multiple_of(fl & 8191, 4096)
                        hp = pl.multiple_of((fl + 4096) & 8191, 4096)

                        @pl.when(fl > 0)
                        def _():
                            pltpu.make_async_copy(
                                valring.at[pl.ds(hp, 4096)],
                                wblk.at[idxring.at[pl.ds(hp, 4096)]],
                                dsem).wait()

                        pltpu.async_copy(
                            valring.at[pl.ds(h, 4096)],
                            wblk.at[idxring.at[pl.ds(h, 4096)]],
                            dsem, add=True)

                    o = jnp.where(do, fl + 4096, o)
                    fl = jnp.where(do, fl + 4096, fl)
                    return (o, fl)

                return lax.fori_loop(0, 512, vb_, carry)

            o_fl = lax.fori_loop(0, nch, ch_body, o_fl)

        o, fl = o_fl

        @pl.when(fl > 0)
        def _():
            hp = pl.multiple_of((fl + 4096) & 8191, 4096)
            pltpu.make_async_copy(
                valring.at[pl.ds(hp, 4096)],
                wblk.at[idxring.at[pl.ds(hp, 4096)]],
                dsem).wait()

        def zfill(rr, _):
            t = rr * 16 + ii
            p = (o + t) & 8191
            mz = t < (fl + 4096 - o)
            plsc.store_scatter(idxring, [p], zi, mask=mz)
            plsc.store_scatter(valring, [p], zf, mask=mz)
            return 0

        lax.fori_loop(0, 256, zfill, 0)

        @pl.when(o > fl)
        def _():
            h = pl.multiple_of(fl & 8191, 4096)
            pltpu.sync_copy(valring.at[pl.ds(h, 4096)],
                            wblk.at[idxring.at[pl.ds(h, 4096)]], add=True)

        plsc.subcore_barrier()
        pltpu.sync_copy(wblk.at[pl.ds(s * 65536, 65536)],
                        w_ref.at[pl.ds(q * 1048576 + s * 65536, 65536)])


_scatter_call = functools.partial(
    pl.kernel,
    mesh=_mesh(),
    compiler_params=pltpu.CompilerParams(needs_layout_passes=False),
    out_type=jax.ShapeDtypeStruct((N * N,), jnp.float32),
    scratch_types=[
        pltpu.VMEM_SHARED((512 * N,), jnp.float32),
        pltpu.VMEM((8192,), jnp.float32),
        pltpu.VMEM((1024,), jnp.int32),
        pltpu.VMEM((8192,), jnp.float32),
        pltpu.VMEM((8208,), jnp.int32),
        pltpu.VMEM((8208,), jnp.int32),
        pltpu.VMEM((8192,), jnp.int32),
        pltpu.VMEM((8192,), jnp.float32),
        pltpu.SemaphoreType.DMA,
    ],
)(_scatter_body)



def _dense_chain(w_ref, x_ref, w1_ref, b1_ref, w2_ref, b2_ref, out_ref):
    W = w_ref[...]
    deg = 1.0 + jnp.sum(W, axis=1)
    dis = jax.lax.rsqrt(deg)[:, None]
    dis2 = dis * dis
    x = x_ref[...]
    P1 = jnp.dot(x, w1_ref[...], preferred_element_type=jnp.float32)
    T1 = jnp.dot(W, dis * P1, preferred_element_type=jnp.float32)
    H1 = jnp.maximum(dis * T1 + dis2 * P1 + b1_ref[...], 0.0)
    P2 = jnp.dot(H1, w2_ref[...], preferred_element_type=jnp.float32)
    T2 = jnp.dot(W, dis * P2, preferred_element_type=jnp.float32)
    H2 = jnp.maximum(dis * T2 + dis2 * P2 + b2_ref[...], 0.0)
    m = jnp.max(H2, axis=0, keepdims=True)
    e = jnp.exp(H2 - m)
    r = e / jnp.sum(e, axis=0, keepdims=True)
    out_ref[...] = r.T


def _run_dense_chain(Wr, x, W1, b1, W2, b2):
    return pl.pallas_call(
        _dense_chain,
        out_shape=jax.ShapeDtypeStruct((32, N), jnp.float32),
    )(Wr, x, W1, b1.reshape(1, 32), W2, b2.reshape(1, 32))


def kernel(x, edge_index, adj_matrix, W1, b1, W2, b2):
    adjf = adj_matrix.reshape(N * N)
    ei = edge_index.astype(jnp.int32)
    vc, cnts = _compact_call(adjf)
    wlin = _scatter_call(vc, ei[0], ei[1], cnts)
    return _run_dense_chain(wlin.reshape(N, N), x, W1, b1, W2, b2)

# --- scband reference (transcript-rebuilt; emitter-appended) ---
"""Pipeline reference for scband-gcnmodel-with-weights-11063835754876 (READ-ONLY COPY).

The authoritative reference and input builder live on the scoring server;
editing this copy changes nothing except your own understanding.
"""

import jax, jax.numpy as jnp
import numpy as np

N = 2048
E = N * (N - 1) // 2  # 2096128; matches count of nonzero strict-upper-triangular entries of a rand-filled adj
D_IN, D_HID, D_OUT = 32, 32, 32


def setup_inputs(seed: int = 0) -> dict:
    key = jax.random.key(seed)
    ks = jax.random.split(key, 8)
    x = jax.random.normal(ks[0], (N, D_IN), dtype=jnp.float32)
    edge_index = jax.random.randint(ks[1], (2, E), 0, N)
    adj_matrix = jax.random.uniform(ks[2], (N, N), dtype=jnp.float32)
    # GCNConv learned params (glorot-ish init)
    W1 = jax.random.normal(ks[3], (D_IN, D_HID), dtype=jnp.float32) * (1.0 / np.sqrt(D_IN))
    b1 = jnp.zeros((D_HID,), dtype=jnp.float32)
    W2 = jax.random.normal(ks[4], (D_HID, D_OUT), dtype=jnp.float32) * (1.0 / np.sqrt(D_HID))
    b2 = jnp.zeros((D_OUT,), dtype=jnp.float32)
    return {"x": x, "edge_index": edge_index, "adj_matrix": adj_matrix, "W1": W1, "b1": b1, "W2": W2, "b2": b2}


def _gcn_conv(x, edge_index, edge_weight, W, b, n):
    # Faithful to torch_geometric GCNConv: add self-loops (weight 1), symmetric gcn_norm, W x, scatter-add at dst, + bias
    src = edge_index[0]
    dst = edge_index[1]
    loop = jnp.arange(n, dtype=src.dtype)
    src = jnp.concatenate([src, loop])
    dst = jnp.concatenate([dst, loop])
    ew = jnp.concatenate([edge_weight, jnp.ones((n,), dtype=edge_weight.dtype)])
    deg = jnp.zeros((n,), dtype=ew.dtype).at[dst].add(ew)
    deg_inv_sqrt = jnp.where(deg > 0, jax.lax.rsqrt(jnp.where(deg > 0, deg, 1.0)), 0.0)
    norm = deg_inv_sqrt[src] * ew * deg_inv_sqrt[dst]
    h = x @ W
    msg = h[src] * norm[:, None]
    out = jnp.zeros((n, W.shape[1]), dtype=h.dtype).at[dst].add(msg)
    return out + b


def reference(x, edge_index, adj_matrix, W1, b1, W2, b2):
    # edge_weight = nonzero entries of strict upper triangle (row-major), as in the torch forward
    ut = jnp.triu(adj_matrix, k=1)
    flat = ut.ravel()
    idx = jnp.flatnonzero(flat, size=E, fill_value=0)
    edge_weight = flat[idx]
    h = _gcn_conv(x, edge_index, edge_weight, W1, b1, N)
    h = jax.nn.relu(h)
    h = _gcn_conv(h, edge_index, edge_weight, W2, b2, N)
    h = jax.nn.relu(h)
    h = jax.nn.softmax(h, axis=0)
    return h.T

if __name__ == "__main__":
    import jax
    _d = setup_inputs()
    print(jax.jit(kernel)(*tuple(_d.values())))

</pallas_src>

<mosaic_0001>
#map = affine_map<(d0, d1) -> (0)>
module attributes {stable_mosaic.version = 14 : i64} {
  func.func @_scatter_body(%arg0: i32, %arg1: i32, %arg2: memref<2170880xf32, #tpu.memory_space<hbm>>, %arg3: memref<2096128xi32, #tpu.memory_space<hbm>>, %arg4: memref<2096128xi32, #tpu.memory_space<hbm>>, %arg5: memref<1024xi32, #tpu.memory_space<hbm>>, %arg6: memref<4194304xf32, #tpu.memory_space<hbm>>, %arg7: memref<1048576xf32, #tpu.memory_space<vmem_shared>>, %arg8: memref<8192xf32, #tpu.memory_space<vmem>>, %arg9: memref<1024xi32, #tpu.memory_space<vmem>>, %arg10: memref<8192xf32, #tpu.memory_space<vmem>>, %arg11: memref<8208xi32, #tpu.memory_space<vmem>>, %arg12: memref<8208xi32, #tpu.memory_space<vmem>>, %arg13: memref<8192xi32, #tpu.memory_space<vmem>>, %arg14: memref<8192xf32, #tpu.memory_space<vmem>>, %arg15: memref<!tpu.dma_semaphore, #tpu.memory_space<semaphore_mem>>) attributes {dimension_semantics = [#tpu.dimension_semantics<core_parallel>, #tpu.dimension_semantics<subcore_parallel>], iteration_bounds = array<i64: 2, 16>, scalar_prefetch = 0 : i64, scratch_operands = 9 : i64, tpu.core_type = #tpu.core_type<sc_vector_subcore>, window_params = [{transform_indices = #map}, {transform_indices = #map}, {transform_indices = #map}, {transform_indices = #map}, {transform_indices = #map}]} {
    %iota3A = tpu.iota {dimensions = array<i32: 0>} : vector<16xi32>
    %broadcast_in_dim3A = arith.constant 0 : i32
    %broadcast_in_dim3A_0 = vector.broadcast %broadcast_in_dim3A : i32 to vector<16xi32>
    %broadcast_in_dim3A_1 = arith.constant 0.000000e+00 : f32
    %broadcast_in_dim3A_2 = vector.broadcast %broadcast_in_dim3A_1 : f32 to vector<16xf32>
    "tpu.region"() ({
      %run_scoped3A = tpu.sem_alloc : memref<!tpu.dma_semaphore, #tpu.memory_space<semaphore_mem>>
      tpu.enqueue_dma source(%arg5 : memref<1024xi32, #tpu.memory_space<hbm>>) target(%arg9 : memref<1024xi32, #tpu.memory_space<vmem>>) target_semaphore(%run_scoped3A : memref<!tpu.dma_semaphore, #tpu.memory_space<semaphore_mem>>)
      tpu.wait_dma2 semaphore(%run_scoped3A : memref<!tpu.dma_semaphore, #tpu.memory_space<semaphore_mem>>) src(%arg5 : memref<1024xi32, #tpu.memory_space<hbm>>) dst(%arg9 : memref<1024xi32, #tpu.memory_space<vmem>>)
      tpu.yield
    }) : () -> ()
    %mul3A = arith.constant 2 : i32
    %mul3A_3 = arith.muli %mul3A, %arg1 : i32
    %mul3A_4 = arith.constant 2 : i32
    %mul3A_5 = arith.muli %mul3A_4, %arg1 : i32
    %add3A = arith.constant 1 : i32
    %add3A_6 = arith.addi %mul3A_5, %add3A : i32
    %mul3A_7 = arith.constant 2 : i32
    %mul3A_8 = arith.muli %mul3A_7, %arg1 : i32
    %sub3A = arith.constant 62 : i32
    %sub3A_9 = arith.subi %sub3A, %mul3A_8 : i32
    %mul3A_10 = arith.constant 2 : i32
    %mul3A_11 = arith.muli %mul3A_10, %arg1 : i32
    %sub3A_12 = arith.constant 63 : i32
    %sub3A_13 = arith.subi %sub3A_12, %mul3A_11 : i32
    %scan3A = arith.constant 0 : i32
    %scan3A_14 = arith.constant 0 : i32
    %scan3A_15 = arith.constant 0 : i32
    %scan3A_16 = arith.constant 0 : i32
    %scan3A_17 = arith.constant 0 : i32
    %scan3A_18 = arith.constant 0 : i32
    %scan3A_19 = arith.constant 0 : i32
    %scan3A_20 = arith.constant 0 : i32
    %scan3A_21 = arith.constant 0 : i32
    %scan3A_22 = arith.constant 0 : i32
    %scan3A_23 = arith.constant 0 : i32
    %scan3A_24 = arith.constant 0 : i32
    %scan3A_25 = arith.constant 0 : i32
    %scan3A_26 = arith.constant 0 : i32
    %scan3A_27 = arith.constant 0 : i32
    %scan3A_28 = arith.constant 64 : i32
    %scan3A_29 = arith.addi %scan3A_27, %scan3A_28 : i32
    %scan3A_30 = arith.constant 1 : i32
    %scan3A_31:14 = scf.for %scan3A_230 = %scan3A_27 to %scan3A_29 step %scan3A_30 iter_args(%scan3A_231 = %scan3A, %scan3A_232 = %scan3A_14, %scan3A_233 = %scan3A_15, %scan3A_234 = %scan3A_16, %scan3A_235 = %scan3A_17, %scan3A_236 = %scan3A_18, %scan3A_237 = %scan3A_19, %scan3A_238 = %scan3A_20, %scan3A_239 = %scan3A_21, %scan3A_240 = %scan3A_22, %scan3A_241 = %scan3A_23, %scan3A_242 = %scan3A_24, %scan3A_243 = %scan3A_25, %scan3A_244 = %scan3A_26) -> (i32, i32, i32, i32, i32, i32, i32, i32, i32, i32, i32, i32, i32, i32)  : i32 {
      %mul3A_245 = arith.constant 16 : i32
      %mul3A_246 = arith.muli %scan3A_230, %mul3A_245 : i32
      %get3A = arith.index_cast %mul3A_246 : i32 to index
      %get3A_247 = tpu.vector_load %arg9[%get3A] {strides = array<i32>} : memref<1024xi32, #tpu.memory_space<vmem>>, vector<16xi32>,
      %slice3A = vector.extract_strided_slice %get3A_247 {offsets = [0], sizes = [1], strides = [1]} : vector<16xi32> to vector<1xi32>
      %squeeze3A = vector.extract %slice3A[0] : i32 from vector<1xi32>
      %eq3A = arith.cmpi eq, %scan3A_230, %mul3A_3 : i32
      %select_n3A = arith.select %eq3A, %scan3A_231, %scan3A_233 : i32
      %select_n3A_248 = arith.select %eq3A, %scan3A_232, %scan3A_234 : i32
      %select_n3A_249 = arith.select %eq3A, %squeeze3A, %scan3A_235 : i32
      %eq3A_250 = arith.cmpi eq, %scan3A_230, %add3A_6 : i32
      %select_n3A_251 = arith.select %eq3A_250, %scan3A_231, %scan3A_236 : i32
      %select_n3A_252 = arith.select %eq3A_250, %scan3A_232, %scan3A_237 : i32
      %select_n3A_253 = arith.select %eq3A_250, %squeeze3A, %scan3A_238 : i32
      %eq3A_254 = arith.cmpi eq, %scan3A_230, %sub3A_9 : i32
      %select_n3A_255 = arith.select %eq3A_254, %scan3A_231, %scan3A_239 : i32
      %select_n3A_256 = arith.select %eq3A_254, %scan3A_232, %scan3A_240 : i32
      %select_n3A_257 = arith.select %eq3A_254, %squeeze3A, %scan3A_241 : i32
      %eq3A_258 = arith.cmpi eq, %scan3A_230, %sub3A_13 : i32
      %select_n3A_259 = arith.select %eq3A_258, %scan3A_231, %scan3A_242 : i32
      %select_n3A_260 = arith.select %eq3A_258, %scan3A_232, %scan3A_243 : i32
      %select_n3A_261 = arith.select %eq3A_258, %squeeze3A, %scan3A_244 : i32
      %add3A_262 = arith.addi %scan3A_231, %squeeze3A : i32
      %mul3A_263 = arith.constant 1024 : i32
      %mul3A_264 = arith.muli %mul3A_263, %scan3A_230 : i32
      %sub3A_265 = arith.constant 65008 : i32
      %sub3A_266 = arith.subi %sub3A_265, %mul3A_264 : i32
      %add3A_267 = arith.constant 2047 : i32
      %add3A_268 = arith.addi %sub3A_266, %add3A_267 : i32
      %shift_right_arithmetic3A_269 = arith.constant 11 : i32
      %shift_right_arithmetic3A_270 = arith.shrsi %add3A_268, %shift_right_arithmetic3A_269 : i32
      %shift_left3A = arith.constant 11 : i32
      %shift_left3A_271 = arith.shli %shift_right_arithmetic3A_270, %shift_left3A : i32
      %add3A_272 = arith.addi %scan3A_232, %shift_left3A_271 : i32
      scf.yield %add3A_262, %add3A_272, %select_n3A, %select_n3A_248, %select_n3A_249, %select_n3A_251, %select_n3A_252, %select_n3A_253, %select_n3A_255, %select_n3A_256, %select_n3A_257, %select_n3A_259, %select_n3A_260, %select_n3A_261 : i32, i32, i32, i32, i32, i32, i32, i32, i32, i32, i32, i32, i32, i32
    }
    %scan3A_32 = arith.constant 64 : i32
    %scan3A_33 = arith.constant 0 : i32
    %scan3A_34 = arith.constant 0 : i32
    %scan3A_35 = arith.constant 512 : i32
    %scan3A_36 = arith.addi %scan3A_34, %scan3A_35 : i32
    %scan3A_37 = arith.constant 1 : i32
    %scan3A_38 = scf.for %scan3A_230 = %scan3A_34 to %scan3A_36 step %scan3A_37 iter_args(%scan3A_231 = %scan3A_33) -> (i32)  : i32 {
      %mul3A_232 = arith.constant 16 : i32
      %mul3A_233 = arith.muli %scan3A_230, %mul3A_232 : i32
      %swap3A = arith.index_cast %mul3A_233 : i32 to index
      %swap3A_234 = tpu.vector_load %arg8[%swap3A] {strides = array<i32>} : memref<8192xf32, #tpu.memory_space<vmem>>, vector<16xf32>,
      tpu.vector_store %arg8[%swap3A], %broadcast_in_dim3A_2 {strides = array<i32>} : memref<8192xf32, #tpu.memory_space<vmem>>, vector<16xf32>,
      %scan3A_235 = arith.constant 0 : i32
      scf.yield %scan3A_235 : i32
    }
    %scan3A_39 = arith.constant 512 : i32
    %mul3A_40 = arith.constant 2 : i32
    %mul3A_41 = arith.muli %mul3A_40, %arg0 : i32
    %add3A_42 = arith.constant 0 : i32
    %add3A_43 = arith.addi %mul3A_41, %add3A_42 : i32
    %scan3A_44 = arith.constant 0 : i32
    %scan3A_45 = arith.constant 0 : i32
    %scan3A_46 = arith.constant 8 : i32
    %scan3A_47 = arith.addi %scan3A_45, %scan3A_46 : i32
    %scan3A_48 = arith.constant 1 : i32
    %scan3A_49 = scf.for %scan3A_230 = %scan3A_45 to %scan3A_47 step %scan3A_48 iter_args(%scan3A_231 = %scan3A_44) -> (i32)  : i32 {
      %mul3A_232 = arith.constant 65536 : i32
      %mul3A_233 = arith.muli %arg1, %mul3A_232 : i32
      %mul3A_234 = arith.constant 8192 : i32
      %mul3A_235 = arith.muli %scan3A_230, %mul3A_234 : i32
      %add3A_236 = arith.addi %mul3A_233, %mul3A_235 : i32
      "tpu.region"() ({
        %run_scoped3A = tpu.sem_alloc : memref<!tpu.dma_semaphore, #tpu.memory_space<semaphore_mem>>
        %dma_start3A = tpu.memref_slice %arg7[%add3A_236] : memref<1048576xf32, #tpu.memory_space<vmem_shared>> -> memref<8192xf32, #tpu.memory_space<vmem_shared>>
        %dma_start3A_238 = tpu.memref_slice %arg7[%add3A_236] : memref<1048576xf32, #tpu.memory_space<vmem_shared>> -> memref<8192xf32, #tpu.memory_space<vmem_shared>>
        tpu.enqueue_dma source(%arg8 : memref<8192xf32, #tpu.memory_space<vmem>>) target(%dma_start3A_238 : memref<8192xf32, #tpu.memory_space<vmem_shared>>) target_semaphore(%run_scoped3A : memref<!tpu.dma_semaphore, #tpu.memory_space<semaphore_mem>>)
        %dma_wait3A = tpu.memref_slice %arg7[%add3A_236] : memref<1048576xf32, #tpu.memory_space<vmem_shared>> -> memref<8192xf32, #tpu.memory_space<vmem_shared>>
        %dma_wait3A_239 = tpu.memref_slice %arg7[%add3A_236] : memref<1048576xf32, #tpu.memory_space<vmem_shared>> -> memref<8192xf32, #tpu.memory_space<vmem_shared>>
        tpu.wait_dma2 semaphore(%run_scoped3A : memref<!tpu.dma_semaphore, #tpu.memory_space<semaphore_mem>>) src(%arg8 : memref<8192xf32, #tpu.memory_space<vmem>>) dst(%dma_wait3A_239 : memref<8192xf32, #tpu.memory_space<vmem_shared>>)
        tpu.yield
      }) : () -> ()
      %scan3A_237 = arith.constant 0 : i32
      scf.yield %scan3A_237 : i32
    }
    %scan3A_50 = arith.constant 8 : i32
    %barrier3A = arith.constant 0 : index
    tpu.barrier barrier_id(%barrier3A)
    %add3A_51 = arith.constant 8191 : i32
    %add3A_52 = arith.addi %scan3A_31#4, %add3A_51 : i32
    %shift_right_arithmetic3A = arith.constant 13 : i32
    %shift_right_arithmetic3A_53 = arith.shrsi %add3A_52, %shift_right_arithmetic3A : i32
    %while3A = arith.constant 0 : i32
    %while3A_54 = arith.constant 0 : i32
    %while3A_55 = arith.constant 0 : i32
    %while3A_56 = arith.subi %shift_right_arithmetic3A_53, %while3A : i32
    %while3A_57 = arith.addi %while3A, %while3A_56 : i32
    %while3A_58 = arith.constant 1 : i32
    %while3A_59 = arith.divsi %while3A_56, %while3A_58 : i32
    %while3A_60 = arith.muli %while3A_59, %while3A_58 : i32
    %while3A_61 = arith.addi %while3A, %while3A_60 : i32
    %while3A_62 = arith.constant 1 : i32
    %while3A_63:2 = scf.for %while3A_230 = %while3A to %while3A_61 step %while3A_62 iter_args(%while3A_231 = %while3A_54, %while3A_232 = %while3A_55) -> (i32, i32)  : i32 {
      %mul3A_233 = arith.constant 8192 : i32
      %mul3A_234 = arith.muli %while3A_230, %mul3A_233 : i32
      %add3A_235 = arith.addi %scan3A_31#3, %mul3A_234 : i32
      %multiple_of3A = tpu.assume_multiple %add3A_235, 2048 : i32
      "tpu.region"() ({
        %run_scoped3A = tpu.sem_alloc : memref<!tpu.dma_semaphore, #tpu.memory_space<semaphore_mem>>
        %dma_start3A = tpu.memref_slice %arg2[%multiple_of3A] : memref<2170880xf32, #tpu.memory_space<hbm>> -> memref<8192xf32, #tpu.memory_space<hbm>>
        %dma_start3A_249 = tpu.memref_slice %arg2[%multiple_of3A] : memref<2170880xf32, #tpu.memory_space<hbm>> -> memref<8192xf32, #tpu.memory_space<hbm>>
        tpu.enqueue_dma source(%dma_start3A_249 : memref<8192xf32, #tpu.memory_space<hbm>>) target(%arg10 : memref<8192xf32, #tpu.memory_space<vmem>>) target_semaphore(%run_scoped3A : memref<!tpu.dma_semaphore, #tpu.memory_space<semaphore_mem>>)
        %dma_wait3A = tpu.memref_slice %arg2[%multiple_of3A] : memref<2170880xf32, #tpu.memory_space<hbm>> -> memref<8192xf32, #tpu.memory_space<hbm>>
        %dma_wait3A_250 = tpu.memref_slice %arg2[%multiple_of3A] : memref<2170880xf32, #tpu.memory_space<hbm>> -> memref<8192xf32, #tpu.memory_space<hbm>>
        tpu.wait_dma2 semaphore(%run_scoped3A : memref<!tpu.dma_semaphore, #tpu.memory_space<semaphore_mem>>) src(%dma_wait3A_250 : memref<8192xf32, #tpu.memory_space<hbm>>) dst(%arg10 : memref<8192xf32, #tpu.memory_space<vmem>>)
        tpu.yield
      }) : () -> ()
      %mul3A_236 = arith.constant 8192 : i32
      %mul3A_237 = arith.muli %while3A_230, %mul3A_236 : i32
      %add3A_238 = arith.addi %scan3A_31#2, %mul3A_237 : i32
      %and3A = arith.constant -8 : i32
      %and3A_239 = arith.andi %add3A_238, %and3A : i32
      %min3A = arith.constant 2087920 : i32
      %min3A_240 = arith.minsi %and3A_239, %min3A : i32
      %multiple_of3A_241 = tpu.assume_multiple %min3A_240, 8 : i32
      %sub3A_242 = arith.subi %add3A_238, %multiple_of3A_241 : i32
      "tpu.region"() ({
        %run_scoped3A = tpu.sem_alloc : memref<!tpu.dma_semaphore, #tpu.memory_space<semaphore_mem>>
        %dma_start3A = tpu.memref_slice %arg3[%multiple_of3A_241] : memref<2096128xi32, #tpu.memory_space<hbm>> -> memref<8208xi32, #tpu.memory_space<hbm>>
        %dma_start3A_249 = tpu.memref_slice %arg3[%multiple_of3A_241] : memref<2096128xi32, #tpu.memory_space<hbm>> -> memref<8208xi32, #tpu.memory_space<hbm>>
        tpu.enqueue_dma source(%dma_start3A_249 : memref<8208xi32, #tpu.memory_space<hbm>>) target(%arg11 : memref<8208xi32, #tpu.memory_space<vmem>>) target_semaphore(%run_scoped3A : memref<!tpu.dma_semaphore, #tpu.memory_space<semaphore_mem>>)
        %dma_wait3A = tpu.memref_slice %arg3[%multiple_of3A_241] : memref<2096128xi32, #tpu.memory_space<hbm>> -> memref<8208xi32, #tpu.memory_space<hbm>>
        %dma_wait3A_250 = tpu.memref_slice %arg3[%multiple_of3A_241] : memref<2096128xi32, #tpu.memory_space<hbm>> -> memref<8208xi32, #tpu.memory_space<hbm>>
        tpu.wait_dma2 semaphore(%run_scoped3A : memref<!tpu.dma_semaphore, #tpu.memory_space<semaphore_mem>>) src(%dma_wait3A_250 : memref<8208xi32, #tpu.memory_space<hbm>>) dst(%arg11 : memref<8208xi32, #tpu.memory_space<vmem>>)
        tpu.yield
      }) : () -> ()
      "tpu.region"() ({
        %run_scoped3A = tpu.sem_alloc : memref<!tpu.dma_semaphore, #tpu.memory_space<semaphore_mem>>
        %dma_start3A = tpu.memref_slice %arg4[%multiple_of3A_241] : memref<2096128xi32, #tpu.memory_space<hbm>> -> memref<8208xi32, #tpu.memory_space<hbm>>
        %dma_start3A_249 = tpu.memref_slice %arg4[%multiple_of3A_241] : memref<2096128xi32, #tpu.memory_space<hbm>> -> memref<8208xi32, #tpu.memory_space<hbm>>
        tpu.enqueue_dma source(%dma_start3A_249 : memref<8208xi32, #tpu.memory_space<hbm>>) target(%arg12 : memref<8208xi32, #tpu.memory_space<vmem>>) target_semaphore(%run_scoped3A : memref<!tpu.dma_semaphore, #tpu.memory_space<semaphore_mem>>)
        %dma_wait3A = tpu.memref_slice %arg4[%multiple_of3A_241] : memref<2096128xi32, #tpu.memory_space<hbm>> -> memref<8208xi32, #tpu.memory_space<hbm>>
        %dma_wait3A_250 = tpu.memref_slice %arg4[%multiple_of3A_241] : memref<2096128xi32, #tpu.memory_space<hbm>> -> memref<8208xi32, #tpu.memory_space<hbm>>
        tpu.wait_dma2 semaphore(%run_scoped3A : memref<!tpu.dma_semaphore, #tpu.memory_space<semaphore_mem>>) src(%dma_wait3A_250 : memref<8208xi32, #tpu.memory_space<hbm>>) dst(%arg12 : memref<8208xi32, #tpu.memory_space<vmem>>)
        tpu.yield
      }) : () -> ()
      %scan3A_243 = arith.constant 0 : i32
      %scan3A_244 = arith.constant 512 : i32
      %scan3A_245 = arith.addi %scan3A_243, %scan3A_244 : i32
      %scan3A_246 = arith.constant 1 : i32
      %scan3A_247:2 = scf.for %scan3A_249 = %scan3A_243 to %scan3A_245 step %scan3A_246 iter_args(%scan3A_250 = %while3A_231, %scan3A_251 = %while3A_232) -> (i32, i32)  : i32 {
        %mul3A_252 = arith.constant 16 : i32
        %mul3A_253 = arith.muli %scan3A_249, %mul3A_252 : i32
        %add3A_254 = arith.addi %sub3A_242, %mul3A_253 : i32
        %add3A_255 = vector.broadcast %add3A_254 : i32 to vector<16xi32>
        %add3A_256 = arith.addi %add3A_255, %iota3A : vector<16xi32>
        %min3A_257 = arith.constant 8207 : i32
        %min3A_258 = vector.broadcast %min3A_257 : i32 to vector<16xi32>
        %min3A_259 = arith.minsi %add3A_256, %min3A_258 : vector<16xi32>
        %gather3A = tpu.vector_load_idx %arg11[%min3A_259] : memref<8208xi32, #tpu.memory_space<vmem>>[vector<16xi32>], vector<16xi32>,
        %gather3A_260 = tpu.vector_load_idx %arg12[%min3A_259] : memref<8208xi32, #tpu.memory_space<vmem>>[vector<16xi32>], vector<16xi32>,
        %mul3A_261 = arith.constant 16 : i32
        %mul3A_262 = arith.muli %scan3A_249, %mul3A_261 : i32
        %get3A = arith.index_cast %mul3A_262 : i32 to index
        %get3A_263 = tpu.vector_load %arg10[%get3A] {strides = array<i32>} : memref<8192xf32, #tpu.memory_space<vmem>>, vector<16xf32>,
        %mul3A_264 = arith.constant 8192 : i32
        %mul3A_265 = arith.muli %while3A_230, %mul3A_264 : i32
        %mul3A_266 = arith.constant 16 : i32
        %mul3A_267 = arith.muli %scan3A_249, %mul3A_266 : i32
        %add3A_268 = arith.addi %mul3A_265, %mul3A_267 : i32
        %add3A_269 = vector.broadcast %add3A_268 : i32 to vector<16xi32>
        %add3A_270 = arith.addi %add3A_269, %iota3A : vector<16xi32>
        %shift_right_arithmetic3A_271 = arith.constant 9 : i32
        %shift_right_arithmetic3A_272 = vector.broadcast %shift_right_arithmetic3A_271 : i32 to vector<16xi32>
        %shift_right_arithmetic3A_273 = arith.shrsi %gather3A_260, %shift_right_arithmetic3A_272 : vector<16xi32>
        %eq3A = vector.broadcast %add3A_43 : i32 to vector<16xi32>
        %eq3A_274 = arith.cmpi eq, %shift_right_arithmetic3A_273, %eq3A : vector<16xi32>
        %lt3A = vector.broadcast %scan3A_31#4 : i32 to vector<16xi32>
        %lt3A_275 = arith.cmpi slt, %add3A_270, %lt3A : vector<16xi32>
        %and3A_276 = arith.andi %eq3A_274, %lt3A_275 : vector<16xi1>
        %and3A_277 = arith.constant 511 : i32
        %and3A_278 = vector.broadcast %and3A_277 : i32 to vector<16xi32>
        %and3A_279 = arith.andi %gather3A_260, %and3A_278 : vector<16xi32>
        %shift_left3A = arith.constant 11 : i32
        %shift_left3A_280 = vector.broadcast %shift_left3A : i32 to vector<16xi32>
        %shift_left3A_281 = arith.shli %and3A_279, %shift_left3A_280 : vector<16xi32>
        %or3A = arith.ori %shift_left3A_281, %gather3A : vector<16xi32>
        %jit3A = arith.constant 0 : i32
        %broadcast_in_dim3A_282 = vector.broadcast %jit3A : i32 to vector<16xi32>
        %select_n3A = arith.select %and3A_276, %or3A, %broadcast_in_dim3A_282 : vector<16xi1>, vector<16xi32>
        %jit3A_283 = arith.constant 0.000000e+00 : f32
        %broadcast_in_dim3A_284 = vector.broadcast %jit3A_283 : f32 to vector<16xf32>
        %select_n3A_285 = arith.select %and3A_276, %get3A_263, %broadcast_in_dim3A_284 : vector<16xi1>, vector<16xf32>
        %convert_element_type3A_286 = arith.extui %and3A_276 : vector<16xi1> to vector<16xi32>
        %broadcast_in_dim3A_287 = arith.constant true
        %broadcast_in_dim3A_288 = vector.broadcast %broadcast_in_dim3A_287 : i1 to vector<16xi1>
        %masked_cumsum3A = tpu.scan <sum>, %convert_element_type3A_286 masked %broadcast_in_dim3A_288 : vector<16xi32>, vector<16xi1> -> vector<16xi32>
        %sub3A_289 = arith.constant 1 : i32
        %sub3A_290 = arith.subi %scan3A_250, %sub3A_289 : i32
        %add3A_291 = vector.broadcast %sub3A_290 : i32 to vector<16xi32>
        %add3A_292 = arith.addi %masked_cumsum3A, %add3A_291 : vector<16xi32>
        %and3A_293 = arith.constant 8191 : i32
        %and3A_294 = vector.broadcast %and3A_293 : i32 to vector<16xi32>
        %and3A_295 = arith.andi %add3A_292, %and3A_294 : vector<16xi32>
        tpu.vector_store_idx %arg13[%and3A_295], %select_n3A masked %and3A_276 : memref<8192xi32, #tpu.memory_space<vmem>>[vector<16xi32>], vector<16xi32>, vector<16xi1>
        tpu.vector_store_idx %arg14[%and3A_295], %select_n3A_285 masked %and3A_276 : memref<8192xf32, #tpu.memory_space<vmem>>[vector<16xi32>], vector<16xf32>, vector<16xi1>
        %reduce_sum3A = arith.constant true
        %reduce_sum3A_296 = vector.broadcast %reduce_sum3A : i1 to vector<16xi1>
        %reduce_sum3A_297 = tpu.scan <sum>, %convert_element_type3A_286 masked %reduce_sum3A_296 : vector<16xi32>, vector<16xi1> -> vector<16xi32>
        %reduce_sum3A_298 = vector.extract %reduce_sum3A_297[15] : i32 from vector<16xi32>
        %add3A_299 = arith.addi %scan3A_250, %reduce_sum3A_298 : i32
        %sub3A_300 = arith.subi %add3A_299, %scan3A_251 : i32
        %ge3A = arith.constant 4080 : i32
        %ge3A_301 = arith.cmpi sge, %sub3A_300, %ge3A : i32
        %convert_element_type3A_302 = arith.extui %ge3A_301 : i1 to i32
        %cond3A_303 = arith.constant 0 : i32
        %cond3A_304 = arith.cmpi ne, %convert_element_type3A_302, %cond3A_303 : i32
        scf.if %cond3A_304 {
          %add3A_311 = arith.constant 4096 : i32
          %add3A_312 = arith.addi %scan3A_251, %add3A_311 : i32
          %sub3A_313 = arith.subi %add3A_312, %add3A_299 : i32
          %add3A_314 = vector.broadcast %add3A_299 : i32 to vector<16xi32>
          %add3A_315 = arith.addi %add3A_314, %iota3A : vector<16xi32>
          %and3A_316 = arith.constant 8191 : i32
          %and3A_317 = vector.broadcast %and3A_316 : i32 to vector<16xi32>
          %and3A_318 = arith.andi %add3A_315, %and3A_317 : vector<16xi32>
          %lt3A_319 = vector.broadcast %sub3A_313 : i32 to vector<16xi32>
          %lt3A_320 = arith.cmpi slt, %iota3A, %lt3A_319 : vector<16xi32>
          tpu.vector_store_idx %arg13[%and3A_318], %broadcast_in_dim3A_0 masked %lt3A_320 : memref<8192xi32, #tpu.memory_space<vmem>>[vector<16xi32>], vector<16xi32>, vector<16xi1>
          tpu.vector_store_idx %arg14[%and3A_318], %broadcast_in_dim3A_2 masked %lt3A_320 : memref<8192xf32, #tpu.memory_space<vmem>>[vector<16xi32>], vector<16xf32>, vector<16xi1>
          %and3A_321 = arith.constant 8191 : i32
          %and3A_322 = arith.andi %scan3A_251, %and3A_321 : i32
          %multiple_of3A_323 = tpu.assume_multiple %and3A_322, 4096 : i32
          %add3A_324 = arith.constant 4096 : i32
          %add3A_325 = arith.addi %scan3A_251, %add3A_324 : i32
          %and3A_326 = arith.constant 8191 : i32
          %and3A_327 = arith.andi %add3A_325, %and3A_326 : i32
          %multiple_of3A_328 = tpu.assume_multiple %and3A_327, 4096 : i32
          %gt3A_329 = arith.constant 0 : i32
          %gt3A_330 = arith.cmpi sgt, %scan3A_251, %gt3A_329 : i32
          %convert_element_type3A_331 = arith.extui %gt3A_330 : i1 to i32
          %cond3A_332 = arith.constant 0 : i32
          %cond3A_333 = arith.cmpi ne, %convert_element_type3A_331, %cond3A_332 : i32
          scf.if %cond3A_333 {
            %dma_wait3A = tpu.memref_slice %arg14[%multiple_of3A_328] : memref<8192xf32, #tpu.memory_space<vmem>> -> memref<4096xf32, #tpu.memory_space<vmem>>
            %dma_wait3A_337 = tpu.memref_slice %arg13[%multiple_of3A_328] : memref<8192xi32, #tpu.memory_space<vmem>> -> memref<4096xi32, #tpu.memory_space<vmem>>
            %dma_wait3A_338 = arith.constant 0 : i32
            %dma_wait3A_339 = tpu.memref_slice %arg7[%dma_wait3A_338] : memref<1048576xf32, #tpu.memory_space<vmem_shared>> -> memref<1048576xf32, #tpu.memory_space<vmem_shared>>
            tpu.wait_indirect_dma semaphore(%arg15 : memref<!tpu.dma_semaphore, #tpu.memory_space<semaphore_mem>>) src(%dma_wait3A : memref<4096xf32, #tpu.memory_space<vmem>>) dst(%dma_wait3A_339 : memref<1048576xf32, #tpu.memory_space<vmem_shared>>)
          } else {
          }
          %dma_start3A = tpu.memref_slice %arg14[%multiple_of3A_323] : memref<8192xf32, #tpu.memory_space<vmem>> -> memref<4096xf32, #tpu.memory_space<vmem>>
          %dma_start3A_334 = tpu.memref_slice %arg13[%multiple_of3A_323] : memref<8192xi32, #tpu.memory_space<vmem>> -> memref<4096xi32, #tpu.memory_space<vmem>>
          %dma_start3A_335 = arith.constant 0 : i32
          %dma_start3A_336 = tpu.memref_slice %arg7[%dma_start3A_335] : memref<1048576xf32, #tpu.memory_space<vmem_shared>> -> memref<1048576xf32, #tpu.memory_space<vmem_shared>>
          tpu.enqueue_indirect_dma source(%dma_start3A : memref<4096xf32, #tpu.memory_space<vmem>>) target(%dma_start3A_336 : memref<1048576xf32, #tpu.memory_space<vmem_shared>>) offsets(%dma_start3A_334 : memref<4096xi32, #tpu.memory_space<vmem>>) semaphore(%arg15 : memref<!tpu.dma_semaphore, #tpu.memory_space<semaphore_mem>>) {add = true}
        } else {
        }
        %add3A_305 = arith.constant 4096 : i32
        %add3A_306 = arith.addi %scan3A_251, %add3A_305 : i32
        %select_n3A_307 = arith.select %ge3A_301, %add3A_306, %add3A_299 : i32
        %add3A_308 = arith.constant 4096 : i32
        %add3A_309 = arith.addi %scan3A_251, %add3A_308 : i32
        %select_n3A_310 = arith.select %ge3A_301, %add3A_309, %scan3A_251 : i32
        scf.yield %select_n3A_307, %select_n3A_310 : i32, i32
      }
      %scan3A_248 = arith.constant 512 : i32
      scf.yield %scan3A_247#0, %scan3A_247#1 : i32, i32
    }
    %while3A_64 = arith.constant 1 : i32
    %while3A_65:2 = scf.for %while3A_230 = %while3A_61 to %while3A_57 step %while3A_64 iter_args(%while3A_231 = %while3A_63#0, %while3A_232 = %while3A_63#1) -> (i32, i32)  : i32 {
      %mul3A_233 = arith.constant 8192 : i32
      %mul3A_234 = arith.muli %while3A_230, %mul3A_233 : i32
      %add3A_235 = arith.addi %scan3A_31#3, %mul3A_234 : i32
      %multiple_of3A = tpu.assume_multiple %add3A_235, 2048 : i32
      "tpu.region"() ({
        %run_scoped3A = tpu.sem_alloc : memref<!tpu.dma_semaphore, #tpu.memory_space<semaphore_mem>>
        %dma_start3A = tpu.memref_slice %arg2[%multiple_of3A] : memref<2170880xf32, #tpu.memory_space<hbm>> -> memref<8192xf32, #tpu.memory_space<hbm>>
        %dma_start3A_249 = tpu.memref_slice %arg2[%multiple_of3A] : memref<2170880xf32, #tpu.memory_space<hbm>> -> memref<8192xf32, #tpu.memory_space<hbm>>
        tpu.enqueue_dma source(%dma_start3A_249 : memref<8192xf32, #tpu.memory_space<hbm>>) target(%arg10 : memref<8192xf32, #tpu.memory_space<vmem>>) target_semaphore(%run_scoped3A : memref<!tpu.dma_semaphore, #tpu.memory_space<semaphore_mem>>)
        %dma_wait3A = tpu.memref_slice %arg2[%multiple_of3A] : memref<2170880xf32, #tpu.memory_space<hbm>> -> memref<8192xf32, #tpu.memory_space<hbm>>
        %dma_wait3A_250 = tpu.memref_slice %arg2[%multiple_of3A] : memref<2170880xf32, #tpu.memory_space<hbm>> -> memref<8192xf32, #tpu.memory_space<hbm>>
        tpu.wait_dma2 semaphore(%run_scoped3A : memref<!tpu.dma_semaphore, #tpu.memory_space<semaphore_mem>>) src(%dma_wait3A_250 : memref<8192xf32, #tpu.memory_space<hbm>>) dst(%arg10 : memref<8192xf32, #tpu.memory_space<vmem>>)
        tpu.yield
      }) : () -> ()
      %mul3A_236 = arith.constant 8192 : i32
      %mul3A_237 = arith.muli %while3A_230, %mul3A_236 : i32
      %add3A_238 = arith.addi %scan3A_31#2, %mul3A_237 : i32
      %and3A = arith.constant -8 : i32
      %and3A_239 = arith.andi %add3A_238, %and3A : i32
      %min3A = arith.constant 2087920 : i32
      %min3A_240 = arith.minsi %and3A_239, %min3A : i32
      %multiple_of3A_241 = tpu.assume_multiple %min3A_240, 8 : i32
      %sub3A_242 = arith.subi %add3A_238, %multiple_of3A_241 : i32
      "tpu.region"() ({
        %run_scoped3A = tpu.sem_alloc : memref<!tpu.dma_semaphore, #tpu.memory_space<semaphore_mem>>
        %dma_start3A = tpu.memref_slice %arg3[%multiple_of3A_241] : memref<2096128xi32, #tpu.memory_space<hbm>> -> memref<8208xi32, #tpu.memory_space<hbm>>
        %dma_start3A_249 = tpu.memref_slice %arg3[%multiple_of3A_241] : memref<2096128xi32, #tpu.memory_space<hbm>> -> memref<8208xi32, #tpu.memory_space<hbm>>
        tpu.enqueue_dma source(%dma_start3A_249 : memref<8208xi32, #tpu.memory_space<hbm>>) target(%arg11 : memref<8208xi32, #tpu.memory_space<vmem>>) target_semaphore(%run_scoped3A : memref<!tpu.dma_semaphore, #tpu.memory_space<semaphore_mem>>)
        %dma_wait3A = tpu.memref_slice %arg3[%multiple_of3A_241] : memref<2096128xi32, #tpu.memory_space<hbm>> -> memref<8208xi32, #tpu.memory_space<hbm>>
        %dma_wait3A_250 = tpu.memref_slice %arg3[%multiple_of3A_241] : memref<2096128xi32, #tpu.memory_space<hbm>> -> memref<8208xi32, #tpu.memory_space<hbm>>
        tpu.wait_dma2 semaphore(%run_scoped3A : memref<!tpu.dma_semaphore, #tpu.memory_space<semaphore_mem>>) src(%dma_wait3A_250 : memref<8208xi32, #tpu.memory_space<hbm>>) dst(%arg11 : memref<8208xi32, #tpu.memory_space<vmem>>)
        tpu.yield
      }) : () -> ()
      "tpu.region"() ({
        %run_scoped3A = tpu.sem_alloc : memref<!tpu.dma_semaphore, #tpu.memory_space<semaphore_mem>>
        %dma_start3A = tpu.memref_slice %arg4[%multiple_of3A_241] : memref<2096128xi32, #tpu.memory_space<hbm>> -> memref<8208xi32, #tpu.memory_space<hbm>>
        %dma_start3A_249 = tpu.memref_slice %arg4[%multiple_of3A_241] : memref<2096128xi32, #tpu.memory_space<hbm>> -> memref<8208xi32, #tpu.memory_space<hbm>>
        tpu.enqueue_dma source(%dma_start3A_249 : memref<8208xi32, #tpu.memory_space<hbm>>) target(%arg12 : memref<8208xi32, #tpu.memory_space<vmem>>) target_semaphore(%run_scoped3A : memref<!tpu.dma_semaphore, #tpu.memory_space<semaphore_mem>>)
        %dma_wait3A = tpu.memref_slice %arg4[%multiple_of3A_241] : memref<2096128xi32, #tpu.memory_space<hbm>> -> memref<8208xi32, #tpu.memory_space<hbm>>
        %dma_wait3A_250 = tpu.memref_slice %arg4[%multiple_of3A_241] : memref<2096128xi32, #tpu.memory_space<hbm>> -> memref<8208xi32, #tpu.memory_space<hbm>>
        tpu.wait_dma2 semaphore(%run_scoped3A : memref<!tpu.dma_semaphore, #tpu.memory_space<semaphore_mem>>) src(%dma_wait3A_250 : memref<8208xi32, #tpu.memory_space<hbm>>) dst(%arg12 : memref<8208xi32, #tpu.memory_space<vmem>>)
        tpu.yield
      }) : () -> ()
      %scan3A_243 = arith.constant 0 : i32
      %scan3A_244 = arith.constant 512 : i32
      %scan3A_245 = arith.addi %scan3A_243, %scan3A_244 : i32
      %scan3A_246 = arith.constant 1 : i32
      %scan3A_247:2 = scf.for %scan3A_249 = %scan3A_243 to %scan3A_245 step %scan3A_246 iter_args(%scan3A_250 = %while3A_231, %scan3A_251 = %while3A_232) -> (i32, i32)  : i32 {
        %mul3A_252 = arith.constant 16 : i32
        %mul3A_253 = arith.muli %scan3A_249, %mul3A_252 : i32
        %add3A_254 = arith.addi %sub3A_242, %mul3A_253 : i32
        %add3A_255 = vector.broadcast %add3A_254 : i32 to vector<16xi32>
        %add3A_256 = arith.addi %add3A_255, %iota3A : vector<16xi32>
        %min3A_257 = arith.constant 8207 : i32
        %min3A_258 = vector.broadcast %min3A_257 : i32 to vector<16xi32>
        %min3A_259 = arith.minsi %add3A_256, %min3A_258 : vector<16xi32>
        %gather3A = tpu.vector_load_idx %arg11[%min3A_259] : memref<8208xi32, #tpu.memory_space<vmem>>[vector<16xi32>], vector<16xi32>,
        %gather3A_260 = tpu.vector_load_idx %arg12[%min3A_259] : memref<8208xi32, #tpu.memory_space<vmem>>[vector<16xi32>], vector<16xi32>,
        %mul3A_261 = arith.constant 16 : i32
        %mul3A_262 = arith.muli %scan3A_249, %mul3A_261 : i32
        %get3A = arith.index_cast %mul3A_262 : i32 to index
        %get3A_263 = tpu.vector_load %arg10[%get3A] {strides = array<i32>} : memref<8192xf32, #tpu.memory_space<vmem>>, vector<16xf32>,
        %mul3A_264 = arith.constant 8192 : i32
        %mul3A_265 = arith.muli %while3A_230, %mul3A_264 : i32
        %mul3A_266 = arith.constant 16 : i32
        %mul3A_267 = arith.muli %scan3A_249, %mul3A_266 : i32
        %add3A_268 = arith.addi %mul3A_265, %mul3A_267 : i32
        %add3A_269 = vector.broadcast %add3A_268 : i32 to vector<16xi32>
        %add3A_270 = arith.addi %add3A_269, %iota3A : vector<16xi32>
        %shift_right_arithmetic3A_271 = arith.constant 9 : i32
        %shift_right_arithmetic3A_272 = vector.broadcast %shift_right_arithmetic3A_271 : i32 to vector<16xi32>
        %shift_right_arithmetic3A_273 = arith.shrsi %gather3A_260, %shift_right_arithmetic3A_272 : vector<16xi32>
        %eq3A = vector.broadcast %add3A_43 : i32 to vector<16xi32>
        %eq3A_274 = arith.cmpi eq, %shift_right_arithmetic3A_273, %eq3A : vector<16xi32>
        %lt3A = vector.broadcast %scan3A_31#4 : i32 to vector<16xi32>
        %lt3A_275 = arith.cmpi slt, %add3A_270, %lt3A : vector<16xi32>
        %and3A_276 = arith.andi %eq3A_274, %lt3A_275 : vector<16xi1>
        %and3A_277 = arith.constant 511 : i32
        %and3A_278 = vector.broadcast %and3A_277 : i32 to vector<16xi32>
        %and3A_279 = arith.andi %gather3A_260, %and3A_278 : vector<16xi32>
        %shift_left3A = arith.constant 11 : i32
        %shift_left3A_280 = vector.broadcast %shift_left3A : i32 to vector<16xi32>
        %shift_left3A_281 = arith.shli %and3A_279, %shift_left3A_280 : vector<16xi32>
        %or3A = arith.ori %shift_left3A_281, %gather3A : vector<16xi32>
        %jit3A = arith.constant 0 : i32
        %broadcast_in_dim3A_282 = vector.broadcast %jit3A : i32 to vector<16xi32>
        %select_n3A = arith.select %and3A_276, %or3A, %broadcast_in_dim3A_282 : vector<16xi1>, vector<16xi32>
        %jit3A_283 = arith.constant 0.000000e+00 : f32
        %broadcast_in_dim3A_284 = vector.broadcast %jit3A_283 : f32 to vector<16xf32>
        %select_n3A_285 = arith.select %and3A_276, %get3A_263, %broadcast_in_dim3A_284 : vector<16xi1>, vector<16xf32>
        %convert_element_type3A_286 = arith.extui %and3A_276 : vector<16xi1> to vector<16xi32>
        %broadcast_in_dim3A_287 = arith.constant true
        %broadcast_in_dim3A_288 = vector.broadcast %broadcast_in_dim3A_287 : i1 to vector<16xi1>
        %masked_cumsum3A = tpu.scan <sum>, %convert_element_type3A_286 masked %broadcast_in_dim3A_288 : vector<16xi32>, vector<16xi1> -> vector<16xi32>
        %sub3A_289 = arith.constant 1 : i32
        %sub3A_290 = arith.subi %scan3A_250, %sub3A_289 : i32
        %add3A_291 = vector.broadcast %sub3A_290 : i32 to vector<16xi32>
        %add3A_292 = arith.addi %masked_cumsum3A, %add3A_291 : vector<16xi32>
        %and3A_293 = arith.constant 8191 : i32
        %and3A_294 = vector.broadcast %and3A_293 : i32 to vector<16xi32>
        %and3A_295 = arith.andi %add3A_292, %and3A_294 : vector<16xi32>
        tpu.vector_store_idx %arg13[%and3A_295], %select_n3A masked %and3A_276 : memref<8192xi32, #tpu.memory_space<vmem>>[vector<16xi32>], vector<16xi32>, vector<16xi1>
        tpu.vector_store_idx %arg14[%and3A_295], %select_n3A_285 masked %and3A_276 : memref<8192xf32, #tpu.memory_space<vmem>>[vector<16xi32>], vector<16xf32>, vector<16xi1>
        %reduce_sum3A = arith.constant true
        %reduce_sum3A_296 = vector.broadcast %reduce_sum3A : i1 to vector<16xi1>
        %reduce_sum3A_297 = tpu.scan <sum>, %convert_element_type3A_286 masked %reduce_sum3A_296 : vector<16xi32>, vector<16xi1> -> vector<16xi32>
        %reduce_sum3A_298 = vector.extract %reduce_sum3A_297[15] : i32 from vector<16xi32>
        %add3A_299 = arith.addi %scan3A_250, %reduce_sum3A_298 : i32
        %sub3A_300 = arith.subi %add3A_299, %scan3A_251 : i32
        %ge3A = arith.constant 4080 : i32
        %ge3A_301 = arith.cmpi sge, %sub3A_300, %ge3A : i32
        %convert_element_type3A_302 = arith.extui %ge3A_301 : i1 to i32
        %cond3A_303 = arith.constant 0 : i32
        %cond3A_304 = arith.cmpi ne, %convert_element_type3A_302, %cond3A_303 : i32
        scf.if %cond3A_304 {
          %add3A_311 = arith.constant 4096 : i32
          %add3A_312 = arith.addi %scan3A_251, %add3A_311 : i32
          %sub3A_313 = arith.subi %add3A_312, %add3A_299 : i32
          %add3A_314 = vector.broadcast %add3A_299 : i32 to vector<16xi32>
          %add3A_315 = arith.addi %add3A_314, %iota3A : vector<16xi32>
          %and3A_316 = arith.constant 8191 : i32
          %and3A_317 = vector.broadcast %and3A_316 : i32 to vector<16xi32>
          %and3A_318 = arith.andi %add3A_315, %and3A_317 : vector<16xi32>
          %lt3A_319 = vector.broadcast %sub3A_313 : i32 to vector<16xi32>
          %lt3A_320 = arith.cmpi slt, %iota3A, %lt3A_319 : vector<16xi32>
          tpu.vector_store_idx %arg13[%and3A_318], %broadcast_in_dim3A_0 masked %lt3A_320 : memref<8192xi32, #tpu.memory_space<vmem>>[vector<16xi32>], vector<16xi32>, vector<16xi1>
          tpu.vector_store_idx %arg14[%and3A_318], %broadcast_in_dim3A_2 masked %lt3A_320 : memref<8192xf32, #tpu.memory_space<vmem>>[vector<16xi32>], vector<16xf32>, vector<16xi1>
          %and3A_321 = arith.constant 8191 : i32
          %and3A_322 = arith.andi %scan3A_251, %and3A_321 : i32
          %multiple_of3A_323 = tpu.assume_multiple %and3A_322, 4096 : i32
          %add3A_324 = arith.constant 4096 : i32
          %add3A_325 = arith.addi %scan3A_251, %add3A_324 : i32
          %and3A_326 = arith.constant 8191 : i32
          %and3A_327 = arith.andi %add3A_325, %and3A_326 : i32
          %multiple_of3A_328 = tpu.assume_multiple %and3A_327, 4096 : i32
          %gt3A_329 = arith.constant 0 : i32
          %gt3A_330 = arith.cmpi sgt, %scan3A_251, %gt3A_329 : i32
          %convert_element_type3A_331 = arith.extui %gt3A_330 : i1 to i32
          %cond3A_332 = arith.constant 0 : i32
          %cond3A_333 = arith.cmpi ne, %convert_element_type3A_331, %cond3A_332 : i32
          scf.if %cond3A_333 {
            %dma_wait3A = tpu.memref_slice %arg14[%multiple_of3A_328] : memref<8192xf32, #tpu.memory_space<vmem>> -> memref<4096xf32, #tpu.memory_space<vmem>>
            %dma_wait3A_337 = tpu.memref_slice %arg13[%multiple_of3A_328] : memref<8192xi32, #tpu.memory_space<vmem>> -> memref<4096xi32, #tpu.memory_space<vmem>>
            %dma_wait3A_338 = arith.constant 0 : i32
            %dma_wait3A_339 = tpu.memref_slice %arg7[%dma_wait3A_338] : memref<1048576xf32, #tpu.memory_space<vmem_shared>> -> memref<1048576xf32, #tpu.memory_space<vmem_shared>>
            tpu.wait_indirect_dma semaphore(%arg15 : memref<!tpu.dma_semaphore, #tpu.memory_space<semaphore_mem>>) src(%dma_wait3A : memref<4096xf32, #tpu.memory_space<vmem>>) dst(%dma_wait3A_339 : memref<1048576xf32, #tpu.memory_space<vmem_shared>>)
          } else {
          }
          %dma_start3A = tpu.memref_slice %arg14[%multiple_of3A_323] : memref<8192xf32, #tpu.memory_space<vmem>> -> memref<4096xf32, #tpu.memory_space<vmem>>
          %dma_start3A_334 = tpu.memref_slice %arg13[%multiple_of3A_323] : memref<8192xi32, #tpu.memory_space<vmem>> -> memref<4096xi32, #tpu.memory_space<vmem>>
          %dma_start3A_335 = arith.constant 0 : i32
          %dma_start3A_336 = tpu.memref_slice %arg7[%dma_start3A_335] : memref<1048576xf32, #tpu.memory_space<vmem_shared>> -> memref<1048576xf32, #tpu.memory_space<vmem_shared>>
          tpu.enqueue_indirect_dma source(%dma_start3A : memref<4096xf32, #tpu.memory_space<vmem>>) target(%dma_start3A_336 : memref<1048576xf32, #tpu.memory_space<vmem_shared>>) offsets(%dma_start3A_334 : memref<4096xi32, #tpu.memory_space<vmem>>) semaphore(%arg15 : memref<!tpu.dma_semaphore, #tpu.memory_space<semaphore_mem>>) {add = true}
        } else {
        }
        %add3A_305 = arith.constant 4096 : i32
        %add3A_306 = arith.addi %scan3A_251, %add3A_305 : i32
        %select_n3A_307 = arith.select %ge3A_301, %add3A_306, %add3A_299 : i32
        %add3A_308 = arith.constant 4096 : i32
        %add3A_309 = arith.addi %scan3A_251, %add3A_308 : i32
        %select_n3A_310 = arith.select %ge3A_301, %add3A_309, %scan3A_251 : i32
        scf.yield %select_n3A_307, %select_n3A_310 : i32, i32
      }
      %scan3A_248 = arith.constant 512 : i32
      scf.yield %scan3A_247#0, %scan3A_247#1 : i32, i32
    }
    %add3A_66 = arith.constant 8191 : i32
    %add3A_67 = arith.addi %scan3A_31#7, %add3A_66 : i32
    %shift_right_arithmetic3A_68 = arith.constant 13 : i32
    %shift_right_arithmetic3A_69 = arith.shrsi %add3A_67, %shift_right_arithmetic3A_68 : i32
    %while3A_70 = arith.constant 0 : i32
    %while3A_71 = arith.subi %shift_right_arithmetic3A_69, %while3A_70 : i32
    %while3A_72 = arith.addi %while3A_70, %while3A_71 : i32
    %while3A_73 = arith.constant 1 : i32
    %while3A_74 = arith.divsi %while3A_71, %while3A_73 : i32
    %while3A_75 = arith.muli %while3A_74, %while3A_73 : i32
    %while3A_76 = arith.addi %while3A_70, %while3A_75 : i32
    %while3A_77 = arith.constant 1 : i32
    %while3A_78:2 = scf.for %while3A_230 = %while3A_70 to %while3A_76 step %while3A_77 iter_args(%while3A_231 = %while3A_65#0, %while3A_232 = %while3A_65#1) -> (i32, i32)  : i32 {
      %mul3A_233 = arith.constant 8192 : i32
      %mul3A_234 = arith.muli %while3A_230, %mul3A_233 : i32
      %add3A_235 = arith.addi %scan3A_31#6, %mul3A_234 : i32
      %multiple_of3A = tpu.assume_multiple %add3A_235, 2048 : i32
      "tpu.region"() ({
        %run_scoped3A = tpu.sem_alloc : memref<!tpu.dma_semaphore, #tpu.memory_space<semaphore_mem>>
        %dma_start3A = tpu.memref_slice %arg2[%multiple_of3A] : memref<2170880xf32, #tpu.memory_space<hbm>> -> memref<8192xf32, #tpu.memory_space<hbm>>
        %dma_start3A_249 = tpu.memref_slice %arg2[%multiple_of3A] : memref<2170880xf32, #tpu.memory_space<hbm>> -> memref<8192xf32, #tpu.memory_space<hbm>>
        tpu.enqueue_dma source(%dma_start3A_249 : memref<8192xf32, #tpu.memory_space<hbm>>) target(%arg10 : memref<8192xf32, #tpu.memory_space<vmem>>) target_semaphore(%run_scoped3A : memref<!tpu.dma_semaphore, #tpu.memory_space<semaphore_mem>>)
        %dma_wait3A = tpu.memref_slice %arg2[%multiple_of3A] : memref<2170880xf32, #tpu.memory_space<hbm>> -> memref<8192xf32, #tpu.memory_space<hbm>>
        %dma_wait3A_250 = tpu.memref_slice %arg2[%multiple_of3A] : memref<2170880xf32, #tpu.memory_space<hbm>> -> memref<8192xf32, #tpu.memory_space<hbm>>
        tpu.wait_dma2 semaphore(%run_scoped3A : memref<!tpu.dma_semaphore, #tpu.memory_space<semaphore_mem>>) src(%dma_wait3A_250 : memref<8192xf32, #tpu.memory_space<hbm>>) dst(%arg10 : memref<8192xf32, #tpu.memory_space<vmem>>)
        tpu.yield
      }) : () -> ()
      %mul3A_236 = arith.constant 8192 : i32
      %mul3A_237 = arith.muli %while3A_230, %mul3A_236 : i32
      %add3A_238 = arith.addi %scan3A_31#5, %mul3A_237 : i32
      %and3A = arith.constant -8 : i32
      %and3A_239 = arith.andi %add3A_238, %and3A : i32
      %min3A = arith.constant 2087920 : i32
      %min3A_240 = arith.minsi %and3A_239, %min3A : i32
      %multiple_of3A_241 = tpu.assume_multiple %min3A_240, 8 : i32
      %sub3A_242 = arith.subi %add3A_238, %multiple_of3A_241 : i32
      "tpu.region"() ({
        %run_scoped3A = tpu.sem_alloc : memref<!tpu.dma_semaphore, #tpu.memory_space<semaphore_mem>>
        %dma_start3A = tpu.memref_slice %arg3[%multiple_of3A_241] : memref<2096128xi32, #tpu.memory_space<hbm>> -> memref<8208xi32, #tpu.memory_space<hbm>>
        %dma_start3A_249 = tpu.memref_slice %arg3[%multiple_of3A_241] : memref<2096128xi32, #tpu.memory_space<hbm>> -> memref<8208xi32, #tpu.memory_space<hbm>>
        tpu.enqueue_dma source(%dma_start3A_249 : memref<8208xi32, #tpu.memory_space<hbm>>) target(%arg11 : memref<8208xi32, #tpu.memory_space<vmem>>) target_semaphore(%run_scoped3A : memref<!tpu.dma_semaphore, #tpu.memory_space<semaphore_mem>>)
        %dma_wait3A = tpu.memref_slice %arg3[%multiple_of3A_241] : memref<2096128xi32, #tpu.memory_space<hbm>> -> memref<8208xi32, #tpu.memory_space<hbm>>
        %dma_wait3A_250 = tpu.memref_slice %arg3[%multiple_of3A_241] : memref<2096128xi32, #tpu.memory_space<hbm>> -> memref<8208xi32, #tpu.memory_space<hbm>>
        tpu.wait_dma2 semaphore(%run_scoped3A : memref<!tpu.dma_semaphore, #tpu.memory_space<semaphore_mem>>) src(%dma_wait3A_250 : memref<8208xi32, #tpu.memory_space<hbm>>) dst(%arg11 : memref<8208xi32, #tpu.memory_space<vmem>>)
        tpu.yield
      }) : () -> ()
      "tpu.region"() ({
        %run_scoped3A = tpu.sem_alloc : memref<!tpu.dma_semaphore, #tpu.memory_space<semaphore_mem>>
        %dma_start3A = tpu.memref_slice %arg4[%multiple_of3A_241] : memref<2096128xi32, #tpu.memory_space<hbm>> -> memref<8208xi32, #tpu.memory_space<hbm>>
        %dma_start3A_249 = tpu.memref_slice %arg4[%multiple_of3A_241] : memref<2096128xi32, #tpu.memory_space<hbm>> -> memref<8208xi32, #tpu.memory_space<hbm>>
        tpu.enqueue_dma source(%dma_start3A_249 : memref<8208xi32, #tpu.memory_space<hbm>>) target(%arg12 : memref<8208xi32, #tpu.memory_space<vmem>>) target_semaphore(%run_scoped3A : memref<!tpu.dma_semaphore, #tpu.memory_space<semaphore_mem>>)
        %dma_wait3A = tpu.memref_slice %arg4[%multiple_of3A_241] : memref<2096128xi32, #tpu.memory_space<hbm>> -> memref<8208xi32, #tpu.memory_space<hbm>>
        %dma_wait3A_250 = tpu.memref_slice %arg4[%multiple_of3A_241] : memref<2096128xi32, #tpu.memory_space<hbm>> -> memref<8208xi32, #tpu.memory_space<hbm>>
        tpu.wait_dma2 semaphore(%run_scoped3A : memref<!tpu.dma_semaphore, #tpu.memory_space<semaphore_mem>>) src(%dma_wait3A_250 : memref<8208xi32, #tpu.memory_space<hbm>>) dst(%arg12 : memref<8208xi32, #tpu.memory_space<vmem>>)
        tpu.yield
      }) : () -> ()
      %scan3A_243 = arith.constant 0 : i32
      %scan3A_244 = arith.constant 512 : i32
      %scan3A_245 = arith.addi %scan3A_243, %scan3A_244 : i32
      %scan3A_246 = arith.constant 1 : i32
      %scan3A_247:2 = scf.for %scan3A_249 = %scan3A_243 to %scan3A_245 step %scan3A_246 iter_args(%scan3A_250 = %while3A_231, %scan3A_251 = %while3A_232) -> (i32, i32)  : i32 {
        %mul3A_252 = arith.constant 16 : i32
        %mul3A_253 = arith.muli %scan3A_249, %mul3A_252 : i32
        %add3A_254 = arith.addi %sub3A_242, %mul3A_253 : i32
        %add3A_255 = vector.broadcast %add3A_254 : i32 to vector<16xi32>
        %add3A_256 = arith.addi %add3A_255, %iota3A : vector<16xi32>
        %min3A_257 = arith.constant 8207 : i32
        %min3A_258 = vector.broadcast %min3A_257 : i32 to vector<16xi32>
        %min3A_259 = arith.minsi %add3A_256, %min3A_258 : vector<16xi32>
        %gather3A = tpu.vector_load_idx %arg11[%min3A_259] : memref<8208xi32, #tpu.memory_space<vmem>>[vector<16xi32>], vector<16xi32>,
        %gather3A_260 = tpu.vector_load_idx %arg12[%min3A_259] : memref<8208xi32, #tpu.memory_space<vmem>>[vector<16xi32>], vector<16xi32>,
        %mul3A_261 = arith.constant 16 : i32
        %mul3A_262 = arith.muli %scan3A_249, %mul3A_261 : i32
        %get3A = arith.index_cast %mul3A_262 : i32 to index
        %get3A_263 = tpu.vector_load %arg10[%get3A] {strides = array<i32>} : memref<8192xf32, #tpu.memory_space<vmem>>, vector<16xf32>,
        %mul3A_264 = arith.constant 8192 : i32
        %mul3A_265 = arith.muli %while3A_230, %mul3A_264 : i32
        %mul3A_266 = arith.constant 16 : i32
        %mul3A_267 = arith.muli %scan3A_249, %mul3A_266 : i32
        %add3A_268 = arith.addi %mul3A_265, %mul3A_267 : i32
        %add3A_269 = vector.broadcast %add3A_268 : i32 to vector<16xi32>
        %add3A_270 = arith.addi %add3A_269, %iota3A : vector<16xi32>
        %shift_right_arithmetic3A_271 = arith.constant 9 : i32
        %shift_right_arithmetic3A_272 = vector.broadcast %shift_right_arithmetic3A_271 : i32 to vector<16xi32>
        %shift_right_arithmetic3A_273 = arith.shrsi %gather3A_260, %shift_right_arithmetic3A_272 : vector<16xi32>
        %eq3A = vector.broadcast %add3A_43 : i32 to vector<16xi32>
        %eq3A_274 = arith.cmpi eq, %shift_right_arithmetic3A_273, %eq3A : vector<16xi32>
        %lt3A = vector.broadcast %scan3A_31#7 : i32 to vector<16xi32>
        %lt3A_275 = arith.cmpi slt, %add3A_270, %lt3A : vector<16xi32>
        %and3A_276 = arith.andi %eq3A_274, %lt3A_275 : vector<16xi1>
        %and3A_277 = arith.constant 511 : i32
        %and3A_278 = vector.broadcast %and3A_277 : i32 to vector<16xi32>
        %and3A_279 = arith.andi %gather3A_260, %and3A_278 : vector<16xi32>
        %shift_left3A = arith.constant 11 : i32
        %shift_left3A_280 = vector.broadcast %shift_left3A : i32 to vector<16xi32>
        %shift_left3A_281 = arith.shli %and3A_279, %shift_left3A_280 : vector<16xi32>
        %or3A = arith.ori %shift_left3A_281, %gather3A : vector<16xi32>
        %jit3A = arith.constant 0 : i32
        %broadcast_in_dim3A_282 = vector.broadcast %jit3A : i32 to vector<16xi32>
        %select_n3A = arith.select %and3A_276, %or3A, %broadcast_in_dim3A_282 : vector<16xi1>, vector<16xi32>
        %jit3A_283 = arith.constant 0.000000e+00 : f32
        %broadcast_in_dim3A_284 = vector.broadcast %jit3A_283 : f32 to vector<16xf32>
        %select_n3A_285 = arith.select %and3A_276, %get3A_263, %broadcast_in_dim3A_284 : vector<16xi1>, vector<16xf32>
        %convert_element_type3A_286 = arith.extui %and3A_276 : vector<16xi1> to vector<16xi32>
        %broadcast_in_dim3A_287 = arith.constant true
        %broadcast_in_dim3A_288 = vector.broadcast %broadcast_in_dim3A_287 : i1 to vector<16xi1>
        %masked_cumsum3A = tpu.scan <sum>, %convert_element_type3A_286 masked %broadcast_in_dim3A_288 : vector<16xi32>, vector<16xi1> -> vector<16xi32>
        %sub3A_289 = arith.constant 1 : i32
        %sub3A_290 = arith.subi %scan3A_250, %sub3A_289 : i32
        %add3A_291 = vector.broadcast %sub3A_290 : i32 to vector<16xi32>
        %add3A_292 = arith.addi %masked_cumsum3A, %add3A_291 : vector<16xi32>
        %and3A_293 = arith.constant 8191 : i32
        %and3A_294 = vector.broadcast %and3A_293 : i32 to vector<16xi32>
        %and3A_295 = arith.andi %add3A_292, %and3A_294 : vector<16xi32>
        tpu.vector_store_idx %arg13[%and3A_295], %select_n3A masked %and3A_276 : memref<8192xi32, #tpu.memory_space<vmem>>[vector<16xi32>], vector<16xi32>, vector<16xi1>
        tpu.vector_store_idx %arg14[%and3A_295], %select_n3A_285 masked %and3A_276 : memref<8192xf32, #tpu.memory_space<vmem>>[vector<16xi32>], vector<16xf32>, vector<16xi1>
        %reduce_sum3A = arith.constant true
        %reduce_sum3A_296 = vector.broadcast %reduce_sum3A : i1 to vector<16xi1>
        %reduce_sum3A_297 = tpu.scan <sum>, %convert_element_type3A_286 masked %reduce_sum3A_296 : vector<16xi32>, vector<16xi1> -> vector<16xi32>
        %reduce_sum3A_298 = vector.extract %reduce_sum3A_297[15] : i32 from vector<16xi32>
        %add3A_299 = arith.addi %scan3A_250, %reduce_sum3A_298 : i32
        %sub3A_300 = arith.subi %add3A_299, %scan3A_251 : i32
        %ge3A = arith.constant 4080 : i32
        %ge3A_301 = arith.cmpi sge, %sub3A_300, %ge3A : i32
        %convert_element_type3A_302 = arith.extui %ge3A_301 : i1 to i32
        %cond3A_303 = arith.constant 0 : i32
        %cond3A_304 = arith.cmpi ne, %convert_element_type3A_302, %cond3A_303 : i32
        scf.if %cond3A_304 {
          %add3A_311 = arith.constant 4096 : i32
          %add3A_312 = arith.addi %scan3A_251, %add3A_311 : i32
          %sub3A_313 = arith.subi %add3A_312, %add3A_299 : i32
          %add3A_314 = vector.broadcast %add3A_299 : i32 to vector<16xi32>
          %add3A_315 = arith.addi %add3A_314, %iota3A : vector<16xi32>
          %and3A_316 = arith.constant 8191 : i32
          %and3A_317 = vector.broadcast %and3A_316 : i32 to vector<16xi32>
          %and3A_318 = arith.andi %add3A_315, %and3A_317 : vector<16xi32>
          %lt3A_319 = vector.broadcast %sub3A_313 : i32 to vector<16xi32>
          %lt3A_320 = arith.cmpi slt, %iota3A, %lt3A_319 : vector<16xi32>
          tpu.vector_store_idx %arg13[%and3A_318], %broadcast_in_dim3A_0 masked %lt3A_320 : memref<8192xi32, #tpu.memory_space<vmem>>[vector<16xi32>], vector<16xi32>, vector<16xi1>
          tpu.vector_store_idx %arg14[%and3A_318], %broadcast_in_dim3A_2 masked %lt3A_320 : memref<8192xf32, #tpu.memory_space<vmem>>[vector<16xi32>], vector<16xf32>, vector<16xi1>
          %and3A_321 = arith.constant 8191 : i32
          %and3A_322 = arith.andi %scan3A_251, %and3A_321 : i32
          %multiple_of3A_323 = tpu.assume_multiple %and3A_322, 4096 : i32
          %add3A_324 = arith.constant 4096 : i32
          %add3A_325 = arith.addi %scan3A_251, %add3A_324 : i32
          %and3A_326 = arith.constant 8191 : i32
          %and3A_327 = arith.andi %add3A_325, %and3A_326 : i32
          %multiple_of3A_328 = tpu.assume_multiple %and3A_327, 4096 : i32
          %gt3A_329 = arith.constant 0 : i32
          %gt3A_330 = arith.cmpi sgt, %scan3A_251, %gt3A_329 : i32
          %convert_element_type3A_331 = arith.extui %gt3A_330 : i1 to i32
          %cond3A_332 = arith.constant 0 : i32
          %cond3A_333 = arith.cmpi ne, %convert_element_type3A_331, %cond3A_332 : i32
          scf.if %cond3A_333 {
            %dma_wait3A = tpu.memref_slice %arg14[%multiple_of3A_328] : memref<8192xf32, #tpu.memory_space<vmem>> -> memref<4096xf32, #tpu.memory_space<vmem>>
            %dma_wait3A_337 = tpu.memref_slice %arg13[%multiple_of3A_328] : memref<8192xi32, #tpu.memory_space<vmem>> -> memref<4096xi32, #tpu.memory_space<vmem>>
            %dma_wait3A_338 = arith.constant 0 : i32
            %dma_wait3A_339 = tpu.memref_slice %arg7[%dma_wait3A_338] : memref<1048576xf32, #tpu.memory_space<vmem_shared>> -> memref<1048576xf32, #tpu.memory_space<vmem_shared>>
            tpu.wait_indirect_dma semaphore(%arg15 : memref<!tpu.dma_semaphore, #tpu.memory_space<semaphore_mem>>) src(%dma_wait3A : memref<4096xf32, #tpu.memory_space<vmem>>) dst(%dma_wait3A_339 : memref<1048576xf32, #tpu.memory_space<vmem_shared>>)
          } else {
          }
          %dma_start3A = tpu.memref_slice %arg14[%multiple_of3A_323] : memref<8192xf32, #tpu.memory_space<vmem>> -> memref<4096xf32, #tpu.memory_space<vmem>>
          %dma_start3A_334 = tpu.memref_slice %arg13[%multiple_of3A_323] : memref<8192xi32, #tpu.memory_space<vmem>> -> memref<4096xi32, #tpu.memory_space<vmem>>
          %dma_start3A_335 = arith.constant 0 : i32
          %dma_start3A_336 = tpu.memref_slice %arg7[%dma_start3A_335] : memref<1048576xf32, #tpu.memory_space<vmem_shared>> -> memref<1048576xf32, #tpu.memory_space<vmem_shared>>
          tpu.enqueue_indirect_dma source(%dma_start3A : memref<4096xf32, #tpu.memory_space<vmem>>) target(%dma_start3A_336 : memref<1048576xf32, #tpu.memory_space<vmem_shared>>) offsets(%dma_start3A_334 : memref<4096xi32, #tpu.memory_space<vmem>>) semaphore(%arg15 : memref<!tpu.dma_semaphore, #tpu.memory_space<semaphore_mem>>) {add = true}
        } else {
        }
        %add3A_305 = arith.constant 4096 : i32
        %add3A_306 = arith.addi %scan3A_251, %add3A_305 : i32
        %select_n3A_307 = arith.select %ge3A_301, %add3A_306, %add3A_299 : i32
        %add3A_308 = arith.constant 4096 : i32
        %add3A_309 = arith.addi %scan3A_251, %add3A_308 : i32
        %select_n3A_310 = arith.select %ge3A_301, %add3A_309, %scan3A_251 : i32
        scf.yield %select_n3A_307, %select_n3A_310 : i32, i32
      }
      %scan3A_248 = arith.constant 512 : i32
      scf.yield %scan3A_247#0, %scan3A_247#1 : i32, i32
    }
    %while3A_79 = arith.constant 1 : i32
    %while3A_80:2 = scf.for %while3A_230 = %while3A_76 to %while3A_72 step %while3A_79 iter_args(%while3A_231 = %while3A_78#0, %while3A_232 = %while3A_78#1) -> (i32, i32)  : i32 {
      %mul3A_233 = arith.constant 8192 : i32
      %mul3A_234 = arith.muli %while3A_230, %mul3A_233 : i32
      %add3A_235 = arith.addi %scan3A_31#6, %mul3A_234 : i32
      %multiple_of3A = tpu.assume_multiple %add3A_235, 2048 : i32
      "tpu.region"() ({
        %run_scoped3A = tpu.sem_alloc : memref<!tpu.dma_semaphore, #tpu.memory_space<semaphore_mem>>
        %dma_start3A = tpu.memref_slice %arg2[%multiple_of3A] : memref<2170880xf32, #tpu.memory_space<hbm>> -> memref<8192xf32, #tpu.memory_space<hbm>>
        %dma_start3A_249 = tpu.memref_slice %arg2[%multiple_of3A] : memref<2170880xf32, #tpu.memory_space<hbm>> -> memref<8192xf32, #tpu.memory_space<hbm>>
        tpu.enqueue_dma source(%dma_start3A_249 : memref<8192xf32, #tpu.memory_space<hbm>>) target(%arg10 : memref<8192xf32, #tpu.memory_space<vmem>>) target_semaphore(%run_scoped3A : memref<!tpu.dma_semaphore, #tpu.memory_space<semaphore_mem>>)
        %dma_wait3A = tpu.memref_slice %arg2[%multiple_of3A] : memref<2170880xf32, #tpu.memory_space<hbm>> -> memref<8192xf32, #tpu.memory_space<hbm>>
        %dma_wait3A_250 = tpu.memref_slice %arg2[%multiple_of3A] : memref<2170880xf32, #tpu.memory_space<hbm>> -> memref<8192xf32, #tpu.memory_space<hbm>>
        tpu.wait_dma2 semaphore(%run_scoped3A : memref<!tpu.dma_semaphore, #tpu.memory_space<semaphore_mem>>) src(%dma_wait3A_250 : memref<8192xf32, #tpu.memory_space<hbm>>) dst(%arg10 : memref<8192xf32, #tpu.memory_space<vmem>>)
        tpu.yield
      }) : () -> ()
      %mul3A_236 = arith.constant 8192 : i32
      %mul3A_237 = arith.muli %while3A_230, %mul3A_236 : i32
      %add3A_238 = arith.addi %scan3A_31#5, %mul3A_237 : i32
      %and3A = arith.constant -8 : i32
      %and3A_239 = arith.andi %add3A_238, %and3A : i32
      %min3A = arith.constant 2087920 : i32
      %min3A_240 = arith.minsi %and3A_239, %min3A : i32
      %multiple_of3A_241 = tpu.assume_multiple %min3A_240, 8 : i32
      %sub3A_242 = arith.subi %add3A_238, %multiple_of3A_241 : i32
      "tpu.region"() ({
        %run_scoped3A = tpu.sem_alloc : memref<!tpu.dma_semaphore, #tpu.memory_space<semaphore_mem>>
        %dma_start3A = tpu.memref_slice %arg3[%multiple_of3A_241] : memref<2096128xi32, #tpu.memory_space<hbm>> -> memref<8208xi32, #tpu.memory_space<hbm>>
        %dma_start3A_249 = tpu.memref_slice %arg3[%multiple_of3A_241] : memref<2096128xi32, #tpu.memory_space<hbm>> -> memref<8208xi32, #tpu.memory_space<hbm>>
        tpu.enqueue_dma source(%dma_start3A_249 : memref<8208xi32, #tpu.memory_space<hbm>>) target(%arg11 : memref<8208xi32, #tpu.memory_space<vmem>>) target_semaphore(%run_scoped3A : memref<!tpu.dma_semaphore, #tpu.memory_space<semaphore_mem>>)
        %dma_wait3A = tpu.memref_slice %arg3[%multiple_of3A_241] : memref<2096128xi32, #tpu.memory_space<hbm>> -> memref<8208xi32, #tpu.memory_space<hbm>>
        %dma_wait3A_250 = tpu.memref_slice %arg3[%multiple_of3A_241] : memref<2096128xi32, #tpu.memory_space<hbm>> -> memref<8208xi32, #tpu.memory_space<hbm>>
        tpu.wait_dma2 semaphore(%run_scoped3A : memref<!tpu.dma_semaphore, #tpu.memory_space<semaphore_mem>>) src(%dma_wait3A_250 : memref<8208xi32, #tpu.memory_space<hbm>>) dst(%arg11 : memref<8208xi32, #tpu.memory_space<vmem>>)
        tpu.yield
      }) : () -> ()
      "tpu.region"() ({
        %run_scoped3A = tpu.sem_alloc : memref<!tpu.dma_semaphore, #tpu.memory_space<semaphore_mem>>
        %dma_start3A = tpu.memref_slice %arg4[%multiple_of3A_241] : memref<2096128xi32, #tpu.memory_space<hbm>> -> memref<8208xi32, #tpu.memory_space<hbm>>
        %dma_start3A_249 = tpu.memref_slice %arg4[%multiple_of3A_241] : memref<2096128xi32, #tpu.memory_space<hbm>> -> memref<8208xi32, #tpu.memory_space<hbm>>
        tpu.enqueue_dma source(%dma_start3A_249 : memref<8208xi32, #tpu.memory_space<hbm>>) target(%arg12 : memref<8208xi32, #tpu.memory_space<vmem>>) target_semaphore(%run_scoped3A : memref<!tpu.dma_semaphore, #tpu.memory_space<semaphore_mem>>)
        %dma_wait3A = tpu.memref_slice %arg4[%multiple_of3A_241] : memref<2096128xi32, #tpu.memory_space<hbm>> -> memref<8208xi32, #tpu.memory_space<hbm>>
        %dma_wait3A_250 = tpu.memref_slice %arg4[%multiple_of3A_241] : memref<2096128xi32, #tpu.memory_space<hbm>> -> memref<8208xi32, #tpu.memory_space<hbm>>
        tpu.wait_dma2 semaphore(%run_scoped3A : memref<!tpu.dma_semaphore, #tpu.memory_space<semaphore_mem>>) src(%dma_wait3A_250 : memref<8208xi32, #tpu.memory_space<hbm>>) dst(%arg12 : memref<8208xi32, #tpu.memory_space<vmem>>)
        tpu.yield
      }) : () -> ()
      %scan3A_243 = arith.constant 0 : i32
      %scan3A_244 = arith.constant 512 : i32
      %scan3A_245 = arith.addi %scan3A_243, %scan3A_244 : i32
      %scan3A_246 = arith.constant 1 : i32
      %scan3A_247:2 = scf.for %scan3A_249 = %scan3A_243 to %scan3A_245 step %scan3A_246 iter_args(%scan3A_250 = %while3A_231, %scan3A_251 = %while3A_232) -> (i32, i32)  : i32 {
        %mul3A_252 = arith.constant 16 : i32
        %mul3A_253 = arith.muli %scan3A_249, %mul3A_252 : i32
        %add3A_254 = arith.addi %sub3A_242, %mul3A_253 : i32
        %add3A_255 = vector.broadcast %add3A_254 : i32 to vector<16xi32>
        %add3A_256 = arith.addi %add3A_255, %iota3A : vector<16xi32>
        %min3A_257 = arith.constant 8207 : i32
        %min3A_258 = vector.broadcast %min3A_257 : i32 to vector<16xi32>
        %min3A_259 = arith.minsi %add3A_256, %min3A_258 : vector<16xi32>
        %gather3A = tpu.vector_load_idx %arg11[%min3A_259] : memref<8208xi32, #tpu.memory_space<vmem>>[vector<16xi32>], vector<16xi32>,
        %gather3A_260 = tpu.vector_load_idx %arg12[%min3A_259] : memref<8208xi32, #tpu.memory_space<vmem>>[vector<16xi32>], vector<16xi32>,
        %mul3A_261 = arith.constant 16 : i32
        %mul3A_262 = arith.muli %scan3A_249, %mul3A_261 : i32
        %get3A = arith.index_cast %mul3A_262 : i32 to index
        %get3A_263 = tpu.vector_load %arg10[%get3A] {strides = array<i32>} : memref<8192xf32, #tpu.memory_space<vmem>>, vector<16xf32>,
        %mul3A_264 = arith.constant 8192 : i32
        %mul3A_265 = arith.muli %while3A_230, %mul3A_264 : i32
        %mul3A_266 = arith.constant 16 : i32
        %mul3A_267 = arith.muli %scan3A_249, %mul3A_266 : i32
        %add3A_268 = arith.addi %mul3A_265, %mul3A_267 : i32
        %add3A_269 = vector.broadcast %add3A_268 : i32 to vector<16xi32>
        %add3A_270 = arith.addi %add3A_269, %iota3A : vector<16xi32>
        %shift_right_arithmetic3A_271 = arith.constant 9 : i32
        %shift_right_arithmetic3A_272 = vector.broadcast %shift_right_arithmetic3A_271 : i32 to vector<16xi32>
        %shift_right_arithmetic3A_273 = arith.shrsi %gather3A_260, %shift_right_arithmetic3A_272 : vector<16xi32>
        %eq3A = vector.broadcast %add3A_43 : i32 to vector<16xi32>
        %eq3A_274 = arith.cmpi eq, %shift_right_arithmetic3A_273, %eq3A : vector<16xi32>
        %lt3A = vector.broadcast %scan3A_31#7 : i32 to vector<16xi32>
        %lt3A_275 = arith.cmpi slt, %add3A_270, %lt3A : vector<16xi32>
        %and3A_276 = arith.andi %eq3A_274, %lt3A_275 : vector<16xi1>
        %and3A_277 = arith.constant 511 : i32
        %and3A_278 = vector.broadcast %and3A_277 : i32 to vector<16xi32>
        %and3A_279 = arith.andi %gather3A_260, %and3A_278 : vector<16xi32>
        %shift_left3A = arith.constant 11 : i32
        %shift_left3A_280 = vector.broadcast %shift_left3A : i32 to vector<16xi32>
        %shift_left3A_281 = arith.shli %and3A_279, %shift_left3A_280 : vector<16xi32>
        %or3A = arith.ori %shift_left3A_281, %gather3A : vector<16xi32>
        %jit3A = arith.constant 0 : i32
        %broadcast_in_dim3A_282 = vector.broadcast %jit3A : i32 to vector<16xi32>
        %select_n3A = arith.select %and3A_276, %or3A, %broadcast_in_dim3A_282 : vector<16xi1>, vector<16xi32>
        %jit3A_283 = arith.constant 0.000000e+00 : f32
        %broadcast_in_dim3A_284 = vector.broadcast %jit3A_283 : f32 to vector<16xf32>
        %select_n3A_285 = arith.select %and3A_276, %get3A_263, %broadcast_in_dim3A_284 : vector<16xi1>, vector<16xf32>
        %convert_element_type3A_286 = arith.extui %and3A_276 : vector<16xi1> to vector<16xi32>
        %broadcast_in_dim3A_287 = arith.constant true
        %broadcast_in_dim3A_288 = vector.broadcast %broadcast_in_dim3A_287 : i1 to vector<16xi1>
        %masked_cumsum3A = tpu.scan <sum>, %convert_element_type3A_286 masked %broadcast_in_dim3A_288 : vector<16xi32>, vector<16xi1> -> vector<16xi32>
        %sub3A_289 = arith.constant 1 : i32
        %sub3A_290 = arith.subi %scan3A_250, %sub3A_289 : i32
        %add3A_291 = vector.broadcast %sub3A_290 : i32 to vector<16xi32>
        %add3A_292 = arith.addi %masked_cumsum3A, %add3A_291 : vector<16xi32>
        %and3A_293 = arith.constant 8191 : i32
        %and3A_294 = vector.broadcast %and3A_293 : i32 to vector<16xi32>
        %and3A_295 = arith.andi %add3A_292, %and3A_294 : vector<16xi32>
        tpu.vector_store_idx %arg13[%and3A_295], %select_n3A masked %and3A_276 : memref<8192xi32, #tpu.memory_space<vmem>>[vector<16xi32>], vector<16xi32>, vector<16xi1>
        tpu.vector_store_idx %arg14[%and3A_295], %select_n3A_285 masked %and3A_276 : memref<8192xf32, #tpu.memory_space<vmem>>[vector<16xi32>], vector<16xf32>, vector<16xi1>
        %reduce_sum3A = arith.constant true
        %reduce_sum3A_296 = vector.broadcast %reduce_sum3A : i1 to vector<16xi1>
        %reduce_sum3A_297 = tpu.scan <sum>, %convert_element_type3A_286 masked %reduce_sum3A_296 : vector<16xi32>, vector<16xi1> -> vector<16xi32>
        %reduce_sum3A_298 = vector.extract %reduce_sum3A_297[15] : i32 from vector<16xi32>
        %add3A_299 = arith.addi %scan3A_250, %reduce_sum3A_298 : i32
        %sub3A_300 = arith.subi %add3A_299, %scan3A_251 : i32
        %ge3A = arith.constant 4080 : i32
        %ge3A_301 = arith.cmpi sge, %sub3A_300, %ge3A : i32
        %convert_element_type3A_302 = arith.extui %ge3A_301 : i1 to i32
        %cond3A_303 = arith.constant 0 : i32
        %cond3A_304 = arith.cmpi ne, %convert_element_type3A_302, %cond3A_303 : i32
        scf.if %cond3A_304 {
          %add3A_311 = arith.constant 4096 : i32
          %add3A_312 = arith.addi %scan3A_251, %add3A_311 : i32
          %sub3A_313 = arith.subi %add3A_312, %add3A_299 : i32
          %add3A_314 = vector.broadcast %add3A_299 : i32 to vector<16xi32>
          %add3A_315 = arith.addi %add3A_314, %iota3A : vector<16xi32>
          %and3A_316 = arith.constant 8191 : i32
          %and3A_317 = vector.broadcast %and3A_316 : i32 to vector<16xi32>
          %and3A_318 = arith.andi %add3A_315, %and3A_317 : vector<16xi32>
          %lt3A_319 = vector.broadcast %sub3A_313 : i32 to vector<16xi32>
          %lt3A_320 = arith.cmpi slt, %iota3A, %lt3A_319 : vector<16xi32>
          tpu.vector_store_idx %arg13[%and3A_318], %broadcast_in_dim3A_0 masked %lt3A_320 : memref<8192xi32, #tpu.memory_space<vmem>>[vector<16xi32>], vector<16xi32>, vector<16xi1>
          tpu.vector_store_idx %arg14[%and3A_318], %broadcast_in_dim3A_2 masked %lt3A_320 : memref<8192xf32, #tpu.memory_space<vmem>>[vector<16xi32>], vector<16xf32>, vector<16xi1>
          %and3A_321 = arith.constant 8191 : i32
          %and3A_322 = arith.andi %scan3A_251, %and3A_321 : i32
          %multiple_of3A_323 = tpu.assume_multiple %and3A_322, 4096 : i32
          %add3A_324 = arith.constant 4096 : i32
          %add3A_325 = arith.addi %scan3A_251, %add3A_324 : i32
          %and3A_326 = arith.constant 8191 : i32
          %and3A_327 = arith.andi %add3A_325, %and3A_326 : i32
          %multiple_of3A_328 = tpu.assume_multiple %and3A_327, 4096 : i32
          %gt3A_329 = arith.constant 0 : i32
          %gt3A_330 = arith.cmpi sgt, %scan3A_251, %gt3A_329 : i32
          %convert_element_type3A_331 = arith.extui %gt3A_330 : i1 to i32
          %cond3A_332 = arith.constant 0 : i32
          %cond3A_333 = arith.cmpi ne, %convert_element_type3A_331, %cond3A_332 : i32
          scf.if %cond3A_333 {
            %dma_wait3A = tpu.memref_slice %arg14[%multiple_of3A_328] : memref<8192xf32, #tpu.memory_space<vmem>> -> memref<4096xf32, #tpu.memory_space<vmem>>
            %dma_wait3A_337 = tpu.memref_slice %arg13[%multiple_of3A_328] : memref<8192xi32, #tpu.memory_space<vmem>> -> memref<4096xi32, #tpu.memory_space<vmem>>
            %dma_wait3A_338 = arith.constant 0 : i32
            %dma_wait3A_339 = tpu.memref_slice %arg7[%dma_wait3A_338] : memref<1048576xf32, #tpu.memory_space<vmem_shared>> -> memref<1048576xf32, #tpu.memory_space<vmem_shared>>
            tpu.wait_indirect_dma semaphore(%arg15 : memref<!tpu.dma_semaphore, #tpu.memory_space<semaphore_mem>>) src(%dma_wait3A : memref<4096xf32, #tpu.memory_space<vmem>>) dst(%dma_wait3A_339 : memref<1048576xf32, #tpu.memory_space<vmem_shared>>)
          } else {
          }
          %dma_start3A = tpu.memref_slice %arg14[%multiple_of3A_323] : memref<8192xf32, #tpu.memory_space<vmem>> -> memref<4096xf32, #tpu.memory_space<vmem>>
          %dma_start3A_334 = tpu.memref_slice %arg13[%multiple_of3A_323] : memref<8192xi32, #tpu.memory_space<vmem>> -> memref<4096xi32, #tpu.memory_space<vmem>>
          %dma_start3A_335 = arith.constant 0 : i32
          %dma_start3A_336 = tpu.memref_slice %arg7[%dma_start3A_335] : memref<1048576xf32, #tpu.memory_space<vmem_shared>> -> memref<1048576xf32, #tpu.memory_space<vmem_shared>>
          tpu.enqueue_indirect_dma source(%dma_start3A : memref<4096xf32, #tpu.memory_space<vmem>>) target(%dma_start3A_336 : memref<1048576xf32, #tpu.memory_space<vmem_shared>>) offsets(%dma_start3A_334 : memref<4096xi32, #tpu.memory_space<vmem>>) semaphore(%arg15 : memref<!tpu.dma_semaphore, #tpu.memory_space<semaphore_mem>>) {add = true}
        } else {
        }
        %add3A_305 = arith.constant 4096 : i32
        %add3A_306 = arith.addi %scan3A_251, %add3A_305 : i32
        %select_n3A_307 = arith.select %ge3A_301, %add3A_306, %add3A_299 : i32
        %add3A_308 = arith.constant 4096 : i32
        %add3A_309 = arith.addi %scan3A_251, %add3A_308 : i32
        %select_n3A_310 = arith.select %ge3A_301, %add3A_309, %scan3A_251 : i32
        scf.yield %select_n3A_307, %select_n3A_310 : i32, i32
      }
      %scan3A_248 = arith.constant 512 : i32
      scf.yield %scan3A_247#0, %scan3A_247#1 : i32, i32
    }
    %add3A_81 = arith.constant 8191 : i32
    %add3A_82 = arith.addi %scan3A_31#10, %add3A_81 : i32
    %shift_right_arithmetic3A_83 = arith.constant 13 : i32
    %shift_right_arithmetic3A_84 = arith.shrsi %add3A_82, %shift_right_arithmetic3A_83 : i32
    %while3A_85 = arith.constant 0 : i32
    %while3A_86 = arith.subi %shift_right_arithmetic3A_84, %while3A_85 : i32
    %while3A_87 = arith.addi %while3A_85, %while3A_86 : i32
    %while3A_88 = arith.constant 1 : i32
    %while3A_89 = arith.divsi %while3A_86, %while3A_88 : i32
    %while3A_90 = arith.muli %while3A_89, %while3A_88 : i32
    %while3A_91 = arith.addi %while3A_85, %while3A_90 : i32
    %while3A_92 = arith.constant 1 : i32
    %while3A_93:2 = scf.for %while3A_230 = %while3A_85 to %while3A_91 step %while3A_92 iter_args(%while3A_231 = %while3A_80#0, %while3A_232 = %while3A_80#1) -> (i32, i32)  : i32 {
      %mul3A_233 = arith.constant 8192 : i32
      %mul3A_234 = arith.muli %while3A_230, %mul3A_233 : i32
      %add3A_235 = arith.addi %scan3A_31#9, %mul3A_234 : i32
      %multiple_of3A = tpu.assume_multiple %add3A_235, 2048 : i32
      "tpu.region"() ({
        %run_scoped3A = tpu.sem_alloc : memref<!tpu.dma_semaphore, #tpu.memory_space<semaphore_mem>>
        %dma_start3A = tpu.memref_slice %arg2[%multiple_of3A] : memref<2170880xf32, #tpu.memory_space<hbm>> -> memref<8192xf32, #tpu.memory_space<hbm>>
        %dma_start3A_249 = tpu.memref_slice %arg2[%multiple_of3A] : memref<2170880xf32, #tpu.memory_space<hbm>> -> memref<8192xf32, #tpu.memory_space<hbm>>
        tpu.enqueue_dma source(%dma_start3A_249 : memref<8192xf32, #tpu.memory_space<hbm>>) target(%arg10 : memref<8192xf32, #tpu.memory_space<vmem>>) target_semaphore(%run_scoped3A : memref<!tpu.dma_semaphore, #tpu.memory_space<semaphore_mem>>)
        %dma_wait3A = tpu.memref_slice %arg2[%multiple_of3A] : memref<2170880xf32, #tpu.memory_space<hbm>> -> memref<8192xf32, #tpu.memory_space<hbm>>
        %dma_wait3A_250 = tpu.memref_slice %arg2[%multiple_of3A] : memref<2170880xf32, #tpu.memory_space<hbm>> -> memref<8192xf32, #tpu.memory_space<hbm>>
        tpu.wait_dma2 semaphore(%run_scoped3A : memref<!tpu.dma_semaphore, #tpu.memory_space<semaphore_mem>>) src(%dma_wait3A_250 : memref<8192xf32, #tpu.memory_space<hbm>>) dst(%arg10 : memref<8192xf32, #tpu.memory_space<vmem>>)
        tpu.yield
      }) : () -> ()
      %mul3A_236 = arith.constant 8192 : i32
      %mul3A_237 = arith.muli %while3A_230, %mul3A_236 : i32
      %add3A_238 = arith.addi %scan3A_31#8, %mul3A_237 : i32
      %and3A = arith.constant -8 : i32
      %and3A_239 = arith.andi %add3A_238, %and3A : i32
      %min3A = arith.constant 2087920 : i32
      %min3A_240 = arith.minsi %and3A_239, %min3A : i32
      %multiple_of3A_241 = tpu.assume_multiple %min3A_240, 8 : i32
      %sub3A_242 = arith.subi %add3A_238, %multiple_of3A_241 : i32
      "tpu.region"() ({
        %run_scoped3A = tpu.sem_alloc : memref<!tpu.dma_semaphore, #tpu.memory_space<semaphore_mem>>
        %dma_start3A = tpu.memref_slice %arg3[%multiple_of3A_241] : memref<2096128xi32, #tpu.memory_space<hbm>> -> memref<8208xi32, #tpu.memory_space<hbm>>
        %dma_start3A_249 = tpu.memref_slice %arg3[%multiple_of3A_241] : memref<2096128xi32, #tpu.memory_space<hbm>> -> memref<8208xi32, #tpu.memory_space<hbm>>
        tpu.enqueue_dma source(%dma_start3A_249 : memref<8208xi32, #tpu.memory_space<hbm>>) target(%arg11 : memref<8208xi32, #tpu.memory_space<vmem>>) target_semaphore(%run_scoped3A : memref<!tpu.dma_semaphore, #tpu.memory_space<semaphore_mem>>)
        %dma_wait3A = tpu.memref_slice %arg3[%multiple_of3A_241] : memref<2096128xi32, #tpu.memory_space<hbm>> -> memref<8208xi32, #tpu.memory_space<hbm>>
        %dma_wait3A_250 = tpu.memref_slice %arg3[%multiple_of3A_241] : memref<2096128xi32, #tpu.memory_space<hbm>> -> memref<8208xi32, #tpu.memory_space<hbm>>
        tpu.wait_dma2 semaphore(%run_scoped3A : memref<!tpu.dma_semaphore, #tpu.memory_space<semaphore_mem>>) src(%dma_wait3A_250 : memref<8208xi32, #tpu.memory_space<hbm>>) dst(%arg11 : memref<8208xi32, #tpu.memory_space<vmem>>)
        tpu.yield
      }) : () -> ()
      "tpu.region"() ({
        %run_scoped3A = tpu.sem_alloc : memref<!tpu.dma_semaphore, #tpu.memory_space<semaphore_mem>>
        %dma_start3A = tpu.memref_slice %arg4[%multiple_of3A_241] : memref<2096128xi32, #tpu.memory_space<hbm>> -> memref<8208xi32, #tpu.memory_space<hbm>>
        %dma_start3A_249 = tpu.memref_slice %arg4[%multiple_of3A_241] : memref<2096128xi32, #tpu.memory_space<hbm>> -> memref<8208xi32, #tpu.memory_space<hbm>>
        tpu.enqueue_dma source(%dma_start3A_249 : memref<8208xi32, #tpu.memory_space<hbm>>) target(%arg12 : memref<8208xi32, #tpu.memory_space<vmem>>) target_semaphore(%run_scoped3A : memref<!tpu.dma_semaphore, #tpu.memory_space<semaphore_mem>>)
        %dma_wait3A = tpu.memref_slice %arg4[%multiple_of3A_241] : memref<2096128xi32, #tpu.memory_space<hbm>> -> memref<8208xi32, #tpu.memory_space<hbm>>
        %dma_wait3A_250 = tpu.memref_slice %arg4[%multiple_of3A_241] : memref<2096128xi32, #tpu.memory_space<hbm>> -> memref<8208xi32, #tpu.memory_space<hbm>>
        tpu.wait_dma2 semaphore(%run_scoped3A : memref<!tpu.dma_semaphore, #tpu.memory_space<semaphore_mem>>) src(%dma_wait3A_250 : memref<8208xi32, #tpu.memory_space<hbm>>) dst(%arg12 : memref<8208xi32, #tpu.memory_space<vmem>>)
        tpu.yield
      }) : () -> ()
      %scan3A_243 = arith.constant 0 : i32
      %scan3A_244 = arith.constant 512 : i32
      %scan3A_245 = arith.addi %scan3A_243, %scan3A_244 : i32
      %scan3A_246 = arith.constant 1 : i32
      %scan3A_247:2 = scf.for %scan3A_249 = %scan3A_243 to %scan3A_245 step %scan3A_246 iter_args(%scan3A_250 = %while3A_231, %scan3A_251 = %while3A_232) -> (i32, i32)  : i32 {
        %mul3A_252 = arith.constant 16 : i32
        %mul3A_253 = arith.muli %scan3A_249, %mul3A_252 : i32
        %add3A_254 = arith.addi %sub3A_242, %mul3A_253 : i32
        %add3A_255 = vector.broadcast %add3A_254 : i32 to vector<16xi32>
        %add3A_256 = arith.addi %add3A_255, %iota3A : vector<16xi32>
        %min3A_257 = arith.constant 8207 : i32
        %min3A_258 = vector.broadcast %min3A_257 : i32 to vector<16xi32>
        %min3A_259 = arith.minsi %add3A_256, %min3A_258 : vector<16xi32>
        %gather3A = tpu.vector_load_idx %arg11[%min3A_259] : memref<8208xi32, #tpu.memory_space<vmem>>[vector<16xi32>], vector<16xi32>,
        %gather3A_260 = tpu.vector_load_idx %arg12[%min3A_259] : memref<8208xi32, #tpu.memory_space<vmem>>[vector<16xi32>], vector<16xi32>,
        %mul3A_261 = arith.constant 16 : i32
        %mul3A_262 = arith.muli %scan3A_249, %mul3A_261 : i32
        %get3A = arith.index_cast %mul3A_262 : i32 to index
        %get3A_263 = tpu.vector_load %arg10[%get3A] {strides = array<i32>} : memref<8192xf32, #tpu.memory_space<vmem>>, vector<16xf32>,
        %mul3A_264 = arith.constant 8192 : i32
        %mul3A_265 = arith.muli %while3A_230, %mul3A_264 : i32
        %mul3A_266 = arith.constant 16 : i32
        %mul3A_267 = arith.muli %scan3A_249, %mul3A_266 : i32
        %add3A_268 = arith.addi %mul3A_265, %mul3A_267 : i32
        %add3A_269 = vector.broadcast %add3A_268 : i32 to vector<16xi32>
        %add3A_270 = arith.addi %add3A_269, %iota3A : vector<16xi32>
        %shift_right_arithmetic3A_271 = arith.constant 9 : i32
        %shift_right_arithmetic3A_272 = vector.broadcast %shift_right_arithmetic3A_271 : i32 to vector<16xi32>
        %shift_right_arithmetic3A_273 = arith.shrsi %gather3A_260, %shift_right_arithmetic3A_272 : vector<16xi32>
        %eq3A = vector.broadcast %add3A_43 : i32 to vector<16xi32>
        %eq3A_274 = arith.cmpi eq, %shift_right_arithmetic3A_273, %eq3A : vector<16xi32>
        %lt3A = vector.broadcast %scan3A_31#10 : i32 to vector<16xi32>
        %lt3A_275 = arith.cmpi slt, %add3A_270, %lt3A : vector<16xi32>
        %and3A_276 = arith.andi %eq3A_274, %lt3A_275 : vector<16xi1>
        %and3A_277 = arith.constant 511 : i32
        %and3A_278 = vector.broadcast %and3A_277 : i32 to vector<16xi32>
        %and3A_279 = arith.andi %gather3A_260, %and3A_278 : vector<16xi32>
        %shift_left3A = arith.constant 11 : i32
        %shift_left3A_280 = vector.broadcast %shift_left3A : i32 to vector<16xi32>
        %shift_left3A_281 = arith.shli %and3A_279, %shift_left3A_280 : vector<16xi32>
        %or3A = arith.ori %shift_left3A_281, %gather3A : vector<16xi32>
        %jit3A = arith.constant 0 : i32
        %broadcast_in_dim3A_282 = vector.broadcast %jit3A : i32 to vector<16xi32>
        %select_n3A = arith.select %and3A_276, %or3A, %broadcast_in_dim3A_282 : vector<16xi1>, vector<16xi32>
        %jit3A_283 = arith.constant 0.000000e+00 : f32
        %broadcast_in_dim3A_284 = vector.broadcast %jit3A_283 : f32 to vector<16xf32>
        %select_n3A_285 = arith.select %and3A_276, %get3A_263, %broadcast_in_dim3A_284 : vector<16xi1>, vector<16xf32>
        %convert_element_type3A_286 = arith.extui %and3A_276 : vector<16xi1> to vector<16xi32>
        %broadcast_in_dim3A_287 = arith.constant true
        %broadcast_in_dim3A_288 = vector.broadcast %broadcast_in_dim3A_287 : i1 to vector<16xi1>
        %masked_cumsum3A = tpu.scan <sum>, %convert_element_type3A_286 masked %broadcast_in_dim3A_288 : vector<16xi32>, vector<16xi1> -> vector<16xi32>
        %sub3A_289 = arith.constant 1 : i32
        %sub3A_290 = arith.subi %scan3A_250, %sub3A_289 : i32
        %add3A_291 = vector.broadcast %sub3A_290 : i32 to vector<16xi32>
        %add3A_292 = arith.addi %masked_cumsum3A, %add3A_291 : vector<16xi32>
        %and3A_293 = arith.constant 8191 : i32
        %and3A_294 = vector.broadcast %and3A_293 : i32 to vector<16xi32>
        %and3A_295 = arith.andi %add3A_292, %and3A_294 : vector<16xi32>
        tpu.vector_store_idx %arg13[%and3A_295], %select_n3A masked %and3A_276 : memref<8192xi32, #tpu.memory_space<vmem>>[vector<16xi32>], vector<16xi32>, vector<16xi1>
        tpu.vector_store_idx %arg14[%and3A_295], %select_n3A_285 masked %and3A_276 : memref<8192xf32, #tpu.memory_space<vmem>>[vector<16xi32>], vector<16xf32>, vector<16xi1>
        %reduce_sum3A = arith.constant true
        %reduce_sum3A_296 = vector.broadcast %reduce_sum3A : i1 to vector<16xi1>
        %reduce_sum3A_297 = tpu.scan <sum>, %convert_element_type3A_286 masked %reduce_sum3A_296 : vector<16xi32>, vector<16xi1> -> vector<16xi32>
        %reduce_sum3A_298 = vector.extract %reduce_sum3A_297[15] : i32 from vector<16xi32>
        %add3A_299 = arith.addi %scan3A_250, %reduce_sum3A_298 : i32
        %sub3A_300 = arith.subi %add3A_299, %scan3A_251 : i32
        %ge3A = arith.constant 4080 : i32
        %ge3A_301 = arith.cmpi sge, %sub3A_300, %ge3A : i32
        %convert_element_type3A_302 = arith.extui %ge3A_301 : i1 to i32
        %cond3A_303 = arith.constant 0 : i32
        %cond3A_304 = arith.cmpi ne, %convert_element_type3A_302, %cond3A_303 : i32
        scf.if %cond3A_304 {
          %add3A_311 = arith.constant 4096 : i32
          %add3A_312 = arith.addi %scan3A_251, %add3A_311 : i32
          %sub3A_313 = arith.subi %add3A_312, %add3A_299 : i32
          %add3A_314 = vector.broadcast %add3A_299 : i32 to vector<16xi32>
          %add3A_315 = arith.addi %add3A_314, %iota3A : vector<16xi32>
          %and3A_316 = arith.constant 8191 : i32
          %and3A_317 = vector.broadcast %and3A_316 : i32 to vector<16xi32>
          %and3A_318 = arith.andi %add3A_315, %and3A_317 : vector<16xi32>
          %lt3A_319 = vector.broadcast %sub3A_313 : i32 to vector<16xi32>
          %lt3A_320 = arith.cmpi slt, %iota3A, %lt3A_319 : vector<16xi32>
          tpu.vector_store_idx %arg13[%and3A_318], %broadcast_in_dim3A_0 masked %lt3A_320 : memref<8192xi32, #tpu.memory_space<vmem>>[vector<16xi32>], vector<16xi32>, vector<16xi1>
          tpu.vector_store_idx %arg14[%and3A_318], %broadcast_in_dim3A_2 masked %lt3A_320 : memref<8192xf32, #tpu.memory_space<vmem>>[vector<16xi32>], vector<16xf32>, vector<16xi1>
          %and3A_321 = arith.constant 8191 : i32
          %and3A_322 = arith.andi %scan3A_251, %and3A_321 : i32
          %multiple_of3A_323 = tpu.assume_multiple %and3A_322, 4096 : i32
          %add3A_324 = arith.constant 4096 : i32
          %add3A_325 = arith.addi %scan3A_251, %add3A_324 : i32
          %and3A_326 = arith.constant 8191 : i32
          %and3A_327 = arith.andi %add3A_325, %and3A_326 : i32
          %multiple_of3A_328 = tpu.assume_multiple %and3A_327, 4096 : i32
          %gt3A_329 = arith.constant 0 : i32
          %gt3A_330 = arith.cmpi sgt, %scan3A_251, %gt3A_329 : i32
          %convert_element_type3A_331 = arith.extui %gt3A_330 : i1 to i32
          %cond3A_332 = arith.constant 0 : i32
          %cond3A_333 = arith.cmpi ne, %convert_element_type3A_331, %cond3A_332 : i32
          scf.if %cond3A_333 {
            %dma_wait3A = tpu.memref_slice %arg14[%multiple_of3A_328] : memref<8192xf32, #tpu.memory_space<vmem>> -> memref<4096xf32, #tpu.memory_space<vmem>>
            %dma_wait3A_337 = tpu.memref_slice %arg13[%multiple_of3A_328] : memref<8192xi32, #tpu.memory_space<vmem>> -> memref<4096xi32, #tpu.memory_space<vmem>>
            %dma_wait3A_338 = arith.constant 0 : i32
            %dma_wait3A_339 = tpu.memref_slice %arg7[%dma_wait3A_338] : memref<1048576xf32, #tpu.memory_space<vmem_shared>> -> memref<1048576xf32, #tpu.memory_space<vmem_shared>>
            tpu.wait_indirect_dma semaphore(%arg15 : memref<!tpu.dma_semaphore, #tpu.memory_space<semaphore_mem>>) src(%dma_wait3A : memref<4096xf32, #tpu.memory_space<vmem>>) dst(%dma_wait3A_339 : memref<1048576xf32, #tpu.memory_space<vmem_shared>>)
          } else {
          }
          %dma_start3A = tpu.memref_slice %arg14[%multiple_of3A_323] : memref<8192xf32, #tpu.memory_space<vmem>> -> memref<4096xf32, #tpu.memory_space<vmem>>
          %dma_start3A_334 = tpu.memref_slice %arg13[%multiple_of3A_323] : memref<8192xi32, #tpu.memory_space<vmem>> -> memref<4096xi32, #tpu.memory_space<vmem>>
          %dma_start3A_335 = arith.constant 0 : i32
          %dma_start3A_336 = tpu.memref_slice %arg7[%dma_start3A_335] : memref<1048576xf32, #tpu.memory_space<vmem_shared>> -> memref<1048576xf32, #tpu.memory_space<vmem_shared>>
          tpu.enqueue_indirect_dma source(%dma_start3A : memref<4096xf32, #tpu.memory_space<vmem>>) target(%dma_start3A_336 : memref<1048576xf32, #tpu.memory_space<vmem_shared>>) offsets(%dma_start3A_334 : memref<4096xi32, #tpu.memory_space<vmem>>) semaphore(%arg15 : memref<!tpu.dma_semaphore, #tpu.memory_space<semaphore_mem>>) {add = true}
        } else {
        }
        %add3A_305 = arith.constant 4096 : i32
        %add3A_306 = arith.addi %scan3A_251, %add3A_305 : i32
        %select_n3A_307 = arith.select %ge3A_301, %add3A_306, %add3A_299 : i32
        %add3A_308 = arith.constant 4096 : i32
        %add3A_309 = arith.addi %scan3A_251, %add3A_308 : i32
        %select_n3A_310 = arith.select %ge3A_301, %add3A_309, %scan3A_251 : i32
        scf.yield %select_n3A_307, %select_n3A_310 : i32, i32
      }
      %scan3A_248 = arith.constant 512 : i32
      scf.yield %scan3A_247#0, %scan3A_247#1 : i32, i32
    }
    %while3A_94 = arith.constant 1 : i32
    %while3A_95:2 = scf.for %while3A_230 = %while3A_91 to %while3A_87 step %while3A_94 iter_args(%while3A_231 = %while3A_93#0, %while3A_232 = %while3A_93#1) -> (i32, i32)  : i32 {
      %mul3A_233 = arith.constant 8192 : i32
      %mul3A_234 = arith.muli %while3A_230, %mul3A_233 : i32
      %add3A_235 = arith.addi %scan3A_31#9, %mul3A_234 : i32
      %multiple_of3A = tpu.assume_multiple %add3A_235, 2048 : i32
      "tpu.region"() ({
        %run_scoped3A = tpu.sem_alloc : memref<!tpu.dma_semaphore, #tpu.memory_space<semaphore_mem>>
        %dma_start3A = tpu.memref_slice %arg2[%multiple_of3A] : memref<2170880xf32, #tpu.memory_space<hbm>> -> memref<8192xf32, #tpu.memory_space<hbm>>
        %dma_start3A_249 = tpu.memref_slice %arg2[%multiple_of3A] : memref<2170880xf32, #tpu.memory_space<hbm>> -> memref<8192xf32, #tpu.memory_space<hbm>>
        tpu.enqueue_dma source(%dma_start3A_249 : memref<8192xf32, #tpu.memory_space<hbm>>) target(%arg10 : memref<8192xf32, #tpu.memory_space<vmem>>) target_semaphore(%run_scoped3A : memref<!tpu.dma_semaphore, #tpu.memory_space<semaphore_mem>>)
        %dma_wait3A = tpu.memref_slice %arg2[%multiple_of3A] : memref<2170880xf32, #tpu.memory_space<hbm>> -> memref<8192xf32, #tpu.memory_space<hbm>>
        %dma_wait3A_250 = tpu.memref_slice %arg2[%multiple_of3A] : memref<2170880xf32, #tpu.memory_space<hbm>> -> memref<8192xf32, #tpu.memory_space<hbm>>
        tpu.wait_dma2 semaphore(%run_scoped3A : memref<!tpu.dma_semaphore, #tpu.memory_space<semaphore_mem>>) src(%dma_wait3A_250 : memref<8192xf32, #tpu.memory_space<hbm>>) dst(%arg10 : memref<8192xf32, #tpu.memory_space<vmem>>)
        tpu.yield
      }) : () -> ()
      %mul3A_236 = arith.constant 8192 : i32
      %mul3A_237 = arith.muli %while3A_230, %mul3A_236 : i32
      %add3A_238 = arith.addi %scan3A_31#8, %mul3A_237 : i32
      %and3A = arith.constant -8 : i32
      %and3A_239 = arith.andi %add3A_238, %and3A : i32
      %min3A = arith.constant 2087920 : i32
      %min3A_240 = arith.minsi %and3A_239, %min3A : i32
      %multiple_of3A_241 = tpu.assume_multiple %min3A_240, 8 : i32
      %sub3A_242 = arith.subi %add3A_238, %multiple_of3A_241 : i32
      "tpu.region"() ({
        %run_scoped3A = tpu.sem_alloc : memref<!tpu.dma_semaphore, #tpu.memory_space<semaphore_mem>>
        %dma_start3A = tpu.memref_slice %arg3[%multiple_of3A_241] : memref<2096128xi32, #tpu.memory_space<hbm>> -> memref<8208xi32, #tpu.memory_space<hbm>>
        %dma_start3A_249 = tpu.memref_slice %arg3[%multiple_of3A_241] : memref<2096128xi32, #tpu.memory_space<hbm>> -> memref<8208xi32, #tpu.memory_space<hbm>>
        tpu.enqueue_dma source(%dma_start3A_249 : memref<8208xi32, #tpu.memory_space<hbm>>) target(%arg11 : memref<8208xi32, #tpu.memory_space<vmem>>) target_semaphore(%run_scoped3A : memref<!tpu.dma_semaphore, #tpu.memory_space<semaphore_mem>>)
        %dma_wait3A = tpu.memref_slice %arg3[%multiple_of3A_241] : memref<2096128xi32, #tpu.memory_space<hbm>> -> memref<8208xi32, #tpu.memory_space<hbm>>
        %dma_wait3A_250 = tpu.memref_slice %arg3[%multiple_of3A_241] : memref<2096128xi32, #tpu.memory_space<hbm>> -> memref<8208xi32, #tpu.memory_space<hbm>>
        tpu.wait_dma2 semaphore(%run_scoped3A : memref<!tpu.dma_semaphore, #tpu.memory_space<semaphore_mem>>) src(%dma_wait3A_250 : memref<8208xi32, #tpu.memory_space<hbm>>) dst(%arg11 : memref<8208xi32, #tpu.memory_space<vmem>>)
        tpu.yield
      }) : () -> ()
      "tpu.region"() ({
        %run_scoped3A = tpu.sem_alloc : memref<!tpu.dma_semaphore, #tpu.memory_space<semaphore_mem>>
        %dma_start3A = tpu.memref_slice %arg4[%multiple_of3A_241] : memref<2096128xi32, #tpu.memory_space<hbm>> -> memref<8208xi32, #tpu.memory_space<hbm>>
        %dma_start3A_249 = tpu.memref_slice %arg4[%multiple_of3A_241] : memref<2096128xi32, #tpu.memory_space<hbm>> -> memref<8208xi32, #tpu.memory_space<hbm>>
        tpu.enqueue_dma source(%dma_start3A_249 : memref<8208xi32, #tpu.memory_space<hbm>>) target(%arg12 : memref<8208xi32, #tpu.memory_space<vmem>>) target_semaphore(%run_scoped3A : memref<!tpu.dma_semaphore, #tpu.memory_space<semaphore_mem>>)
        %dma_wait3A = tpu.memref_slice %arg4[%multiple_of3A_241] : memref<2096128xi32, #tpu.memory_space<hbm>> -> memref<8208xi32, #tpu.memory_space<hbm>>
        %dma_wait3A_250 = tpu.memref_slice %arg4[%multiple_of3A_241] : memref<2096128xi32, #tpu.memory_space<hbm>> -> memref<8208xi32, #tpu.memory_space<hbm>>
        tpu.wait_dma2 semaphore(%run_scoped3A : memref<!tpu.dma_semaphore, #tpu.memory_space<semaphore_mem>>) src(%dma_wait3A_250 : memref<8208xi32, #tpu.memory_space<hbm>>) dst(%arg12 : memref<8208xi32, #tpu.memory_space<vmem>>)
        tpu.yield
      }) : () -> ()
      %scan3A_243 = arith.constant 0 : i32
      %scan3A_244 = arith.constant 512 : i32
      %scan3A_245 = arith.addi %scan3A_243, %scan3A_244 : i32
      %scan3A_246 = arith.constant 1 : i32
      %scan3A_247:2 = scf.for %scan3A_249 = %scan3A_243 to %scan3A_245 step %scan3A_246 iter_args(%scan3A_250 = %while3A_231, %scan3A_251 = %while3A_232) -> (i32, i32)  : i32 {
        %mul3A_252 = arith.constant 16 : i32
        %mul3A_253 = arith.muli %scan3A_249, %mul3A_252 : i32
        %add3A_254 = arith.addi %sub3A_242, %mul3A_253 : i32
        %add3A_255 = vector.broadcast %add3A_254 : i32 to vector<16xi32>
        %add3A_256 = arith.addi %add3A_255, %iota3A : vector<16xi32>
        %min3A_257 = arith.constant 8207 : i32
        %min3A_258 = vector.broadcast %min3A_257 : i32 to vector<16xi32>
        %min3A_259 = arith.minsi %add3A_256, %min3A_258 : vector<16xi32>
        %gather3A = tpu.vector_load_idx %arg11[%min3A_259] : memref<8208xi32, #tpu.memory_space<vmem>>[vector<16xi32>], vector<16xi32>,
        %gather3A_260 = tpu.vector_load_idx %arg12[%min3A_259] : memref<8208xi32, #tpu.memory_space<vmem>>[vector<16xi32>], vector<16xi32>,
        %mul3A_261 = arith.constant 16 : i32
        %mul3A_262 = arith.muli %scan3A_249, %mul3A_261 : i32
        %get3A = arith.index_cast %mul3A_262 : i32 to index
        %get3A_263 = tpu.vector_load %arg10[%get3A] {strides = array<i32>} : memref<8192xf32, #tpu.memory_space<vmem>>, vector<16xf32>,
        %mul3A_264 = arith.constant 8192 : i32
        %mul3A_265 = arith.muli %while3A_230, %mul3A_264 : i32
        %mul3A_266 = arith.constant 16 : i32
        %mul3A_267 = arith.muli %scan3A_249, %mul3A_266 : i32
        %add3A_268 = arith.addi %mul3A_265, %mul3A_267 : i32
        %add3A_269 = vector.broadcast %add3A_268 : i32 to vector<16xi32>
        %add3A_270 = arith.addi %add3A_269, %iota3A : vector<16xi32>
        %shift_right_arithmetic3A_271 = arith.constant 9 : i32
        %shift_right_arithmetic3A_272 = vector.broadcast %shift_right_arithmetic3A_271 : i32 to vector<16xi32>
        %shift_right_arithmetic3A_273 = arith.shrsi %gather3A_260, %shift_right_arithmetic3A_272 : vector<16xi32>
        %eq3A = vector.broadcast %add3A_43 : i32 to vector<16xi32>
        %eq3A_274 = arith.cmpi eq, %shift_right_arithmetic3A_273, %eq3A : vector<16xi32>
        %lt3A = vector.broadcast %scan3A_31#10 : i32 to vector<16xi32>
        %lt3A_275 = arith.cmpi slt, %add3A_270, %lt3A : vector<16xi32>
        %and3A_276 = arith.andi %eq3A_274, %lt3A_275 : vector<16xi1>
        %and3A_277 = arith.constant 511 : i32
        %and3A_278 = vector.broadcast %and3A_277 : i32 to vector<16xi32>
        %and3A_279 = arith.andi %gather3A_260, %and3A_278 : vector<16xi32>
        %shift_left3A = arith.constant 11 : i32
        %shift_left3A_280 = vector.broadcast %shift_left3A : i32 to vector<16xi32>
        %shift_left3A_281 = arith.shli %and3A_279, %shift_left3A_280 : vector<16xi32>
        %or3A = arith.ori %shift_left3A_281, %gather3A : vector<16xi32>
        %jit3A = arith.constant 0 : i32
        %broadcast_in_dim3A_282 = vector.broadcast %jit3A : i32 to vector<16xi32>
        %select_n3A = arith.select %and3A_276, %or3A, %broadcast_in_dim3A_282 : vector<16xi1>, vector<16xi32>
        %jit3A_283 = arith.constant 0.000000e+00 : f32
        %broadcast_in_dim3A_284 = vector.broadcast %jit3A_283 : f32 to vector<16xf32>
        %select_n3A_285 = arith.select %and3A_276, %get3A_263, %broadcast_in_dim3A_284 : vector<16xi1>, vector<16xf32>
        %convert_element_type3A_286 = arith.extui %and3A_276 : vector<16xi1> to vector<16xi32>
        %broadcast_in_dim3A_287 = arith.constant true
        %broadcast_in_dim3A_288 = vector.broadcast %broadcast_in_dim3A_287 : i1 to vector<16xi1>
        %masked_cumsum3A = tpu.scan <sum>, %convert_element_type3A_286 masked %broadcast_in_dim3A_288 : vector<16xi32>, vector<16xi1> -> vector<16xi32>
        %sub3A_289 = arith.constant 1 : i32
        %sub3A_290 = arith.subi %scan3A_250, %sub3A_289 : i32
        %add3A_291 = vector.broadcast %sub3A_290 : i32 to vector<16xi32>
        %add3A_292 = arith.addi %masked_cumsum3A, %add3A_291 : vector<16xi32>
        %and3A_293 = arith.constant 8191 : i32
        %and3A_294 = vector.broadcast %and3A_293 : i32 to vector<16xi32>
        %and3A_295 = arith.andi %add3A_292, %and3A_294 : vector<16xi32>
        tpu.vector_store_idx %arg13[%and3A_295], %select_n3A masked %and3A_276 : memref<8192xi32, #tpu.memory_space<vmem>>[vector<16xi32>], vector<16xi32>, vector<16xi1>
        tpu.vector_store_idx %arg14[%and3A_295], %select_n3A_285 masked %and3A_276 : memref<8192xf32, #tpu.memory_space<vmem>>[vector<16xi32>], vector<16xf32>, vector<16xi1>
        %reduce_sum3A = arith.constant true
        %reduce_sum3A_296 = vector.broadcast %reduce_sum3A : i1 to vector<16xi1>
        %reduce_sum3A_297 = tpu.scan <sum>, %convert_element_type3A_286 masked %reduce_sum3A_296 : vector<16xi32>, vector<16xi1> -> vector<16xi32>
        %reduce_sum3A_298 = vector.extract %reduce_sum3A_297[15] : i32 from vector<16xi32>
        %add3A_299 = arith.addi %scan3A_250, %reduce_sum3A_298 : i32
        %sub3A_300 = arith.subi %add3A_299, %scan3A_251 : i32
        %ge3A = arith.constant 4080 : i32
        %ge3A_301 = arith.cmpi sge, %sub3A_300, %ge3A : i32
        %convert_element_type3A_302 = arith.extui %ge3A_301 : i1 to i32
        %cond3A_303 = arith.constant 0 : i32
        %cond3A_304 = arith.cmpi ne, %convert_element_type3A_302, %cond3A_303 : i32
        scf.if %cond3A_304 {
          %add3A_311 = arith.constant 4096 : i32
          %add3A_312 = arith.addi %scan3A_251, %add3A_311 : i32
          %sub3A_313 = arith.subi %add3A_312, %add3A_299 : i32
          %add3A_314 = vector.broadcast %add3A_299 : i32 to vector<16xi32>
          %add3A_315 = arith.addi %add3A_314, %iota3A : vector<16xi32>
          %and3A_316 = arith.constant 8191 : i32
          %and3A_317 = vector.broadcast %and3A_316 : i32 to vector<16xi32>
          %and3A_318 = arith.andi %add3A_315, %and3A_317 : vector<16xi32>
          %lt3A_319 = vector.broadcast %sub3A_313 : i32 to vector<16xi32>
          %lt3A_320 = arith.cmpi slt, %iota3A, %lt3A_319 : vector<16xi32>
          tpu.vector_store_idx %arg13[%and3A_318], %broadcast_in_dim3A_0 masked %lt3A_320 : memref<8192xi32, #tpu.memory_space<vmem>>[vector<16xi32>], vector<16xi32>, vector<16xi1>
          tpu.vector_store_idx %arg14[%and3A_318], %broadcast_in_dim3A_2 masked %lt3A_320 : memref<8192xf32, #tpu.memory_space<vmem>>[vector<16xi32>], vector<16xf32>, vector<16xi1>
          %and3A_321 = arith.constant 8191 : i32
          %and3A_322 = arith.andi %scan3A_251, %and3A_321 : i32
          %multiple_of3A_323 = tpu.assume_multiple %and3A_322, 4096 : i32
          %add3A_324 = arith.constant 4096 : i32
          %add3A_325 = arith.addi %scan3A_251, %add3A_324 : i32
          %and3A_326 = arith.constant 8191 : i32
          %and3A_327 = arith.andi %add3A_325, %and3A_326 : i32
          %multiple_of3A_328 = tpu.assume_multiple %and3A_327, 4096 : i32
          %gt3A_329 = arith.constant 0 : i32
          %gt3A_330 = arith.cmpi sgt, %scan3A_251, %gt3A_329 : i32
          %convert_element_type3A_331 = arith.extui %gt3A_330 : i1 to i32
          %cond3A_332 = arith.constant 0 : i32
          %cond3A_333 = arith.cmpi ne, %convert_element_type3A_331, %cond3A_332 : i32
          scf.if %cond3A_333 {
            %dma_wait3A = tpu.memref_slice %arg14[%multiple_of3A_328] : memref<8192xf32, #tpu.memory_space<vmem>> -> memref<4096xf32, #tpu.memory_space<vmem>>
            %dma_wait3A_337 = tpu.memref_slice %arg13[%multiple_of3A_328] : memref<8192xi32, #tpu.memory_space<vmem>> -> memref<4096xi32, #tpu.memory_space<vmem>>
            %dma_wait3A_338 = arith.constant 0 : i32
            %dma_wait3A_339 = tpu.memref_slice %arg7[%dma_wait3A_338] : memref<1048576xf32, #tpu.memory_space<vmem_shared>> -> memref<1048576xf32, #tpu.memory_space<vmem_shared>>
            tpu.wait_indirect_dma semaphore(%arg15 : memref<!tpu.dma_semaphore, #tpu.memory_space<semaphore_mem>>) src(%dma_wait3A : memref<4096xf32, #tpu.memory_space<vmem>>) dst(%dma_wait3A_339 : memref<1048576xf32, #tpu.memory_space<vmem_shared>>)
          } else {
          }
          %dma_start3A = tpu.memref_slice %arg14[%multiple_of3A_323] : memref<8192xf32, #tpu.memory_space<vmem>> -> memref<4096xf32, #tpu.memory_space<vmem>>
          %dma_start3A_334 = tpu.memref_slice %arg13[%multiple_of3A_323] : memref<8192xi32, #tpu.memory_space<vmem>> -> memref<4096xi32, #tpu.memory_space<vmem>>
          %dma_start3A_335 = arith.constant 0 : i32
          %dma_start3A_336 = tpu.memref_slice %arg7[%dma_start3A_335] : memref<1048576xf32, #tpu.memory_space<vmem_shared>> -> memref<1048576xf32, #tpu.memory_space<vmem_shared>>
          tpu.enqueue_indirect_dma source(%dma_start3A : memref<4096xf32, #tpu.memory_space<vmem>>) target(%dma_start3A_336 : memref<1048576xf32, #tpu.memory_space<vmem_shared>>) offsets(%dma_start3A_334 : memref<4096xi32, #tpu.memory_space<vmem>>) semaphore(%arg15 : memref<!tpu.dma_semaphore, #tpu.memory_space<semaphore_mem>>) {add = true}
        } else {
        }
        %add3A_305 = arith.constant 4096 : i32
        %add3A_306 = arith.addi %scan3A_251, %add3A_305 : i32
        %select_n3A_307 = arith.select %ge3A_301, %add3A_306, %add3A_299 : i32
        %add3A_308 = arith.constant 4096 : i32
        %add3A_309 = arith.addi %scan3A_251, %add3A_308 : i32
        %select_n3A_310 = arith.select %ge3A_301, %add3A_309, %scan3A_251 : i32
        scf.yield %select_n3A_307, %select_n3A_310 : i32, i32
      }
      %scan3A_248 = arith.constant 512 : i32
      scf.yield %scan3A_247#0, %scan3A_247#1 : i32, i32
    }
    %add3A_96 = arith.constant 8191 : i32
    %add3A_97 = arith.addi %scan3A_31#13, %add3A_96 : i32
    %shift_right_arithmetic3A_98 = arith.constant 13 : i32
    %shift_right_arithmetic3A_99 = arith.shrsi %add3A_97, %shift_right_arithmetic3A_98 : i32
    %while3A_100 = arith.constant 0 : i32
    %while3A_101 = arith.subi %shift_right_arithmetic3A_99, %while3A_100 : i32
    %while3A_102 = arith.addi %while3A_100, %while3A_101 : i32
    %while3A_103 = arith.constant 1 : i32
    %while3A_104 = arith.divsi %while3A_101, %while3A_103 : i32
    %while3A_105 = arith.muli %while3A_104, %while3A_103 : i32
    %while3A_106 = arith.addi %while3A_100, %while3A_105 : i32
    %while3A_107 = arith.constant 1 : i32
    %while3A_108:2 = scf.for %while3A_230 = %while3A_100 to %while3A_106 step %while3A_107 iter_args(%while3A_231 = %while3A_95#0, %while3A_232 = %while3A_95#1) -> (i32, i32)  : i32 {
      %mul3A_233 = arith.constant 8192 : i32
      %mul3A_234 = arith.muli %while3A_230, %mul3A_233 : i32
      %add3A_235 = arith.addi %scan3A_31#12, %mul3A_234 : i32
      %multiple_of3A = tpu.assume_multiple %add3A_235, 2048 : i32
      "tpu.region"() ({
        %run_scoped3A = tpu.sem_alloc : memref<!tpu.dma_semaphore, #tpu.memory_space<semaphore_mem>>
        %dma_start3A = tpu.memref_slice %arg2[%multiple_of3A] : memref<2170880xf32, #tpu.memory_space<hbm>> -> memref<8192xf32, #tpu.memory_space<hbm>>
        %dma_start3A_249 = tpu.memref_slice %arg2[%multiple_of3A] : memref<2170880xf32, #tpu.memory_space<hbm>> -> memref<8192xf32, #tpu.memory_space<hbm>>
        tpu.enqueue_dma source(%dma_start3A_249 : memref<8192xf32, #tpu.memory_space<hbm>>) target(%arg10 : memref<8192xf32, #tpu.memory_space<vmem>>) target_semaphore(%run_scoped3A : memref<!tpu.dma_semaphore, #tpu.memory_space<semaphore_mem>>)
        %dma_wait3A = tpu.memref_slice %arg2[%multiple_of3A] : memref<2170880xf32, #tpu.memory_space<hbm>> -> memref<8192xf32, #tpu.memory_space<hbm>>
        %dma_wait3A_250 = tpu.memref_slice %arg2[%multiple_of3A] : memref<2170880xf32, #tpu.memory_space<hbm>> -> memref<8192xf32, #tpu.memory_space<hbm>>
        tpu.wait_dma2 semaphore(%run_scoped3A : memref<!tpu.dma_semaphore, #tpu.memory_space<semaphore_mem>>) src(%dma_wait3A_250 : memref<8192xf32, #tpu.memory_space<hbm>>) dst(%arg10 : memref<8192xf32, #tpu.memory_space<vmem>>)
        tpu.yield
      }) : () -> ()
      %mul3A_236 = arith.constant 8192 : i32
      %mul3A_237 = arith.muli %while3A_230, %mul3A_236 : i32
      %add3A_238 = arith.addi %scan3A_31#11, %mul3A_237 : i32
      %and3A = arith.constant -8 : i32
      %and3A_239 = arith.andi %add3A_238, %and3A : i32
      %min3A = arith.constant 2087920 : i32
      %min3A_240 = arith.minsi %and3A_239, %min3A : i32
      %multiple_of3A_241 = tpu.assume_multiple %min3A_240, 8 : i32
      %sub3A_242 = arith.subi %add3A_238, %multiple_of3A_241 : i32
      "tpu.region"() ({
        %run_scoped3A = tpu.sem_alloc : memref<!tpu.dma_semaphore, #tpu.memory_space<semaphore_mem>>
        %dma_start3A = tpu.memref_slice %arg3[%multiple_of3A_241] : memref<2096128xi32, #tpu.memory_space<hbm>> -> memref<8208xi32, #tpu.memory_space<hbm>>
        %dma_start3A_249 = tpu.memref_slice %arg3[%multiple_of3A_241] : memref<2096128xi32, #tpu.memory_space<hbm>> -> memref<8208xi32, #tpu.memory_space<hbm>>
        tpu.enqueue_dma source(%dma_start3A_249 : memref<8208xi32, #tpu.memory_space<hbm>>) target(%arg11 : memref<8208xi32, #tpu.memory_space<vmem>>) target_semaphore(%run_scoped3A : memref<!tpu.dma_semaphore, #tpu.memory_space<semaphore_mem>>)
        %dma_wait3A = tpu.memref_slice %arg3[%multiple_of3A_241] : memref<2096128xi32, #tpu.memory_space<hbm>> -> memref<8208xi32, #tpu.memory_space<hbm>>
        %dma_wait3A_250 = tpu.memref_slice %arg3[%multiple_of3A_241] : memref<2096128xi32, #tpu.memory_space<hbm>> -> memref<8208xi32, #tpu.memory_space<hbm>>
        tpu.wait_dma2 semaphore(%run_scoped3A : memref<!tpu.dma_semaphore, #tpu.memory_space<semaphore_mem>>) src(%dma_wait3A_250 : memref<8208xi32, #tpu.memory_space<hbm>>) dst(%arg11 : memref<8208xi32, #tpu.memory_space<vmem>>)
        tpu.yield
      }) : () -> ()
      "tpu.region"() ({
        %run_scoped3A = tpu.sem_alloc : memref<!tpu.dma_semaphore, #tpu.memory_space<semaphore_mem>>
        %dma_start3A = tpu.memref_slice %arg4[%multiple_of3A_241] : memref<2096128xi32, #tpu.memory_space<hbm>> -> memref<8208xi32, #tpu.memory_space<hbm>>
        %dma_start3A_249 = tpu.memref_slice %arg4[%multiple_of3A_241] : memref<2096128xi32, #tpu.memory_space<hbm>> -> memref<8208xi32, #tpu.memory_space<hbm>>
        tpu.enqueue_dma source(%dma_start3A_249 : memref<8208xi32, #tpu.memory_space<hbm>>) target(%arg12 : memref<8208xi32, #tpu.memory_space<vmem>>) target_semaphore(%run_scoped3A : memref<!tpu.dma_semaphore, #tpu.memory_space<semaphore_mem>>)
        %dma_wait3A = tpu.memref_slice %arg4[%multiple_of3A_241] : memref<2096128xi32, #tpu.memory_space<hbm>> -> memref<8208xi32, #tpu.memory_space<hbm>>
        %dma_wait3A_250 = tpu.memref_slice %arg4[%multiple_of3A_241] : memref<2096128xi32, #tpu.memory_space<hbm>> -> memref<8208xi32, #tpu.memory_space<hbm>>
        tpu.wait_dma2 semaphore(%run_scoped3A : memref<!tpu.dma_semaphore, #tpu.memory_space<semaphore_mem>>) src(%dma_wait3A_250 : memref<8208xi32, #tpu.memory_space<hbm>>) dst(%arg12 : memref<8208xi32, #tpu.memory_space<vmem>>)
        tpu.yield
      }) : () -> ()
      %scan3A_243 = arith.constant 0 : i32
      %scan3A_244 = arith.constant 512 : i32
      %scan3A_245 = arith.addi %scan3A_243, %scan3A_244 : i32
      %scan3A_246 = arith.constant 1 : i32
      %scan3A_247:2 = scf.for %scan3A_249 = %scan3A_243 to %scan3A_245 step %scan3A_246 iter_args(%scan3A_250 = %while3A_231, %scan3A_251 = %while3A_232) -> (i32, i32)  : i32 {
        %mul3A_252 = arith.constant 16 : i32
        %mul3A_253 = arith.muli %scan3A_249, %mul3A_252 : i32
        %add3A_254 = arith.addi %sub3A_242, %mul3A_253 : i32
        %add3A_255 = vector.broadcast %add3A_254 : i32 to vector<16xi32>
        %add3A_256 = arith.addi %add3A_255, %iota3A : vector<16xi32>
        %min3A_257 = arith.constant 8207 : i32
        %min3A_258 = vector.broadcast %min3A_257 : i32 to vector<16xi32>
        %min3A_259 = arith.minsi %add3A_256, %min3A_258 : vector<16xi32>
        %gather3A = tpu.vector_load_idx %arg11[%min3A_259] : memref<8208xi32, #tpu.memory_space<vmem>>[vector<16xi32>], vector<16xi32>,
        %gather3A_260 = tpu.vector_load_idx %arg12[%min3A_259] : memref<8208xi32, #tpu.memory_space<vmem>>[vector<16xi32>], vector<16xi32>,
        %mul3A_261 = arith.constant 16 : i32
        %mul3A_262 = arith.muli %scan3A_249, %mul3A_261 : i32
        %get3A = arith.index_cast %mul3A_262 : i32 to index
        %get3A_263 = tpu.vector_load %arg10[%get3A] {strides = array<i32>} : memref<8192xf32, #tpu.memory_space<vmem>>, vector<16xf32>,
        %mul3A_264 = arith.constant 8192 : i32
        %mul3A_265 = arith.muli %while3A_230, %mul3A_264 : i32
        %mul3A_266 = arith.constant 16 : i32
        %mul3A_267 = arith.muli %scan3A_249, %mul3A_266 : i32
        %add3A_268 = arith.addi %mul3A_265, %mul3A_267 : i32
        %add3A_269 = vector.broadcast %add3A_268 : i32 to vector<16xi32>
        %add3A_270 = arith.addi %add3A_269, %iota3A : vector<16xi32>
        %shift_right_arithmetic3A_271 = arith.constant 9 : i32
        %shift_right_arithmetic3A_272 = vector.broadcast %shift_right_arithmetic3A_271 : i32 to vector<16xi32>
        %shift_right_arithmetic3A_273 = arith.shrsi %gather3A_260, %shift_right_arithmetic3A_272 : vector<16xi32>
        %eq3A = vector.broadcast %add3A_43 : i32 to vector<16xi32>
        %eq3A_274 = arith.cmpi eq, %shift_right_arithmetic3A_273, %eq3A : vector<16xi32>
        %lt3A = vector.broadcast %scan3A_31#13 : i32 to vector<16xi32>
        %lt3A_275 = arith.cmpi slt, %add3A_270, %lt3A : vector<16xi32>
        %and3A_276 = arith.andi %eq3A_274, %lt3A_275 : vector<16xi1>
        %and3A_277 = arith.constant 511 : i32
        %and3A_278 = vector.broadcast %and3A_277 : i32 to vector<16xi32>
        %and3A_279 = arith.andi %gather3A_260, %and3A_278 : vector<16xi32>
        %shift_left3A = arith.constant 11 : i32
        %shift_left3A_280 = vector.broadcast %shift_left3A : i32 to vector<16xi32>
        %shift_left3A_281 = arith.shli %and3A_279, %shift_left3A_280 : vector<16xi32>
        %or3A = arith.ori %shift_left3A_281, %gather3A : vector<16xi32>
        %jit3A = arith.constant 0 : i32
        %broadcast_in_dim3A_282 = vector.broadcast %jit3A : i32 to vector<16xi32>
        %select_n3A = arith.select %and3A_276, %or3A, %broadcast_in_dim3A_282 : vector<16xi1>, vector<16xi32>
        %jit3A_283 = arith.constant 0.000000e+00 : f32
        %broadcast_in_dim3A_284 = vector.broadcast %jit3A_283 : f32 to vector<16xf32>
        %select_n3A_285 = arith.select %and3A_276, %get3A_263, %broadcast_in_dim3A_284 : vector<16xi1>, vector<16xf32>
        %convert_element_type3A_286 = arith.extui %and3A_276 : vector<16xi1> to vector<16xi32>
        %broadcast_in_dim3A_287 = arith.constant true
        %broadcast_in_dim3A_288 = vector.broadcast %broadcast_in_dim3A_287 : i1 to vector<16xi1>
        %masked_cumsum3A = tpu.scan <sum>, %convert_element_type3A_286 masked %broadcast_in_dim3A_288 : vector<16xi32>, vector<16xi1> -> vector<16xi32>
        %sub3A_289 = arith.constant 1 : i32
        %sub3A_290 = arith.subi %scan3A_250, %sub3A_289 : i32
        %add3A_291 = vector.broadcast %sub3A_290 : i32 to vector<16xi32>
        %add3A_292 = arith.addi %masked_cumsum3A, %add3A_291 : vector<16xi32>
        %and3A_293 = arith.constant 8191 : i32
        %and3A_294 = vector.broadcast %and3A_293 : i32 to vector<16xi32>
        %and3A_295 = arith.andi %add3A_292, %and3A_294 : vector<16xi32>
        tpu.vector_store_idx %arg13[%and3A_295], %select_n3A masked %and3A_276 : memref<8192xi32, #tpu.memory_space<vmem>>[vector<16xi32>], vector<16xi32>, vector<16xi1>
        tpu.vector_store_idx %arg14[%and3A_295], %select_n3A_285 masked %and3A_276 : memref<8192xf32, #tpu.memory_space<vmem>>[vector<16xi32>], vector<16xf32>, vector<16xi1>
        %reduce_sum3A = arith.constant true
        %reduce_sum3A_296 = vector.broadcast %reduce_sum3A : i1 to vector<16xi1>
        %reduce_sum3A_297 = tpu.scan <sum>, %convert_element_type3A_286 masked %reduce_sum3A_296 : vector<16xi32>, vector<16xi1> -> vector<16xi32>
        %reduce_sum3A_298 = vector.extract %reduce_sum3A_297[15] : i32 from vector<16xi32>
        %add3A_299 = arith.addi %scan3A_250, %reduce_sum3A_298 : i32
        %sub3A_300 = arith.subi %add3A_299, %scan3A_251 : i32
        %ge3A = arith.constant 4080 : i32
        %ge3A_301 = arith.cmpi sge, %sub3A_300, %ge3A : i32
        %convert_element_type3A_302 = arith.extui %ge3A_301 : i1 to i32
        %cond3A_303 = arith.constant 0 : i32
        %cond3A_304 = arith.cmpi ne, %convert_element_type3A_302, %cond3A_303 : i32
        scf.if %cond3A_304 {
          %add3A_311 = arith.constant 4096 : i32
          %add3A_312 = arith.addi %scan3A_251, %add3A_311 : i32
          %sub3A_313 = arith.subi %add3A_312, %add3A_299 : i32
          %add3A_314 = vector.broadcast %add3A_299 : i32 to vector<16xi32>
          %add3A_315 = arith.addi %add3A_314, %iota3A : vector<16xi32>
          %and3A_316 = arith.constant 8191 : i32
          %and3A_317 = vector.broadcast %and3A_316 : i32 to vector<16xi32>
          %and3A_318 = arith.andi %add3A_315, %and3A_317 : vector<16xi32>
          %lt3A_319 = vector.broadcast %sub3A_313 : i32 to vector<16xi32>
          %lt3A_320 = arith.cmpi slt, %iota3A, %lt3A_319 : vector<16xi32>
          tpu.vector_store_idx %arg13[%and3A_318], %broadcast_in_dim3A_0 masked %lt3A_320 : memref<8192xi32, #tpu.memory_space<vmem>>[vector<16xi32>], vector<16xi32>, vector<16xi1>
          tpu.vector_store_idx %arg14[%and3A_318], %broadcast_in_dim3A_2 masked %lt3A_320 : memref<8192xf32, #tpu.memory_space<vmem>>[vector<16xi32>], vector<16xf32>, vector<16xi1>
          %and3A_321 = arith.constant 8191 : i32
          %and3A_322 = arith.andi %scan3A_251, %and3A_321 : i32
          %multiple_of3A_323 = tpu.assume_multiple %and3A_322, 4096 : i32
          %add3A_324 = arith.constant 4096 : i32
          %add3A_325 = arith.addi %scan3A_251, %add3A_324 : i32
          %and3A_326 = arith.constant 8191 : i32
          %and3A_327 = arith.andi %add3A_325, %and3A_326 : i32
          %multiple_of3A_328 = tpu.assume_multiple %and3A_327, 4096 : i32
          %gt3A_329 = arith.constant 0 : i32
          %gt3A_330 = arith.cmpi sgt, %scan3A_251, %gt3A_329 : i32
          %convert_element_type3A_331 = arith.extui %gt3A_330 : i1 to i32
          %cond3A_332 = arith.constant 0 : i32
          %cond3A_333 = arith.cmpi ne, %convert_element_type3A_331, %cond3A_332 : i32
          scf.if %cond3A_333 {
            %dma_wait3A = tpu.memref_slice %arg14[%multiple_of3A_328] : memref<8192xf32, #tpu.memory_space<vmem>> -> memref<4096xf32, #tpu.memory_space<vmem>>
            %dma_wait3A_337 = tpu.memref_slice %arg13[%multiple_of3A_328] : memref<8192xi32, #tpu.memory_space<vmem>> -> memref<4096xi32, #tpu.memory_space<vmem>>
            %dma_wait3A_338 = arith.constant 0 : i32
            %dma_wait3A_339 = tpu.memref_slice %arg7[%dma_wait3A_338] : memref<1048576xf32, #tpu.memory_space<vmem_shared>> -> memref<1048576xf32, #tpu.memory_space<vmem_shared>>
            tpu.wait_indirect_dma semaphore(%arg15 : memref<!tpu.dma_semaphore, #tpu.memory_space<semaphore_mem>>) src(%dma_wait3A : memref<4096xf32, #tpu.memory_space<vmem>>) dst(%dma_wait3A_339 : memref<1048576xf32, #tpu.memory_space<vmem_shared>>)
          } else {
          }
          %dma_start3A = tpu.memref_slice %arg14[%multiple_of3A_323] : memref<8192xf32, #tpu.memory_space<vmem>> -> memref<4096xf32, #tpu.memory_space<vmem>>
          %dma_start3A_334 = tpu.memref_slice %arg13[%multiple_of3A_323] : memref<8192xi32, #tpu.memory_space<vmem>> -> memref<4096xi32, #tpu.memory_space<vmem>>
          %dma_start3A_335 = arith.constant 0 : i32
          %dma_start3A_336 = tpu.memref_slice %arg7[%dma_start3A_335] : memref<1048576xf32, #tpu.memory_space<vmem_shared>> -> memref<1048576xf32, #tpu.memory_space<vmem_shared>>
          tpu.enqueue_indirect_dma source(%dma_start3A : memref<4096xf32, #tpu.memory_space<vmem>>) target(%dma_start3A_336 : memref<1048576xf32, #tpu.memory_space<vmem_shared>>) offsets(%dma_start3A_334 : memref<4096xi32, #tpu.memory_space<vmem>>) semaphore(%arg15 : memref<!tpu.dma_semaphore, #tpu.memory_space<semaphore_mem>>) {add = true}
        } else {
        }
        %add3A_305 = arith.constant 4096 : i32
        %add3A_306 = arith.addi %scan3A_251, %add3A_305 : i32
        %select_n3A_307 = arith.select %ge3A_301, %add3A_306, %add3A_299 : i32
        %add3A_308 = arith.constant 4096 : i32
        %add3A_309 = arith.addi %scan3A_251, %add3A_308 : i32
        %select_n3A_310 = arith.select %ge3A_301, %add3A_309, %scan3A_251 : i32
        scf.yield %select_n3A_307, %select_n3A_310 : i32, i32
      }
      %scan3A_248 = arith.constant 512 : i32
      scf.yield %scan3A_247#0, %scan3A_247#1 : i32, i32
    }
    %while3A_109 = arith.constant 1 : i32
    %while3A_110:2 = scf.for %while3A_230 = %while3A_106 to %while3A_102 step %while3A_109 iter_args(%while3A_231 = %while3A_108#0, %while3A_232 = %while3A_108#1) -> (i32, i32)  : i32 {
      %mul3A_233 = arith.constant 8192 : i32
      %mul3A_234 = arith.muli %while3A_230, %mul3A_233 : i32
      %add3A_235 = arith.addi %scan3A_31#12, %mul3A_234 : i32
      %multiple_of3A = tpu.assume_multiple %add3A_235, 2048 : i32
      "tpu.region"() ({
        %run_scoped3A = tpu.sem_alloc : memref<!tpu.dma_semaphore, #tpu.memory_space<semaphore_mem>>
        %dma_start3A = tpu.memref_slice %arg2[%multiple_of3A] : memref<2170880xf32, #tpu.memory_space<hbm>> -> memref<8192xf32, #tpu.memory_space<hbm>>
        %dma_start3A_249 = tpu.memref_slice %arg2[%multiple_of3A] : memref<2170880xf32, #tpu.memory_space<hbm>> -> memref<8192xf32, #tpu.memory_space<hbm>>
        tpu.enqueue_dma source(%dma_start3A_249 : memref<8192xf32, #tpu.memory_space<hbm>>) target(%arg10 : memref<8192xf32, #tpu.memory_space<vmem>>) target_semaphore(%run_scoped3A : memref<!tpu.dma_semaphore, #tpu.memory_space<semaphore_mem>>)
        %dma_wait3A = tpu.memref_slice %arg2[%multiple_of3A] : memref<2170880xf32, #tpu.memory_space<hbm>> -> memref<8192xf32, #tpu.memory_space<hbm>>
        %dma_wait3A_250 = tpu.memref_slice %arg2[%multiple_of3A] : memref<2170880xf32, #tpu.memory_space<hbm>> -> memref<8192xf32, #tpu.memory_space<hbm>>
        tpu.wait_dma2 semaphore(%run_scoped3A : memref<!tpu.dma_semaphore, #tpu.memory_space<semaphore_mem>>) src(%dma_wait3A_250 : memref<8192xf32, #tpu.memory_space<hbm>>) dst(%arg10 : memref<8192xf32, #tpu.memory_space<vmem>>)
        tpu.yield
      }) : () -> ()
      %mul3A_236 = arith.constant 8192 : i32
      %mul3A_237 = arith.muli %while3A_230, %mul3A_236 : i32
      %add3A_238 = arith.addi %scan3A_31#11, %mul3A_237 : i32
      %and3A = arith.constant -8 : i32
      %and3A_239 = arith.andi %add3A_238, %and3A : i32
      %min3A = arith.constant 2087920 : i32
      %min3A_240 = arith.minsi %and3A_239, %min3A : i32
      %multiple_of3A_241 = tpu.assume_multiple %min3A_240, 8 : i32
      %sub3A_242 = arith.subi %add3A_238, %multiple_of3A_241 : i32
      "tpu.region"() ({
        %run_scoped3A = tpu.sem_alloc : memref<!tpu.dma_semaphore, #tpu.memory_space<semaphore_mem>>
        %dma_start3A = tpu.memref_slice %arg3[%multiple_of3A_241] : memref<2096128xi32, #tpu.memory_space<hbm>> -> memref<8208xi32, #tpu.memory_space<hbm>>
        %dma_start3A_249 = tpu.memref_slice %arg3[%multiple_of3A_241] : memref<2096128xi32, #tpu.memory_space<hbm>> -> memref<8208xi32, #tpu.memory_space<hbm>>
        tpu.enqueue_dma source(%dma_start3A_249 : memref<8208xi32, #tpu.memory_space<hbm>>) target(%arg11 : memref<8208xi32, #tpu.memory_space<vmem>>) target_semaphore(%run_scoped3A : memref<!tpu.dma_semaphore, #tpu.memory_space<semaphore_mem>>)
        %dma_wait3A = tpu.memref_slice %arg3[%multiple_of3A_241] : memref<2096128xi32, #tpu.memory_space<hbm>> -> memref<8208xi32, #tpu.memory_space<hbm>>
        %dma_wait3A_250 = tpu.memref_slice %arg3[%multiple_of3A_241] : memref<2096128xi32, #tpu.memory_space<hbm>> -> memref<8208xi32, #tpu.memory_space<hbm>>
        tpu.wait_dma2 semaphore(%run_scoped3A : memref<!tpu.dma_semaphore, #tpu.memory_space<semaphore_mem>>) src(%dma_wait3A_250 : memref<8208xi32, #tpu.memory_space<hbm>>) dst(%arg11 : memref<8208xi32, #tpu.memory_space<vmem>>)
        tpu.yield
      }) : () -> ()
      "tpu.region"() ({
        %run_scoped3A = tpu.sem_alloc : memref<!tpu.dma_semaphore, #tpu.memory_space<semaphore_mem>>
        %dma_start3A = tpu.memref_slice %arg4[%multiple_of3A_241] : memref<2096128xi32, #tpu.memory_space<hbm>> -> memref<8208xi32, #tpu.memory_space<hbm>>
        %dma_start3A_249 = tpu.memref_slice %arg4[%multiple_of3A_241] : memref<2096128xi32, #tpu.memory_space<hbm>> -> memref<8208xi32, #tpu.memory_space<hbm>>
        tpu.enqueue_dma source(%dma_start3A_249 : memref<8208xi32, #tpu.memory_space<hbm>>) target(%arg12 : memref<8208xi32, #tpu.memory_space<vmem>>) target_semaphore(%run_scoped3A : memref<!tpu.dma_semaphore, #tpu.memory_space<semaphore_mem>>)
        %dma_wait3A = tpu.memref_slice %arg4[%multiple_of3A_241] : memref<2096128xi32, #tpu.memory_space<hbm>> -> memref<8208xi32, #tpu.memory_space<hbm>>
        %dma_wait3A_250 = tpu.memref_slice %arg4[%multiple_of3A_241] : memref<2096128xi32, #tpu.memory_space<hbm>> -> memref<8208xi32, #tpu.memory_space<hbm>>
        tpu.wait_dma2 semaphore(%run_scoped3A : memref<!tpu.dma_semaphore, #tpu.memory_space<semaphore_mem>>) src(%dma_wait3A_250 : memref<8208xi32, #tpu.memory_space<hbm>>) dst(%arg12 : memref<8208xi32, #tpu.memory_space<vmem>>)
        tpu.yield
      }) : () -> ()
      %scan3A_243 = arith.constant 0 : i32
      %scan3A_244 = arith.constant 512 : i32
      %scan3A_245 = arith.addi %scan3A_243, %scan3A_244 : i32
      %scan3A_246 = arith.constant 1 : i32
      %scan3A_247:2 = scf.for %scan3A_249 = %scan3A_243 to %scan3A_245 step %scan3A_246 iter_args(%scan3A_250 = %while3A_231, %scan3A_251 = %while3A_232) -> (i32, i32)  : i32 {
        %mul3A_252 = arith.constant 16 : i32
        %mul3A_253 = arith.muli %scan3A_249, %mul3A_252 : i32
        %add3A_254 = arith.addi %sub3A_242, %mul3A_253 : i32
        %add3A_255 = vector.broadcast %add3A_254 : i32 to vector<16xi32>
        %add3A_256 = arith.addi %add3A_255, %iota3A : vector<16xi32>
        %min3A_257 = arith.constant 8207 : i32
        %min3A_258 = vector.broadcast %min3A_257 : i32 to vector<16xi32>
        %min3A_259 = arith.minsi %add3A_256, %min3A_258 : vector<16xi32>
        %gather3A = tpu.vector_load_idx %arg11[%min3A_259] : memref<8208xi32, #tpu.memory_space<vmem>>[vector<16xi32>], vector<16xi32>,
        %gather3A_260 = tpu.vector_load_idx %arg12[%min3A_259] : memref<8208xi32, #tpu.memory_space<vmem>>[vector<16xi32>], vector<16xi32>,
        %mul3A_261 = arith.constant 16 : i32
        %mul3A_262 = arith.muli %scan3A_249, %mul3A_261 : i32
        %get3A = arith.index_cast %mul3A_262 : i32 to index
        %get3A_263 = tpu.vector_load %arg10[%get3A] {strides = array<i32>} : memref<8192xf32, #tpu.memory_space<vmem>>, vector<16xf32>,
        %mul3A_264 = arith.constant 8192 : i32
        %mul3A_265 = arith.muli %while3A_230, %mul3A_264 : i32
        %mul3A_266 = arith.constant 16 : i32
        %mul3A_267 = arith.muli %scan3A_249, %mul3A_266 : i32
        %add3A_268 = arith.addi %mul3A_265, %mul3A_267 : i32
        %add3A_269 = vector.broadcast %add3A_268 : i32 to vector<16xi32>
        %add3A_270 = arith.addi %add3A_269, %iota3A : vector<16xi32>
        %shift_right_arithmetic3A_271 = arith.constant 9 : i32
        %shift_right_arithmetic3A_272 = vector.broadcast %shift_right_arithmetic3A_271 : i32 to vector<16xi32>
        %shift_right_arithmetic3A_273 = arith.shrsi %gather3A_260, %shift_right_arithmetic3A_272 : vector<16xi32>
        %eq3A = vector.broadcast %add3A_43 : i32 to vector<16xi32>
        %eq3A_274 = arith.cmpi eq, %shift_right_arithmetic3A_273, %eq3A : vector<16xi32>
        %lt3A = vector.broadcast %scan3A_31#13 : i32 to vector<16xi32>
        %lt3A_275 = arith.cmpi slt, %add3A_270, %lt3A : vector<16xi32>
        %and3A_276 = arith.andi %eq3A_274, %lt3A_275 : vector<16xi1>
        %and3A_277 = arith.constant 511 : i32
        %and3A_278 = vector.broadcast %and3A_277 : i32 to vector<16xi32>
        %and3A_279 = arith.andi %gather3A_260, %and3A_278 : vector<16xi32>
        %shift_left3A = arith.constant 11 : i32
        %shift_left3A_280 = vector.broadcast %shift_left3A : i32 to vector<16xi32>
        %shift_left3A_281 = arith.shli %and3A_279, %shift_left3A_280 : vector<16xi32>
        %or3A = arith.ori %shift_left3A_281, %gather3A : vector<16xi32>
        %jit3A = arith.constant 0 : i32
        %broadcast_in_dim3A_282 = vector.broadcast %jit3A : i32 to vector<16xi32>
        %select_n3A = arith.select %and3A_276, %or3A, %broadcast_in_dim3A_282 : vector<16xi1>, vector<16xi32>
        %jit3A_283 = arith.constant 0.000000e+00 : f32
        %broadcast_in_dim3A_284 = vector.broadcast %jit3A_283 : f32 to vector<16xf32>
        %select_n3A_285 = arith.select %and3A_276, %get3A_263, %broadcast_in_dim3A_284 : vector<16xi1>, vector<16xf32>
        %convert_element_type3A_286 = arith.extui %and3A_276 : vector<16xi1> to vector<16xi32>
        %broadcast_in_dim3A_287 = arith.constant true
        %broadcast_in_dim3A_288 = vector.broadcast %broadcast_in_dim3A_287 : i1 to vector<16xi1>
        %masked_cumsum3A = tpu.scan <sum>, %convert_element_type3A_286 masked %broadcast_in_dim3A_288 : vector<16xi32>, vector<16xi1> -> vector<16xi32>
        %sub3A_289 = arith.constant 1 : i32
        %sub3A_290 = arith.subi %scan3A_250, %sub3A_289 : i32
        %add3A_291 = vector.broadcast %sub3A_290 : i32 to vector<16xi32>
        %add3A_292 = arith.addi %masked_cumsum3A, %add3A_291 : vector<16xi32>
        %and3A_293 = arith.constant 8191 : i32
        %and3A_294 = vector.broadcast %and3A_293 : i32 to vector<16xi32>
        %and3A_295 = arith.andi %add3A_292, %and3A_294 : vector<16xi32>
        tpu.vector_store_idx %arg13[%and3A_295], %select_n3A masked %and3A_276 : memref<8192xi32, #tpu.memory_space<vmem>>[vector<16xi32>], vector<16xi32>, vector<16xi1>
        tpu.vector_store_idx %arg14[%and3A_295], %select_n3A_285 masked %and3A_276 : memref<8192xf32, #tpu.memory_space<vmem>>[vector<16xi32>], vector<16xf32>, vector<16xi1>
        %reduce_sum3A = arith.constant true
        %reduce_sum3A_296 = vector.broadcast %reduce_sum3A : i1 to vector<16xi1>
        %reduce_sum3A_297 = tpu.scan <sum>, %convert_element_type3A_286 masked %reduce_sum3A_296 : vector<16xi32>, vector<16xi1> -> vector<16xi32>
        %reduce_sum3A_298 = vector.extract %reduce_sum3A_297[15] : i32 from vector<16xi32>
        %add3A_299 = arith.addi %scan3A_250, %reduce_sum3A_298 : i32
        %sub3A_300 = arith.subi %add3A_299, %scan3A_251 : i32
        %ge3A = arith.constant 4080 : i32
        %ge3A_301 = arith.cmpi sge, %sub3A_300, %ge3A : i32
        %convert_element_type3A_302 = arith.extui %ge3A_301 : i1 to i32
        %cond3A_303 = arith.constant 0 : i32
        %cond3A_304 = arith.cmpi ne, %convert_element_type3A_302, %cond3A_303 : i32
        scf.if %cond3A_304 {
          %add3A_311 = arith.constant 4096 : i32
          %add3A_312 = arith.addi %scan3A_251, %add3A_311 : i32
          %sub3A_313 = arith.subi %add3A_312, %add3A_299 : i32
          %add3A_314 = vector.broadcast %add3A_299 : i32 to vector<16xi32>
          %add3A_315 = arith.addi %add3A_314, %iota3A : vector<16xi32>
          %and3A_316 = arith.constant 8191 : i32
          %and3A_317 = vector.broadcast %and3A_316 : i32 to vector<16xi32>
          %and3A_318 = arith.andi %add3A_315, %and3A_317 : vector<16xi32>
          %lt3A_319 = vector.broadcast %sub3A_313 : i32 to vector<16xi32>
          %lt3A_320 = arith.cmpi slt, %iota3A, %lt3A_319 : vector<16xi32>
          tpu.vector_store_idx %arg13[%and3A_318], %broadcast_in_dim3A_0 masked %lt3A_320 : memref<8192xi32, #tpu.memory_space<vmem>>[vector<16xi32>], vector<16xi32>, vector<16xi1>
          tpu.vector_store_idx %arg14[%and3A_318], %broadcast_in_dim3A_2 masked %lt3A_320 : memref<8192xf32, #tpu.memory_space<vmem>>[vector<16xi32>], vector<16xf32>, vector<16xi1>
          %and3A_321 = arith.constant 8191 : i32
          %and3A_322 = arith.andi %scan3A_251, %and3A_321 : i32
          %multiple_of3A_323 = tpu.assume_multiple %and3A_322, 4096 : i32
          %add3A_324 = arith.constant 4096 : i32
          %add3A_325 = arith.addi %scan3A_251, %add3A_324 : i32
          %and3A_326 = arith.constant 8191 : i32
          %and3A_327 = arith.andi %add3A_325, %and3A_326 : i32
          %multiple_of3A_328 = tpu.assume_multiple %and3A_327, 4096 : i32
          %gt3A_329 = arith.constant 0 : i32
          %gt3A_330 = arith.cmpi sgt, %scan3A_251, %gt3A_329 : i32
          %convert_element_type3A_331 = arith.extui %gt3A_330 : i1 to i32
          %cond3A_332 = arith.constant 0 : i32
          %cond3A_333 = arith.cmpi ne, %convert_element_type3A_331, %cond3A_332 : i32
          scf.if %cond3A_333 {
            %dma_wait3A = tpu.memref_slice %arg14[%multiple_of3A_328] : memref<8192xf32, #tpu.memory_space<vmem>> -> memref<4096xf32, #tpu.memory_space<vmem>>
            %dma_wait3A_337 = tpu.memref_slice %arg13[%multiple_of3A_328] : memref<8192xi32, #tpu.memory_space<vmem>> -> memref<4096xi32, #tpu.memory_space<vmem>>
            %dma_wait3A_338 = arith.constant 0 : i32
            %dma_wait3A_339 = tpu.memref_slice %arg7[%dma_wait3A_338] : memref<1048576xf32, #tpu.memory_space<vmem_shared>> -> memref<1048576xf32, #tpu.memory_space<vmem_shared>>
            tpu.wait_indirect_dma semaphore(%arg15 : memref<!tpu.dma_semaphore, #tpu.memory_space<semaphore_mem>>) src(%dma_wait3A : memref<4096xf32, #tpu.memory_space<vmem>>) dst(%dma_wait3A_339 : memref<1048576xf32, #tpu.memory_space<vmem_shared>>)
          } else {
          }
          %dma_start3A = tpu.memref_slice %arg14[%multiple_of3A_323] : memref<8192xf32, #tpu.memory_space<vmem>> -> memref<4096xf32, #tpu.memory_space<vmem>>
          %dma_start3A_334 = tpu.memref_slice %arg13[%multiple_of3A_323] : memref<8192xi32, #tpu.memory_space<vmem>> -> memref<4096xi32, #tpu.memory_space<vmem>>
          %dma_start3A_335 = arith.constant 0 : i32
          %dma_start3A_336 = tpu.memref_slice %arg7[%dma_start3A_335] : memref<1048576xf32, #tpu.memory_space<vmem_shared>> -> memref<1048576xf32, #tpu.memory_space<vmem_shared>>
          tpu.enqueue_indirect_dma source(%dma_start3A : memref<4096xf32, #tpu.memory_space<vmem>>) target(%dma_start3A_336 : memref<1048576xf32, #tpu.memory_space<vmem_shared>>) offsets(%dma_start3A_334 : memref<4096xi32, #tpu.memory_space<vmem>>) semaphore(%arg15 : memref<!tpu.dma_semaphore, #tpu.memory_space<semaphore_mem>>) {add = true}
        } else {
        }
        %add3A_305 = arith.constant 4096 : i32
        %add3A_306 = arith.addi %scan3A_251, %add3A_305 : i32
        %select_n3A_307 = arith.select %ge3A_301, %add3A_306, %add3A_299 : i32
        %add3A_308 = arith.constant 4096 : i32
        %add3A_309 = arith.addi %scan3A_251, %add3A_308 : i32
        %select_n3A_310 = arith.select %ge3A_301, %add3A_309, %scan3A_251 : i32
        scf.yield %select_n3A_307, %select_n3A_310 : i32, i32
      }
      %scan3A_248 = arith.constant 512 : i32
      scf.yield %scan3A_247#0, %scan3A_247#1 : i32, i32
    }
    %gt3A = arith.constant 0 : i32
    %gt3A_111 = arith.cmpi sgt, %while3A_110#1, %gt3A : i32
    %convert_element_type3A = arith.extui %gt3A_111 : i1 to i32
    %cond3A = arith.constant 0 : i32
    %cond3A_112 = arith.cmpi ne, %convert_element_type3A, %cond3A : i32
    scf.if %cond3A_112 {
      %add3A_230 = arith.constant 4096 : i32
      %add3A_231 = arith.addi %while3A_110#1, %add3A_230 : i32
      %and3A = arith.constant 8191 : i32
      %and3A_232 = arith.andi %add3A_231, %and3A : i32
      %multiple_of3A = tpu.assume_multiple %and3A_232, 4096 : i32
      %dma_wait3A = tpu.memref_slice %arg14[%multiple_of3A] : memref<8192xf32, #tpu.memory_space<vmem>> -> memref<4096xf32, #tpu.memory_space<vmem>>
      %dma_wait3A_233 = tpu.memref_slice %arg13[%multiple_of3A] : memref<8192xi32, #tpu.memory_space<vmem>> -> memref<4096xi32, #tpu.memory_space<vmem>>
      %dma_wait3A_234 = arith.constant 0 : i32
      %dma_wait3A_235 = tpu.memref_slice %arg7[%dma_wait3A_234] : memref<1048576xf32, #tpu.memory_space<vmem_shared>> -> memref<1048576xf32, #tpu.memory_space<vmem_shared>>
      tpu.wait_indirect_dma semaphore(%arg15 : memref<!tpu.dma_semaphore, #tpu.memory_space<semaphore_mem>>) src(%dma_wait3A : memref<4096xf32, #tpu.memory_space<vmem>>) dst(%dma_wait3A_235 : memref<1048576xf32, #tpu.memory_space<vmem_shared>>)
    } else {
    }
    %scan3A_113 = arith.constant 0 : i32
    %scan3A_114 = arith.constant 0 : i32
    %scan3A_115 = arith.constant 256 : i32
    %scan3A_116 = arith.addi %scan3A_114, %scan3A_115 : i32
    %scan3A_117 = arith.constant 1 : i32
    %scan3A_118 = scf.for %scan3A_230 = %scan3A_114 to %scan3A_116 step %scan3A_117 iter_args(%scan3A_231 = %scan3A_113) -> (i32)  : i32 {
      %mul3A_232 = arith.constant 16 : i32
      %mul3A_233 = arith.muli %scan3A_230, %mul3A_232 : i32
      %add3A_234 = vector.broadcast %mul3A_233 : i32 to vector<16xi32>
      %add3A_235 = arith.addi %add3A_234, %iota3A : vector<16xi32>
      %add3A_236 = vector.broadcast %while3A_110#0 : i32 to vector<16xi32>
      %add3A_237 = arith.addi %add3A_236, %add3A_235 : vector<16xi32>
      %and3A = arith.constant 8191 : i32
      %and3A_238 = vector.broadcast %and3A : i32 to vector<16xi32>
      %and3A_239 = arith.andi %add3A_237, %and3A_238 : vector<16xi32>
      %add3A_240 = arith.constant 4096 : i32
      %add3A_241 = arith.addi %while3A_110#1, %add3A_240 : i32
      %sub3A_242 = arith.subi %add3A_241, %while3A_110#0 : i32
      %lt3A = vector.broadcast %sub3A_242 : i32 to vector<16xi32>
      %lt3A_243 = arith.cmpi slt, %add3A_235, %lt3A : vector<16xi32>
      tpu.vector_store_idx %arg13[%and3A_239], %broadcast_in_dim3A_0 masked %lt3A_243 : memref<8192xi32, #tpu.memory_space<vmem>>[vector<16xi32>], vector<16xi32>, vector<16xi1>
      tpu.vector_store_idx %arg14[%and3A_239], %broadcast_in_dim3A_2 masked %lt3A_243 : memref<8192xf32, #tpu.memory_space<vmem>>[vector<16xi32>], vector<16xf32>, vector<16xi1>
      %scan3A_244 = arith.constant 0 : i32
      scf.yield %scan3A_244 : i32
    }
    %scan3A_119 = arith.constant 256 : i32
    %gt3A_120 = arith.cmpi sgt, %while3A_110#0, %while3A_110#1 : i32
    %convert_element_type3A_121 = arith.extui %gt3A_120 : i1 to i32
    %cond3A_122 = arith.constant 0 : i32
    %cond3A_123 = arith.cmpi ne, %convert_element_type3A_121, %cond3A_122 : i32
    scf.if %cond3A_123 {
      %and3A = arith.constant 8191 : i32
      %and3A_230 = arith.andi %while3A_110#1, %and3A : i32
      %multiple_of3A = tpu.assume_multiple %and3A_230, 4096 : i32
      "tpu.region"() ({
        %run_scoped3A = tpu.sem_alloc : memref<!tpu.dma_semaphore, #tpu.memory_space<semaphore_mem>>
        %dma_start3A = tpu.memref_slice %arg14[%multiple_of3A] : memref<8192xf32, #tpu.memory_space<vmem>> -> memref<4096xf32, #tpu.memory_space<vmem>>
        %dma_start3A_231 = tpu.memref_slice %arg13[%multiple_of3A] : memref<8192xi32, #tpu.memory_space<vmem>> -> memref<4096xi32, #tpu.memory_space<vmem>>
        %dma_start3A_232 = arith.constant 0 : i32
        %dma_start3A_233 = tpu.memref_slice %arg7[%dma_start3A_232] : memref<1048576xf32, #tpu.memory_space<vmem_shared>> -> memref<1048576xf32, #tpu.memory_space<vmem_shared>>
        tpu.enqueue_indirect_dma source(%dma_start3A : memref<4096xf32, #tpu.memory_space<vmem>>) target(%dma_start3A_233 : memref<1048576xf32, #tpu.memory_space<vmem_shared>>) offsets(%dma_start3A_231 : memref<4096xi32, #tpu.memory_space<vmem>>) semaphore(%run_scoped3A : memref<!tpu.dma_semaphore, #tpu.memory_space<semaphore_mem>>) {add = true}
        %dma_wait3A = tpu.memref_slice %arg14[%multiple_of3A] : memref<8192xf32, #tpu.memory_space<vmem>> -> memref<4096xf32, #tpu.memory_space<vmem>>
        %dma_wait3A_234 = tpu.memref_slice %arg13[%multiple_of3A] : memref<8192xi32, #tpu.memory_space<vmem>> -> memref<4096xi32, #tpu.memory_space<vmem>>
        %dma_wait3A_235 = arith.constant 0 : i32
        %dma_wait3A_236 = tpu.memref_slice %arg7[%dma_wait3A_235] : memref<1048576xf32, #tpu.memory_space<vmem_shared>> -> memref<1048576xf32, #tpu.memory_space<vmem_shared>>
        tpu.wait_indirect_dma semaphore(%run_scoped3A : memref<!tpu.dma_semaphore, #tpu.memory_space<semaphore_mem>>) src(%dma_wait3A : memref<4096xf32, #tpu.memory_space<vmem>>) dst(%dma_wait3A_236 : memref<1048576xf32, #tpu.memory_space<vmem_shared>>)
        tpu.yield
      }) : () -> ()
    } else {
    }
    %barrier3A_124 = arith.constant 0 : index
    tpu.barrier barrier_id(%barrier3A_124)
    %mul3A_125 = arith.constant 65536 : i32
    %mul3A_126 = arith.muli %arg1, %mul3A_125 : i32
    %mul3A_127 = arith.constant 1048576 : i32
    %mul3A_128 = arith.muli %add3A_43, %mul3A_127 : i32
    %mul3A_129 = arith.constant 65536 : i32
    %mul3A_130 = arith.muli %arg1, %mul3A_129 : i32
    %add3A_131 = arith.addi %mul3A_128, %mul3A_130 : i32
    "tpu.region"() ({
      %run_scoped3A = tpu.sem_alloc : memref<!tpu.dma_semaphore, #tpu.memory_space<semaphore_mem>>
      %dma_start3A = tpu.memref_slice %arg6[%add3A_131] : memref<4194304xf32, #tpu.memory_space<hbm>> -> memref<65536xf32, #tpu.memory_space<hbm>>
      %dma_start3A_230 = tpu.memref_slice %arg7[%mul3A_126] : memref<1048576xf32, #tpu.memory_space<vmem_shared>> -> memref<65536xf32, #tpu.memory_space<vmem_shared>>
      tpu.enqueue_dma source(%dma_start3A_230 : memref<65536xf32, #tpu.memory_space<vmem_shared>>) target(%dma_start3A : memref<65536xf32, #tpu.memory_space<hbm>>) target_semaphore(%run_scoped3A : memref<!tpu.dma_semaphore, #tpu.memory_space<semaphore_mem>>)
      %dma_wait3A = tpu.memref_slice %arg6[%add3A_131] : memref<4194304xf32, #tpu.memory_space<hbm>> -> memref<65536xf32, #tpu.memory_space<hbm>>
      %dma_wait3A_231 = tpu.memref_slice %arg7[%mul3A_126] : memref<1048576xf32, #tpu.memory_space<vmem_shared>> -> memref<65536xf32, #tpu.memory_space<vmem_shared>>
      tpu.wait_dma2 semaphore(%run_scoped3A : memref<!tpu.dma_semaphore, #tpu.memory_space<semaphore_mem>>) src(%dma_wait3A_231 : memref<65536xf32, #tpu.memory_space<vmem_shared>>) dst(%dma_wait3A : memref<65536xf32, #tpu.memory_space<hbm>>)
      tpu.yield
    }) : () -> ()
    %mul3A_132 = arith.constant 2 : i32
    %mul3A_133 = arith.muli %mul3A_132, %arg0 : i32
    %add3A_134 = arith.constant 1 : i32
    %add3A_135 = arith.addi %mul3A_133, %add3A_134 : i32
    %scan3A_136 = arith.constant 0 : i32
    %scan3A_137 = arith.constant 0 : i32
    %scan3A_138 = arith.constant 8 : i32
    %scan3A_139 = arith.addi %scan3A_137, %scan3A_138 : i32
    %scan3A_140 = arith.constant 1 : i32
    %scan3A_141 = scf.for %scan3A_230 = %scan3A_137 to %scan3A_139 step %scan3A_140 iter_args(%scan3A_231 = %scan3A_136) -> (i32)  : i32 {
      %mul3A_232 = arith.constant 65536 : i32
      %mul3A_233 = arith.muli %arg1, %mul3A_232 : i32
      %mul3A_234 = arith.constant 8192 : i32
      %mul3A_235 = arith.muli %scan3A_230, %mul3A_234 : i32
      %add3A_236 = arith.addi %mul3A_233, %mul3A_235 : i32
      "tpu.region"() ({
        %run_scoped3A = tpu.sem_alloc : memref<!tpu.dma_semaphore, #tpu.memory_space<semaphore_mem>>
        %dma_start3A = tpu.memref_slice %arg7[%add3A_236] : memref<1048576xf32, #tpu.memory_space<vmem_shared>> -> memref<8192xf32, #tpu.memory_space<vmem_shared>>
        %dma_start3A_238 = tpu.memref_slice %arg7[%add3A_236] : memref<1048576xf32, #tpu.memory_space<vmem_shared>> -> memref<8192xf32, #tpu.memory_space<vmem_shared>>
        tpu.enqueue_dma source(%arg8 : memref<8192xf32, #tpu.memory_space<vmem>>) target(%dma_start3A_238 : memref<8192xf32, #tpu.memory_space<vmem_shared>>) target_semaphore(%run_scoped3A : memref<!tpu.dma_semaphore, #tpu.memory_space<semaphore_mem>>)
        %dma_wait3A = tpu.memref_slice %arg7[%add3A_236] : memref<1048576xf32, #tpu.memory_space<vmem_shared>> -> memref<8192xf32, #tpu.memory_space<vmem_shared>>
        %dma_wait3A_239 = tpu.memref_slice %arg7[%add3A_236] : memref<1048576xf32, #tpu.memory_space<vmem_shared>> -> memref<8192xf32, #tpu.memory_space<vmem_shared>>
        tpu.wait_dma2 semaphore(%run_scoped3A : memref<!tpu.dma_semaphore, #tpu.memory_space<semaphore_mem>>) src(%arg8 : memref<8192xf32, #tpu.memory_space<vmem>>) dst(%dma_wait3A_239 : memref<8192xf32, #tpu.memory_space<vmem_shared>>)
        tpu.yield
      }) : () -> ()
      %scan3A_237 = arith.constant 0 : i32
      scf.yield %scan3A_237 : i32
    }
    %scan3A_142 = arith.constant 8 : i32
    %barrier3A_143 = arith.constant 0 : index
    tpu.barrier barrier_id(%barrier3A_143)
    %add3A_144 = arith.constant 8191 : i32
    %add3A_145 = arith.addi %scan3A_31#4, %add3A_144 : i32
    %shift_right_arithmetic3A_146 = arith.constant 13 : i32
    %shift_right_arithmetic3A_147 = arith.shrsi %add3A_145, %shift_right_arithmetic3A_146 : i32
    %while3A_148 = arith.constant 0 : i32
    %while3A_149 = arith.constant 0 : i32
    %while3A_150 = arith.constant 0 : i32
    %while3A_151 = arith.subi %shift_right_arithmetic3A_147, %while3A_148 : i32
    %while3A_152 = arith.addi %while3A_148, %while3A_151 : i32
    %while3A_153 = arith.constant 1 : i32
    %while3A_154 = arith.divsi %while3A_151, %while3A_153 : i32
    %while3A_155 = arith.muli %while3A_154, %while3A_153 : i32
    %while3A_156 = arith.addi %while3A_148, %while3A_155 : i32
    %while3A_157 = arith.constant 1 : i32
    %while3A_158:2 = scf.for %while3A_230 = %while3A_148 to %while3A_156 step %while3A_157 iter_args(%while3A_231 = %while3A_149, %while3A_232 = %while3A_150) -> (i32, i32)  : i32 {
      %mul3A_233 = arith.constant 8192 : i32
      %mul3A_234 = arith.muli %while3A_230, %mul3A_233 : i32
      %add3A_235 = arith.addi %scan3A_31#3, %mul3A_234 : i32
      %multiple_of3A = tpu.assume_multiple %add3A_235, 2048 : i32
      "tpu.region"() ({
        %run_scoped3A = tpu.sem_alloc : memref<!tpu.dma_semaphore, #tpu.memory_space<semaphore_mem>>
        %dma_start3A = tpu.memref_slice %arg2[%multiple_of3A] : memref<2170880xf32, #tpu.memory_space<hbm>> -> memref<8192xf32, #tpu.memory_space<hbm>>
        %dma_start3A_249 = tpu.memref_slice %arg2[%multiple_of3A] : memref<2170880xf32, #tpu.memory_space<hbm>> -> memref<8192xf32, #tpu.memory_space<hbm>>
        tpu.enqueue_dma source(%dma_start3A_249 : memref<8192xf32, #tpu.memory_space<hbm>>) target(%arg10 : memref<8192xf32, #tpu.memory_space<vmem>>) target_semaphore(%run_scoped3A : memref<!tpu.dma_semaphore, #tpu.memory_space<semaphore_mem>>)
        %dma_wait3A = tpu.memref_slice %arg2[%multiple_of3A] : memref<2170880xf32, #tpu.memory_space<hbm>> -> memref<8192xf32, #tpu.memory_space<hbm>>
        %dma_wait3A_250 = tpu.memref_slice %arg2[%multiple_of3A] : memref<2170880xf32, #tpu.memory_space<hbm>> -> memref<8192xf32, #tpu.memory_space<hbm>>
        tpu.wait_dma2 semaphore(%run_scoped3A : memref<!tpu.dma_semaphore, #tpu.memory_space<semaphore_mem>>) src(%dma_wait3A_250 : memref<8192xf32, #tpu.memory_space<hbm>>) dst(%arg10 : memref<8192xf32, #tpu.memory_space<vmem>>)
        tpu.yield
      }) : () -> ()
      %mul3A_236 = arith.constant 8192 : i32
      %mul3A_237 = arith.muli %while3A_230, %mul3A_236 : i32
      %add3A_238 = arith.addi %scan3A_31#2, %mul3A_237 : i32
      %and3A = arith.constant -8 : i32
      %and3A_239 = arith.andi %add3A_238, %and3A : i32
      %min3A = arith.constant 2087920 : i32
      %min3A_240 = arith.minsi %and3A_239, %min3A : i32
      %multiple_of3A_241 = tpu.assume_multiple %min3A_240, 8 : i32
      %sub3A_242 = arith.subi %add3A_238, %multiple_of3A_241 : i32
      "tpu.region"() ({
        %run_scoped3A = tpu.sem_alloc : memref<!tpu.dma_semaphore, #tpu.memory_space<semaphore_mem>>
        %dma_start3A = tpu.memref_slice %arg3[%multiple_of3A_241] : memref<2096128xi32, #tpu.memory_space<hbm>> -> memref<8208xi32, #tpu.memory_space<hbm>>
        %dma_start3A_249 = tpu.memref_slice %arg3[%multiple_of3A_241] : memref<2096128xi32, #tpu.memory_space<hbm>> -> memref<8208xi32, #tpu.memory_space<hbm>>
        tpu.enqueue_dma source(%dma_start3A_249 : memref<8208xi32, #tpu.memory_space<hbm>>) target(%arg11 : memref<8208xi32, #tpu.memory_space<vmem>>) target_semaphore(%run_scoped3A : memref<!tpu.dma_semaphore, #tpu.memory_space<semaphore_mem>>)
        %dma_wait3A = tpu.memref_slice %arg3[%multiple_of3A_241] : memref<2096128xi32, #tpu.memory_space<hbm>> -> memref<8208xi32, #tpu.memory_space<hbm>>
        %dma_wait3A_250 = tpu.memref_slice %arg3[%multiple_of3A_241] : memref<2096128xi32, #tpu.memory_space<hbm>> -> memref<8208xi32, #tpu.memory_space<hbm>>
        tpu.wait_dma2 semaphore(%run_scoped3A : memref<!tpu.dma_semaphore, #tpu.memory_space<semaphore_mem>>) src(%dma_wait3A_250 : memref<8208xi32, #tpu.memory_space<hbm>>) dst(%arg11 : memref<8208xi32, #tpu.memory_space<vmem>>)
        tpu.yield
      }) : () -> ()
      "tpu.region"() ({
        %run_scoped3A = tpu.sem_alloc : memref<!tpu.dma_semaphore, #tpu.memory_space<semaphore_mem>>
        %dma_start3A = tpu.memref_slice %arg4[%multiple_of3A_241] : memref<2096128xi32, #tpu.memory_space<hbm>> -> memref<8208xi32, #tpu.memory_space<hbm>>
        %dma_start3A_249 = tpu.memref_slice %arg4[%multiple_of3A_241] : memref<2096128xi32, #tpu.memory_space<hbm>> -> memref<8208xi32, #tpu.memory_space<hbm>>
        tpu.enqueue_dma source(%dma_start3A_249 : memref<8208xi32, #tpu.memory_space<hbm>>) target(%arg12 : memref<8208xi32, #tpu.memory_space<vmem>>) target_semaphore(%run_scoped3A : memref<!tpu.dma_semaphore, #tpu.memory_space<semaphore_mem>>)
        %dma_wait3A = tpu.memref_slice %arg4[%multiple_of3A_241] : memref<2096128xi32, #tpu.memory_space<hbm>> -> memref<8208xi32, #tpu.memory_space<hbm>>
        %dma_wait3A_250 = tpu.memref_slice %arg4[%multiple_of3A_241] : memref<2096128xi32, #tpu.memory_space<hbm>> -> memref<8208xi32, #tpu.memory_space<hbm>>
        tpu.wait_dma2 semaphore(%run_scoped3A : memref<!tpu.dma_semaphore, #tpu.memory_space<semaphore_mem>>) src(%dma_wait3A_250 : memref<8208xi32, #tpu.memory_space<hbm>>) dst(%arg12 : memref<8208xi32, #tpu.memory_space<vmem>>)
        tpu.yield
      }) : () -> ()
      %scan3A_243 = arith.constant 0 : i32
      %scan3A_244 = arith.constant 512 : i32
      %scan3A_245 = arith.addi %scan3A_243, %scan3A_244 : i32
      %scan3A_246 = arith.constant 1 : i32
      %scan3A_247:2 = scf.for %scan3A_249 = %scan3A_243 to %scan3A_245 step %scan3A_246 iter_args(%scan3A_250 = %while3A_231, %scan3A_251 = %while3A_232) -> (i32, i32)  : i32 {
        %mul3A_252 = arith.constant 16 : i32
        %mul3A_253 = arith.muli %scan3A_249, %mul3A_252 : i32
        %add3A_254 = arith.addi %sub3A_242, %mul3A_253 : i32
        %add3A_255 = vector.broadcast %add3A_254 : i32 to vector<16xi32>
        %add3A_256 = arith.addi %add3A_255, %iota3A : vector<16xi32>
        %min3A_257 = arith.constant 8207 : i32
        %min3A_258 = vector.broadcast %min3A_257 : i32 to vector<16xi32>
        %min3A_259 = arith.minsi %add3A_256, %min3A_258 : vector<16xi32>
        %gather3A = tpu.vector_load_idx %arg11[%min3A_259] : memref<8208xi32, #tpu.memory_space<vmem>>[vector<16xi32>], vector<16xi32>,
        %gather3A_260 = tpu.vector_load_idx %arg12[%min3A_259] : memref<8208xi32, #tpu.memory_space<vmem>>[vector<16xi32>], vector<16xi32>,
        %mul3A_261 = arith.constant 16 : i32
        %mul3A_262 = arith.muli %scan3A_249, %mul3A_261 : i32
        %get3A = arith.index_cast %mul3A_262 : i32 to index
        %get3A_263 = tpu.vector_load %arg10[%get3A] {strides = array<i32>} : memref<8192xf32, #tpu.memory_space<vmem>>, vector<16xf32>,
        %mul3A_264 = arith.constant 8192 : i32
        %mul3A_265 = arith.muli %while3A_230, %mul3A_264 : i32
        %mul3A_266 = arith.constant 16 : i32
        %mul3A_267 = arith.muli %scan3A_249, %mul3A_266 : i32
        %add3A_268 = arith.addi %mul3A_265, %mul3A_267 : i32
        %add3A_269 = vector.broadcast %add3A_268 : i32 to vector<16xi32>
        %add3A_270 = arith.addi %add3A_269, %iota3A : vector<16xi32>
        %shift_right_arithmetic3A_271 = arith.constant 9 : i32
        %shift_right_arithmetic3A_272 = vector.broadcast %shift_right_arithmetic3A_271 : i32 to vector<16xi32>
        %shift_right_arithmetic3A_273 = arith.shrsi %gather3A_260, %shift_right_arithmetic3A_272 : vector<16xi32>
        %eq3A = vector.broadcast %add3A_135 : i32 to vector<16xi32>
        %eq3A_274 = arith.cmpi eq, %shift_right_arithmetic3A_273, %eq3A : vector<16xi32>
        %lt3A = vector.broadcast %scan3A_31#4 : i32 to vector<16xi32>
        %lt3A_275 = arith.cmpi slt, %add3A_270, %lt3A : vector<16xi32>
        %and3A_276 = arith.andi %eq3A_274, %lt3A_275 : vector<16xi1>
        %and3A_277 = arith.constant 511 : i32
        %and3A_278 = vector.broadcast %and3A_277 : i32 to vector<16xi32>
        %and3A_279 = arith.andi %gather3A_260, %and3A_278 : vector<16xi32>
        %shift_left3A = arith.constant 11 : i32
        %shift_left3A_280 = vector.broadcast %shift_left3A : i32 to vector<16xi32>
        %shift_left3A_281 = arith.shli %and3A_279, %shift_left3A_280 : vector<16xi32>
        %or3A = arith.ori %shift_left3A_281, %gather3A : vector<16xi32>
        %jit3A = arith.constant 0 : i32
        %broadcast_in_dim3A_282 = vector.broadcast %jit3A : i32 to vector<16xi32>
        %select_n3A = arith.select %and3A_276, %or3A, %broadcast_in_dim3A_282 : vector<16xi1>, vector<16xi32>
        %jit3A_283 = arith.constant 0.000000e+00 : f32
        %broadcast_in_dim3A_284 = vector.broadcast %jit3A_283 : f32 to vector<16xf32>
        %select_n3A_285 = arith.select %and3A_276, %get3A_263, %broadcast_in_dim3A_284 : vector<16xi1>, vector<16xf32>
        %convert_element_type3A_286 = arith.extui %and3A_276 : vector<16xi1> to vector<16xi32>
        %broadcast_in_dim3A_287 = arith.constant true
        %broadcast_in_dim3A_288 = vector.broadcast %broadcast_in_dim3A_287 : i1 to vector<16xi1>
        %masked_cumsum3A = tpu.scan <sum>, %convert_element_type3A_286 masked %broadcast_in_dim3A_288 : vector<16xi32>, vector<16xi1> -> vector<16xi32>
        %sub3A_289 = arith.constant 1 : i32
        %sub3A_290 = arith.subi %scan3A_250, %sub3A_289 : i32
        %add3A_291 = vector.broadcast %sub3A_290 : i32 to vector<16xi32>
        %add3A_292 = arith.addi %masked_cumsum3A, %add3A_291 : vector<16xi32>
        %and3A_293 = arith.constant 8191 : i32
        %and3A_294 = vector.broadcast %and3A_293 : i32 to vector<16xi32>
        %and3A_295 = arith.andi %add3A_292, %and3A_294 : vector<16xi32>
        tpu.vector_store_idx %arg13[%and3A_295], %select_n3A masked %and3A_276 : memref<8192xi32, #tpu.memory_space<vmem>>[vector<16xi32>], vector<16xi32>, vector<16xi1>
        tpu.vector_store_idx %arg14[%and3A_295], %select_n3A_285 masked %and3A_276 : memref<8192xf32, #tpu.memory_space<vmem>>[vector<16xi32>], vector<16xf32>, vector<16xi1>
        %reduce_sum3A = arith.constant true
        %reduce_sum3A_296 = vector.broadcast %reduce_sum3A : i1 to vector<16xi1>
        %reduce_sum3A_297 = tpu.scan <sum>, %convert_element_type3A_286 masked %reduce_sum3A_296 : vector<16xi32>, vector<16xi1> -> vector<16xi32>
        %reduce_sum3A_298 = vector.extract %reduce_sum3A_297[15] : i32 from vector<16xi32>
        %add3A_299 = arith.addi %scan3A_250, %reduce_sum3A_298 : i32
        %sub3A_300 = arith.subi %add3A_299, %scan3A_251 : i32
        %ge3A = arith.constant 4080 : i32
        %ge3A_301 = arith.cmpi sge, %sub3A_300, %ge3A : i32
        %convert_element_type3A_302 = arith.extui %ge3A_301 : i1 to i32
        %cond3A_303 = arith.constant 0 : i32
        %cond3A_304 = arith.cmpi ne, %convert_element_type3A_302, %cond3A_303 : i32
        scf.if %cond3A_304 {
          %add3A_311 = arith.constant 4096 : i32
          %add3A_312 = arith.addi %scan3A_251, %add3A_311 : i32
          %sub3A_313 = arith.subi %add3A_312, %add3A_299 : i32
          %add3A_314 = vector.broadcast %add3A_299 : i32 to vector<16xi32>
          %add3A_315 = arith.addi %add3A_314, %iota3A : vector<16xi32>
          %and3A_316 = arith.constant 8191 : i32
          %and3A_317 = vector.broadcast %and3A_316 : i32 to vector<16xi32>
          %and3A_318 = arith.andi %add3A_315, %and3A_317 : vector<16xi32>
          %lt3A_319 = vector.broadcast %sub3A_313 : i32 to vector<16xi32>
          %lt3A_320 = arith.cmpi slt, %iota3A, %lt3A_319 : vector<16xi32>
          tpu.vector_store_idx %arg13[%and3A_318], %broadcast_in_dim3A_0 masked %lt3A_320 : memref<8192xi32, #tpu.memory_space<vmem>>[vector<16xi32>], vector<16xi32>, vector<16xi1>
          tpu.vector_store_idx %arg14[%and3A_318], %broadcast_in_dim3A_2 masked %lt3A_320 : memref<8192xf32, #tpu.memory_space<vmem>>[vector<16xi32>], vector<16xf32>, vector<16xi1>
          %and3A_321 = arith.constant 8191 : i32
          %and3A_322 = arith.andi %scan3A_251, %and3A_321 : i32
          %multiple_of3A_323 = tpu.assume_multiple %and3A_322, 4096 : i32
          %add3A_324 = arith.constant 4096 : i32
          %add3A_325 = arith.addi %scan3A_251, %add3A_324 : i32
          %and3A_326 = arith.constant 8191 : i32
          %and3A_327 = arith.andi %add3A_325, %and3A_326 : i32
          %multiple_of3A_328 = tpu.assume_multiple %and3A_327, 4096 : i32
          %gt3A_329 = arith.constant 0 : i32
          %gt3A_330 = arith.cmpi sgt, %scan3A_251, %gt3A_329 : i32
          %convert_element_type3A_331 = arith.extui %gt3A_330 : i1 to i32
          %cond3A_332 = arith.constant 0 : i32
          %cond3A_333 = arith.cmpi ne, %convert_element_type3A_331, %cond3A_332 : i32
          scf.if %cond3A_333 {
            %dma_wait3A = tpu.memref_slice %arg14[%multiple_of3A_328] : memref<8192xf32, #tpu.memory_space<vmem>> -> memref<4096xf32, #tpu.memory_space<vmem>>
            %dma_wait3A_337 = tpu.memref_slice %arg13[%multiple_of3A_328] : memref<8192xi32, #tpu.memory_space<vmem>> -> memref<4096xi32, #tpu.memory_space<vmem>>
            %dma_wait3A_338 = arith.constant 0 : i32
            %dma_wait3A_339 = tpu.memref_slice %arg7[%dma_wait3A_338] : memref<1048576xf32, #tpu.memory_space<vmem_shared>> -> memref<1048576xf32, #tpu.memory_space<vmem_shared>>
            tpu.wait_indirect_dma semaphore(%arg15 : memref<!tpu.dma_semaphore, #tpu.memory_space<semaphore_mem>>) src(%dma_wait3A : memref<4096xf32, #tpu.memory_space<vmem>>) dst(%dma_wait3A_339 : memref<1048576xf32, #tpu.memory_space<vmem_shared>>)
          } else {
          }
          %dma_start3A = tpu.memref_slice %arg14[%multiple_of3A_323] : memref<8192xf32, #tpu.memory_space<vmem>> -> memref<4096xf32, #tpu.memory_space<vmem>>
          %dma_start3A_334 = tpu.memref_slice %arg13[%multiple_of3A_323] : memref<8192xi32, #tpu.memory_space<vmem>> -> memref<4096xi32, #tpu.memory_space<vmem>>
          %dma_start3A_335 = arith.constant 0 : i32
          %dma_start3A_336 = tpu.memref_slice %arg7[%dma_start3A_335] : memref<1048576xf32, #tpu.memory_space<vmem_shared>> -> memref<1048576xf32, #tpu.memory_space<vmem_shared>>
          tpu.enqueue_indirect_dma source(%dma_start3A : memref<4096xf32, #tpu.memory_space<vmem>>) target(%dma_start3A_336 : memref<1048576xf32, #tpu.memory_space<vmem_shared>>) offsets(%dma_start3A_334 : memref<4096xi32, #tpu.memory_space<vmem>>) semaphore(%arg15 : memref<!tpu.dma_semaphore, #tpu.memory_space<semaphore_mem>>) {add = true}
        } else {
        }
        %add3A_305 = arith.constant 4096 : i32
        %add3A_306 = arith.addi %scan3A_251, %add3A_305 : i32
        %select_n3A_307 = arith.select %ge3A_301, %add3A_306, %add3A_299 : i32
        %add3A_308 = arith.constant 4096 : i32
        %add3A_309 = arith.addi %scan3A_251, %add3A_308 : i32
        %select_n3A_310 = arith.select %ge3A_301, %add3A_309, %scan3A_251 : i32
        scf.yield %select_n3A_307, %select_n3A_310 : i32, i32
      }
      %scan3A_248 = arith.constant 512 : i32
      scf.yield %scan3A_247#0, %scan3A_247#1 : i32, i32
    }
    %while3A_159 = arith.constant 1 : i32
    %while3A_160:2 = scf.for %while3A_230 = %while3A_156 to %while3A_152 step %while3A_159 iter_args(%while3A_231 = %while3A_158#0, %while3A_232 = %while3A_158#1) -> (i32, i32)  : i32 {
      %mul3A_233 = arith.constant 8192 : i32
      %mul3A_234 = arith.muli %while3A_230, %mul3A_233 : i32
      %add3A_235 = arith.addi %scan3A_31#3, %mul3A_234 : i32
      %multiple_of3A = tpu.assume_multiple %add3A_235, 2048 : i32
      "tpu.region"() ({
        %run_scoped3A = tpu.sem_alloc : memref<!tpu.dma_semaphore, #tpu.memory_space<semaphore_mem>>
        %dma_start3A = tpu.memref_slice %arg2[%multiple_of3A] : memref<2170880xf32, #tpu.memory_space<hbm>> -> memref<8192xf32, #tpu.memory_space<hbm>>
        %dma_start3A_249 = tpu.memref_slice %arg2[%multiple_of3A] : memref<2170880xf32, #tpu.memory_space<hbm>> -> memref<8192xf32, #tpu.memory_space<hbm>>
        tpu.enqueue_dma source(%dma_start3A_249 : memref<8192xf32, #tpu.memory_space<hbm>>) target(%arg10 : memref<8192xf32, #tpu.memory_space<vmem>>) target_semaphore(%run_scoped3A : memref<!tpu.dma_semaphore, #tpu.memory_space<semaphore_mem>>)
        %dma_wait3A = tpu.memref_slice %arg2[%multiple_of3A] : memref<2170880xf32, #tpu.memory_space<hbm>> -> memref<8192xf32, #tpu.memory_space<hbm>>
        %dma_wait3A_250 = tpu.memref_slice %arg2[%multiple_of3A] : memref<2170880xf32, #tpu.memory_space<hbm>> -> memref<8192xf32, #tpu.memory_space<hbm>>
        tpu.wait_dma2 semaphore(%run_scoped3A : memref<!tpu.dma_semaphore, #tpu.memory_space<semaphore_mem>>) src(%dma_wait3A_250 : memref<8192xf32, #tpu.memory_space<hbm>>) dst(%arg10 : memref<8192xf32, #tpu.memory_space<vmem>>)
        tpu.yield
      }) : () -> ()
      %mul3A_236 = arith.constant 8192 : i32
      %mul3A_237 = arith.muli %while3A_230, %mul3A_236 : i32
      %add3A_238 = arith.addi %scan3A_31#2, %mul3A_237 : i32
      %and3A = arith.constant -8 : i32
      %and3A_239 = arith.andi %add3A_238, %and3A : i32
      %min3A = arith.constant 2087920 : i32
      %min3A_240 = arith.minsi %and3A_239, %min3A : i32
      %multiple_of3A_241 = tpu.assume_multiple %min3A_240, 8 : i32
      %sub3A_242 = arith.subi %add3A_238, %multiple_of3A_241 : i32
      "tpu.region"() ({
        %run_scoped3A = tpu.sem_alloc : memref<!tpu.dma_semaphore, #tpu.memory_space<semaphore_mem>>
        %dma_start3A = tpu.memref_slice %arg3[%multiple_of3A_241] : memref<2096128xi32, #tpu.memory_space<hbm>> -> memref<8208xi32, #tpu.memory_space<hbm>>
        %dma_start3A_249 = tpu.memref_slice %arg3[%multiple_of3A_241] : memref<2096128xi32, #tpu.memory_space<hbm>> -> memref<8208xi32, #tpu.memory_space<hbm>>
        tpu.enqueue_dma source(%dma_start3A_249 : memref<8208xi32, #tpu.memory_space<hbm>>) target(%arg11 : memref<8208xi32, #tpu.memory_space<vmem>>) target_semaphore(%run_scoped3A : memref<!tpu.dma_semaphore, #tpu.memory_space<semaphore_mem>>)
        %dma_wait3A = tpu.memref_slice %arg3[%multiple_of3A_241] : memref<2096128xi32, #tpu.memory_space<hbm>> -> memref<8208xi32, #tpu.memory_space<hbm>>
        %dma_wait3A_250 = tpu.memref_slice %arg3[%multiple_of3A_241] : memref<2096128xi32, #tpu.memory_space<hbm>> -> memref<8208xi32, #tpu.memory_space<hbm>>
        tpu.wait_dma2 semaphore(%run_scoped3A : memref<!tpu.dma_semaphore, #tpu.memory_space<semaphore_mem>>) src(%dma_wait3A_250 : memref<8208xi32, #tpu.memory_space<hbm>>) dst(%arg11 : memref<8208xi32, #tpu.memory_space<vmem>>)
        tpu.yield
      }) : () -> ()
      "tpu.region"() ({
        %run_scoped3A = tpu.sem_alloc : memref<!tpu.dma_semaphore, #tpu.memory_space<semaphore_mem>>
        %dma_start3A = tpu.memref_slice %arg4[%multiple_of3A_241] : memref<2096128xi32, #tpu.memory_space<hbm>> -> memref<8208xi32, #tpu.memory_space<hbm>>
        %dma_start3A_249 = tpu.memref_slice %arg4[%multiple_of3A_241] : memref<2096128xi32, #tpu.memory_space<hbm>> -> memref<8208xi32, #tpu.memory_space<hbm>>
        tpu.enqueue_dma source(%dma_start3A_249 : memref<8208xi32, #tpu.memory_space<hbm>>) target(%arg12 : memref<8208xi32, #tpu.memory_space<vmem>>) target_semaphore(%run_scoped3A : memref<!tpu.dma_semaphore, #tpu.memory_space<semaphore_mem>>)
        %dma_wait3A = tpu.memref_slice %arg4[%multiple_of3A_241] : memref<2096128xi32, #tpu.memory_space<hbm>> -> memref<8208xi32, #tpu.memory_space<hbm>>
        %dma_wait3A_250 = tpu.memref_slice %arg4[%multiple_of3A_241] : memref<2096128xi32, #tpu.memory_space<hbm>> -> memref<8208xi32, #tpu.memory_space<hbm>>
        tpu.wait_dma2 semaphore(%run_scoped3A : memref<!tpu.dma_semaphore, #tpu.memory_space<semaphore_mem>>) src(%dma_wait3A_250 : memref<8208xi32, #tpu.memory_space<hbm>>) dst(%arg12 : memref<8208xi32, #tpu.memory_space<vmem>>)
        tpu.yield
      }) : () -> ()
      %scan3A_243 = arith.constant 0 : i32
      %scan3A_244 = arith.constant 512 : i32
      %scan3A_245 = arith.addi %scan3A_243, %scan3A_244 : i32
      %scan3A_246 = arith.constant 1 : i32
      %scan3A_247:2 = scf.for %scan3A_249 = %scan3A_243 to %scan3A_245 step %scan3A_246 iter_args(%scan3A_250 = %while3A_231, %scan3A_251 = %while3A_232) -> (i32, i32)  : i32 {
        %mul3A_252 = arith.constant 16 : i32
        %mul3A_253 = arith.muli %scan3A_249, %mul3A_252 : i32
        %add3A_254 = arith.addi %sub3A_242, %mul3A_253 : i32
        %add3A_255 = vector.broadcast %add3A_254 : i32 to vector<16xi32>
        %add3A_256 = arith.addi %add3A_255, %iota3A : vector<16xi32>
        %min3A_257 = arith.constant 8207 : i32
        %min3A_258 = vector.broadcast %min3A_257 : i32 to vector<16xi32>
        %min3A_259 = arith.minsi %add3A_256, %min3A_258 : vector<16xi32>
        %gather3A = tpu.vector_load_idx %arg11[%min3A_259] : memref<8208xi32, #tpu.memory_space<vmem>>[vector<16xi32>], vector<16xi32>,
        %gather3A_260 = tpu.vector_load_idx %arg12[%min3A_259] : memref<8208xi32, #tpu.memory_space<vmem>>[vector<16xi32>], vector<16xi32>,
        %mul3A_261 = arith.constant 16 : i32
        %mul3A_262 = arith.muli %scan3A_249, %mul3A_261 : i32
        %get3A = arith.index_cast %mul3A_262 : i32 to index
        %get3A_263 = tpu.vector_load %arg10[%get3A] {strides = array<i32>} : memref<8192xf32, #tpu.memory_space<vmem>>, vector<16xf32>,
        %mul3A_264 = arith.constant 8192 : i32
        %mul3A_265 = arith.muli %while3A_230, %mul3A_264 : i32
        %mul3A_266 = arith.constant 16 : i32
        %mul3A_267 = arith.muli %scan3A_249, %mul3A_266 : i32
        %add3A_268 = arith.addi %mul3A_265, %mul3A_267 : i32
        %add3A_269 = vector.broadcast %add3A_268 : i32 to vector<16xi32>
        %add3A_270 = arith.addi %add3A_269, %iota3A : vector<16xi32>
        %shift_right_arithmetic3A_271 = arith.constant 9 : i32
        %shift_right_arithmetic3A_272 = vector.broadcast %shift_right_arithmetic3A_271 : i32 to vector<16xi32>
        %shift_right_arithmetic3A_273 = arith.shrsi %gather3A_260, %shift_right_arithmetic3A_272 : vector<16xi32>
        %eq3A = vector.broadcast %add3A_135 : i32 to vector<16xi32>
        %eq3A_274 = arith.cmpi eq, %shift_right_arithmetic3A_273, %eq3A : vector<16xi32>
        %lt3A = vector.broadcast %scan3A_31#4 : i32 to vector<16xi32>
        %lt3A_275 = arith.cmpi slt, %add3A_270, %lt3A : vector<16xi32>
        %and3A_276 = arith.andi %eq3A_274, %lt3A_275 : vector<16xi1>
        %and3A_277 = arith.constant 511 : i32
        %and3A_278 = vector.broadcast %and3A_277 : i32 to vector<16xi32>
        %and3A_279 = arith.andi %gather3A_260, %and3A_278 : vector<16xi32>
        %shift_left3A = arith.constant 11 : i32
        %shift_left3A_280 = vector.broadcast %shift_left3A : i32 to vector<16xi32>
        %shift_left3A_281 = arith.shli %and3A_279, %shift_left3A_280 : vector<16xi32>
        %or3A = arith.ori %shift_left3A_281, %gather3A : vector<16xi32>
        %jit3A = arith.constant 0 : i32
        %broadcast_in_dim3A_282 = vector.broadcast %jit3A : i32 to vector<16xi32>
        %select_n3A = arith.select %and3A_276, %or3A, %broadcast_in_dim3A_282 : vector<16xi1>, vector<16xi32>
        %jit3A_283 = arith.constant 0.000000e+00 : f32
        %broadcast_in_dim3A_284 = vector.broadcast %jit3A_283 : f32 to vector<16xf32>
        %select_n3A_285 = arith.select %and3A_276, %get3A_263, %broadcast_in_dim3A_284 : vector<16xi1>, vector<16xf32>
        %convert_element_type3A_286 = arith.extui %and3A_276 : vector<16xi1> to vector<16xi32>
        %broadcast_in_dim3A_287 = arith.constant true
        %broadcast_in_dim3A_288 = vector.broadcast %broadcast_in_dim3A_287 : i1 to vector<16xi1>
        %masked_cumsum3A = tpu.scan <sum>, %convert_element_type3A_286 masked %broadcast_in_dim3A_288 : vector<16xi32>, vector<16xi1> -> vector<16xi32>
        %sub3A_289 = arith.constant 1 : i32
        %sub3A_290 = arith.subi %scan3A_250, %sub3A_289 : i32
        %add3A_291 = vector.broadcast %sub3A_290 : i32 to vector<16xi32>
        %add3A_292 = arith.addi %masked_cumsum3A, %add3A_291 : vector<16xi32>
        %and3A_293 = arith.constant 8191 : i32
        %and3A_294 = vector.broadcast %and3A_293 : i32 to vector<16xi32>
        %and3A_295 = arith.andi %add3A_292, %and3A_294 : vector<16xi32>
        tpu.vector_store_idx %arg13[%and3A_295], %select_n3A masked %and3A_276 : memref<8192xi32, #tpu.memory_space<vmem>>[vector<16xi32>], vector<16xi32>, vector<16xi1>
        tpu.vector_store_idx %arg14[%and3A_295], %select_n3A_285 masked %and3A_276 : memref<8192xf32, #tpu.memory_space<vmem>>[vector<16xi32>], vector<16xf32>, vector<16xi1>
        %reduce_sum3A = arith.constant true
        %reduce_sum3A_296 = vector.broadcast %reduce_sum3A : i1 to vector<16xi1>
        %reduce_sum3A_297 = tpu.scan <sum>, %convert_element_type3A_286 masked %reduce_sum3A_296 : vector<16xi32>, vector<16xi1> -> vector<16xi32>
        %reduce_sum3A_298 = vector.extract %reduce_sum3A_297[15] : i32 from vector<16xi32>
        %add3A_299 = arith.addi %scan3A_250, %reduce_sum3A_298 : i32
        %sub3A_300 = arith.subi %add3A_299, %scan3A_251 : i32
        %ge3A = arith.constant 4080 : i32
        %ge3A_301 = arith.cmpi sge, %sub3A_300, %ge3A : i32
        %convert_element_type3A_302 = arith.extui %ge3A_301 : i1 to i32
        %cond3A_303 = arith.constant 0 : i32
        %cond3A_304 = arith.cmpi ne, %convert_element_type3A_302, %cond3A_303 : i32
        scf.if %cond3A_304 {
          %add3A_311 = arith.constant 4096 : i32
          %add3A_312 = arith.addi %scan3A_251, %add3A_311 : i32
          %sub3A_313 = arith.subi %add3A_312, %add3A_299 : i32
          %add3A_314 = vector.broadcast %add3A_299 : i32 to vector<16xi32>
          %add3A_315 = arith.addi %add3A_314, %iota3A : vector<16xi32>
          %and3A_316 = arith.constant 8191 : i32
          %and3A_317 = vector.broadcast %and3A_316 : i32 to vector<16xi32>
          %and3A_318 = arith.andi %add3A_315, %and3A_317 : vector<16xi32>
          %lt3A_319 = vector.broadcast %sub3A_313 : i32 to vector<16xi32>
          %lt3A_320 = arith.cmpi slt, %iota3A, %lt3A_319 : vector<16xi32>
          tpu.vector_store_idx %arg13[%and3A_318], %broadcast_in_dim3A_0 masked %lt3A_320 : memref<8192xi32, #tpu.memory_space<vmem>>[vector<16xi32>], vector<16xi32>, vector<16xi1>
          tpu.vector_store_idx %arg14[%and3A_318], %broadcast_in_dim3A_2 masked %lt3A_320 : memref<8192xf32, #tpu.memory_space<vmem>>[vector<16xi32>], vector<16xf32>, vector<16xi1>
          %and3A_321 = arith.constant 8191 : i32
          %and3A_322 = arith.andi %scan3A_251, %and3A_321 : i32
          %multiple_of3A_323 = tpu.assume_multiple %and3A_322, 4096 : i32
          %add3A_324 = arith.constant 4096 : i32
          %add3A_325 = arith.addi %scan3A_251, %add3A_324 : i32
          %and3A_326 = arith.constant 8191 : i32
          %and3A_327 = arith.andi %add3A_325, %and3A_326 : i32
          %multiple_of3A_328 = tpu.assume_multiple %and3A_327, 4096 : i32
          %gt3A_329 = arith.constant 0 : i32
          %gt3A_330 = arith.cmpi sgt, %scan3A_251, %gt3A_329 : i32
          %convert_element_type3A_331 = arith.extui %gt3A_330 : i1 to i32
          %cond3A_332 = arith.constant 0 : i32
          %cond3A_333 = arith.cmpi ne, %convert_element_type3A_331, %cond3A_332 : i32
          scf.if %cond3A_333 {
            %dma_wait3A = tpu.memref_slice %arg14[%multiple_of3A_328] : memref<8192xf32, #tpu.memory_space<vmem>> -> memref<4096xf32, #tpu.memory_space<vmem>>
            %dma_wait3A_337 = tpu.memref_slice %arg13[%multiple_of3A_328] : memref<8192xi32, #tpu.memory_space<vmem>> -> memref<4096xi32, #tpu.memory_space<vmem>>
            %dma_wait3A_338 = arith.constant 0 : i32
            %dma_wait3A_339 = tpu.memref_slice %arg7[%dma_wait3A_338] : memref<1048576xf32, #tpu.memory_space<vmem_shared>> -> memref<1048576xf32, #tpu.memory_space<vmem_shared>>
            tpu.wait_indirect_dma semaphore(%arg15 : memref<!tpu.dma_semaphore, #tpu.memory_space<semaphore_mem>>) src(%dma_wait3A : memref<4096xf32, #tpu.memory_space<vmem>>) dst(%dma_wait3A_339 : memref<1048576xf32, #tpu.memory_space<vmem_shared>>)
          } else {
          }
          %dma_start3A = tpu.memref_slice %arg14[%multiple_of3A_323] : memref<8192xf32, #tpu.memory_space<vmem>> -> memref<4096xf32, #tpu.memory_space<vmem>>
          %dma_start3A_334 = tpu.memref_slice %arg13[%multiple_of3A_323] : memref<8192xi32, #tpu.memory_space<vmem>> -> memref<4096xi32, #tpu.memory_space<vmem>>
          %dma_start3A_335 = arith.constant 0 : i32
          %dma_start3A_336 = tpu.memref_slice %arg7[%dma_start3A_335] : memref<1048576xf32, #tpu.memory_space<vmem_shared>> -> memref<1048576xf32, #tpu.memory_space<vmem_shared>>
          tpu.enqueue_indirect_dma source(%dma_start3A : memref<4096xf32, #tpu.memory_space<vmem>>) target(%dma_start3A_336 : memref<1048576xf32, #tpu.memory_space<vmem_shared>>) offsets(%dma_start3A_334 : memref<4096xi32, #tpu.memory_space<vmem>>) semaphore(%arg15 : memref<!tpu.dma_semaphore, #tpu.memory_space<semaphore_mem>>) {add = true}
        } else {
        }
        %add3A_305 = arith.constant 4096 : i32
        %add3A_306 = arith.addi %scan3A_251, %add3A_305 : i32
        %select_n3A_307 = arith.select %ge3A_301, %add3A_306, %add3A_299 : i32
        %add3A_308 = arith.constant 4096 : i32
        %add3A_309 = arith.addi %scan3A_251, %add3A_308 : i32
        %select_n3A_310 = arith.select %ge3A_301, %add3A_309, %scan3A_251 : i32
        scf.yield %select_n3A_307, %select_n3A_310 : i32, i32
      }
      %scan3A_248 = arith.constant 512 : i32
      scf.yield %scan3A_247#0, %scan3A_247#1 : i32, i32
    }
    %add3A_161 = arith.constant 8191 : i32
    %add3A_162 = arith.addi %scan3A_31#7, %add3A_161 : i32
    %shift_right_arithmetic3A_163 = arith.constant 13 : i32
    %shift_right_arithmetic3A_164 = arith.shrsi %add3A_162, %shift_right_arithmetic3A_163 : i32
    %while3A_165 = arith.constant 0 : i32
    %while3A_166 = arith.subi %shift_right_arithmetic3A_164, %while3A_165 : i32
    %while3A_167 = arith.addi %while3A_165, %while3A_166 : i32
    %while3A_168 = arith.constant 1 : i32
    %while3A_169 = arith.divsi %while3A_166, %while3A_168 : i32
    %while3A_170 = arith.muli %while3A_169, %while3A_168 : i32
    %while3A_171 = arith.addi %while3A_165, %while3A_170 : i32
    %while3A_172 = arith.constant 1 : i32
    %while3A_173:2 = scf.for %while3A_230 = %while3A_165 to %while3A_171 step %while3A_172 iter_args(%while3A_231 = %while3A_160#0, %while3A_232 = %while3A_160#1) -> (i32, i32)  : i32 {
      %mul3A_233 = arith.constant 8192 : i32
      %mul3A_234 = arith.muli %while3A_230, %mul3A_233 : i32
      %add3A_235 = arith.addi %scan3A_31#6, %mul3A_234 : i32
      %multiple_of3A = tpu.assume_multiple %add3A_235, 2048 : i32
      "tpu.region"() ({
        %run_scoped3A = tpu.sem_alloc : memref<!tpu.dma_semaphore, #tpu.memory_space<semaphore_mem>>
        %dma_start3A = tpu.memref_slice %arg2[%multiple_of3A] : memref<2170880xf32, #tpu.memory_space<hbm>> -> memref<8192xf32, #tpu.memory_space<hbm>>
        %dma_start3A_249 = tpu.memref_slice %arg2[%multiple_of3A] : memref<2170880xf32, #tpu.memory_space<hbm>> -> memref<8192xf32, #tpu.memory_space<hbm>>
        tpu.enqueue_dma source(%dma_start3A_249 : memref<8192xf32, #tpu.memory_space<hbm>>) target(%arg10 : memref<8192xf32, #tpu.memory_space<vmem>>) target_semaphore(%run_scoped3A : memref<!tpu.dma_semaphore, #tpu.memory_space<semaphore_mem>>)
        %dma_wait3A = tpu.memref_slice %arg2[%multiple_of3A] : memref<2170880xf32, #tpu.memory_space<hbm>> -> memref<8192xf32, #tpu.memory_space<hbm>>
        %dma_wait3A_250 = tpu.memref_slice %arg2[%multiple_of3A] : memref<2170880xf32, #tpu.memory_space<hbm>> -> memref<8192xf32, #tpu.memory_space<hbm>>
        tpu.wait_dma2 semaphore(%run_scoped3A : memref<!tpu.dma_semaphore, #tpu.memory_space<semaphore_mem>>) src(%dma_wait3A_250 : memref<8192xf32, #tpu.memory_space<hbm>>) dst(%arg10 : memref<8192xf32, #tpu.memory_space<vmem>>)
        tpu.yield
      }) : () -> ()
      %mul3A_236 = arith.constant 8192 : i32
      %mul3A_237 = arith.muli %while3A_230, %mul3A_236 : i32
      %add3A_238 = arith.addi %scan3A_31#5, %mul3A_237 : i32
      %and3A = arith.constant -8 : i32
      %and3A_239 = arith.andi %add3A_238, %and3A : i32
      %min3A = arith.constant 2087920 : i32
      %min3A_240 = arith.minsi %and3A_239, %min3A : i32
      %multiple_of3A_241 = tpu.assume_multiple %min3A_240, 8 : i32
      %sub3A_242 = arith.subi %add3A_238, %multiple_of3A_241 : i32
      "tpu.region"() ({
        %run_scoped3A = tpu.sem_alloc : memref<!tpu.dma_semaphore, #tpu.memory_space<semaphore_mem>>
        %dma_start3A = tpu.memref_slice %arg3[%multiple_of3A_241] : memref<2096128xi32, #tpu.memory_space<hbm>> -> memref<8208xi32, #tpu.memory_space<hbm>>
        %dma_start3A_249 = tpu.memref_slice %arg3[%multiple_of3A_241] : memref<2096128xi32, #tpu.memory_space<hbm>> -> memref<8208xi32, #tpu.memory_space<hbm>>
        tpu.enqueue_dma source(%dma_start3A_249 : memref<8208xi32, #tpu.memory_space<hbm>>) target(%arg11 : memref<8208xi32, #tpu.memory_space<vmem>>) target_semaphore(%run_scoped3A : memref<!tpu.dma_semaphore, #tpu.memory_space<semaphore_mem>>)
        %dma_wait3A = tpu.memref_slice %arg3[%multiple_of3A_241] : memref<2096128xi32, #tpu.memory_space<hbm>> -> memref<8208xi32, #tpu.memory_space<hbm>>
        %dma_wait3A_250 = tpu.memref_slice %arg3[%multiple_of3A_241] : memref<2096128xi32, #tpu.memory_space<hbm>> -> memref<8208xi32, #tpu.memory_space<hbm>>
        tpu.wait_dma2 semaphore(%run_scoped3A : memref<!tpu.dma_semaphore, #tpu.memory_space<semaphore_mem>>) src(%dma_wait3A_250 : memref<8208xi32, #tpu.memory_space<hbm>>) dst(%arg11 : memref<8208xi32, #tpu.memory_space<vmem>>)
        tpu.yield
      }) : () -> ()
      "tpu.region"() ({
        %run_scoped3A = tpu.sem_alloc : memref<!tpu.dma_semaphore, #tpu.memory_space<semaphore_mem>>
        %dma_start3A = tpu.memref_slice %arg4[%multiple_of3A_241] : memref<2096128xi32, #tpu.memory_space<hbm>> -> memref<8208xi32, #tpu.memory_space<hbm>>
        %dma_start3A_249 = tpu.memref_slice %arg4[%multiple_of3A_241] : memref<2096128xi32, #tpu.memory_space<hbm>> -> memref<8208xi32, #tpu.memory_space<hbm>>
        tpu.enqueue_dma source(%dma_start3A_249 : memref<8208xi32, #tpu.memory_space<hbm>>) target(%arg12 : memref<8208xi32, #tpu.memory_space<vmem>>) target_semaphore(%run_scoped3A : memref<!tpu.dma_semaphore, #tpu.memory_space<semaphore_mem>>)
        %dma_wait3A = tpu.memref_slice %arg4[%multiple_of3A_241] : memref<2096128xi32, #tpu.memory_space<hbm>> -> memref<8208xi32, #tpu.memory_space<hbm>>
        %dma_wait3A_250 = tpu.memref_slice %arg4[%multiple_of3A_241] : memref<2096128xi32, #tpu.memory_space<hbm>> -> memref<8208xi32, #tpu.memory_space<hbm>>
        tpu.wait_dma2 semaphore(%run_scoped3A : memref<!tpu.dma_semaphore, #tpu.memory_space<semaphore_mem>>) src(%dma_wait3A_250 : memref<8208xi32, #tpu.memory_space<hbm>>) dst(%arg12 : memref<8208xi32, #tpu.memory_space<vmem>>)
        tpu.yield
      }) : () -> ()
      %scan3A_243 = arith.constant 0 : i32
      %scan3A_244 = arith.constant 512 : i32
      %scan3A_245 = arith.addi %scan3A_243, %scan3A_244 : i32
      %scan3A_246 = arith.constant 1 : i32
      %scan3A_247:2 = scf.for %scan3A_249 = %scan3A_243 to %scan3A_245 step %scan3A_246 iter_args(%scan3A_250 = %while3A_231, %scan3A_251 = %while3A_232) -> (i32, i32)  : i32 {
        %mul3A_252 = arith.constant 16 : i32
        %mul3A_253 = arith.muli %scan3A_249, %mul3A_252 : i32
        %add3A_254 = arith.addi %sub3A_242, %mul3A_253 : i32
        %add3A_255 = vector.broadcast %add3A_254 : i32 to vector<16xi32>
        %add3A_256 = arith.addi %add3A_255, %iota3A : vector<16xi32>
        %min3A_257 = arith.constant 8207 : i32
        %min3A_258 = vector.broadcast %min3A_257 : i32 to vector<16xi32>
        %min3A_259 = arith.minsi %add3A_256, %min3A_258 : vector<16xi32>
        %gather3A = tpu.vector_load_idx %arg11[%min3A_259] : memref<8208xi32, #tpu.memory_space<vmem>>[vector<16xi32>], vector<16xi32>,
        %gather3A_260 = tpu.vector_load_idx %arg12[%min3A_259] : memref<8208xi32, #tpu.memory_space<vmem>>[vector<16xi32>], vector<16xi32>,
        %mul3A_261 = arith.constant 16 : i32
        %mul3A_262 = arith.muli %scan3A_249, %mul3A_261 : i32
        %get3A = arith.index_cast %mul3A_262 : i32 to index
        %get3A_263 = tpu.vector_load %arg10[%get3A] {strides = array<i32>} : memref<8192xf32, #tpu.memory_space<vmem>>, vector<16xf32>,
        %mul3A_264 = arith.constant 8192 : i32
        %mul3A_265 = arith.muli %while3A_230, %mul3A_264 : i32
        %mul3A_266 = arith.constant 16 : i32
        %mul3A_267 = arith.muli %scan3A_249, %mul3A_266 : i32
        %add3A_268 = arith.addi %mul3A_265, %mul3A_267 : i32
        %add3A_269 = vector.broadcast %add3A_268 : i32 to vector<16xi32>
        %add3A_270 = arith.addi %add3A_269, %iota3A : vector<16xi32>
        %shift_right_arithmetic3A_271 = arith.constant 9 : i32
        %shift_right_arithmetic3A_272 = vector.broadcast %shift_right_arithmetic3A_271 : i32 to vector<16xi32>
        %shift_right_arithmetic3A_273 = arith.shrsi %gather3A_260, %shift_right_arithmetic3A_272 : vector<16xi32>
        %eq3A = vector.broadcast %add3A_135 : i32 to vector<16xi32>
        %eq3A_274 = arith.cmpi eq, %shift_right_arithmetic3A_273, %eq3A : vector<16xi32>
        %lt3A = vector.broadcast %scan3A_31#7 : i32 to vector<16xi32>
        %lt3A_275 = arith.cmpi slt, %add3A_270, %lt3A : vector<16xi32>
        %and3A_276 = arith.andi %eq3A_274, %lt3A_275 : vector<16xi1>
        %and3A_277 = arith.constant 511 : i32
        %and3A_278 = vector.broadcast %and3A_277 : i32 to vector<16xi32>
        %and3A_279 = arith.andi %gather3A_260, %and3A_278 : vector<16xi32>
        %shift_left3A = arith.constant 11 : i32
        %shift_left3A_280 = vector.broadcast %shift_left3A : i32 to vector<16xi32>
        %shift_left3A_281 = arith.shli %and3A_279, %shift_left3A_280 : vector<16xi32>
        %or3A = arith.ori %shift_left3A_281, %gather3A : vector<16xi32>
        %jit3A = arith.constant 0 : i32
        %broadcast_in_dim3A_282 = vector.broadcast %jit3A : i32 to vector<16xi32>
        %select_n3A = arith.select %and3A_276, %or3A, %broadcast_in_dim3A_282 : vector<16xi1>, vector<16xi32>
        %jit3A_283 = arith.constant 0.000000e+00 : f32
        %broadcast_in_dim3A_284 = vector.broadcast %jit3A_283 : f32 to vector<16xf32>
        %select_n3A_285 = arith.select %and3A_276, %get3A_263, %broadcast_in_dim3A_284 : vector<16xi1>, vector<16xf32>
        %convert_element_type3A_286 = arith.extui %and3A_276 : vector<16xi1> to vector<16xi32>
        %broadcast_in_dim3A_287 = arith.constant true
        %broadcast_in_dim3A_288 = vector.broadcast %broadcast_in_dim3A_287 : i1 to vector<16xi1>
        %masked_cumsum3A = tpu.scan <sum>, %convert_element_type3A_286 masked %broadcast_in_dim3A_288 : vector<16xi32>, vector<16xi1> -> vector<16xi32>
        %sub3A_289 = arith.constant 1 : i32
        %sub3A_290 = arith.subi %scan3A_250, %sub3A_289 : i32
        %add3A_291 = vector.broadcast %sub3A_290 : i32 to vector<16xi32>
        %add3A_292 = arith.addi %masked_cumsum3A, %add3A_291 : vector<16xi32>
        %and3A_293 = arith.constant 8191 : i32
        %and3A_294 = vector.broadcast %and3A_293 : i32 to vector<16xi32>
        %and3A_295 = arith.andi %add3A_292, %and3A_294 : vector<16xi32>
        tpu.vector_store_idx %arg13[%and3A_295], %select_n3A masked %and3A_276 : memref<8192xi32, #tpu.memory_space<vmem>>[vector<16xi32>], vector<16xi32>, vector<16xi1>
        tpu.vector_store_idx %arg14[%and3A_295], %select_n3A_285 masked %and3A_276 : memref<8192xf32, #tpu.memory_space<vmem>>[vector<16xi32>], vector<16xf32>, vector<16xi1>
        %reduce_sum3A = arith.constant true
        %reduce_sum3A_296 = vector.broadcast %reduce_sum3A : i1 to vector<16xi1>
        %reduce_sum3A_297 = tpu.scan <sum>, %convert_element_type3A_286 masked %reduce_sum3A_296 : vector<16xi32>, vector<16xi1> -> vector<16xi32>
        %reduce_sum3A_298 = vector.extract %reduce_sum3A_297[15] : i32 from vector<16xi32>
        %add3A_299 = arith.addi %scan3A_250, %reduce_sum3A_298 : i32
        %sub3A_300 = arith.subi %add3A_299, %scan3A_251 : i32
        %ge3A = arith.constant 4080 : i32
        %ge3A_301 = arith.cmpi sge, %sub3A_300, %ge3A : i32
        %convert_element_type3A_302 = arith.extui %ge3A_301 : i1 to i32
        %cond3A_303 = arith.constant 0 : i32
        %cond3A_304 = arith.cmpi ne, %convert_element_type3A_302, %cond3A_303 : i32
        scf.if %cond3A_304 {
          %add3A_311 = arith.constant 4096 : i32
          %add3A_312 = arith.addi %scan3A_251, %add3A_311 : i32
          %sub3A_313 = arith.subi %add3A_312, %add3A_299 : i32
          %add3A_314 = vector.broadcast %add3A_299 : i32 to vector<16xi32>
          %add3A_315 = arith.addi %add3A_314, %iota3A : vector<16xi32>
          %and3A_316 = arith.constant 8191 : i32
          %and3A_317 = vector.broadcast %and3A_316 : i32 to vector<16xi32>
          %and3A_318 = arith.andi %add3A_315, %and3A_317 : vector<16xi32>
          %lt3A_319 = vector.broadcast %sub3A_313 : i32 to vector<16xi32>
          %lt3A_320 = arith.cmpi slt, %iota3A, %lt3A_319 : vector<16xi32>
          tpu.vector_store_idx %arg13[%and3A_318], %broadcast_in_dim3A_0 masked %lt3A_320 : memref<8192xi32, #tpu.memory_space<vmem>>[vector<16xi32>], vector<16xi32>, vector<16xi1>
          tpu.vector_store_idx %arg14[%and3A_318], %broadcast_in_dim3A_2 masked %lt3A_320 : memref<8192xf32, #tpu.memory_space<vmem>>[vector<16xi32>], vector<16xf32>, vector<16xi1>
          %and3A_321 = arith.constant 8191 : i32
          %and3A_322 = arith.andi %scan3A_251, %and3A_321 : i32
          %multiple_of3A_323 = tpu.assume_multiple %and3A_322, 4096 : i32
          %add3A_324 = arith.constant 4096 : i32
          %add3A_325 = arith.addi %scan3A_251, %add3A_324 : i32
          %and3A_326 = arith.constant 8191 : i32
          %and3A_327 = arith.andi %add3A_325, %and3A_326 : i32
          %multiple_of3A_328 = tpu.assume_multiple %and3A_327, 4096 : i32
          %gt3A_329 = arith.constant 0 : i32
          %gt3A_330 = arith.cmpi sgt, %scan3A_251, %gt3A_329 : i32
          %convert_element_type3A_331 = arith.extui %gt3A_330 : i1 to i32
          %cond3A_332 = arith.constant 0 : i32
          %cond3A_333 = arith.cmpi ne, %convert_element_type3A_331, %cond3A_332 : i32
          scf.if %cond3A_333 {
            %dma_wait3A = tpu.memref_slice %arg14[%multiple_of3A_328] : memref<8192xf32, #tpu.memory_space<vmem>> -> memref<4096xf32, #tpu.memory_space<vmem>>
            %dma_wait3A_337 = tpu.memref_slice %arg13[%multiple_of3A_328] : memref<8192xi32, #tpu.memory_space<vmem>> -> memref<4096xi32, #tpu.memory_space<vmem>>
            %dma_wait3A_338 = arith.constant 0 : i32
            %dma_wait3A_339 = tpu.memref_slice %arg7[%dma_wait3A_338] : memref<1048576xf32, #tpu.memory_space<vmem_shared>> -> memref<1048576xf32, #tpu.memory_space<vmem_shared>>
            tpu.wait_indirect_dma semaphore(%arg15 : memref<!tpu.dma_semaphore, #tpu.memory_space<semaphore_mem>>) src(%dma_wait3A : memref<4096xf32, #tpu.memory_space<vmem>>) dst(%dma_wait3A_339 : memref<1048576xf32, #tpu.memory_space<vmem_shared>>)
          } else {
          }
          %dma_start3A = tpu.memref_slice %arg14[%multiple_of3A_323] : memref<8192xf32, #tpu.memory_space<vmem>> -> memref<4096xf32, #tpu.memory_space<vmem>>
          %dma_start3A_334 = tpu.memref_slice %arg13[%multiple_of3A_323] : memref<8192xi32, #tpu.memory_space<vmem>> -> memref<4096xi32, #tpu.memory_space<vmem>>
          %dma_start3A_335 = arith.constant 0 : i32
          %dma_start3A_336 = tpu.memref_slice %arg7[%dma_start3A_335] : memref<1048576xf32, #tpu.memory_space<vmem_shared>> -> memref<1048576xf32, #tpu.memory_space<vmem_shared>>
          tpu.enqueue_indirect_dma source(%dma_start3A : memref<4096xf32, #tpu.memory_space<vmem>>) target(%dma_start3A_336 : memref<1048576xf32, #tpu.memory_space<vmem_shared>>) offsets(%dma_start3A_334 : memref<4096xi32, #tpu.memory_space<vmem>>) semaphore(%arg15 : memref<!tpu.dma_semaphore, #tpu.memory_space<semaphore_mem>>) {add = true}
        } else {
        }
        %add3A_305 = arith.constant 4096 : i32
        %add3A_306 = arith.addi %scan3A_251, %add3A_305 : i32
        %select_n3A_307 = arith.select %ge3A_301, %add3A_306, %add3A_299 : i32
        %add3A_308 = arith.constant 4096 : i32
        %add3A_309 = arith.addi %scan3A_251, %add3A_308 : i32
        %select_n3A_310 = arith.select %ge3A_301, %add3A_309, %scan3A_251 : i32
        scf.yield %select_n3A_307, %select_n3A_310 : i32, i32
      }
      %scan3A_248 = arith.constant 512 : i32
      scf.yield %scan3A_247#0, %scan3A_247#1 : i32, i32
    }
    %while3A_174 = arith.constant 1 : i32
    %while3A_175:2 = scf.for %while3A_230 = %while3A_171 to %while3A_167 step %while3A_174 iter_args(%while3A_231 = %while3A_173#0, %while3A_232 = %while3A_173#1) -> (i32, i32)  : i32 {
      %mul3A_233 = arith.constant 8192 : i32
      %mul3A_234 = arith.muli %while3A_230, %mul3A_233 : i32
      %add3A_235 = arith.addi %scan3A_31#6, %mul3A_234 : i32
      %multiple_of3A = tpu.assume_multiple %add3A_235, 2048 : i32
      "tpu.region"() ({
        %run_scoped3A = tpu.sem_alloc : memref<!tpu.dma_semaphore, #tpu.memory_space<semaphore_mem>>
        %dma_start3A = tpu.memref_slice %arg2[%multiple_of3A] : memref<2170880xf32, #tpu.memory_space<hbm>> -> memref<8192xf32, #tpu.memory_space<hbm>>
        %dma_start3A_249 = tpu.memref_slice %arg2[%multiple_of3A] : memref<2170880xf32, #tpu.memory_space<hbm>> -> memref<8192xf32, #tpu.memory_space<hbm>>
        tpu.enqueue_dma source(%dma_start3A_249 : memref<8192xf32, #tpu.memory_space<hbm>>) target(%arg10 : memref<8192xf32, #tpu.memory_space<vmem>>) target_semaphore(%run_scoped3A : memref<!tpu.dma_semaphore, #tpu.memory_space<semaphore_mem>>)
        %dma_wait3A = tpu.memref_slice %arg2[%multiple_of3A] : memref<2170880xf32, #tpu.memory_space<hbm>> -> memref<8192xf32, #tpu.memory_space<hbm>>
        %dma_wait3A_250 = tpu.memref_slice %arg2[%multiple_of3A] : memref<2170880xf32, #tpu.memory_space<hbm>> -> memref<8192xf32, #tpu.memory_space<hbm>>
        tpu.wait_dma2 semaphore(%run_scoped3A : memref<!tpu.dma_semaphore, #tpu.memory_space<semaphore_mem>>) src(%dma_wait3A_250 : memref<8192xf32, #tpu.memory_space<hbm>>) dst(%arg10 : memref<8192xf32, #tpu.memory_space<vmem>>)
        tpu.yield
      }) : () -> ()
      %mul3A_236 = arith.constant 8192 : i32
      %mul3A_237 = arith.muli %while3A_230, %mul3A_236 : i32
      %add3A_238 = arith.addi %scan3A_31#5, %mul3A_237 : i32
      %and3A = arith.constant -8 : i32
      %and3A_239 = arith.andi %add3A_238, %and3A : i32
      %min3A = arith.constant 2087920 : i32
      %min3A_240 = arith.minsi %and3A_239, %min3A : i32
      %multiple_of3A_241 = tpu.assume_multiple %min3A_240, 8 : i32
      %sub3A_242 = arith.subi %add3A_238, %multiple_of3A_241 : i32
      "tpu.region"() ({
        %run_scoped3A = tpu.sem_alloc : memref<!tpu.dma_semaphore, #tpu.memory_space<semaphore_mem>>
        %dma_start3A = tpu.memref_slice %arg3[%multiple_of3A_241] : memref<2096128xi32, #tpu.memory_space<hbm>> -> memref<8208xi32, #tpu.memory_space<hbm>>
        %dma_start3A_249 = tpu.memref_slice %arg3[%multiple_of3A_241] : memref<2096128xi32, #tpu.memory_space<hbm>> -> memref<8208xi32, #tpu.memory_space<hbm>>
        tpu.enqueue_dma source(%dma_start3A_249 : memref<8208xi32, #tpu.memory_space<hbm>>) target(%arg11 : memref<8208xi32, #tpu.memory_space<vmem>>) target_semaphore(%run_scoped3A : memref<!tpu.dma_semaphore, #tpu.memory_space<semaphore_mem>>)
        %dma_wait3A = tpu.memref_slice %arg3[%multiple_of3A_241] : memref<2096128xi32, #tpu.memory_space<hbm>> -> memref<8208xi32, #tpu.memory_space<hbm>>
        %dma_wait3A_250 = tpu.memref_slice %arg3[%multiple_of3A_241] : memref<2096128xi32, #tpu.memory_space<hbm>> -> memref<8208xi32, #tpu.memory_space<hbm>>
        tpu.wait_dma2 semaphore(%run_scoped3A : memref<!tpu.dma_semaphore, #tpu.memory_space<semaphore_mem>>) src(%dma_wait3A_250 : memref<8208xi32, #tpu.memory_space<hbm>>) dst(%arg11 : memref<8208xi32, #tpu.memory_space<vmem>>)
        tpu.yield
      }) : () -> ()
      "tpu.region"() ({
        %run_scoped3A = tpu.sem_alloc : memref<!tpu.dma_semaphore, #tpu.memory_space<semaphore_mem>>
        %dma_start3A = tpu.memref_slice %arg4[%multiple_of3A_241] : memref<2096128xi32, #tpu.memory_space<hbm>> -> memref<8208xi32, #tpu.memory_space<hbm>>
        %dma_start3A_249 = tpu.memref_slice %arg4[%multiple_of3A_241] : memref<2096128xi32, #tpu.memory_space<hbm>> -> memref<8208xi32, #tpu.memory_space<hbm>>
        tpu.enqueue_dma source(%dma_start3A_249 : memref<8208xi32, #tpu.memory_space<hbm>>) target(%arg12 : memref<8208xi32, #tpu.memory_space<vmem>>) target_semaphore(%run_scoped3A : memref<!tpu.dma_semaphore, #tpu.memory_space<semaphore_mem>>)
        %dma_wait3A = tpu.memref_slice %arg4[%multiple_of3A_241] : memref<2096128xi32, #tpu.memory_space<hbm>> -> memref<8208xi32, #tpu.memory_space<hbm>>
        %dma_wait3A_250 = tpu.memref_slice %arg4[%multiple_of3A_241] : memref<2096128xi32, #tpu.memory_space<hbm>> -> memref<8208xi32, #tpu.memory_space<hbm>>
        tpu.wait_dma2 semaphore(%run_scoped3A : memref<!tpu.dma_semaphore, #tpu.memory_space<semaphore_mem>>) src(%dma_wait3A_250 : memref<8208xi32, #tpu.memory_space<hbm>>) dst(%arg12 : memref<8208xi32, #tpu.memory_space<vmem>>)
        tpu.yield
      }) : () -> ()
      %scan3A_243 = arith.constant 0 : i32
      %scan3A_244 = arith.constant 512 : i32
      %scan3A_245 = arith.addi %scan3A_243, %scan3A_244 : i32
      %scan3A_246 = arith.constant 1 : i32
      %scan3A_247:2 = scf.for %scan3A_249 = %scan3A_243 to %scan3A_245 step %scan3A_246 iter_args(%scan3A_250 = %while3A_231, %scan3A_251 = %while3A_232) -> (i32, i32)  : i32 {
        %mul3A_252 = arith.constant 16 : i32
        %mul3A_253 = arith.muli %scan3A_249, %mul3A_252 : i32
        %add3A_254 = arith.addi %sub3A_242, %mul3A_253 : i32
        %add3A_255 = vector.broadcast %add3A_254 : i32 to vector<16xi32>
        %add3A_256 = arith.addi %add3A_255, %iota3A : vector<16xi32>
        %min3A_257 = arith.constant 8207 : i32
        %min3A_258 = vector.broadcast %min3A_257 : i32 to vector<16xi32>
        %min3A_259 = arith.minsi %add3A_256, %min3A_258 : vector<16xi32>
        %gather3A = tpu.vector_load_idx %arg11[%min3A_259] : memref<8208xi32, #tpu.memory_space<vmem>>[vector<16xi32>], vector<16xi32>,
        %gather3A_260 = tpu.vector_load_idx %arg12[%min3A_259] : memref<8208xi32, #tpu.memory_space<vmem>>[vector<16xi32>], vector<16xi32>,
        %mul3A_261 = arith.constant 16 : i32
        %mul3A_262 = arith.muli %scan3A_249, %mul3A_261 : i32
        %get3A = arith.index_cast %mul3A_262 : i32 to index
        %get3A_263 = tpu.vector_load %arg10[%get3A] {strides = array<i32>} : memref<8192xf32, #tpu.memory_space<vmem>>, vector<16xf32>,
        %mul3A_264 = arith.constant 8192 : i32
        %mul3A_265 = arith.muli %while3A_230, %mul3A_264 : i32
        %mul3A_266 = arith.constant 16 : i32
        %mul3A_267 = arith.muli %scan3A_249, %mul3A_266 : i32
        %add3A_268 = arith.addi %mul3A_265, %mul3A_267 : i32
        %add3A_269 = vector.broadcast %add3A_268 : i32 to vector<16xi32>
        %add3A_270 = arith.addi %add3A_269, %iota3A : vector<16xi32>
        %shift_right_arithmetic3A_271 = arith.constant 9 : i32
        %shift_right_arithmetic3A_272 = vector.broadcast %shift_right_arithmetic3A_271 : i32 to vector<16xi32>
        %shift_right_arithmetic3A_273 = arith.shrsi %gather3A_260, %shift_right_arithmetic3A_272 : vector<16xi32>
        %eq3A = vector.broadcast %add3A_135 : i32 to vector<16xi32>
        %eq3A_274 = arith.cmpi eq, %shift_right_arithmetic3A_273, %eq3A : vector<16xi32>
        %lt3A = vector.broadcast %scan3A_31#7 : i32 to vector<16xi32>
        %lt3A_275 = arith.cmpi slt, %add3A_270, %lt3A : vector<16xi32>
        %and3A_276 = arith.andi %eq3A_274, %lt3A_275 : vector<16xi1>
        %and3A_277 = arith.constant 511 : i32
        %and3A_278 = vector.broadcast %and3A_277 : i32 to vector<16xi32>
        %and3A_279 = arith.andi %gather3A_260, %and3A_278 : vector<16xi32>
        %shift_left3A = arith.constant 11 : i32
        %shift_left3A_280 = vector.broadcast %shift_left3A : i32 to vector<16xi32>
        %shift_left3A_281 = arith.shli %and3A_279, %shift_left3A_280 : vector<16xi32>
        %or3A = arith.ori %shift_left3A_281, %gather3A : vector<16xi32>
        %jit3A = arith.constant 0 : i32
        %broadcast_in_dim3A_282 = vector.broadcast %jit3A : i32 to vector<16xi32>
        %select_n3A = arith.select %and3A_276, %or3A, %broadcast_in_dim3A_282 : vector<16xi1>, vector<16xi32>
        %jit3A_283 = arith.constant 0.000000e+00 : f32
        %broadcast_in_dim3A_284 = vector.broadcast %jit3A_283 : f32 to vector<16xf32>
        %select_n3A_285 = arith.select %and3A_276, %get3A_263, %broadcast_in_dim3A_284 : vector<16xi1>, vector<16xf32>
        %convert_element_type3A_286 = arith.extui %and3A_276 : vector<16xi1> to vector<16xi32>
        %broadcast_in_dim3A_287 = arith.constant true
        %broadcast_in_dim3A_288 = vector.broadcast %broadcast_in_dim3A_287 : i1 to vector<16xi1>
        %masked_cumsum3A = tpu.scan <sum>, %convert_element_type3A_286 masked %broadcast_in_dim3A_288 : vector<16xi32>, vector<16xi1> -> vector<16xi32>
        %sub3A_289 = arith.constant 1 : i32
        %sub3A_290 = arith.subi %scan3A_250, %sub3A_289 : i32
        %add3A_291 = vector.broadcast %sub3A_290 : i32 to vector<16xi32>
        %add3A_292 = arith.addi %masked_cumsum3A, %add3A_291 : vector<16xi32>
        %and3A_293 = arith.constant 8191 : i32
        %and3A_294 = vector.broadcast %and3A_293 : i32 to vector<16xi32>
        %and3A_295 = arith.andi %add3A_292, %and3A_294 : vector<16xi32>
        tpu.vector_store_idx %arg13[%and3A_295], %select_n3A masked %and3A_276 : memref<8192xi32, #tpu.memory_space<vmem>>[vector<16xi32>], vector<16xi32>, vector<16xi1>
        tpu.vector_store_idx %arg14[%and3A_295], %select_n3A_285 masked %and3A_276 : memref<8192xf32, #tpu.memory_space<vmem>>[vector<16xi32>], vector<16xf32>, vector<16xi1>
        %reduce_sum3A = arith.constant true
        %reduce_sum3A_296 = vector.broadcast %reduce_sum3A : i1 to vector<16xi1>
        %reduce_sum3A_297 = tpu.scan <sum>, %convert_element_type3A_286 masked %reduce_sum3A_296 : vector<16xi32>, vector<16xi1> -> vector<16xi32>
        %reduce_sum3A_298 = vector.extract %reduce_sum3A_297[15] : i32 from vector<16xi32>
        %add3A_299 = arith.addi %scan3A_250, %reduce_sum3A_298 : i32
        %sub3A_300 = arith.subi %add3A_299, %scan3A_251 : i32
        %ge3A = arith.constant 4080 : i32
        %ge3A_301 = arith.cmpi sge, %sub3A_300, %ge3A : i32
        %convert_element_type3A_302 = arith.extui %ge3A_301 : i1 to i32
        %cond3A_303 = arith.constant 0 : i32
        %cond3A_304 = arith.cmpi ne, %convert_element_type3A_302, %cond3A_303 : i32
        scf.if %cond3A_304 {
          %add3A_311 = arith.constant 4096 : i32
          %add3A_312 = arith.addi %scan3A_251, %add3A_311 : i32
          %sub3A_313 = arith.subi %add3A_312, %add3A_299 : i32
          %add3A_314 = vector.broadcast %add3A_299 : i32 to vector<16xi32>
          %add3A_315 = arith.addi %add3A_314, %iota3A : vector<16xi32>
          %and3A_316 = arith.constant 8191 : i32
          %and3A_317 = vector.broadcast %and3A_316 : i32 to vector<16xi32>
          %and3A_318 = arith.andi %add3A_315, %and3A_317 : vector<16xi32>
          %lt3A_319 = vector.broadcast %sub3A_313 : i32 to vector<16xi32>
          %lt3A_320 = arith.cmpi slt, %iota3A, %lt3A_319 : vector<16xi32>
          tpu.vector_store_idx %arg13[%and3A_318], %broadcast_in_dim3A_0 masked %lt3A_320 : memref<8192xi32, #tpu.memory_space<vmem>>[vector<16xi32>], vector<16xi32>, vector<16xi1>
          tpu.vector_store_idx %arg14[%and3A_318], %broadcast_in_dim3A_2 masked %lt3A_320 : memref<8192xf32, #tpu.memory_space<vmem>>[vector<16xi32>], vector<16xf32>, vector<16xi1>
          %and3A_321 = arith.constant 8191 : i32
          %and3A_322 = arith.andi %scan3A_251, %and3A_321 : i32
          %multiple_of3A_323 = tpu.assume_multiple %and3A_322, 4096 : i32
          %add3A_324 = arith.constant 4096 : i32
          %add3A_325 = arith.addi %scan3A_251, %add3A_324 : i32
          %and3A_326 = arith.constant 8191 : i32
          %and3A_327 = arith.andi %add3A_325, %and3A_326 : i32
          %multiple_of3A_328 = tpu.assume_multiple %and3A_327, 4096 : i32
          %gt3A_329 = arith.constant 0 : i32
          %gt3A_330 = arith.cmpi sgt, %scan3A_251, %gt3A_329 : i32
          %convert_element_type3A_331 = arith.extui %gt3A_330 : i1 to i32
          %cond3A_332 = arith.constant 0 : i32
          %cond3A_333 = arith.cmpi ne, %convert_element_type3A_331, %cond3A_332 : i32
          scf.if %cond3A_333 {
            %dma_wait3A = tpu.memref_slice %arg14[%multiple_of3A_328] : memref<8192xf32, #tpu.memory_space<vmem>> -> memref<4096xf32, #tpu.memory_space<vmem>>
            %dma_wait3A_337 = tpu.memref_slice %arg13[%multiple_of3A_328] : memref<8192xi32, #tpu.memory_space<vmem>> -> memref<4096xi32, #tpu.memory_space<vmem>>
            %dma_wait3A_338 = arith.constant 0 : i32
            %dma_wait3A_339 = tpu.memref_slice %arg7[%dma_wait3A_338] : memref<1048576xf32, #tpu.memory_space<vmem_shared>> -> memref<1048576xf32, #tpu.memory_space<vmem_shared>>
            tpu.wait_indirect_dma semaphore(%arg15 : memref<!tpu.dma_semaphore, #tpu.memory_space<semaphore_mem>>) src(%dma_wait3A : memref<4096xf32, #tpu.memory_space<vmem>>) dst(%dma_wait3A_339 : memref<1048576xf32, #tpu.memory_space<vmem_shared>>)
          } else {
          }
          %dma_start3A = tpu.memref_slice %arg14[%multiple_of3A_323] : memref<8192xf32, #tpu.memory_space<vmem>> -> memref<4096xf32, #tpu.memory_space<vmem>>
          %dma_start3A_334 = tpu.memref_slice %arg13[%multiple_of3A_323] : memref<8192xi32, #tpu.memory_space<vmem>> -> memref<4096xi32, #tpu.memory_space<vmem>>
          %dma_start3A_335 = arith.constant 0 : i32
          %dma_start3A_336 = tpu.memref_slice %arg7[%dma_start3A_335] : memref<1048576xf32, #tpu.memory_space<vmem_shared>> -> memref<1048576xf32, #tpu.memory_space<vmem_shared>>
          tpu.enqueue_indirect_dma source(%dma_start3A : memref<4096xf32, #tpu.memory_space<vmem>>) target(%dma_start3A_336 : memref<1048576xf32, #tpu.memory_space<vmem_shared>>) offsets(%dma_start3A_334 : memref<4096xi32, #tpu.memory_space<vmem>>) semaphore(%arg15 : memref<!tpu.dma_semaphore, #tpu.memory_space<semaphore_mem>>) {add = true}
        } else {
        }
        %add3A_305 = arith.constant 4096 : i32
        %add3A_306 = arith.addi %scan3A_251, %add3A_305 : i32
        %select_n3A_307 = arith.select %ge3A_301, %add3A_306, %add3A_299 : i32
        %add3A_308 = arith.constant 4096 : i32
        %add3A_309 = arith.addi %scan3A_251, %add3A_308 : i32
        %select_n3A_310 = arith.select %ge3A_301, %add3A_309, %scan3A_251 : i32
        scf.yield %select_n3A_307, %select_n3A_310 : i32, i32
      }
      %scan3A_248 = arith.constant 512 : i32
      scf.yield %scan3A_247#0, %scan3A_247#1 : i32, i32
    }
    %add3A_176 = arith.constant 8191 : i32
    %add3A_177 = arith.addi %scan3A_31#10, %add3A_176 : i32
    %shift_right_arithmetic3A_178 = arith.constant 13 : i32
    %shift_right_arithmetic3A_179 = arith.shrsi %add3A_177, %shift_right_arithmetic3A_178 : i32
    %while3A_180 = arith.constant 0 : i32
    %while3A_181 = arith.subi %shift_right_arithmetic3A_179, %while3A_180 : i32
    %while3A_182 = arith.addi %while3A_180, %while3A_181 : i32
    %while3A_183 = arith.constant 1 : i32
    %while3A_184 = arith.divsi %while3A_181, %while3A_183 : i32
    %while3A_185 = arith.muli %while3A_184, %while3A_183 : i32
    %while3A_186 = arith.addi %while3A_180, %while3A_185 : i32
    %while3A_187 = arith.constant 1 : i32
    %while3A_188:2 = scf.for %while3A_230 = %while3A_180 to %while3A_186 step %while3A_187 iter_args(%while3A_231 = %while3A_175#0, %while3A_232 = %while3A_175#1) -> (i32, i32)  : i32 {
      %mul3A_233 = arith.constant 8192 : i32
      %mul3A_234 = arith.muli %while3A_230, %mul3A_233 : i32
      %add3A_235 = arith.addi %scan3A_31#9, %mul3A_234 : i32
      %multiple_of3A = tpu.assume_multiple %add3A_235, 2048 : i32
      "tpu.region"() ({
        %run_scoped3A = tpu.sem_alloc : memref<!tpu.dma_semaphore, #tpu.memory_space<semaphore_mem>>
        %dma_start3A = tpu.memref_slice %arg2[%multiple_of3A] : memref<2170880xf32, #tpu.memory_space<hbm>> -> memref<8192xf32, #tpu.memory_space<hbm>>
        %dma_start3A_249 = tpu.memref_slice %arg2[%multiple_of3A] : memref<2170880xf32, #tpu.memory_space<hbm>> -> memref<8192xf32, #tpu.memory_space<hbm>>
        tpu.enqueue_dma source(%dma_start3A_249 : memref<8192xf32, #tpu.memory_space<hbm>>) target(%arg10 : memref<8192xf32, #tpu.memory_space<vmem>>) target_semaphore(%run_scoped3A : memref<!tpu.dma_semaphore, #tpu.memory_space<semaphore_mem>>)
        %dma_wait3A = tpu.memref_slice %arg2[%multiple_of3A] : memref<2170880xf32, #tpu.memory_space<hbm>> -> memref<8192xf32, #tpu.memory_space<hbm>>
        %dma_wait3A_250 = tpu.memref_slice %arg2[%multiple_of3A] : memref<2170880xf32, #tpu.memory_space<hbm>> -> memref<8192xf32, #tpu.memory_space<hbm>>
        tpu.wait_dma2 semaphore(%run_scoped3A : memref<!tpu.dma_semaphore, #tpu.memory_space<semaphore_mem>>) src(%dma_wait3A_250 : memref<8192xf32, #tpu.memory_space<hbm>>) dst(%arg10 : memref<8192xf32, #tpu.memory_space<vmem>>)
        tpu.yield
      }) : () -> ()
      %mul3A_236 = arith.constant 8192 : i32
      %mul3A_237 = arith.muli %while3A_230, %mul3A_236 : i32
      %add3A_238 = arith.addi %scan3A_31#8, %mul3A_237 : i32
      %and3A = arith.constant -8 : i32
      %and3A_239 = arith.andi %add3A_238, %and3A : i32
      %min3A = arith.constant 2087920 : i32
      %min3A_240 = arith.minsi %and3A_239, %min3A : i32
      %multiple_of3A_241 = tpu.assume_multiple %min3A_240, 8 : i32
      %sub3A_242 = arith.subi %add3A_238, %multiple_of3A_241 : i32
      "tpu.region"() ({
        %run_scoped3A = tpu.sem_alloc : memref<!tpu.dma_semaphore, #tpu.memory_space<semaphore_mem>>
        %dma_start3A = tpu.memref_slice %arg3[%multiple_of3A_241] : memref<2096128xi32, #tpu.memory_space<hbm>> -> memref<8208xi32, #tpu.memory_space<hbm>>
        %dma_start3A_249 = tpu.memref_slice %arg3[%multiple_of3A_241] : memref<2096128xi32, #tpu.memory_space<hbm>> -> memref<8208xi32, #tpu.memory_space<hbm>>
        tpu.enqueue_dma source(%dma_start3A_249 : memref<8208xi32, #tpu.memory_space<hbm>>) target(%arg11 : memref<8208xi32, #tpu.memory_space<vmem>>) target_semaphore(%run_scoped3A : memref<!tpu.dma_semaphore, #tpu.memory_space<semaphore_mem>>)
        %dma_wait3A = tpu.memref_slice %arg3[%multiple_of3A_241] : memref<2096128xi32, #tpu.memory_space<hbm>> -> memref<8208xi32, #tpu.memory_space<hbm>>
        %dma_wait3A_250 = tpu.memref_slice %arg3[%multiple_of3A_241] : memref<2096128xi32, #tpu.memory_space<hbm>> -> memref<8208xi32, #tpu.memory_space<hbm>>
        tpu.wait_dma2 semaphore(%run_scoped3A : memref<!tpu.dma_semaphore, #tpu.memory_space<semaphore_mem>>) src(%dma_wait3A_250 : memref<8208xi32, #tpu.memory_space<hbm>>) dst(%arg11 : memref<8208xi32, #tpu.memory_space<vmem>>)
        tpu.yield
      }) : () -> ()
      "tpu.region"() ({
        %run_scoped3A = tpu.sem_alloc : memref<!tpu.dma_semaphore, #tpu.memory_space<semaphore_mem>>
        %dma_start3A = tpu.memref_slice %arg4[%multiple_of3A_241] : memref<2096128xi32, #tpu.memory_space<hbm>> -> memref<8208xi32, #tpu.memory_space<hbm>>
        %dma_start3A_249 = tpu.memref_slice %arg4[%multiple_of3A_241] : memref<2096128xi32, #tpu.memory_space<hbm>> -> memref<8208xi32, #tpu.memory_space<hbm>>
        tpu.enqueue_dma source(%dma_start3A_249 : memref<8208xi32, #tpu.memory_space<hbm>>) target(%arg12 : memref<8208xi32, #tpu.memory_space<vmem>>) target_semaphore(%run_scoped3A : memref<!tpu.dma_semaphore, #tpu.memory_space<semaphore_mem>>)
        %dma_wait3A = tpu.memref_slice %arg4[%multiple_of3A_241] : memref<2096128xi32, #tpu.memory_space<hbm>> -> memref<8208xi32, #tpu.memory_space<hbm>>
        %dma_wait3A_250 = tpu.memref_slice %arg4[%multiple_of3A_241] : memref<2096128xi32, #tpu.memory_space<hbm>> -> memref<8208xi32, #tpu.memory_space<hbm>>
        tpu.wait_dma2 semaphore(%run_scoped3A : memref<!tpu.dma_semaphore, #tpu.memory_space<semaphore_mem>>) src(%dma_wait3A_250 : memref<8208xi32, #tpu.memory_space<hbm>>) dst(%arg12 : memref<8208xi32, #tpu.memory_space<vmem>>)
        tpu.yield
      }) : () -> ()
      %scan3A_243 = arith.constant 0 : i32
      %scan3A_244 = arith.constant 512 : i32
      %scan3A_245 = arith.addi %scan3A_243, %scan3A_244 : i32
      %scan3A_246 = arith.constant 1 : i32
      %scan3A_247:2 = scf.for %scan3A_249 = %scan3A_243 to %scan3A_245 step %scan3A_246 iter_args(%scan3A_250 = %while3A_231, %scan3A_251 = %while3A_232) -> (i32, i32)  : i32 {
        %mul3A_252 = arith.constant 16 : i32
        %mul3A_253 = arith.muli %scan3A_249, %mul3A_252 : i32
        %add3A_254 = arith.addi %sub3A_242, %mul3A_253 : i32
        %add3A_255 = vector.broadcast %add3A_254 : i32 to vector<16xi32>
        %add3A_256 = arith.addi %add3A_255, %iota3A : vector<16xi32>
        %min3A_257 = arith.constant 8207 : i32
        %min3A_258 = vector.broadcast %min3A_257 : i32 to vector<16xi32>
        %min3A_259 = arith.minsi %add3A_256, %min3A_258 : vector<16xi32>
        %gather3A = tpu.vector_load_idx %arg11[%min3A_259] : memref<8208xi32, #tpu.memory_space<vmem>>[vector<16xi32>], vector<16xi32>,
        %gather3A_260 = tpu.vector_load_idx %arg12[%min3A_259] : memref<8208xi32, #tpu.memory_space<vmem>>[vector<16xi32>], vector<16xi32>,
        %mul3A_261 = arith.constant 16 : i32
        %mul3A_262 = arith.muli %scan3A_249, %mul3A_261 : i32
        %get3A = arith.index_cast %mul3A_262 : i32 to index
        %get3A_263 = tpu.vector_load %arg10[%get3A] {strides = array<i32>} : memref<8192xf32, #tpu.memory_space<vmem>>, vector<16xf32>,
        %mul3A_264 = arith.constant 8192 : i32
        %mul3A_265 = arith.muli %while3A_230, %mul3A_264 : i32
        %mul3A_266 = arith.constant 16 : i32
        %mul3A_267 = arith.muli %scan3A_249, %mul3A_266 : i32
        %add3A_268 = arith.addi %mul3A_265, %mul3A_267 : i32
        %add3A_269 = vector.broadcast %add3A_268 : i32 to vector<16xi32>
        %add3A_270 = arith.addi %add3A_269, %iota3A : vector<16xi32>
        %shift_right_arithmetic3A_271 = arith.constant 9 : i32
        %shift_right_arithmetic3A_272 = vector.broadcast %shift_right_arithmetic3A_271 : i32 to vector<16xi32>
        %shift_right_arithmetic3A_273 = arith.shrsi %gather3A_260, %shift_right_arithmetic3A_272 : vector<16xi32>
        %eq3A = vector.broadcast %add3A_135 : i32 to vector<16xi32>
        %eq3A_274 = arith.cmpi eq, %shift_right_arithmetic3A_273, %eq3A : vector<16xi32>
        %lt3A = vector.broadcast %scan3A_31#10 : i32 to vector<16xi32>
        %lt3A_275 = arith.cmpi slt, %add3A_270, %lt3A : vector<16xi32>
        %and3A_276 = arith.andi %eq3A_274, %lt3A_275 : vector<16xi1>
        %and3A_277 = arith.constant 511 : i32
        %and3A_278 = vector.broadcast %and3A_277 : i32 to vector<16xi32>
        %and3A_279 = arith.andi %gather3A_260, %and3A_278 : vector<16xi32>
        %shift_left3A = arith.constant 11 : i32
        %shift_left3A_280 = vector.broadcast %shift_left3A : i32 to vector<16xi32>
        %shift_left3A_281 = arith.shli %and3A_279, %shift_left3A_280 : vector<16xi32>
        %or3A = arith.ori %shift_left3A_281, %gather3A : vector<16xi32>
        %jit3A = arith.constant 0 : i32
        %broadcast_in_dim3A_282 = vector.broadcast %jit3A : i32 to vector<16xi32>
        %select_n3A = arith.select %and3A_276, %or3A, %broadcast_in_dim3A_282 : vector<16xi1>, vector<16xi32>
        %jit3A_283 = arith.constant 0.000000e+00 : f32
        %broadcast_in_dim3A_284 = vector.broadcast %jit3A_283 : f32 to vector<16xf32>
        %select_n3A_285 = arith.select %and3A_276, %get3A_263, %broadcast_in_dim3A_284 : vector<16xi1>, vector<16xf32>
        %convert_element_type3A_286 = arith.extui %and3A_276 : vector<16xi1> to vector<16xi32>
        %broadcast_in_dim3A_287 = arith.constant true
        %broadcast_in_dim3A_288 = vector.broadcast %broadcast_in_dim3A_287 : i1 to vector<16xi1>
        %masked_cumsum3A = tpu.scan <sum>, %convert_element_type3A_286 masked %broadcast_in_dim3A_288 : vector<16xi32>, vector<16xi1> -> vector<16xi32>
        %sub3A_289 = arith.constant 1 : i32
        %sub3A_290 = arith.subi %scan3A_250, %sub3A_289 : i32
        %add3A_291 = vector.broadcast %sub3A_290 : i32 to vector<16xi32>
        %add3A_292 = arith.addi %masked_cumsum3A, %add3A_291 : vector<16xi32>
        %and3A_293 = arith.constant 8191 : i32
        %and3A_294 = vector.broadcast %and3A_293 : i32 to vector<16xi32>
        %and3A_295 = arith.andi %add3A_292, %and3A_294 : vector<16xi32>
        tpu.vector_store_idx %arg13[%and3A_295], %select_n3A masked %and3A_276 : memref<8192xi32, #tpu.memory_space<vmem>>[vector<16xi32>], vector<16xi32>, vector<16xi1>
        tpu.vector_store_idx %arg14[%and3A_295], %select_n3A_285 masked %and3A_276 : memref<8192xf32, #tpu.memory_space<vmem>>[vector<16xi32>], vector<16xf32>, vector<16xi1>
        %reduce_sum3A = arith.constant true
        %reduce_sum3A_296 = vector.broadcast %reduce_sum3A : i1 to vector<16xi1>
        %reduce_sum3A_297 = tpu.scan <sum>, %convert_element_type3A_286 masked %reduce_sum3A_296 : vector<16xi32>, vector<16xi1> -> vector<16xi32>
        %reduce_sum3A_298 = vector.extract %reduce_sum3A_297[15] : i32 from vector<16xi32>
        %add3A_299 = arith.addi %scan3A_250, %reduce_sum3A_298 : i32
        %sub3A_300 = arith.subi %add3A_299, %scan3A_251 : i32
        %ge3A = arith.constant 4080 : i32
        %ge3A_301 = arith.cmpi sge, %sub3A_300, %ge3A : i32
        %convert_element_type3A_302 = arith.extui %ge3A_301 : i1 to i32
        %cond3A_303 = arith.constant 0 : i32
        %cond3A_304 = arith.cmpi ne, %convert_element_type3A_302, %cond3A_303 : i32
        scf.if %cond3A_304 {
          %add3A_311 = arith.constant 4096 : i32
          %add3A_312 = arith.addi %scan3A_251, %add3A_311 : i32
          %sub3A_313 = arith.subi %add3A_312, %add3A_299 : i32
          %add3A_314 = vector.broadcast %add3A_299 : i32 to vector<16xi32>
          %add3A_315 = arith.addi %add3A_314, %iota3A : vector<16xi32>
          %and3A_316 = arith.constant 8191 : i32
          %and3A_317 = vector.broadcast %and3A_316 : i32 to vector<16xi32>
          %and3A_318 = arith.andi %add3A_315, %and3A_317 : vector<16xi32>
          %lt3A_319 = vector.broadcast %sub3A_313 : i32 to vector<16xi32>
          %lt3A_320 = arith.cmpi slt, %iota3A, %lt3A_319 : vector<16xi32>
          tpu.vector_store_idx %arg13[%and3A_318], %broadcast_in_dim3A_0 masked %lt3A_320 : memref<8192xi32, #tpu.memory_space<vmem>>[vector<16xi32>], vector<16xi32>, vector<16xi1>
          tpu.vector_store_idx %arg14[%and3A_318], %broadcast_in_dim3A_2 masked %lt3A_320 : memref<8192xf32, #tpu.memory_space<vmem>>[vector<16xi32>], vector<16xf32>, vector<16xi1>
          %and3A_321 = arith.constant 8191 : i32
          %and3A_322 = arith.andi %scan3A_251, %and3A_321 : i32
          %multiple_of3A_323 = tpu.assume_multiple %and3A_322, 4096 : i32
          %add3A_324 = arith.constant 4096 : i32
          %add3A_325 = arith.addi %scan3A_251, %add3A_324 : i32
          %and3A_326 = arith.constant 8191 : i32
          %and3A_327 = arith.andi %add3A_325, %and3A_326 : i32
          %multiple_of3A_328 = tpu.assume_multiple %and3A_327, 4096 : i32
          %gt3A_329 = arith.constant 0 : i32
          %gt3A_330 = arith.cmpi sgt, %scan3A_251, %gt3A_329 : i32
          %convert_element_type3A_331 = arith.extui %gt3A_330 : i1 to i32
          %cond3A_332 = arith.constant 0 : i32
          %cond3A_333 = arith.cmpi ne, %convert_element_type3A_331, %cond3A_332 : i32
          scf.if %cond3A_333 {
            %dma_wait3A = tpu.memref_slice %arg14[%multiple_of3A_328] : memref<8192xf32, #tpu.memory_space<vmem>> -> memref<4096xf32, #tpu.memory_space<vmem>>
            %dma_wait3A_337 = tpu.memref_slice %arg13[%multiple_of3A_328] : memref<8192xi32, #tpu.memory_space<vmem>> -> memref<4096xi32, #tpu.memory_space<vmem>>
            %dma_wait3A_338 = arith.constant 0 : i32
            %dma_wait3A_339 = tpu.memref_slice %arg7[%dma_wait3A_338] : memref<1048576xf32, #tpu.memory_space<vmem_shared>> -> memref<1048576xf32, #tpu.memory_space<vmem_shared>>
            tpu.wait_indirect_dma semaphore(%arg15 : memref<!tpu.dma_semaphore, #tpu.memory_space<semaphore_mem>>) src(%dma_wait3A : memref<4096xf32, #tpu.memory_space<vmem>>) dst(%dma_wait3A_339 : memref<1048576xf32, #tpu.memory_space<vmem_shared>>)
          } else {
          }
          %dma_start3A = tpu.memref_slice %arg14[%multiple_of3A_323] : memref<8192xf32, #tpu.memory_space<vmem>> -> memref<4096xf32, #tpu.memory_space<vmem>>
          %dma_start3A_334 = tpu.memref_slice %arg13[%multiple_of3A_323] : memref<8192xi32, #tpu.memory_space<vmem>> -> memref<4096xi32, #tpu.memory_space<vmem>>
          %dma_start3A_335 = arith.constant 0 : i32
          %dma_start3A_336 = tpu.memref_slice %arg7[%dma_start3A_335] : memref<1048576xf32, #tpu.memory_space<vmem_shared>> -> memref<1048576xf32, #tpu.memory_space<vmem_shared>>
          tpu.enqueue_indirect_dma source(%dma_start3A : memref<4096xf32, #tpu.memory_space<vmem>>) target(%dma_start3A_336 : memref<1048576xf32, #tpu.memory_space<vmem_shared>>) offsets(%dma_start3A_334 : memref<4096xi32, #tpu.memory_space<vmem>>) semaphore(%arg15 : memref<!tpu.dma_semaphore, #tpu.memory_space<semaphore_mem>>) {add = true}
        } else {
        }
        %add3A_305 = arith.constant 4096 : i32
        %add3A_306 = arith.addi %scan3A_251, %add3A_305 : i32
        %select_n3A_307 = arith.select %ge3A_301, %add3A_306, %add3A_299 : i32
        %add3A_308 = arith.constant 4096 : i32
        %add3A_309 = arith.addi %scan3A_251, %add3A_308 : i32
        %select_n3A_310 = arith.select %ge3A_301, %add3A_309, %scan3A_251 : i32
        scf.yield %select_n3A_307, %select_n3A_310 : i32, i32
      }
      %scan3A_248 = arith.constant 512 : i32
      scf.yield %scan3A_247#0, %scan3A_247#1 : i32, i32
    }
    %while3A_189 = arith.constant 1 : i32
    %while3A_190:2 = scf.for %while3A_230 = %while3A_186 to %while3A_182 step %while3A_189 iter_args(%while3A_231 = %while3A_188#0, %while3A_232 = %while3A_188#1) -> (i32, i32)  : i32 {
      %mul3A_233 = arith.constant 8192 : i32
      %mul3A_234 = arith.muli %while3A_230, %mul3A_233 : i32
      %add3A_235 = arith.addi %scan3A_31#9, %mul3A_234 : i32
      %multiple_of3A = tpu.assume_multiple %add3A_235, 2048 : i32
      "tpu.region"() ({
        %run_scoped3A = tpu.sem_alloc : memref<!tpu.dma_semaphore, #tpu.memory_space<semaphore_mem>>
        %dma_start3A = tpu.memref_slice %arg2[%multiple_of3A] : memref<2170880xf32, #tpu.memory_space<hbm>> -> memref<8192xf32, #tpu.memory_space<hbm>>
        %dma_start3A_249 = tpu.memref_slice %arg2[%multiple_of3A] : memref<2170880xf32, #tpu.memory_space<hbm>> -> memref<8192xf32, #tpu.memory_space<hbm>>
        tpu.enqueue_dma source(%dma_start3A_249 : memref<8192xf32, #tpu.memory_space<hbm>>) target(%arg10 : memref<8192xf32, #tpu.memory_space<vmem>>) target_semaphore(%run_scoped3A : memref<!tpu.dma_semaphore, #tpu.memory_space<semaphore_mem>>)
        %dma_wait3A = tpu.memref_slice %arg2[%multiple_of3A] : memref<2170880xf32, #tpu.memory_space<hbm>> -> memref<8192xf32, #tpu.memory_space<hbm>>
        %dma_wait3A_250 = tpu.memref_slice %arg2[%multiple_of3A] : memref<2170880xf32, #tpu.memory_space<hbm>> -> memref<8192xf32, #tpu.memory_space<hbm>>
        tpu.wait_dma2 semaphore(%run_scoped3A : memref<!tpu.dma_semaphore, #tpu.memory_space<semaphore_mem>>) src(%dma_wait3A_250 : memref<8192xf32, #tpu.memory_space<hbm>>) dst(%arg10 : memref<8192xf32, #tpu.memory_space<vmem>>)
        tpu.yield
      }) : () -> ()
      %mul3A_236 = arith.constant 8192 : i32
      %mul3A_237 = arith.muli %while3A_230, %mul3A_236 : i32
      %add3A_238 = arith.addi %scan3A_31#8, %mul3A_237 : i32
      %and3A = arith.constant -8 : i32
      %and3A_239 = arith.andi %add3A_238, %and3A : i32
      %min3A = arith.constant 2087920 : i32
      %min3A_240 = arith.minsi %and3A_239, %min3A : i32
      %multiple_of3A_241 = tpu.assume_multiple %min3A_240, 8 : i32
      %sub3A_242 = arith.subi %add3A_238, %multiple_of3A_241 : i32
      "tpu.region"() ({
        %run_scoped3A = tpu.sem_alloc : memref<!tpu.dma_semaphore, #tpu.memory_space<semaphore_mem>>
        %dma_start3A = tpu.memref_slice %arg3[%multiple_of3A_241] : memref<2096128xi32, #tpu.memory_space<hbm>> -> memref<8208xi32, #tpu.memory_space<hbm>>
        %dma_start3A_249 = tpu.memref_slice %arg3[%multiple_of3A_241] : memref<2096128xi32, #tpu.memory_space<hbm>> -> memref<8208xi32, #tpu.memory_space<hbm>>
        tpu.enqueue_dma source(%dma_start3A_249 : memref<8208xi32, #tpu.memory_space<hbm>>) target(%arg11 : memref<8208xi32, #tpu.memory_space<vmem>>) target_semaphore(%run_scoped3A : memref<!tpu.dma_semaphore, #tpu.memory_space<semaphore_mem>>)
        %dma_wait3A = tpu.memref_slice %arg3[%multiple_of3A_241] : memref<2096128xi32, #tpu.memory_space<hbm>> -> memref<8208xi32, #tpu.memory_space<hbm>>
        %dma_wait3A_250 = tpu.memref_slice %arg3[%multiple_of3A_241] : memref<2096128xi32, #tpu.memory_space<hbm>> -> memref<8208xi32, #tpu.memory_space<hbm>>
        tpu.wait_dma2 semaphore(%run_scoped3A : memref<!tpu.dma_semaphore, #tpu.memory_space<semaphore_mem>>) src(%dma_wait3A_250 : memref<8208xi32, #tpu.memory_space<hbm>>) dst(%arg11 : memref<8208xi32, #tpu.memory_space<vmem>>)
        tpu.yield
      }) : () -> ()
      "tpu.region"() ({
        %run_scoped3A = tpu.sem_alloc : memref<!tpu.dma_semaphore, #tpu.memory_space<semaphore_mem>>
        %dma_start3A = tpu.memref_slice %arg4[%multiple_of3A_241] : memref<2096128xi32, #tpu.memory_space<hbm>> -> memref<8208xi32, #tpu.memory_space<hbm>>
        %dma_start3A_249 = tpu.memref_slice %arg4[%multiple_of3A_241] : memref<2096128xi32, #tpu.memory_space<hbm>> -> memref<8208xi32, #tpu.memory_space<hbm>>
        tpu.enqueue_dma source(%dma_start3A_249 : memref<8208xi32, #tpu.memory_space<hbm>>) target(%arg12 : memref<8208xi32, #tpu.memory_space<vmem>>) target_semaphore(%run_scoped3A : memref<!tpu.dma_semaphore, #tpu.memory_space<semaphore_mem>>)
        %dma_wait3A = tpu.memref_slice %arg4[%multiple_of3A_241] : memref<2096128xi32, #tpu.memory_space<hbm>> -> memref<8208xi32, #tpu.memory_space<hbm>>
        %dma_wait3A_250 = tpu.memref_slice %arg4[%multiple_of3A_241] : memref<2096128xi32, #tpu.memory_space<hbm>> -> memref<8208xi32, #tpu.memory_space<hbm>>
        tpu.wait_dma2 semaphore(%run_scoped3A : memref<!tpu.dma_semaphore, #tpu.memory_space<semaphore_mem>>) src(%dma_wait3A_250 : memref<8208xi32, #tpu.memory_space<hbm>>) dst(%arg12 : memref<8208xi32, #tpu.memory_space<vmem>>)
        tpu.yield
      }) : () -> ()
      %scan3A_243 = arith.constant 0 : i32
      %scan3A_244 = arith.constant 512 : i32
      %scan3A_245 = arith.addi %scan3A_243, %scan3A_244 : i32
      %scan3A_246 = arith.constant 1 : i32
      %scan3A_247:2 = scf.for %scan3A_249 = %scan3A_243 to %scan3A_245 step %scan3A_246 iter_args(%scan3A_250 = %while3A_231, %scan3A_251 = %while3A_232) -> (i32, i32)  : i32 {
        %mul3A_252 = arith.constant 16 : i32
        %mul3A_253 = arith.muli %scan3A_249, %mul3A_252 : i32
        %add3A_254 = arith.addi %sub3A_242, %mul3A_253 : i32
        %add3A_255 = vector.broadcast %add3A_254 : i32 to vector<16xi32>
        %add3A_256 = arith.addi %add3A_255, %iota3A : vector<16xi32>
        %min3A_257 = arith.constant 8207 : i32
        %min3A_258 = vector.broadcast %min3A_257 : i32 to vector<16xi32>
        %min3A_259 = arith.minsi %add3A_256, %min3A_258 : vector<16xi32>
        %gather3A = tpu.vector_load_idx %arg11[%min3A_259] : memref<8208xi32, #tpu.memory_space<vmem>>[vector<16xi32>], vector<16xi32>,
        %gather3A_260 = tpu.vector_load_idx %arg12[%min3A_259] : memref<8208xi32, #tpu.memory_space<vmem>>[vector<16xi32>], vector<16xi32>,
        %mul3A_261 = arith.constant 16 : i32
        %mul3A_262 = arith.muli %scan3A_249, %mul3A_261 : i32
        %get3A = arith.index_cast %mul3A_262 : i32 to index
        %get3A_263 = tpu.vector_load %arg10[%get3A] {strides = array<i32>} : memref<8192xf32, #tpu.memory_space<vmem>>, vector<16xf32>,
        %mul3A_264 = arith.constant 8192 : i32
        %mul3A_265 = arith.muli %while3A_230, %mul3A_264 : i32
        %mul3A_266 = arith.constant 16 : i32
        %mul3A_267 = arith.muli %scan3A_249, %mul3A_266 : i32
        %add3A_268 = arith.addi %mul3A_265, %mul3A_267 : i32
        %add3A_269 = vector.broadcast %add3A_268 : i32 to vector<16xi32>
        %add3A_270 = arith.addi %add3A_269, %iota3A : vector<16xi32>
        %shift_right_arithmetic3A_271 = arith.constant 9 : i32
        %shift_right_arithmetic3A_272 = vector.broadcast %shift_right_arithmetic3A_271 : i32 to vector<16xi32>
        %shift_right_arithmetic3A_273 = arith.shrsi %gather3A_260, %shift_right_arithmetic3A_272 : vector<16xi32>
        %eq3A = vector.broadcast %add3A_135 : i32 to vector<16xi32>
        %eq3A_274 = arith.cmpi eq, %shift_right_arithmetic3A_273, %eq3A : vector<16xi32>
        %lt3A = vector.broadcast %scan3A_31#10 : i32 to vector<16xi32>
        %lt3A_275 = arith.cmpi slt, %add3A_270, %lt3A : vector<16xi32>
        %and3A_276 = arith.andi %eq3A_274, %lt3A_275 : vector<16xi1>
        %and3A_277 = arith.constant 511 : i32
        %and3A_278 = vector.broadcast %and3A_277 : i32 to vector<16xi32>
        %and3A_279 = arith.andi %gather3A_260, %and3A_278 : vector<16xi32>
        %shift_left3A = arith.constant 11 : i32
        %shift_left3A_280 = vector.broadcast %shift_left3A : i32 to vector<16xi32>
        %shift_left3A_281 = arith.shli %and3A_279, %shift_left3A_280 : vector<16xi32>
        %or3A = arith.ori %shift_left3A_281, %gather3A : vector<16xi32>
        %jit3A = arith.constant 0 : i32
        %broadcast_in_dim3A_282 = vector.broadcast %jit3A : i32 to vector<16xi32>
        %select_n3A = arith.select %and3A_276, %or3A, %broadcast_in_dim3A_282 : vector<16xi1>, vector<16xi32>
        %jit3A_283 = arith.constant 0.000000e+00 : f32
        %broadcast_in_dim3A_284 = vector.broadcast %jit3A_283 : f32 to vector<16xf32>
        %select_n3A_285 = arith.select %and3A_276, %get3A_263, %broadcast_in_dim3A_284 : vector<16xi1>, vector<16xf32>
        %convert_element_type3A_286 = arith.extui %and3A_276 : vector<16xi1> to vector<16xi32>
        %broadcast_in_dim3A_287 = arith.constant true
        %broadcast_in_dim3A_288 = vector.broadcast %broadcast_in_dim3A_287 : i1 to vector<16xi1>
        %masked_cumsum3A = tpu.scan <sum>, %convert_element_type3A_286 masked %broadcast_in_dim3A_288 : vector<16xi32>, vector<16xi1> -> vector<16xi32>
        %sub3A_289 = arith.constant 1 : i32
        %sub3A_290 = arith.subi %scan3A_250, %sub3A_289 : i32
        %add3A_291 = vector.broadcast %sub3A_290 : i32 to vector<16xi32>
        %add3A_292 = arith.addi %masked_cumsum3A, %add3A_291 : vector<16xi32>
        %and3A_293 = arith.constant 8191 : i32
        %and3A_294 = vector.broadcast %and3A_293 : i32 to vector<16xi32>
        %and3A_295 = arith.andi %add3A_292, %and3A_294 : vector<16xi32>
        tpu.vector_store_idx %arg13[%and3A_295], %select_n3A masked %and3A_276 : memref<8192xi32, #tpu.memory_space<vmem>>[vector<16xi32>], vector<16xi32>, vector<16xi1>
        tpu.vector_store_idx %arg14[%and3A_295], %select_n3A_285 masked %and3A_276 : memref<8192xf32, #tpu.memory_space<vmem>>[vector<16xi32>], vector<16xf32>, vector<16xi1>
        %reduce_sum3A = arith.constant true
        %reduce_sum3A_296 = vector.broadcast %reduce_sum3A : i1 to vector<16xi1>
        %reduce_sum3A_297 = tpu.scan <sum>, %convert_element_type3A_286 masked %reduce_sum3A_296 : vector<16xi32>, vector<16xi1> -> vector<16xi32>
        %reduce_sum3A_298 = vector.extract %reduce_sum3A_297[15] : i32 from vector<16xi32>
        %add3A_299 = arith.addi %scan3A_250, %reduce_sum3A_298 : i32
        %sub3A_300 = arith.subi %add3A_299, %scan3A_251 : i32
        %ge3A = arith.constant 4080 : i32
        %ge3A_301 = arith.cmpi sge, %sub3A_300, %ge3A : i32
        %convert_element_type3A_302 = arith.extui %ge3A_301 : i1 to i32
        %cond3A_303 = arith.constant 0 : i32
        %cond3A_304 = arith.cmpi ne, %convert_element_type3A_302, %cond3A_303 : i32
        scf.if %cond3A_304 {
          %add3A_311 = arith.constant 4096 : i32
          %add3A_312 = arith.addi %scan3A_251, %add3A_311 : i32
          %sub3A_313 = arith.subi %add3A_312, %add3A_299 : i32
          %add3A_314 = vector.broadcast %add3A_299 : i32 to vector<16xi32>
          %add3A_315 = arith.addi %add3A_314, %iota3A : vector<16xi32>
          %and3A_316 = arith.constant 8191 : i32
          %and3A_317 = vector.broadcast %and3A_316 : i32 to vector<16xi32>
          %and3A_318 = arith.andi %add3A_315, %and3A_317 : vector<16xi32>
          %lt3A_319 = vector.broadcast %sub3A_313 : i32 to vector<16xi32>
          %lt3A_320 = arith.cmpi slt, %iota3A, %lt3A_319 : vector<16xi32>
          tpu.vector_store_idx %arg13[%and3A_318], %broadcast_in_dim3A_0 masked %lt3A_320 : memref<8192xi32, #tpu.memory_space<vmem>>[vector<16xi32>], vector<16xi32>, vector<16xi1>
          tpu.vector_store_idx %arg14[%and3A_318], %broadcast_in_dim3A_2 masked %lt3A_320 : memref<8192xf32, #tpu.memory_space<vmem>>[vector<16xi32>], vector<16xf32>, vector<16xi1>
          %and3A_321 = arith.constant 8191 : i32
          %and3A_322 = arith.andi %scan3A_251, %and3A_321 : i32
          %multiple_of3A_323 = tpu.assume_multiple %and3A_322, 4096 : i32
          %add3A_324 = arith.constant 4096 : i32
          %add3A_325 = arith.addi %scan3A_251, %add3A_324 : i32
          %and3A_326 = arith.constant 8191 : i32
          %and3A_327 = arith.andi %add3A_325, %and3A_326 : i32
          %multiple_of3A_328 = tpu.assume_multiple %and3A_327, 4096 : i32
          %gt3A_329 = arith.constant 0 : i32
          %gt3A_330 = arith.cmpi sgt, %scan3A_251, %gt3A_329 : i32
          %convert_element_type3A_331 = arith.extui %gt3A_330 : i1 to i32
          %cond3A_332 = arith.constant 0 : i32
          %cond3A_333 = arith.cmpi ne, %convert_element_type3A_331, %cond3A_332 : i32
          scf.if %cond3A_333 {
            %dma_wait3A = tpu.memref_slice %arg14[%multiple_of3A_328] : memref<8192xf32, #tpu.memory_space<vmem>> -> memref<4096xf32, #tpu.memory_space<vmem>>
            %dma_wait3A_337 = tpu.memref_slice %arg13[%multiple_of3A_328] : memref<8192xi32, #tpu.memory_space<vmem>> -> memref<4096xi32, #tpu.memory_space<vmem>>
            %dma_wait3A_338 = arith.constant 0 : i32
            %dma_wait3A_339 = tpu.memref_slice %arg7[%dma_wait3A_338] : memref<1048576xf32, #tpu.memory_space<vmem_shared>> -> memref<1048576xf32, #tpu.memory_space<vmem_shared>>
            tpu.wait_indirect_dma semaphore(%arg15 : memref<!tpu.dma_semaphore, #tpu.memory_space<semaphore_mem>>) src(%dma_wait3A : memref<4096xf32, #tpu.memory_space<vmem>>) dst(%dma_wait3A_339 : memref<1048576xf32, #tpu.memory_space<vmem_shared>>)
          } else {
          }
          %dma_start3A = tpu.memref_slice %arg14[%multiple_of3A_323] : memref<8192xf32, #tpu.memory_space<vmem>> -> memref<4096xf32, #tpu.memory_space<vmem>>
          %dma_start3A_334 = tpu.memref_slice %arg13[%multiple_of3A_323] : memref<8192xi32, #tpu.memory_space<vmem>> -> memref<4096xi32, #tpu.memory_space<vmem>>
          %dma_start3A_335 = arith.constant 0 : i32
          %dma_start3A_336 = tpu.memref_slice %arg7[%dma_start3A_335] : memref<1048576xf32, #tpu.memory_space<vmem_shared>> -> memref<1048576xf32, #tpu.memory_space<vmem_shared>>
          tpu.enqueue_indirect_dma source(%dma_start3A : memref<4096xf32, #tpu.memory_space<vmem>>) target(%dma_start3A_336 : memref<1048576xf32, #tpu.memory_space<vmem_shared>>) offsets(%dma_start3A_334 : memref<4096xi32, #tpu.memory_space<vmem>>) semaphore(%arg15 : memref<!tpu.dma_semaphore, #tpu.memory_space<semaphore_mem>>) {add = true}
        } else {
        }
        %add3A_305 = arith.constant 4096 : i32
        %add3A_306 = arith.addi %scan3A_251, %add3A_305 : i32
        %select_n3A_307 = arith.select %ge3A_301, %add3A_306, %add3A_299 : i32
        %add3A_308 = arith.constant 4096 : i32
        %add3A_309 = arith.addi %scan3A_251, %add3A_308 : i32
        %select_n3A_310 = arith.select %ge3A_301, %add3A_309, %scan3A_251 : i32
        scf.yield %select_n3A_307, %select_n3A_310 : i32, i32
      }
      %scan3A_248 = arith.constant 512 : i32
      scf.yield %scan3A_247#0, %scan3A_247#1 : i32, i32
    }
    %add3A_191 = arith.constant 8191 : i32
    %add3A_192 = arith.addi %scan3A_31#13, %add3A_191 : i32
    %shift_right_arithmetic3A_193 = arith.constant 13 : i32
    %shift_right_arithmetic3A_194 = arith.shrsi %add3A_192, %shift_right_arithmetic3A_193 : i32
    %while3A_195 = arith.constant 0 : i32
    %while3A_196 = arith.subi %shift_right_arithmetic3A_194, %while3A_195 : i32
    %while3A_197 = arith.addi %while3A_195, %while3A_196 : i32
    %while3A_198 = arith.constant 1 : i32
    %while3A_199 = arith.divsi %while3A_196, %while3A_198 : i32
    %while3A_200 = arith.muli %while3A_199, %while3A_198 : i32
    %while3A_201 = arith.addi %while3A_195, %while3A_200 : i32
    %while3A_202 = arith.constant 1 : i32
    %while3A_203:2 = scf.for %while3A_230 = %while3A_195 to %while3A_201 step %while3A_202 iter_args(%while3A_231 = %while3A_190#0, %while3A_232 = %while3A_190#1) -> (i32, i32)  : i32 {
      %mul3A_233 = arith.constant 8192 : i32
      %mul3A_234 = arith.muli %while3A_230, %mul3A_233 : i32
      %add3A_235 = arith.addi %scan3A_31#12, %mul3A_234 : i32
      %multiple_of3A = tpu.assume_multiple %add3A_235, 2048 : i32
      "tpu.region"() ({
        %run_scoped3A = tpu.sem_alloc : memref<!tpu.dma_semaphore, #tpu.memory_space<semaphore_mem>>
        %dma_start3A = tpu.memref_slice %arg2[%multiple_of3A] : memref<2170880xf32, #tpu.memory_space<hbm>> -> memref<8192xf32, #tpu.memory_space<hbm>>
        %dma_start3A_249 = tpu.memref_slice %arg2[%multiple_of3A] : memref<2170880xf32, #tpu.memory_space<hbm>> -> memref<8192xf32, #tpu.memory_space<hbm>>
        tpu.enqueue_dma source(%dma_start3A_249 : memref<8192xf32, #tpu.memory_space<hbm>>) target(%arg10 : memref<8192xf32, #tpu.memory_space<vmem>>) target_semaphore(%run_scoped3A : memref<!tpu.dma_semaphore, #tpu.memory_space<semaphore_mem>>)
        %dma_wait3A = tpu.memref_slice %arg2[%multiple_of3A] : memref<2170880xf32, #tpu.memory_space<hbm>> -> memref<8192xf32, #tpu.memory_space<hbm>>
        %dma_wait3A_250 = tpu.memref_slice %arg2[%multiple_of3A] : memref<2170880xf32, #tpu.memory_space<hbm>> -> memref<8192xf32, #tpu.memory_space<hbm>>
        tpu.wait_dma2 semaphore(%run_scoped3A : memref<!tpu.dma_semaphore, #tpu.memory_space<semaphore_mem>>) src(%dma_wait3A_250 : memref<8192xf32, #tpu.memory_space<hbm>>) dst(%arg10 : memref<8192xf32, #tpu.memory_space<vmem>>)
        tpu.yield
      }) : () -> ()
      %mul3A_236 = arith.constant 8192 : i32
      %mul3A_237 = arith.muli %while3A_230, %mul3A_236 : i32
      %add3A_238 = arith.addi %scan3A_31#11, %mul3A_237 : i32
      %and3A = arith.constant -8 : i32
      %and3A_239 = arith.andi %add3A_238, %and3A : i32
      %min3A = arith.constant 2087920 : i32
      %min3A_240 = arith.minsi %and3A_239, %min3A : i32
      %multiple_of3A_241 = tpu.assume_multiple %min3A_240, 8 : i32
      %sub3A_242 = arith.subi %add3A_238, %multiple_of3A_241 : i32
      "tpu.region"() ({
        %run_scoped3A = tpu.sem_alloc : memref<!tpu.dma_semaphore, #tpu.memory_space<semaphore_mem>>
        %dma_start3A = tpu.memref_slice %arg3[%multiple_of3A_241] : memref<2096128xi32, #tpu.memory_space<hbm>> -> memref<8208xi32, #tpu.memory_space<hbm>>
        %dma_start3A_249 = tpu.memref_slice %arg3[%multiple_of3A_241] : memref<2096128xi32, #tpu.memory_space<hbm>> -> memref<8208xi32, #tpu.memory_space<hbm>>
        tpu.enqueue_dma source(%dma_start3A_249 : memref<8208xi32, #tpu.memory_space<hbm>>) target(%arg11 : memref<8208xi32, #tpu.memory_space<vmem>>) target_semaphore(%run_scoped3A : memref<!tpu.dma_semaphore, #tpu.memory_space<semaphore_mem>>)
        %dma_wait3A = tpu.memref_slice %arg3[%multiple_of3A_241] : memref<2096128xi32, #tpu.memory_space<hbm>> -> memref<8208xi32, #tpu.memory_space<hbm>>
        %dma_wait3A_250 = tpu.memref_slice %arg3[%multiple_of3A_241] : memref<2096128xi32, #tpu.memory_space<hbm>> -> memref<8208xi32, #tpu.memory_space<hbm>>
        tpu.wait_dma2 semaphore(%run_scoped3A : memref<!tpu.dma_semaphore, #tpu.memory_space<semaphore_mem>>) src(%dma_wait3A_250 : memref<8208xi32, #tpu.memory_space<hbm>>) dst(%arg11 : memref<8208xi32, #tpu.memory_space<vmem>>)
        tpu.yield
      }) : () -> ()
      "tpu.region"() ({
        %run_scoped3A = tpu.sem_alloc : memref<!tpu.dma_semaphore, #tpu.memory_space<semaphore_mem>>
        %dma_start3A = tpu.memref_slice %arg4[%multiple_of3A_241] : memref<2096128xi32, #tpu.memory_space<hbm>> -> memref<8208xi32, #tpu.memory_space<hbm>>
        %dma_start3A_249 = tpu.memref_slice %arg4[%multiple_of3A_241] : memref<2096128xi32, #tpu.memory_space<hbm>> -> memref<8208xi32, #tpu.memory_space<hbm>>
        tpu.enqueue_dma source(%dma_start3A_249 : memref<8208xi32, #tpu.memory_space<hbm>>) target(%arg12 : memref<8208xi32, #tpu.memory_space<vmem>>) target_semaphore(%run_scoped3A : memref<!tpu.dma_semaphore, #tpu.memory_space<semaphore_mem>>)
        %dma_wait3A = tpu.memref_slice %arg4[%multiple_of3A_241] : memref<2096128xi32, #tpu.memory_space<hbm>> -> memref<8208xi32, #tpu.memory_space<hbm>>
        %dma_wait3A_250 = tpu.memref_slice %arg4[%multiple_of3A_241] : memref<2096128xi32, #tpu.memory_space<hbm>> -> memref<8208xi32, #tpu.memory_space<hbm>>
        tpu.wait_dma2 semaphore(%run_scoped3A : memref<!tpu.dma_semaphore, #tpu.memory_space<semaphore_mem>>) src(%dma_wait3A_250 : memref<8208xi32, #tpu.memory_space<hbm>>) dst(%arg12 : memref<8208xi32, #tpu.memory_space<vmem>>)
        tpu.yield
      }) : () -> ()
      %scan3A_243 = arith.constant 0 : i32
      %scan3A_244 = arith.constant 512 : i32
      %scan3A_245 = arith.addi %scan3A_243, %scan3A_244 : i32
      %scan3A_246 = arith.constant 1 : i32
      %scan3A_247:2 = scf.for %scan3A_249 = %scan3A_243 to %scan3A_245 step %scan3A_246 iter_args(%scan3A_250 = %while3A_231, %scan3A_251 = %while3A_232) -> (i32, i32)  : i32 {
        %mul3A_252 = arith.constant 16 : i32
        %mul3A_253 = arith.muli %scan3A_249, %mul3A_252 : i32
        %add3A_254 = arith.addi %sub3A_242, %mul3A_253 : i32
        %add3A_255 = vector.broadcast %add3A_254 : i32 to vector<16xi32>
        %add3A_256 = arith.addi %add3A_255, %iota3A : vector<16xi32>
        %min3A_257 = arith.constant 8207 : i32
        %min3A_258 = vector.broadcast %min3A_257 : i32 to vector<16xi32>
        %min3A_259 = arith.minsi %add3A_256, %min3A_258 : vector<16xi32>
        %gather3A = tpu.vector_load_idx %arg11[%min3A_259] : memref<8208xi32, #tpu.memory_space<vmem>>[vector<16xi32>], vector<16xi32>,
        %gather3A_260 = tpu.vector_load_idx %arg12[%min3A_259] : memref<8208xi32, #tpu.memory_space<vmem>>[vector<16xi32>], vector<16xi32>,
        %mul3A_261 = arith.constant 16 : i32
        %mul3A_262 = arith.muli %scan3A_249, %mul3A_261 : i32
        %get3A = arith.index_cast %mul3A_262 : i32 to index
        %get3A_263 = tpu.vector_load %arg10[%get3A] {strides = array<i32>} : memref<8192xf32, #tpu.memory_space<vmem>>, vector<16xf32>,
        %mul3A_264 = arith.constant 8192 : i32
        %mul3A_265 = arith.muli %while3A_230, %mul3A_264 : i32
        %mul3A_266 = arith.constant 16 : i32
        %mul3A_267 = arith.muli %scan3A_249, %mul3A_266 : i32
        %add3A_268 = arith.addi %mul3A_265, %mul3A_267 : i32
        %add3A_269 = vector.broadcast %add3A_268 : i32 to vector<16xi32>
        %add3A_270 = arith.addi %add3A_269, %iota3A : vector<16xi32>
        %shift_right_arithmetic3A_271 = arith.constant 9 : i32
        %shift_right_arithmetic3A_272 = vector.broadcast %shift_right_arithmetic3A_271 : i32 to vector<16xi32>
        %shift_right_arithmetic3A_273 = arith.shrsi %gather3A_260, %shift_right_arithmetic3A_272 : vector<16xi32>
        %eq3A = vector.broadcast %add3A_135 : i32 to vector<16xi32>
        %eq3A_274 = arith.cmpi eq, %shift_right_arithmetic3A_273, %eq3A : vector<16xi32>
        %lt3A = vector.broadcast %scan3A_31#13 : i32 to vector<16xi32>
        %lt3A_275 = arith.cmpi slt, %add3A_270, %lt3A : vector<16xi32>
        %and3A_276 = arith.andi %eq3A_274, %lt3A_275 : vector<16xi1>
        %and3A_277 = arith.constant 511 : i32
        %and3A_278 = vector.broadcast %and3A_277 : i32 to vector<16xi32>
        %and3A_279 = arith.andi %gather3A_260, %and3A_278 : vector<16xi32>
        %shift_left3A = arith.constant 11 : i32
        %shift_left3A_280 = vector.broadcast %shift_left3A : i32 to vector<16xi32>
        %shift_left3A_281 = arith.shli %and3A_279, %shift_left3A_280 : vector<16xi32>
        %or3A = arith.ori %shift_left3A_281, %gather3A : vector<16xi32>
        %jit3A = arith.constant 0 : i32
        %broadcast_in_dim3A_282 = vector.broadcast %jit3A : i32 to vector<16xi32>
        %select_n3A = arith.select %and3A_276, %or3A, %broadcast_in_dim3A_282 : vector<16xi1>, vector<16xi32>
        %jit3A_283 = arith.constant 0.000000e+00 : f32
        %broadcast_in_dim3A_284 = vector.broadcast %jit3A_283 : f32 to vector<16xf32>
        %select_n3A_285 = arith.select %and3A_276, %get3A_263, %broadcast_in_dim3A_284 : vector<16xi1>, vector<16xf32>
        %convert_element_type3A_286 = arith.extui %and3A_276 : vector<16xi1> to vector<16xi32>
        %broadcast_in_dim3A_287 = arith.constant true
        %broadcast_in_dim3A_288 = vector.broadcast %broadcast_in_dim3A_287 : i1 to vector<16xi1>
        %masked_cumsum3A = tpu.scan <sum>, %convert_element_type3A_286 masked %broadcast_in_dim3A_288 : vector<16xi32>, vector<16xi1> -> vector<16xi32>
        %sub3A_289 = arith.constant 1 : i32
        %sub3A_290 = arith.subi %scan3A_250, %sub3A_289 : i32
        %add3A_291 = vector.broadcast %sub3A_290 : i32 to vector<16xi32>
        %add3A_292 = arith.addi %masked_cumsum3A, %add3A_291 : vector<16xi32>
        %and3A_293 = arith.constant 8191 : i32
        %and3A_294 = vector.broadcast %and3A_293 : i32 to vector<16xi32>
        %and3A_295 = arith.andi %add3A_292, %and3A_294 : vector<16xi32>
        tpu.vector_store_idx %arg13[%and3A_295], %select_n3A masked %and3A_276 : memref<8192xi32, #tpu.memory_space<vmem>>[vector<16xi32>], vector<16xi32>, vector<16xi1>
        tpu.vector_store_idx %arg14[%and3A_295], %select_n3A_285 masked %and3A_276 : memref<8192xf32, #tpu.memory_space<vmem>>[vector<16xi32>], vector<16xf32>, vector<16xi1>
        %reduce_sum3A = arith.constant true
        %reduce_sum3A_296 = vector.broadcast %reduce_sum3A : i1 to vector<16xi1>
        %reduce_sum3A_297 = tpu.scan <sum>, %convert_element_type3A_286 masked %reduce_sum3A_296 : vector<16xi32>, vector<16xi1> -> vector<16xi32>
        %reduce_sum3A_298 = vector.extract %reduce_sum3A_297[15] : i32 from vector<16xi32>
        %add3A_299 = arith.addi %scan3A_250, %reduce_sum3A_298 : i32
        %sub3A_300 = arith.subi %add3A_299, %scan3A_251 : i32
        %ge3A = arith.constant 4080 : i32
        %ge3A_301 = arith.cmpi sge, %sub3A_300, %ge3A : i32
        %convert_element_type3A_302 = arith.extui %ge3A_301 : i1 to i32
        %cond3A_303 = arith.constant 0 : i32
        %cond3A_304 = arith.cmpi ne, %convert_element_type3A_302, %cond3A_303 : i32
        scf.if %cond3A_304 {
          %add3A_311 = arith.constant 4096 : i32
          %add3A_312 = arith.addi %scan3A_251, %add3A_311 : i32
          %sub3A_313 = arith.subi %add3A_312, %add3A_299 : i32
          %add3A_314 = vector.broadcast %add3A_299 : i32 to vector<16xi32>
          %add3A_315 = arith.addi %add3A_314, %iota3A : vector<16xi32>
          %and3A_316 = arith.constant 8191 : i32
          %and3A_317 = vector.broadcast %and3A_316 : i32 to vector<16xi32>
          %and3A_318 = arith.andi %add3A_315, %and3A_317 : vector<16xi32>
          %lt3A_319 = vector.broadcast %sub3A_313 : i32 to vector<16xi32>
          %lt3A_320 = arith.cmpi slt, %iota3A, %lt3A_319 : vector<16xi32>
          tpu.vector_store_idx %arg13[%and3A_318], %broadcast_in_dim3A_0 masked %lt3A_320 : memref<8192xi32, #tpu.memory_space<vmem>>[vector<16xi32>], vector<16xi32>, vector<16xi1>
          tpu.vector_store_idx %arg14[%and3A_318], %broadcast_in_dim3A_2 masked %lt3A_320 : memref<8192xf32, #tpu.memory_space<vmem>>[vector<16xi32>], vector<16xf32>, vector<16xi1>
          %and3A_321 = arith.constant 8191 : i32
          %and3A_322 = arith.andi %scan3A_251, %and3A_321 : i32
          %multiple_of3A_323 = tpu.assume_multiple %and3A_322, 4096 : i32
          %add3A_324 = arith.constant 4096 : i32
          %add3A_325 = arith.addi %scan3A_251, %add3A_324 : i32
          %and3A_326 = arith.constant 8191 : i32
          %and3A_327 = arith.andi %add3A_325, %and3A_326 : i32
          %multiple_of3A_328 = tpu.assume_multiple %and3A_327, 4096 : i32
          %gt3A_329 = arith.constant 0 : i32
          %gt3A_330 = arith.cmpi sgt, %scan3A_251, %gt3A_329 : i32
          %convert_element_type3A_331 = arith.extui %gt3A_330 : i1 to i32
          %cond3A_332 = arith.constant 0 : i32
          %cond3A_333 = arith.cmpi ne, %convert_element_type3A_331, %cond3A_332 : i32
          scf.if %cond3A_333 {
            %dma_wait3A = tpu.memref_slice %arg14[%multiple_of3A_328] : memref<8192xf32, #tpu.memory_space<vmem>> -> memref<4096xf32, #tpu.memory_space<vmem>>
            %dma_wait3A_337 = tpu.memref_slice %arg13[%multiple_of3A_328] : memref<8192xi32, #tpu.memory_space<vmem>> -> memref<4096xi32, #tpu.memory_space<vmem>>
            %dma_wait3A_338 = arith.constant 0 : i32
            %dma_wait3A_339 = tpu.memref_slice %arg7[%dma_wait3A_338] : memref<1048576xf32, #tpu.memory_space<vmem_shared>> -> memref<1048576xf32, #tpu.memory_space<vmem_shared>>
            tpu.wait_indirect_dma semaphore(%arg15 : memref<!tpu.dma_semaphore, #tpu.memory_space<semaphore_mem>>) src(%dma_wait3A : memref<4096xf32, #tpu.memory_space<vmem>>) dst(%dma_wait3A_339 : memref<1048576xf32, #tpu.memory_space<vmem_shared>>)
          } else {
          }
          %dma_start3A = tpu.memref_slice %arg14[%multiple_of3A_323] : memref<8192xf32, #tpu.memory_space<vmem>> -> memref<4096xf32, #tpu.memory_space<vmem>>
          %dma_start3A_334 = tpu.memref_slice %arg13[%multiple_of3A_323] : memref<8192xi32, #tpu.memory_space<vmem>> -> memref<4096xi32, #tpu.memory_space<vmem>>
          %dma_start3A_335 = arith.constant 0 : i32
          %dma_start3A_336 = tpu.memref_slice %arg7[%dma_start3A_335] : memref<1048576xf32, #tpu.memory_space<vmem_shared>> -> memref<1048576xf32, #tpu.memory_space<vmem_shared>>
          tpu.enqueue_indirect_dma source(%dma_start3A : memref<4096xf32, #tpu.memory_space<vmem>>) target(%dma_start3A_336 : memref<1048576xf32, #tpu.memory_space<vmem_shared>>) offsets(%dma_start3A_334 : memref<4096xi32, #tpu.memory_space<vmem>>) semaphore(%arg15 : memref<!tpu.dma_semaphore, #tpu.memory_space<semaphore_mem>>) {add = true}
        } else {
        }
        %add3A_305 = arith.constant 4096 : i32
        %add3A_306 = arith.addi %scan3A_251, %add3A_305 : i32
        %select_n3A_307 = arith.select %ge3A_301, %add3A_306, %add3A_299 : i32
        %add3A_308 = arith.constant 4096 : i32
        %add3A_309 = arith.addi %scan3A_251, %add3A_308 : i32
        %select_n3A_310 = arith.select %ge3A_301, %add3A_309, %scan3A_251 : i32
        scf.yield %select_n3A_307, %select_n3A_310 : i32, i32
      }
      %scan3A_248 = arith.constant 512 : i32
      scf.yield %scan3A_247#0, %scan3A_247#1 : i32, i32
    }
    %while3A_204 = arith.constant 1 : i32
    %while3A_205:2 = scf.for %while3A_230 = %while3A_201 to %while3A_197 step %while3A_204 iter_args(%while3A_231 = %while3A_203#0, %while3A_232 = %while3A_203#1) -> (i32, i32)  : i32 {
      %mul3A_233 = arith.constant 8192 : i32
      %mul3A_234 = arith.muli %while3A_230, %mul3A_233 : i32
      %add3A_235 = arith.addi %scan3A_31#12, %mul3A_234 : i32
      %multiple_of3A = tpu.assume_multiple %add3A_235, 2048 : i32
      "tpu.region"() ({
        %run_scoped3A = tpu.sem_alloc : memref<!tpu.dma_semaphore, #tpu.memory_space<semaphore_mem>>
        %dma_start3A = tpu.memref_slice %arg2[%multiple_of3A] : memref<2170880xf32, #tpu.memory_space<hbm>> -> memref<8192xf32, #tpu.memory_space<hbm>>
        %dma_start3A_249 = tpu.memref_slice %arg2[%multiple_of3A] : memref<2170880xf32, #tpu.memory_space<hbm>> -> memref<8192xf32, #tpu.memory_space<hbm>>
        tpu.enqueue_dma source(%dma_start3A_249 : memref<8192xf32, #tpu.memory_space<hbm>>) target(%arg10 : memref<8192xf32, #tpu.memory_space<vmem>>) target_semaphore(%run_scoped3A : memref<!tpu.dma_semaphore, #tpu.memory_space<semaphore_mem>>)
        %dma_wait3A = tpu.memref_slice %arg2[%multiple_of3A] : memref<2170880xf32, #tpu.memory_space<hbm>> -> memref<8192xf32, #tpu.memory_space<hbm>>
        %dma_wait3A_250 = tpu.memref_slice %arg2[%multiple_of3A] : memref<2170880xf32, #tpu.memory_space<hbm>> -> memref<8192xf32, #tpu.memory_space<hbm>>
        tpu.wait_dma2 semaphore(%run_scoped3A : memref<!tpu.dma_semaphore, #tpu.memory_space<semaphore_mem>>) src(%dma_wait3A_250 : memref<8192xf32, #tpu.memory_space<hbm>>) dst(%arg10 : memref<8192xf32, #tpu.memory_space<vmem>>)
        tpu.yield
      }) : () -> ()
      %mul3A_236 = arith.constant 8192 : i32
      %mul3A_237 = arith.muli %while3A_230, %mul3A_236 : i32
      %add3A_238 = arith.addi %scan3A_31#11, %mul3A_237 : i32
      %and3A = arith.constant -8 : i32
      %and3A_239 = arith.andi %add3A_238, %and3A : i32
      %min3A = arith.constant 2087920 : i32
      %min3A_240 = arith.minsi %and3A_239, %min3A : i32
      %multiple_of3A_241 = tpu.assume_multiple %min3A_240, 8 : i32
      %sub3A_242 = arith.subi %add3A_238, %multiple_of3A_241 : i32
      "tpu.region"() ({
        %run_scoped3A = tpu.sem_alloc : memref<!tpu.dma_semaphore, #tpu.memory_space<semaphore_mem>>
        %dma_start3A = tpu.memref_slice %arg3[%multiple_of3A_241] : memref<2096128xi32, #tpu.memory_space<hbm>> -> memref<8208xi32, #tpu.memory_space<hbm>>
        %dma_start3A_249 = tpu.memref_slice %arg3[%multiple_of3A_241] : memref<2096128xi32, #tpu.memory_space<hbm>> -> memref<8208xi32, #tpu.memory_space<hbm>>
        tpu.enqueue_dma source(%dma_start3A_249 : memref<8208xi32, #tpu.memory_space<hbm>>) target(%arg11 : memref<8208xi32, #tpu.memory_space<vmem>>) target_semaphore(%run_scoped3A : memref<!tpu.dma_semaphore, #tpu.memory_space<semaphore_mem>>)
        %dma_wait3A = tpu.memref_slice %arg3[%multiple_of3A_241] : memref<2096128xi32, #tpu.memory_space<hbm>> -> memref<8208xi32, #tpu.memory_space<hbm>>
        %dma_wait3A_250 = tpu.memref_slice %arg3[%multiple_of3A_241] : memref<2096128xi32, #tpu.memory_space<hbm>> -> memref<8208xi32, #tpu.memory_space<hbm>>
        tpu.wait_dma2 semaphore(%run_scoped3A : memref<!tpu.dma_semaphore, #tpu.memory_space<semaphore_mem>>) src(%dma_wait3A_250 : memref<8208xi32, #tpu.memory_space<hbm>>) dst(%arg11 : memref<8208xi32, #tpu.memory_space<vmem>>)
        tpu.yield
      }) : () -> ()
      "tpu.region"() ({
        %run_scoped3A = tpu.sem_alloc : memref<!tpu.dma_semaphore, #tpu.memory_space<semaphore_mem>>
        %dma_start3A = tpu.memref_slice %arg4[%multiple_of3A_241] : memref<2096128xi32, #tpu.memory_space<hbm>> -> memref<8208xi32, #tpu.memory_space<hbm>>
        %dma_start3A_249 = tpu.memref_slice %arg4[%multiple_of3A_241] : memref<2096128xi32, #tpu.memory_space<hbm>> -> memref<8208xi32, #tpu.memory_space<hbm>>
        tpu.enqueue_dma source(%dma_start3A_249 : memref<8208xi32, #tpu.memory_space<hbm>>) target(%arg12 : memref<8208xi32, #tpu.memory_space<vmem>>) target_semaphore(%run_scoped3A : memref<!tpu.dma_semaphore, #tpu.memory_space<semaphore_mem>>)
        %dma_wait3A = tpu.memref_slice %arg4[%multiple_of3A_241] : memref<2096128xi32, #tpu.memory_space<hbm>> -> memref<8208xi32, #tpu.memory_space<hbm>>
        %dma_wait3A_250 = tpu.memref_slice %arg4[%multiple_of3A_241] : memref<2096128xi32, #tpu.memory_space<hbm>> -> memref<8208xi32, #tpu.memory_space<hbm>>
        tpu.wait_dma2 semaphore(%run_scoped3A : memref<!tpu.dma_semaphore, #tpu.memory_space<semaphore_mem>>) src(%dma_wait3A_250 : memref<8208xi32, #tpu.memory_space<hbm>>) dst(%arg12 : memref<8208xi32, #tpu.memory_space<vmem>>)
        tpu.yield
      }) : () -> ()
      %scan3A_243 = arith.constant 0 : i32
      %scan3A_244 = arith.constant 512 : i32
      %scan3A_245 = arith.addi %scan3A_243, %scan3A_244 : i32
      %scan3A_246 = arith.constant 1 : i32
      %scan3A_247:2 = scf.for %scan3A_249 = %scan3A_243 to %scan3A_245 step %scan3A_246 iter_args(%scan3A_250 = %while3A_231, %scan3A_251 = %while3A_232) -> (i32, i32)  : i32 {
        %mul3A_252 = arith.constant 16 : i32
        %mul3A_253 = arith.muli %scan3A_249, %mul3A_252 : i32
        %add3A_254 = arith.addi %sub3A_242, %mul3A_253 : i32
        %add3A_255 = vector.broadcast %add3A_254 : i32 to vector<16xi32>
        %add3A_256 = arith.addi %add3A_255, %iota3A : vector<16xi32>
        %min3A_257 = arith.constant 8207 : i32
        %min3A_258 = vector.broadcast %min3A_257 : i32 to vector<16xi32>
        %min3A_259 = arith.minsi %add3A_256, %min3A_258 : vector<16xi32>
        %gather3A = tpu.vector_load_idx %arg11[%min3A_259] : memref<8208xi32, #tpu.memory_space<vmem>>[vector<16xi32>], vector<16xi32>,
        %gather3A_260 = tpu.vector_load_idx %arg12[%min3A_259] : memref<8208xi32, #tpu.memory_space<vmem>>[vector<16xi32>], vector<16xi32>,
        %mul3A_261 = arith.constant 16 : i32
        %mul3A_262 = arith.muli %scan3A_249, %mul3A_261 : i32
        %get3A = arith.index_cast %mul3A_262 : i32 to index
        %get3A_263 = tpu.vector_load %arg10[%get3A] {strides = array<i32>} : memref<8192xf32, #tpu.memory_space<vmem>>, vector<16xf32>,
        %mul3A_264 = arith.constant 8192 : i32
        %mul3A_265 = arith.muli %while3A_230, %mul3A_264 : i32
        %mul3A_266 = arith.constant 16 : i32
        %mul3A_267 = arith.muli %scan3A_249, %mul3A_266 : i32
        %add3A_268 = arith.addi %mul3A_265, %mul3A_267 : i32
        %add3A_269 = vector.broadcast %add3A_268 : i32 to vector<16xi32>
        %add3A_270 = arith.addi %add3A_269, %iota3A : vector<16xi32>
        %shift_right_arithmetic3A_271 = arith.constant 9 : i32
        %shift_right_arithmetic3A_272 = vector.broadcast %shift_right_arithmetic3A_271 : i32 to vector<16xi32>
        %shift_right_arithmetic3A_273 = arith.shrsi %gather3A_260, %shift_right_arithmetic3A_272 : vector<16xi32>
        %eq3A = vector.broadcast %add3A_135 : i32 to vector<16xi32>
        %eq3A_274 = arith.cmpi eq, %shift_right_arithmetic3A_273, %eq3A : vector<16xi32>
        %lt3A = vector.broadcast %scan3A_31#13 : i32 to vector<16xi32>
        %lt3A_275 = arith.cmpi slt, %add3A_270, %lt3A : vector<16xi32>
        %and3A_276 = arith.andi %eq3A_274, %lt3A_275 : vector<16xi1>
        %and3A_277 = arith.constant 511 : i32
        %and3A_278 = vector.broadcast %and3A_277 : i32 to vector<16xi32>
        %and3A_279 = arith.andi %gather3A_260, %and3A_278 : vector<16xi32>
        %shift_left3A = arith.constant 11 : i32
        %shift_left3A_280 = vector.broadcast %shift_left3A : i32 to vector<16xi32>
        %shift_left3A_281 = arith.shli %and3A_279, %shift_left3A_280 : vector<16xi32>
        %or3A = arith.ori %shift_left3A_281, %gather3A : vector<16xi32>
        %jit3A = arith.constant 0 : i32
        %broadcast_in_dim3A_282 = vector.broadcast %jit3A : i32 to vector<16xi32>
        %select_n3A = arith.select %and3A_276, %or3A, %broadcast_in_dim3A_282 : vector<16xi1>, vector<16xi32>
        %jit3A_283 = arith.constant 0.000000e+00 : f32
        %broadcast_in_dim3A_284 = vector.broadcast %jit3A_283 : f32 to vector<16xf32>
        %select_n3A_285 = arith.select %and3A_276, %get3A_263, %broadcast_in_dim3A_284 : vector<16xi1>, vector<16xf32>
        %convert_element_type3A_286 = arith.extui %and3A_276 : vector<16xi1> to vector<16xi32>
        %broadcast_in_dim3A_287 = arith.constant true
        %broadcast_in_dim3A_288 = vector.broadcast %broadcast_in_dim3A_287 : i1 to vector<16xi1>
        %masked_cumsum3A = tpu.scan <sum>, %convert_element_type3A_286 masked %broadcast_in_dim3A_288 : vector<16xi32>, vector<16xi1> -> vector<16xi32>
        %sub3A_289 = arith.constant 1 : i32
        %sub3A_290 = arith.subi %scan3A_250, %sub3A_289 : i32
        %add3A_291 = vector.broadcast %sub3A_290 : i32 to vector<16xi32>
        %add3A_292 = arith.addi %masked_cumsum3A, %add3A_291 : vector<16xi32>
        %and3A_293 = arith.constant 8191 : i32
        %and3A_294 = vector.broadcast %and3A_293 : i32 to vector<16xi32>
        %and3A_295 = arith.andi %add3A_292, %and3A_294 : vector<16xi32>
        tpu.vector_store_idx %arg13[%and3A_295], %select_n3A masked %and3A_276 : memref<8192xi32, #tpu.memory_space<vmem>>[vector<16xi32>], vector<16xi32>, vector<16xi1>
        tpu.vector_store_idx %arg14[%and3A_295], %select_n3A_285 masked %and3A_276 : memref<8192xf32, #tpu.memory_space<vmem>>[vector<16xi32>], vector<16xf32>, vector<16xi1>
        %reduce_sum3A = arith.constant true
        %reduce_sum3A_296 = vector.broadcast %reduce_sum3A : i1 to vector<16xi1>
        %reduce_sum3A_297 = tpu.scan <sum>, %convert_element_type3A_286 masked %reduce_sum3A_296 : vector<16xi32>, vector<16xi1> -> vector<16xi32>
        %reduce_sum3A_298 = vector.extract %reduce_sum3A_297[15] : i32 from vector<16xi32>
        %add3A_299 = arith.addi %scan3A_250, %reduce_sum3A_298 : i32
        %sub3A_300 = arith.subi %add3A_299, %scan3A_251 : i32
        %ge3A = arith.constant 4080 : i32
        %ge3A_301 = arith.cmpi sge, %sub3A_300, %ge3A : i32
        %convert_element_type3A_302 = arith.extui %ge3A_301 : i1 to i32
        %cond3A_303 = arith.constant 0 : i32
        %cond3A_304 = arith.cmpi ne, %convert_element_type3A_302, %cond3A_303 : i32
        scf.if %cond3A_304 {
          %add3A_311 = arith.constant 4096 : i32
          %add3A_312 = arith.addi %scan3A_251, %add3A_311 : i32
          %sub3A_313 = arith.subi %add3A_312, %add3A_299 : i32
          %add3A_314 = vector.broadcast %add3A_299 : i32 to vector<16xi32>
          %add3A_315 = arith.addi %add3A_314, %iota3A : vector<16xi32>
          %and3A_316 = arith.constant 8191 : i32
          %and3A_317 = vector.broadcast %and3A_316 : i32 to vector<16xi32>
          %and3A_318 = arith.andi %add3A_315, %and3A_317 : vector<16xi32>
          %lt3A_319 = vector.broadcast %sub3A_313 : i32 to vector<16xi32>
          %lt3A_320 = arith.cmpi slt, %iota3A, %lt3A_319 : vector<16xi32>
          tpu.vector_store_idx %arg13[%and3A_318], %broadcast_in_dim3A_0 masked %lt3A_320 : memref<8192xi32, #tpu.memory_space<vmem>>[vector<16xi32>], vector<16xi32>, vector<16xi1>
          tpu.vector_store_idx %arg14[%and3A_318], %broadcast_in_dim3A_2 masked %lt3A_320 : memref<8192xf32, #tpu.memory_space<vmem>>[vector<16xi32>], vector<16xf32>, vector<16xi1>
          %and3A_321 = arith.constant 8191 : i32
          %and3A_322 = arith.andi %scan3A_251, %and3A_321 : i32
          %multiple_of3A_323 = tpu.assume_multiple %and3A_322, 4096 : i32
          %add3A_324 = arith.constant 4096 : i32
          %add3A_325 = arith.addi %scan3A_251, %add3A_324 : i32
          %and3A_326 = arith.constant 8191 : i32
          %and3A_327 = arith.andi %add3A_325, %and3A_326 : i32
          %multiple_of3A_328 = tpu.assume_multiple %and3A_327, 4096 : i32
          %gt3A_329 = arith.constant 0 : i32
          %gt3A_330 = arith.cmpi sgt, %scan3A_251, %gt3A_329 : i32
          %convert_element_type3A_331 = arith.extui %gt3A_330 : i1 to i32
          %cond3A_332 = arith.constant 0 : i32
          %cond3A_333 = arith.cmpi ne, %convert_element_type3A_331, %cond3A_332 : i32
          scf.if %cond3A_333 {
            %dma_wait3A = tpu.memref_slice %arg14[%multiple_of3A_328] : memref<8192xf32, #tpu.memory_space<vmem>> -> memref<4096xf32, #tpu.memory_space<vmem>>
            %dma_wait3A_337 = tpu.memref_slice %arg13[%multiple_of3A_328] : memref<8192xi32, #tpu.memory_space<vmem>> -> memref<4096xi32, #tpu.memory_space<vmem>>
            %dma_wait3A_338 = arith.constant 0 : i32
            %dma_wait3A_339 = tpu.memref_slice %arg7[%dma_wait3A_338] : memref<1048576xf32, #tpu.memory_space<vmem_shared>> -> memref<1048576xf32, #tpu.memory_space<vmem_shared>>
            tpu.wait_indirect_dma semaphore(%arg15 : memref<!tpu.dma_semaphore, #tpu.memory_space<semaphore_mem>>) src(%dma_wait3A : memref<4096xf32, #tpu.memory_space<vmem>>) dst(%dma_wait3A_339 : memref<1048576xf32, #tpu.memory_space<vmem_shared>>)
          } else {
          }
          %dma_start3A = tpu.memref_slice %arg14[%multiple_of3A_323] : memref<8192xf32, #tpu.memory_space<vmem>> -> memref<4096xf32, #tpu.memory_space<vmem>>
          %dma_start3A_334 = tpu.memref_slice %arg13[%multiple_of3A_323] : memref<8192xi32, #tpu.memory_space<vmem>> -> memref<4096xi32, #tpu.memory_space<vmem>>
          %dma_start3A_335 = arith.constant 0 : i32
          %dma_start3A_336 = tpu.memref_slice %arg7[%dma_start3A_335] : memref<1048576xf32, #tpu.memory_space<vmem_shared>> -> memref<1048576xf32, #tpu.memory_space<vmem_shared>>
          tpu.enqueue_indirect_dma source(%dma_start3A : memref<4096xf32, #tpu.memory_space<vmem>>) target(%dma_start3A_336 : memref<1048576xf32, #tpu.memory_space<vmem_shared>>) offsets(%dma_start3A_334 : memref<4096xi32, #tpu.memory_space<vmem>>) semaphore(%arg15 : memref<!tpu.dma_semaphore, #tpu.memory_space<semaphore_mem>>) {add = true}
        } else {
        }
        %add3A_305 = arith.constant 4096 : i32
        %add3A_306 = arith.addi %scan3A_251, %add3A_305 : i32
        %select_n3A_307 = arith.select %ge3A_301, %add3A_306, %add3A_299 : i32
        %add3A_308 = arith.constant 4096 : i32
        %add3A_309 = arith.addi %scan3A_251, %add3A_308 : i32
        %select_n3A_310 = arith.select %ge3A_301, %add3A_309, %scan3A_251 : i32
        scf.yield %select_n3A_307, %select_n3A_310 : i32, i32
      }
      %scan3A_248 = arith.constant 512 : i32
      scf.yield %scan3A_247#0, %scan3A_247#1 : i32, i32
    }
    %gt3A_206 = arith.constant 0 : i32
    %gt3A_207 = arith.cmpi sgt, %while3A_205#1, %gt3A_206 : i32
    %convert_element_type3A_208 = arith.extui %gt3A_207 : i1 to i32
    %cond3A_209 = arith.constant 0 : i32
    %cond3A_210 = arith.cmpi ne, %convert_element_type3A_208, %cond3A_209 : i32
    scf.if %cond3A_210 {
      %add3A_230 = arith.constant 4096 : i32
      %add3A_231 = arith.addi %while3A_205#1, %add3A_230 : i32
      %and3A = arith.constant 8191 : i32
      %and3A_232 = arith.andi %add3A_231, %and3A : i32
      %multiple_of3A = tpu.assume_multiple %and3A_232, 4096 : i32
      %dma_wait3A = tpu.memref_slice %arg14[%multiple_of3A] : memref<8192xf32, #tpu.memory_space<vmem>> -> memref<4096xf32, #tpu.memory_space<vmem>>
      %dma_wait3A_233 = tpu.memref_slice %arg13[%multiple_of3A] : memref<8192xi32, #tpu.memory_space<vmem>> -> memref<4096xi32, #tpu.memory_space<vmem>>
      %dma_wait3A_234 = arith.constant 0 : i32
      %dma_wait3A_235 = tpu.memref_slice %arg7[%dma_wait3A_234] : memref<1048576xf32, #tpu.memory_space<vmem_shared>> -> memref<1048576xf32, #tpu.memory_space<vmem_shared>>
      tpu.wait_indirect_dma semaphore(%arg15 : memref<!tpu.dma_semaphore, #tpu.memory_space<semaphore_mem>>) src(%dma_wait3A : memref<4096xf32, #tpu.memory_space<vmem>>) dst(%dma_wait3A_235 : memref<1048576xf32, #tpu.memory_space<vmem_shared>>)
    } else {
    }
    %scan3A_211 = arith.constant 0 : i32
    %scan3A_212 = arith.constant 0 : i32
    %scan3A_213 = arith.constant 256 : i32
    %scan3A_214 = arith.addi %scan3A_212, %scan3A_213 : i32
    %scan3A_215 = arith.constant 1 : i32
    %scan3A_216 = scf.for %scan3A_230 = %scan3A_212 to %scan3A_214 step %scan3A_215 iter_args(%scan3A_231 = %scan3A_211) -> (i32)  : i32 {
      %mul3A_232 = arith.constant 16 : i32
      %mul3A_233 = arith.muli %scan3A_230, %mul3A_232 : i32
      %add3A_234 = vector.broadcast %mul3A_233 : i32 to vector<16xi32>
      %add3A_235 = arith.addi %add3A_234, %iota3A : vector<16xi32>
      %add3A_236 = vector.broadcast %while3A_205#0 : i32 to vector<16xi32>
      %add3A_237 = arith.addi %add3A_236, %add3A_235 : vector<16xi32>
      %and3A = arith.constant 8191 : i32
      %and3A_238 = vector.broadcast %and3A : i32 to vector<16xi32>
      %and3A_239 = arith.andi %add3A_237, %and3A_238 : vector<16xi32>
      %add3A_240 = arith.constant 4096 : i32
      %add3A_241 = arith.addi %while3A_205#1, %add3A_240 : i32
      %sub3A_242 = arith.subi %add3A_241, %while3A_205#0 : i32
      %lt3A = vector.broadcast %sub3A_242 : i32 to vector<16xi32>
      %lt3A_243 = arith.cmpi slt, %add3A_235, %lt3A : vector<16xi32>
      tpu.vector_store_idx %arg13[%and3A_239], %broadcast_in_dim3A_0 masked %lt3A_243 : memref<8192xi32, #tpu.memory_space<vmem>>[vector<16xi32>], vector<16xi32>, vector<16xi1>
      tpu.vector_store_idx %arg14[%and3A_239], %broadcast_in_dim3A_2 masked %lt3A_243 : memref<8192xf32, #tpu.memory_space<vmem>>[vector<16xi32>], vector<16xf32>, vector<16xi1>
      %scan3A_244 = arith.constant 0 : i32
      scf.yield %scan3A_244 : i32
    }
    %scan3A_217 = arith.constant 256 : i32
    %gt3A_218 = arith.cmpi sgt, %while3A_205#0, %while3A_205#1 : i32
    %convert_element_type3A_219 = arith.extui %gt3A_218 : i1 to i32
    %cond3A_220 = arith.constant 0 : i32
    %cond3A_221 = arith.cmpi ne, %convert_element_type3A_219, %cond3A_220 : i32
    scf.if %cond3A_221 {
      %and3A = arith.constant 8191 : i32
      %and3A_230 = arith.andi %while3A_205#1, %and3A : i32
      %multiple_of3A = tpu.assume_multiple %and3A_230, 4096 : i32
      "tpu.region"() ({
        %run_scoped3A = tpu.sem_alloc : memref<!tpu.dma_semaphore, #tpu.memory_space<semaphore_mem>>
        %dma_start3A = tpu.memref_slice %arg14[%multiple_of3A] : memref<8192xf32, #tpu.memory_space<vmem>> -> memref<4096xf32, #tpu.memory_space<vmem>>
        %dma_start3A_231 = tpu.memref_slice %arg13[%multiple_of3A] : memref<8192xi32, #tpu.memory_space<vmem>> -> memref<4096xi32, #tpu.memory_space<vmem>>
        %dma_start3A_232 = arith.constant 0 : i32
        %dma_start3A_233 = tpu.memref_slice %arg7[%dma_start3A_232] : memref<1048576xf32, #tpu.memory_space<vmem_shared>> -> memref<1048576xf32, #tpu.memory_space<vmem_shared>>
        tpu.enqueue_indirect_dma source(%dma_start3A : memref<4096xf32, #tpu.memory_space<vmem>>) target(%dma_start3A_233 : memref<1048576xf32, #tpu.memory_space<vmem_shared>>) offsets(%dma_start3A_231 : memref<4096xi32, #tpu.memory_space<vmem>>) semaphore(%run_scoped3A : memref<!tpu.dma_semaphore, #tpu.memory_space<semaphore_mem>>) {add = true}
        %dma_wait3A = tpu.memref_slice %arg14[%multiple_of3A] : memref<8192xf32, #tpu.memory_space<vmem>> -> memref<4096xf32, #tpu.memory_space<vmem>>
        %dma_wait3A_234 = tpu.memref_slice %arg13[%multiple_of3A] : memref<8192xi32, #tpu.memory_space<vmem>> -> memref<4096xi32, #tpu.memory_space<vmem>>
        %dma_wait3A_235 = arith.constant 0 : i32
        %dma_wait3A_236 = tpu.memref_slice %arg7[%dma_wait3A_235] : memref<1048576xf32, #tpu.memory_space<vmem_shared>> -> memref<1048576xf32, #tpu.memory_space<vmem_shared>>
        tpu.wait_indirect_dma semaphore(%run_scoped3A : memref<!tpu.dma_semaphore, #tpu.memory_space<semaphore_mem>>) src(%dma_wait3A : memref<4096xf32, #tpu.memory_space<vmem>>) dst(%dma_wait3A_236 : memref<1048576xf32, #tpu.memory_space<vmem_shared>>)
        tpu.yield
      }) : () -> ()
    } else {
    }
    %barrier3A_222 = arith.constant 0 : index
    tpu.barrier barrier_id(%barrier3A_222)
    %mul3A_223 = arith.constant 65536 : i32
    %mul3A_224 = arith.muli %arg1, %mul3A_223 : i32
    %mul3A_225 = arith.constant 1048576 : i32
    %mul3A_226 = arith.muli %add3A_135, %mul3A_225 : i32
    %mul3A_227 = arith.constant 65536 : i32
    %mul3A_228 = arith.muli %arg1, %mul3A_227 : i32
    %add3A_229 = arith.addi %mul3A_226, %mul3A_228 : i32
    "tpu.region"() ({
      %run_scoped3A = tpu.sem_alloc : memref<!tpu.dma_semaphore, #tpu.memory_space<semaphore_mem>>
      %dma_start3A = tpu.memref_slice %arg6[%add3A_229] : memref<4194304xf32, #tpu.memory_space<hbm>> -> memref<65536xf32, #tpu.memory_space<hbm>>
      %dma_start3A_230 = tpu.memref_slice %arg7[%mul3A_224] : memref<1048576xf32, #tpu.memory_space<vmem_shared>> -> memref<65536xf32, #tpu.memory_space<vmem_shared>>
      tpu.enqueue_dma source(%dma_start3A_230 : memref<65536xf32, #tpu.memory_space<vmem_shared>>) target(%dma_start3A : memref<65536xf32, #tpu.memory_space<hbm>>) target_semaphore(%run_scoped3A : memref<!tpu.dma_semaphore, #tpu.memory_space<semaphore_mem>>)
      %dma_wait3A = tpu.memref_slice %arg6[%add3A_229] : memref<4194304xf32, #tpu.memory_space<hbm>> -> memref<65536xf32, #tpu.memory_space<hbm>>
      %dma_wait3A_231 = tpu.memref_slice %arg7[%mul3A_224] : memref<1048576xf32, #tpu.memory_space<vmem_shared>> -> memref<65536xf32, #tpu.memory_space<vmem_shared>>
      tpu.wait_dma2 semaphore(%run_scoped3A : memref<!tpu.dma_semaphore, #tpu.memory_space<semaphore_mem>>) src(%dma_wait3A_231 : memref<65536xf32, #tpu.memory_space<vmem_shared>>) dst(%dma_wait3A : memref<65536xf32, #tpu.memory_space<hbm>>)
      tpu.yield
    }) : () -> ()
    return
  }
}

#map = affine_map<(d0, d1) -> (0)>
module attributes {stable_mosaic.version = 14 : i64} {
  func.func @_compact_body(%arg0: i32, %arg1: i32, %arg2: memref<4194304xf32, #tpu.memory_space<hbm>>, %arg3: memref<2170880xf32, #tpu.memory_space<hbm>>, %arg4: memref<1024xi32, #tpu.memory_space<hbm>>, %arg5: memref<32768xf32, #tpu.memory_space<vmem>>, %arg6: memref<4096xf32, #tpu.memory_space<vmem>>, %arg7: memref<16xi32, #tpu.memory_space<vmem>>) attributes {dimension_semantics = [#tpu.dimension_semantics<core_parallel>, #tpu.dimension_semantics<subcore_parallel>], iteration_bounds = array<i64: 2, 16>, scalar_prefetch = 0 : i64, scratch_operands = 3 : i64, tpu.core_type = #tpu.core_type<sc_vector_subcore>, window_params = [{transform_indices = #map}, {transform_indices = #map}, {transform_indices = #map}]} {
    %mul3A = arith.constant 16 : i32
    %mul3A_0 = arith.muli %arg0, %mul3A : i32
    %add3A = arith.addi %mul3A_0, %arg1 : i32
    %iota3A = tpu.iota {dimensions = array<i32: 0>} : vector<16xi32>
    %scan3A = arith.constant 0 : i32
    %scan3A_1 = arith.constant 0 : i32
    %scan3A_2 = arith.constant 0 : i32
    %scan3A_3 = arith.constant 0 : i32
    %scan3A_4 = arith.constant 64 : i32
    %scan3A_5 = arith.addi %scan3A_3, %scan3A_4 : i32
    %scan3A_6 = arith.constant 1 : i32
    %scan3A_7:3 = scf.for %scan3A_45 = %scan3A_3 to %scan3A_5 step %scan3A_6 iter_args(%scan3A_46 = %scan3A, %scan3A_47 = %scan3A_1, %scan3A_48 = %scan3A_2) -> (i32, i32, i32)  : i32 {
      %eq3A = arith.cmpi eq, %scan3A_45, %add3A : i32
      %select_n3A = arith.select %eq3A, %scan3A_46, %scan3A_47 : i32
      %sub3A_49 = arith.constant 63 : i32
      %sub3A_50 = arith.subi %sub3A_49, %add3A : i32
      %eq3A_51 = arith.cmpi eq, %scan3A_45, %sub3A_50 : i32
      %select_n3A_52 = arith.select %eq3A_51, %scan3A_46, %scan3A_48 : i32
      %mul3A_53 = arith.constant 1024 : i32
      %mul3A_54 = arith.muli %mul3A_53, %scan3A_45 : i32
      %sub3A_55 = arith.constant 65008 : i32
      %sub3A_56 = arith.subi %sub3A_55, %mul3A_54 : i32
      %add3A_57 = arith.constant 2047 : i32
      %add3A_58 = arith.addi %sub3A_56, %add3A_57 : i32
      %shift_right_arithmetic3A = arith.constant 11 : i32
      %shift_right_arithmetic3A_59 = arith.shrsi %add3A_58, %shift_right_arithmetic3A : i32
      %shift_left3A = arith.constant 11 : i32
      %shift_left3A_60 = arith.shli %shift_right_arithmetic3A_59, %shift_left3A : i32
      %add3A_61 = arith.addi %scan3A_46, %shift_left3A_60 : i32
      scf.yield %add3A_61, %select_n3A, %select_n3A_52 : i32, i32, i32
    }
    %scan3A_8 = arith.constant 64 : i32
    %mul3A_9 = arith.constant 32 : i32
    %mul3A_10 = arith.muli %add3A, %mul3A_9 : i32
    %scan3A_11 = arith.constant 0 : i32
    %scan3A_12 = arith.constant 0 : i32
    %scan3A_13 = arith.constant 0 : i32
    %scan3A_14 = arith.constant 2 : i32
    %scan3A_15 = arith.addi %scan3A_13, %scan3A_14 : i32
    %scan3A_16 = arith.constant 1 : i32
    %scan3A_17:2 = scf.for %scan3A_45 = %scan3A_13 to %scan3A_15 step %scan3A_16 iter_args(%scan3A_46 = %scan3A_11, %scan3A_47 = %scan3A_12) -> (i32, i32)  : i32 {
      %mul3A_48 = arith.constant 16 : i32
      %mul3A_49 = arith.muli %scan3A_45, %mul3A_48 : i32
      %add3A_50 = arith.addi %mul3A_10, %mul3A_49 : i32
      %mul3A_51 = arith.constant 2048 : i32
      %mul3A_52 = arith.muli %add3A_50, %mul3A_51 : i32
      "tpu.region"() ({
        %run_scoped3A = tpu.sem_alloc : memref<!tpu.dma_semaphore, #tpu.memory_space<semaphore_mem>>
        %dma_start3A = tpu.memref_slice %arg2[%mul3A_52] : memref<4194304xf32, #tpu.memory_space<hbm>> -> memref<32768xf32, #tpu.memory_space<hbm>>
        %dma_start3A_59 = tpu.memref_slice %arg2[%mul3A_52] : memref<4194304xf32, #tpu.memory_space<hbm>> -> memref<32768xf32, #tpu.memory_space<hbm>>
        tpu.enqueue_dma source(%dma_start3A_59 : memref<32768xf32, #tpu.memory_space<hbm>>) target(%arg5 : memref<32768xf32, #tpu.memory_space<vmem>>) target_semaphore(%run_scoped3A : memref<!tpu.dma_semaphore, #tpu.memory_space<semaphore_mem>>)
        %dma_wait3A = tpu.memref_slice %arg2[%mul3A_52] : memref<4194304xf32, #tpu.memory_space<hbm>> -> memref<32768xf32, #tpu.memory_space<hbm>>
        %dma_wait3A_60 = tpu.memref_slice %arg2[%mul3A_52] : memref<4194304xf32, #tpu.memory_space<hbm>> -> memref<32768xf32, #tpu.memory_space<hbm>>
        tpu.wait_dma2 semaphore(%run_scoped3A : memref<!tpu.dma_semaphore, #tpu.memory_space<semaphore_mem>>) src(%dma_wait3A_60 : memref<32768xf32, #tpu.memory_space<hbm>>) dst(%arg5 : memref<32768xf32, #tpu.memory_space<vmem>>)
        tpu.yield
      }) : () -> ()
      %scan3A_53 = arith.constant 0 : i32
      %scan3A_54 = arith.constant 16 : i32
      %scan3A_55 = arith.addi %scan3A_53, %scan3A_54 : i32
      %scan3A_56 = arith.constant 1 : i32
      %scan3A_57:2 = scf.for %scan3A_59 = %scan3A_53 to %scan3A_55 step %scan3A_56 iter_args(%scan3A_60 = %scan3A_46, %scan3A_61 = %scan3A_47) -> (i32, i32)  : i32 {
        %add3A_62 = arith.addi %add3A_50, %scan3A_59 : i32
        %add3A_63 = arith.constant 1 : i32
        %add3A_64 = arith.addi %add3A_62, %add3A_63 : i32
        %shift_right_arithmetic3A = arith.constant 4 : i32
        %shift_right_arithmetic3A_65 = arith.shrsi %add3A_64, %shift_right_arithmetic3A : i32
        %while3A = arith.constant 128 : i32
        %while3A_66 = arith.subi %while3A, %shift_right_arithmetic3A_65 : i32
        %while3A_67 = arith.addi %shift_right_arithmetic3A_65, %while3A_66 : i32
        %while3A_68 = arith.constant 1 : i32
        %while3A_69 = arith.divsi %while3A_66, %while3A_68 : i32
        %while3A_70 = arith.muli %while3A_69, %while3A_68 : i32
        %while3A_71 = arith.addi %shift_right_arithmetic3A_65, %while3A_70 : i32
        %while3A_72 = arith.constant 1 : i32
        %while3A_73 = scf.for %while3A_83 = %shift_right_arithmetic3A_65 to %while3A_71 step %while3A_72 iter_args(%while3A_84 = %scan3A_60) -> (i32)  : i32 {
          %mul3A_85 = arith.constant 2048 : i32
          %mul3A_86 = arith.muli %scan3A_59, %mul3A_85 : i32
          %mul3A_87 = arith.constant 16 : i32
          %mul3A_88 = arith.muli %while3A_83, %mul3A_87 : i32
          %add3A_89 = arith.addi %mul3A_86, %mul3A_88 : i32
          %get3A = arith.index_cast %add3A_89 : i32 to index
          %get3A_90 = tpu.vector_load %arg5[%get3A] {strides = array<i32>} : memref<32768xf32, #tpu.memory_space<vmem>>, vector<16xf32>,
          %ne3A = arith.constant 0.000000e+00 : f32
          %ne3A_91 = vector.broadcast %ne3A : f32 to vector<16xf32>
          %ne3A_92 = arith.cmpf one, %get3A_90, %ne3A_91 : vector<16xf32>
          %mul3A_93 = arith.constant 16 : i32
          %mul3A_94 = arith.muli %while3A_83, %mul3A_93 : i32
          %add3A_95 = vector.broadcast %mul3A_94 : i32 to vector<16xi32>
          %add3A_96 = arith.addi %add3A_95, %iota3A : vector<16xi32>
          %gt3A_97 = vector.broadcast %add3A_62 : i32 to vector<16xi32>
          %gt3A_98 = arith.cmpi sgt, %add3A_96, %gt3A_97 : vector<16xi32>
          %and3A = arith.andi %ne3A_92, %gt3A_98 : vector<16xi1>
          %convert_element_type3A_99 = arith.extui %and3A : vector<16xi1> to vector<16xi32>
          %broadcast_in_dim3A_100 = arith.constant true
          %broadcast_in_dim3A_101 = vector.broadcast %broadcast_in_dim3A_100 : i1 to vector<16xi1>
          %masked_cumsum3A = tpu.scan <sum>, %convert_element_type3A_99 masked %broadcast_in_dim3A_101 : vector<16xi32>, vector<16xi1> -> vector<16xi32>
          %sub3A_102 = arith.constant 1 : i32
          %sub3A_103 = arith.subi %while3A_84, %sub3A_102 : i32
          %add3A_104 = vector.broadcast %sub3A_103 : i32 to vector<16xi32>
          %add3A_105 = arith.addi %masked_cumsum3A, %add3A_104 : vector<16xi32>
          %and3A_106 = arith.constant 4095 : i32
          %and3A_107 = vector.broadcast %and3A_106 : i32 to vector<16xi32>
          %and3A_108 = arith.andi %add3A_105, %and3A_107 : vector<16xi32>
          tpu.vector_store_idx %arg6[%and3A_108], %get3A_90 masked %and3A : memref<4096xf32, #tpu.memory_space<vmem>>[vector<16xi32>], vector<16xf32>, vector<16xi1>
          %reduce_sum3A = arith.constant true
          %reduce_sum3A_109 = vector.broadcast %reduce_sum3A : i1 to vector<16xi1>
          %reduce_sum3A_110 = tpu.scan <sum>, %convert_element_type3A_99 masked %reduce_sum3A_109 : vector<16xi32>, vector<16xi1> -> vector<16xi32>
          %reduce_sum3A_111 = vector.extract %reduce_sum3A_110[15] : i32 from vector<16xi32>
          %add3A_112 = arith.addi %while3A_84, %reduce_sum3A_111 : i32
          scf.yield %add3A_112 : i32
        }
        %while3A_74 = arith.constant 1 : i32
        %while3A_75 = scf.for %while3A_83 = %while3A_71 to %while3A_67 step %while3A_74 iter_args(%while3A_84 = %while3A_73) -> (i32)  : i32 {
          %mul3A_85 = arith.constant 2048 : i32
          %mul3A_86 = arith.muli %scan3A_59, %mul3A_85 : i32
          %mul3A_87 = arith.constant 16 : i32
          %mul3A_88 = arith.muli %while3A_83, %mul3A_87 : i32
          %add3A_89 = arith.addi %mul3A_86, %mul3A_88 : i32
          %get3A = arith.index_cast %add3A_89 : i32 to index
          %get3A_90 = tpu.vector_load %arg5[%get3A] {strides = array<i32>} : memref<32768xf32, #tpu.memory_space<vmem>>, vector<16xf32>,
          %ne3A = arith.constant 0.000000e+00 : f32
          %ne3A_91 = vector.broadcast %ne3A : f32 to vector<16xf32>
          %ne3A_92 = arith.cmpf one, %get3A_90, %ne3A_91 : vector<16xf32>
          %mul3A_93 = arith.constant 16 : i32
          %mul3A_94 = arith.muli %while3A_83, %mul3A_93 : i32
          %add3A_95 = vector.broadcast %mul3A_94 : i32 to vector<16xi32>
          %add3A_96 = arith.addi %add3A_95, %iota3A : vector<16xi32>
          %gt3A_97 = vector.broadcast %add3A_62 : i32 to vector<16xi32>
          %gt3A_98 = arith.cmpi sgt, %add3A_96, %gt3A_97 : vector<16xi32>
          %and3A = arith.andi %ne3A_92, %gt3A_98 : vector<16xi1>
          %convert_element_type3A_99 = arith.extui %and3A : vector<16xi1> to vector<16xi32>
          %broadcast_in_dim3A_100 = arith.constant true
          %broadcast_in_dim3A_101 = vector.broadcast %broadcast_in_dim3A_100 : i1 to vector<16xi1>
          %masked_cumsum3A = tpu.scan <sum>, %convert_element_type3A_99 masked %broadcast_in_dim3A_101 : vector<16xi32>, vector<16xi1> -> vector<16xi32>
          %sub3A_102 = arith.constant 1 : i32
          %sub3A_103 = arith.subi %while3A_84, %sub3A_102 : i32
          %add3A_104 = vector.broadcast %sub3A_103 : i32 to vector<16xi32>
          %add3A_105 = arith.addi %masked_cumsum3A, %add3A_104 : vector<16xi32>
          %and3A_106 = arith.constant 4095 : i32
          %and3A_107 = vector.broadcast %and3A_106 : i32 to vector<16xi32>
          %and3A_108 = arith.andi %add3A_105, %and3A_107 : vector<16xi32>
          tpu.vector_store_idx %arg6[%and3A_108], %get3A_90 masked %and3A : memref<4096xf32, #tpu.memory_space<vmem>>[vector<16xi32>], vector<16xf32>, vector<16xi1>
          %reduce_sum3A = arith.constant true
          %reduce_sum3A_109 = vector.broadcast %reduce_sum3A : i1 to vector<16xi1>
          %reduce_sum3A_110 = tpu.scan <sum>, %convert_element_type3A_99 masked %reduce_sum3A_109 : vector<16xi32>, vector<16xi1> -> vector<16xi32>
          %reduce_sum3A_111 = vector.extract %reduce_sum3A_110[15] : i32 from vector<16xi32>
          %add3A_112 = arith.addi %while3A_84, %reduce_sum3A_111 : i32
          scf.yield %add3A_112 : i32
        }
        %sub3A_76 = arith.subi %while3A_75, %scan3A_61 : i32
        %ge3A = arith.constant 2048 : i32
        %ge3A_77 = arith.cmpi sge, %sub3A_76, %ge3A : i32
        %convert_element_type3A_78 = arith.extui %ge3A_77 : i1 to i32
        %cond3A_79 = arith.constant 0 : i32
        %cond3A_80 = arith.cmpi ne, %convert_element_type3A_78, %cond3A_79 : i32
        scf.if %cond3A_80 {
          %and3A = arith.constant 4095 : i32
          %and3A_83 = arith.andi %scan3A_61, %and3A : i32
          %multiple_of3A = tpu.assume_multiple %and3A_83, 2048 : i32
          %add3A_84 = arith.addi %scan3A_7#1, %scan3A_61 : i32
          %multiple_of3A_85 = tpu.assume_multiple %add3A_84, 2048 : i32
          "tpu.region"() ({
            %run_scoped3A = tpu.sem_alloc : memref<!tpu.dma_semaphore, #tpu.memory_space<semaphore_mem>>
            %dma_start3A = tpu.memref_slice %arg6[%multiple_of3A] : memref<4096xf32, #tpu.memory_space<vmem>> -> memref<2048xf32, #tpu.memory_space<vmem>>
            %dma_start3A_86 = tpu.memref_slice %arg3[%multiple_of3A_85] : memref<2170880xf32, #tpu.memory_space<hbm>> -> memref<2048xf32, #tpu.memory_space<hbm>>
            %dma_start3A_87 = tpu.memref_slice %arg3[%multiple_of3A_85] : memref<2170880xf32, #tpu.memory_space<hbm>> -> memref<2048xf32, #tpu.memory_space<hbm>>
            %dma_start3A_88 = tpu.memref_slice %arg6[%multiple_of3A] : memref<4096xf32, #tpu.memory_space<vmem>> -> memref<2048xf32, #tpu.memory_space<vmem>>
            tpu.enqueue_dma source(%dma_start3A_88 : memref<2048xf32, #tpu.memory_space<vmem>>) target(%dma_start3A_87 : memref<2048xf32, #tpu.memory_space<hbm>>) target_semaphore(%run_scoped3A : memref<!tpu.dma_semaphore, #tpu.memory_space<semaphore_mem>>)
            %dma_wait3A = tpu.memref_slice %arg6[%multiple_of3A] : memref<4096xf32, #tpu.memory_space<vmem>> -> memref<2048xf32, #tpu.memory_space<vmem>>
            %dma_wait3A_89 = tpu.memref_slice %arg3[%multiple_of3A_85] : memref<2170880xf32, #tpu.memory_space<hbm>> -> memref<2048xf32, #tpu.memory_space<hbm>>
            %dma_wait3A_90 = tpu.memref_slice %arg3[%multiple_of3A_85] : memref<2170880xf32, #tpu.memory_space<hbm>> -> memref<2048xf32, #tpu.memory_space<hbm>>
            %dma_wait3A_91 = tpu.memref_slice %arg6[%multiple_of3A] : memref<4096xf32, #tpu.memory_space<vmem>> -> memref<2048xf32, #tpu.memory_space<vmem>>
            tpu.wait_dma2 semaphore(%run_scoped3A : memref<!tpu.dma_semaphore, #tpu.memory_space<semaphore_mem>>) src(%dma_wait3A_91 : memref<2048xf32, #tpu.memory_space<vmem>>) dst(%dma_wait3A_90 : memref<2048xf32, #tpu.memory_space<hbm>>)
            tpu.yield
          }) : () -> ()
        } else {
        }
        %add3A_81 = arith.constant 2048 : i32
        %add3A_82 = arith.addi %scan3A_61, %add3A_81 : i32
        %select_n3A = arith.select %ge3A_77, %add3A_82, %scan3A_61 : i32
        scf.yield %while3A_75, %select_n3A : i32, i32
      }
      %scan3A_58 = arith.constant 16 : i32
      scf.yield %scan3A_57#0, %scan3A_57#1 : i32, i32
    }
    %scan3A_18 = arith.constant 2 : i32
    %gt3A = arith.cmpi sgt, %scan3A_17#0, %scan3A_17#1 : i32
    %convert_element_type3A = arith.extui %gt3A : i1 to i32
    %cond3A = arith.constant 0 : i32
    %cond3A_19 = arith.cmpi ne, %convert_element_type3A, %cond3A : i32
    scf.if %cond3A_19 {
      %and3A = arith.constant 4095 : i32
      %and3A_45 = arith.andi %scan3A_17#1, %and3A : i32
      %multiple_of3A = tpu.assume_multiple %and3A_45, 2048 : i32
      %add3A_46 = arith.addi %scan3A_7#1, %scan3A_17#1 : i32
      %multiple_of3A_47 = tpu.assume_multiple %add3A_46, 2048 : i32
      "tpu.region"() ({
        %run_scoped3A = tpu.sem_alloc : memref<!tpu.dma_semaphore, #tpu.memory_space<semaphore_mem>>
        %dma_start3A = tpu.memref_slice %arg6[%multiple_of3A] : memref<4096xf32, #tpu.memory_space<vmem>> -> memref<2048xf32, #tpu.memory_space<vmem>>
        %dma_start3A_48 = tpu.memref_slice %arg3[%multiple_of3A_47] : memref<2170880xf32, #tpu.memory_space<hbm>> -> memref<2048xf32, #tpu.memory_space<hbm>>
        %dma_start3A_49 = tpu.memref_slice %arg3[%multiple_of3A_47] : memref<2170880xf32, #tpu.memory_space<hbm>> -> memref<2048xf32, #tpu.memory_space<hbm>>
        %dma_start3A_50 = tpu.memref_slice %arg6[%multiple_of3A] : memref<4096xf32, #tpu.memory_space<vmem>> -> memref<2048xf32, #tpu.memory_space<vmem>>
        tpu.enqueue_dma source(%dma_start3A_50 : memref<2048xf32, #tpu.memory_space<vmem>>) target(%dma_start3A_49 : memref<2048xf32, #tpu.memory_space<hbm>>) target_semaphore(%run_scoped3A : memref<!tpu.dma_semaphore, #tpu.memory_space<semaphore_mem>>)
        %dma_wait3A = tpu.memref_slice %arg6[%multiple_of3A] : memref<4096xf32, #tpu.memory_space<vmem>> -> memref<2048xf32, #tpu.memory_space<vmem>>
        %dma_wait3A_51 = tpu.memref_slice %arg3[%multiple_of3A_47] : memref<2170880xf32, #tpu.memory_space<hbm>> -> memref<2048xf32, #tpu.memory_space<hbm>>
        %dma_wait3A_52 = tpu.memref_slice %arg3[%multiple_of3A_47] : memref<2170880xf32, #tpu.memory_space<hbm>> -> memref<2048xf32, #tpu.memory_space<hbm>>
        %dma_wait3A_53 = tpu.memref_slice %arg6[%multiple_of3A] : memref<4096xf32, #tpu.memory_space<vmem>> -> memref<2048xf32, #tpu.memory_space<vmem>>
        tpu.wait_dma2 semaphore(%run_scoped3A : memref<!tpu.dma_semaphore, #tpu.memory_space<semaphore_mem>>) src(%dma_wait3A_53 : memref<2048xf32, #tpu.memory_space<vmem>>) dst(%dma_wait3A_52 : memref<2048xf32, #tpu.memory_space<hbm>>)
        tpu.yield
      }) : () -> ()
    } else {
    }
    %broadcast_in_dim3A = vector.broadcast %scan3A_17#0 : i32 to vector<16xi32>
    %swap3A = arith.constant 0 : index
    %swap3A_20 = tpu.vector_load %arg7[%swap3A] {strides = array<i32>} : memref<16xi32, #tpu.memory_space<vmem>>, vector<16xi32>,
    tpu.vector_store %arg7[%swap3A], %broadcast_in_dim3A {strides = array<i32>} : memref<16xi32, #tpu.memory_space<vmem>>, vector<16xi32>,
    %mul3A_21 = arith.constant 16 : i32
    %mul3A_22 = arith.muli %add3A, %mul3A_21 : i32
    "tpu.region"() ({
      %run_scoped3A = tpu.sem_alloc : memref<!tpu.dma_semaphore, #tpu.memory_space<semaphore_mem>>
      %dma_start3A = tpu.memref_slice %arg4[%mul3A_22] : memref<1024xi32, #tpu.memory_space<hbm>> -> memref<16xi32, #tpu.memory_space<hbm>>
      %dma_start3A_45 = tpu.memref_slice %arg4[%mul3A_22] : memref<1024xi32, #tpu.memory_space<hbm>> -> memref<16xi32, #tpu.memory_space<hbm>>
      tpu.enqueue_dma source(%arg7 : memref<16xi32, #tpu.memory_space<vmem>>) target(%dma_start3A_45 : memref<16xi32, #tpu.memory_space<hbm>>) target_semaphore(%run_scoped3A : memref<!tpu.dma_semaphore, #tpu.memory_space<semaphore_mem>>)
      %dma_wait3A = tpu.memref_slice %arg4[%mul3A_22] : memref<1024xi32, #tpu.memory_space<hbm>> -> memref<16xi32, #tpu.memory_space<hbm>>
      %dma_wait3A_46 = tpu.memref_slice %arg4[%mul3A_22] : memref<1024xi32, #tpu.memory_space<hbm>> -> memref<16xi32, #tpu.memory_space<hbm>>
      tpu.wait_dma2 semaphore(%run_scoped3A : memref<!tpu.dma_semaphore, #tpu.memory_space<semaphore_mem>>) src(%arg7 : memref<16xi32, #tpu.memory_space<vmem>>) dst(%dma_wait3A_46 : memref<16xi32, #tpu.memory_space<hbm>>)
      tpu.yield
    }) : () -> ()
    %sub3A = arith.constant 63 : i32
    %sub3A_23 = arith.subi %sub3A, %add3A : i32
    %mul3A_24 = arith.constant 32 : i32
    %mul3A_25 = arith.muli %sub3A_23, %mul3A_24 : i32
    %sub3A_26 = arith.constant 63 : i32
    %sub3A_27 = arith.subi %sub3A_26, %add3A : i32
    %scan3A_28 = arith.constant 0 : i32
    %scan3A_29 = arith.constant 0 : i32
    %scan3A_30 = arith.constant 0 : i32
    %scan3A_31 = arith.constant 2 : i32
    %scan3A_32 = arith.addi %scan3A_30, %scan3A_31 : i32
    %scan3A_33 = arith.constant 1 : i32
    %scan3A_34:2 = scf.for %scan3A_45 = %scan3A_30 to %scan3A_32 step %scan3A_33 iter_args(%scan3A_46 = %scan3A_28, %scan3A_47 = %scan3A_29) -> (i32, i32)  : i32 {
      %mul3A_48 = arith.constant 16 : i32
      %mul3A_49 = arith.muli %scan3A_45, %mul3A_48 : i32
      %add3A_50 = arith.addi %mul3A_25, %mul3A_49 : i32
      %mul3A_51 = arith.constant 2048 : i32
      %mul3A_52 = arith.muli %add3A_50, %mul3A_51 : i32
      "tpu.region"() ({
        %run_scoped3A = tpu.sem_alloc : memref<!tpu.dma_semaphore, #tpu.memory_space<semaphore_mem>>
        %dma_start3A = tpu.memref_slice %arg2[%mul3A_52] : memref<4194304xf32, #tpu.memory_space<hbm>> -> memref<32768xf32, #tpu.memory_space<hbm>>
        %dma_start3A_59 = tpu.memref_slice %arg2[%mul3A_52] : memref<4194304xf32, #tpu.memory_space<hbm>> -> memref<32768xf32, #tpu.memory_space<hbm>>
        tpu.enqueue_dma source(%dma_start3A_59 : memref<32768xf32, #tpu.memory_space<hbm>>) target(%arg5 : memref<32768xf32, #tpu.memory_space<vmem>>) target_semaphore(%run_scoped3A : memref<!tpu.dma_semaphore, #tpu.memory_space<semaphore_mem>>)
        %dma_wait3A = tpu.memref_slice %arg2[%mul3A_52] : memref<4194304xf32, #tpu.memory_space<hbm>> -> memref<32768xf32, #tpu.memory_space<hbm>>
        %dma_wait3A_60 = tpu.memref_slice %arg2[%mul3A_52] : memref<4194304xf32, #tpu.memory_space<hbm>> -> memref<32768xf32, #tpu.memory_space<hbm>>
        tpu.wait_dma2 semaphore(%run_scoped3A : memref<!tpu.dma_semaphore, #tpu.memory_space<semaphore_mem>>) src(%dma_wait3A_60 : memref<32768xf32, #tpu.memory_space<hbm>>) dst(%arg5 : memref<32768xf32, #tpu.memory_space<vmem>>)
        tpu.yield
      }) : () -> ()
      %scan3A_53 = arith.constant 0 : i32
      %scan3A_54 = arith.constant 16 : i32
      %scan3A_55 = arith.addi %scan3A_53, %scan3A_54 : i32
      %scan3A_56 = arith.constant 1 : i32
      %scan3A_57:2 = scf.for %scan3A_59 = %scan3A_53 to %scan3A_55 step %scan3A_56 iter_args(%scan3A_60 = %scan3A_46, %scan3A_61 = %scan3A_47) -> (i32, i32)  : i32 {
        %add3A_62 = arith.addi %add3A_50, %scan3A_59 : i32
        %add3A_63 = arith.constant 1 : i32
        %add3A_64 = arith.addi %add3A_62, %add3A_63 : i32
        %shift_right_arithmetic3A = arith.constant 4 : i32
        %shift_right_arithmetic3A_65 = arith.shrsi %add3A_64, %shift_right_arithmetic3A : i32
        %while3A = arith.constant 128 : i32
        %while3A_66 = arith.subi %while3A, %shift_right_arithmetic3A_65 : i32
        %while3A_67 = arith.addi %shift_right_arithmetic3A_65, %while3A_66 : i32
        %while3A_68 = arith.constant 1 : i32
        %while3A_69 = arith.divsi %while3A_66, %while3A_68 : i32
        %while3A_70 = arith.muli %while3A_69, %while3A_68 : i32
        %while3A_71 = arith.addi %shift_right_arithmetic3A_65, %while3A_70 : i32
        %while3A_72 = arith.constant 1 : i32
        %while3A_73 = scf.for %while3A_83 = %shift_right_arithmetic3A_65 to %while3A_71 step %while3A_72 iter_args(%while3A_84 = %scan3A_60) -> (i32)  : i32 {
          %mul3A_85 = arith.constant 2048 : i32
          %mul3A_86 = arith.muli %scan3A_59, %mul3A_85 : i32
          %mul3A_87 = arith.constant 16 : i32
          %mul3A_88 = arith.muli %while3A_83, %mul3A_87 : i32
          %add3A_89 = arith.addi %mul3A_86, %mul3A_88 : i32
          %get3A = arith.index_cast %add3A_89 : i32 to index
          %get3A_90 = tpu.vector_load %arg5[%get3A] {strides = array<i32>} : memref<32768xf32, #tpu.memory_space<vmem>>, vector<16xf32>,
          %ne3A = arith.constant 0.000000e+00 : f32
          %ne3A_91 = vector.broadcast %ne3A : f32 to vector<16xf32>
          %ne3A_92 = arith.cmpf one, %get3A_90, %ne3A_91 : vector<16xf32>
          %mul3A_93 = arith.constant 16 : i32
          %mul3A_94 = arith.muli %while3A_83, %mul3A_93 : i32
          %add3A_95 = vector.broadcast %mul3A_94 : i32 to vector<16xi32>
          %add3A_96 = arith.addi %add3A_95, %iota3A : vector<16xi32>
          %gt3A_97 = vector.broadcast %add3A_62 : i32 to vector<16xi32>
          %gt3A_98 = arith.cmpi sgt, %add3A_96, %gt3A_97 : vector<16xi32>
          %and3A = arith.andi %ne3A_92, %gt3A_98 : vector<16xi1>
          %convert_element_type3A_99 = arith.extui %and3A : vector<16xi1> to vector<16xi32>
          %broadcast_in_dim3A_100 = arith.constant true
          %broadcast_in_dim3A_101 = vector.broadcast %broadcast_in_dim3A_100 : i1 to vector<16xi1>
          %masked_cumsum3A = tpu.scan <sum>, %convert_element_type3A_99 masked %broadcast_in_dim3A_101 : vector<16xi32>, vector<16xi1> -> vector<16xi32>
          %sub3A_102 = arith.constant 1 : i32
          %sub3A_103 = arith.subi %while3A_84, %sub3A_102 : i32
          %add3A_104 = vector.broadcast %sub3A_103 : i32 to vector<16xi32>
          %add3A_105 = arith.addi %masked_cumsum3A, %add3A_104 : vector<16xi32>
          %and3A_106 = arith.constant 4095 : i32
          %and3A_107 = vector.broadcast %and3A_106 : i32 to vector<16xi32>
          %and3A_108 = arith.andi %add3A_105, %and3A_107 : vector<16xi32>
          tpu.vector_store_idx %arg6[%and3A_108], %get3A_90 masked %and3A : memref<4096xf32, #tpu.memory_space<vmem>>[vector<16xi32>], vector<16xf32>, vector<16xi1>
          %reduce_sum3A = arith.constant true
          %reduce_sum3A_109 = vector.broadcast %reduce_sum3A : i1 to vector<16xi1>
          %reduce_sum3A_110 = tpu.scan <sum>, %convert_element_type3A_99 masked %reduce_sum3A_109 : vector<16xi32>, vector<16xi1> -> vector<16xi32>
          %reduce_sum3A_111 = vector.extract %reduce_sum3A_110[15] : i32 from vector<16xi32>
          %add3A_112 = arith.addi %while3A_84, %reduce_sum3A_111 : i32
          scf.yield %add3A_112 : i32
        }
        %while3A_74 = arith.constant 1 : i32
        %while3A_75 = scf.for %while3A_83 = %while3A_71 to %while3A_67 step %while3A_74 iter_args(%while3A_84 = %while3A_73) -> (i32)  : i32 {
          %mul3A_85 = arith.constant 2048 : i32
          %mul3A_86 = arith.muli %scan3A_59, %mul3A_85 : i32
          %mul3A_87 = arith.constant 16 : i32
          %mul3A_88 = arith.muli %while3A_83, %mul3A_87 : i32
          %add3A_89 = arith.addi %mul3A_86, %mul3A_88 : i32
          %get3A = arith.index_cast %add3A_89 : i32 to index
          %get3A_90 = tpu.vector_load %arg5[%get3A] {strides = array<i32>} : memref<32768xf32, #tpu.memory_space<vmem>>, vector<16xf32>,
          %ne3A = arith.constant 0.000000e+00 : f32
          %ne3A_91 = vector.broadcast %ne3A : f32 to vector<16xf32>
          %ne3A_92 = arith.cmpf one, %get3A_90, %ne3A_91 : vector<16xf32>
          %mul3A_93 = arith.constant 16 : i32
          %mul3A_94 = arith.muli %while3A_83, %mul3A_93 : i32
          %add3A_95 = vector.broadcast %mul3A_94 : i32 to vector<16xi32>
          %add3A_96 = arith.addi %add3A_95, %iota3A : vector<16xi32>
          %gt3A_97 = vector.broadcast %add3A_62 : i32 to vector<16xi32>
          %gt3A_98 = arith.cmpi sgt, %add3A_96, %gt3A_97 : vector<16xi32>
          %and3A = arith.andi %ne3A_92, %gt3A_98 : vector<16xi1>
          %convert_element_type3A_99 = arith.extui %and3A : vector<16xi1> to vector<16xi32>
          %broadcast_in_dim3A_100 = arith.constant true
          %broadcast_in_dim3A_101 = vector.broadcast %broadcast_in_dim3A_100 : i1 to vector<16xi1>
          %masked_cumsum3A = tpu.scan <sum>, %convert_element_type3A_99 masked %broadcast_in_dim3A_101 : vector<16xi32>, vector<16xi1> -> vector<16xi32>
          %sub3A_102 = arith.constant 1 : i32
          %sub3A_103 = arith.subi %while3A_84, %sub3A_102 : i32
          %add3A_104 = vector.broadcast %sub3A_103 : i32 to vector<16xi32>
          %add3A_105 = arith.addi %masked_cumsum3A, %add3A_104 : vector<16xi32>
          %and3A_106 = arith.constant 4095 : i32
          %and3A_107 = vector.broadcast %and3A_106 : i32 to vector<16xi32>
          %and3A_108 = arith.andi %add3A_105, %and3A_107 : vector<16xi32>
          tpu.vector_store_idx %arg6[%and3A_108], %get3A_90 masked %and3A : memref<4096xf32, #tpu.memory_space<vmem>>[vector<16xi32>], vector<16xf32>, vector<16xi1>
          %reduce_sum3A = arith.constant true
          %reduce_sum3A_109 = vector.broadcast %reduce_sum3A : i1 to vector<16xi1>
          %reduce_sum3A_110 = tpu.scan <sum>, %convert_element_type3A_99 masked %reduce_sum3A_109 : vector<16xi32>, vector<16xi1> -> vector<16xi32>
          %reduce_sum3A_111 = vector.extract %reduce_sum3A_110[15] : i32 from vector<16xi32>
          %add3A_112 = arith.addi %while3A_84, %reduce_sum3A_111 : i32
          scf.yield %add3A_112 : i32
        }
        %sub3A_76 = arith.subi %while3A_75, %scan3A_61 : i32
        %ge3A = arith.constant 2048 : i32
        %ge3A_77 = arith.cmpi sge, %sub3A_76, %ge3A : i32
        %convert_element_type3A_78 = arith.extui %ge3A_77 : i1 to i32
        %cond3A_79 = arith.constant 0 : i32
        %cond3A_80 = arith.cmpi ne, %convert_element_type3A_78, %cond3A_79 : i32
        scf.if %cond3A_80 {
          %and3A = arith.constant 4095 : i32
          %and3A_83 = arith.andi %scan3A_61, %and3A : i32
          %multiple_of3A = tpu.assume_multiple %and3A_83, 2048 : i32
          %add3A_84 = arith.addi %scan3A_7#2, %scan3A_61 : i32
          %multiple_of3A_85 = tpu.assume_multiple %add3A_84, 2048 : i32
          "tpu.region"() ({
            %run_scoped3A = tpu.sem_alloc : memref<!tpu.dma_semaphore, #tpu.memory_space<semaphore_mem>>
            %dma_start3A = tpu.memref_slice %arg6[%multiple_of3A] : memref<4096xf32, #tpu.memory_space<vmem>> -> memref<2048xf32, #tpu.memory_space<vmem>>
            %dma_start3A_86 = tpu.memref_slice %arg3[%multiple_of3A_85] : memref<2170880xf32, #tpu.memory_space<hbm>> -> memref<2048xf32, #tpu.memory_space<hbm>>
            %dma_start3A_87 = tpu.memref_slice %arg3[%multiple_of3A_85] : memref<2170880xf32, #tpu.memory_space<hbm>> -> memref<2048xf32, #tpu.memory_space<hbm>>
            %dma_start3A_88 = tpu.memref_slice %arg6[%multiple_of3A] : memref<4096xf32, #tpu.memory_space<vmem>> -> memref<2048xf32, #tpu.memory_space<vmem>>
            tpu.enqueue_dma source(%dma_start3A_88 : memref<2048xf32, #tpu.memory_space<vmem>>) target(%dma_start3A_87 : memref<2048xf32, #tpu.memory_space<hbm>>) target_semaphore(%run_scoped3A : memref<!tpu.dma_semaphore, #tpu.memory_space<semaphore_mem>>)
            %dma_wait3A = tpu.memref_slice %arg6[%multiple_of3A] : memref<4096xf32, #tpu.memory_space<vmem>> -> memref<2048xf32, #tpu.memory_space<vmem>>
            %dma_wait3A_89 = tpu.memref_slice %arg3[%multiple_of3A_85] : memref<2170880xf32, #tpu.memory_space<hbm>> -> memref<2048xf32, #tpu.memory_space<hbm>>
            %dma_wait3A_90 = tpu.memref_slice %arg3[%multiple_of3A_85] : memref<2170880xf32, #tpu.memory_space<hbm>> -> memref<2048xf32, #tpu.memory_space<hbm>>
            %dma_wait3A_91 = tpu.memref_slice %arg6[%multiple_of3A] : memref<4096xf32, #tpu.memory_space<vmem>> -> memref<2048xf32, #tpu.memory_space<vmem>>
            tpu.wait_dma2 semaphore(%run_scoped3A : memref<!tpu.dma_semaphore, #tpu.memory_space<semaphore_mem>>) src(%dma_wait3A_91 : memref<2048xf32, #tpu.memory_space<vmem>>) dst(%dma_wait3A_90 : memref<2048xf32, #tpu.memory_space<hbm>>)
            tpu.yield
          }) : () -> ()
        } else {
        }
        %add3A_81 = arith.constant 2048 : i32
        %add3A_82 = arith.addi %scan3A_61, %add3A_81 : i32
        %select_n3A = arith.select %ge3A_77, %add3A_82, %scan3A_61 : i32
        scf.yield %while3A_75, %select_n3A : i32, i32
      }
      %scan3A_58 = arith.constant 16 : i32
      scf.yield %scan3A_57#0, %scan3A_57#1 : i32, i32
    }
    %scan3A_35 = arith.constant 2 : i32
    %gt3A_36 = arith.cmpi sgt, %scan3A_34#0, %scan3A_34#1 : i32
    %convert_element_type3A_37 = arith.extui %gt3A_36 : i1 to i32
    %cond3A_38 = arith.constant 0 : i32
    %cond3A_39 = arith.cmpi ne, %convert_element_type3A_37, %cond3A_38 : i32
    scf.if %cond3A_39 {
      %and3A = arith.constant 4095 : i32
      %and3A_45 = arith.andi %scan3A_34#1, %and3A : i32
      %multiple_of3A = tpu.assume_multiple %and3A_45, 2048 : i32
      %add3A_46 = arith.addi %scan3A_7#2, %scan3A_34#1 : i32
      %multiple_of3A_47 = tpu.assume_multiple %add3A_46, 2048 : i32
      "tpu.region"() ({
        %run_scoped3A = tpu.sem_alloc : memref<!tpu.dma_semaphore, #tpu.memory_space<semaphore_mem>>
        %dma_start3A = tpu.memref_slice %arg6[%multiple_of3A] : memref<4096xf32, #tpu.memory_space<vmem>> -> memref<2048xf32, #tpu.memory_space<vmem>>
        %dma_start3A_48 = tpu.memref_slice %arg3[%multiple_of3A_47] : memref<2170880xf32, #tpu.memory_space<hbm>> -> memref<2048xf32, #tpu.memory_space<hbm>>
        %dma_start3A_49 = tpu.memref_slice %arg3[%multiple_of3A_47] : memref<2170880xf32, #tpu.memory_space<hbm>> -> memref<2048xf32, #tpu.memory_space<hbm>>
        %dma_start3A_50 = tpu.memref_slice %arg6[%multiple_of3A] : memref<4096xf32, #tpu.memory_space<vmem>> -> memref<2048xf32, #tpu.memory_space<vmem>>
        tpu.enqueue_dma source(%dma_start3A_50 : memref<2048xf32, #tpu.memory_space<vmem>>) target(%dma_start3A_49 : memref<2048xf32, #tpu.memory_space<hbm>>) target_semaphore(%run_scoped3A : memref<!tpu.dma_semaphore, #tpu.memory_space<semaphore_mem>>)
        %dma_wait3A = tpu.memref_slice %arg6[%multiple_of3A] : memref<4096xf32, #tpu.memory_space<vmem>> -> memref<2048xf32, #tpu.memory_space<vmem>>
        %dma_wait3A_51 = tpu.memref_slice %arg3[%multiple_of3A_47] : memref<2170880xf32, #tpu.memory_space<hbm>> -> memref<2048xf32, #tpu.memory_space<hbm>>
        %dma_wait3A_52 = tpu.memref_slice %arg3[%multiple_of3A_47] : memref<2170880xf32, #tpu.memory_space<hbm>> -> memref<2048xf32, #tpu.memory_space<hbm>>
        %dma_wait3A_53 = tpu.memref_slice %arg6[%multiple_of3A] : memref<4096xf32, #tpu.memory_space<vmem>> -> memref<2048xf32, #tpu.memory_space<vmem>>
        tpu.wait_dma2 semaphore(%run_scoped3A : memref<!tpu.dma_semaphore, #tpu.memory_space<semaphore_mem>>) src(%dma_wait3A_53 : memref<2048xf32, #tpu.memory_space<vmem>>) dst(%dma_wait3A_52 : memref<2048xf32, #tpu.memory_space<hbm>>)
        tpu.yield
      }) : () -> ()
    } else {
    }
    %broadcast_in_dim3A_40 = vector.broadcast %scan3A_34#0 : i32 to vector<16xi32>
    %swap3A_41 = arith.constant 0 : index
    %swap3A_42 = tpu.vector_load %arg7[%swap3A_41] {strides = array<i32>} : memref<16xi32, #tpu.memory_space<vmem>>, vector<16xi32>,
    tpu.vector_store %arg7[%swap3A_41], %broadcast_in_dim3A_40 {strides = array<i32>} : memref<16xi32, #tpu.memory_space<vmem>>, vector<16xi32>,
    %mul3A_43 = arith.constant 16 : i32
    %mul3A_44 = arith.muli %sub3A_27, %mul3A_43 : i32
    "tpu.region"() ({
      %run_scoped3A = tpu.sem_alloc : memref<!tpu.dma_semaphore, #tpu.memory_space<semaphore_mem>>
      %dma_start3A = tpu.memref_slice %arg4[%mul3A_44] : memref<1024xi32, #tpu.memory_space<hbm>> -> memref<16xi32, #tpu.memory_space<hbm>>
      %dma_start3A_45 = tpu.memref_slice %arg4[%mul3A_44] : memref<1024xi32, #tpu.memory_space<hbm>> -> memref<16xi32, #tpu.memory_space<hbm>>
      tpu.enqueue_dma source(%arg7 : memref<16xi32, #tpu.memory_space<vmem>>) target(%dma_start3A_45 : memref<16xi32, #tpu.memory_space<hbm>>) target_semaphore(%run_scoped3A : memref<!tpu.dma_semaphore, #tpu.memory_space<semaphore_mem>>)
      %dma_wait3A = tpu.memref_slice %arg4[%mul3A_44] : memref<1024xi32, #tpu.memory_space<hbm>> -> memref<16xi32, #tpu.memory_space<hbm>>
      %dma_wait3A_46 = tpu.memref_slice %arg4[%mul3A_44] : memref<1024xi32, #tpu.memory_space<hbm>> -> memref<16xi32, #tpu.memory_space<hbm>>
      tpu.wait_dma2 semaphore(%run_scoped3A : memref<!tpu.dma_semaphore, #tpu.memory_space<semaphore_mem>>) src(%arg7 : memref<16xi32, #tpu.memory_space<vmem>>) dst(%dma_wait3A_46 : memref<16xi32, #tpu.memory_space<hbm>>)
      tpu.yield
    }) : () -> ()
    return
  }
}

module attributes {stable_mosaic.version = 14 : i64} {
  func.func @_dense_chain(%arg0: memref<2048x2048xf32, #tpu.memory_space<vmem>>, %arg1: memref<2048x32xf32, #tpu.memory_space<vmem>>, %arg2: memref<32x32xf32, #tpu.memory_space<vmem>>, %arg3: memref<1x32xf32, #tpu.memory_space<vmem>>, %arg4: memref<32x32xf32, #tpu.memory_space<vmem>>, %arg5: memref<1x32xf32, #tpu.memory_space<vmem>>, %arg6: memref<32x2048xf32, #tpu.memory_space<vmem>>) attributes {dimension_semantics = [], scalar_prefetch = 0 : i64, scratch_operands = 0 : i64, tpu.core_type = #tpu.core_type<tc>} {
    %get3A = arith.constant 0 : index
    %get3A_0 = arith.constant 0 : index
    %get3A_1 = vector.load %arg0[%get3A, %get3A_0] : memref<2048x2048xf32, #tpu.memory_space<vmem>>, vector<2048x2048xf32>
    %reduce_sum3A = arith.constant dense<0.000000e+00> : vector<2048xf32>
    %reduce_sum3A_2 = vector.multi_reduction <add>, %get3A_1, %reduce_sum3A [1] : vector<2048x2048xf32> to vector<2048xf32>
    %add3A = arith.constant 1.000000e+00 : f32
    %add3A_3 = vector.broadcast %add3A : f32 to vector<2048xf32>
    %add3A_4 = arith.addf %add3A_3, %reduce_sum3A_2 : vector<2048xf32>
    %rsqrt3A = math.rsqrt %add3A_4 : vector<2048xf32>
    %broadcast_in_dim3A = vector.shape_cast %rsqrt3A : vector<2048xf32> to vector<2048x1xf32>
    %mul3A = arith.mulf %broadcast_in_dim3A, %broadcast_in_dim3A : vector<2048x1xf32>
    %get3A_5 = arith.constant 0 : index
    %get3A_6 = arith.constant 0 : index
    %get3A_7 = vector.load %arg1[%get3A_5, %get3A_6] : memref<2048x32xf32, #tpu.memory_space<vmem>>, vector<2048x32xf32>
    %get3A_8 = arith.constant 0 : index
    %get3A_9 = arith.constant 0 : index
    %get3A_10 = vector.load %arg2[%get3A_8, %get3A_9] : memref<32x32xf32, #tpu.memory_space<vmem>>, vector<32x32xf32>
    %dot_general3A = arith.constant dense<0.000000e+00> : vector<2048x32xf32>
    %dot_general3A_11 = tpu.matmul %get3A_7, %get3A_10, %dot_general3A {dimension_numbers = #tpu.dot_dimension_numbers<[1], [0], [0], [1], [0, 0, 1, 1], [], []>, transpose_lhs_hint = false} : vector<2048x32xf32>, vector<32x32xf32>, vector<2048x32xf32> -> vector<2048x32xf32>
    %mul3A_12 = vector.broadcast %broadcast_in_dim3A : vector<2048x1xf32> to vector<2048x32xf32>
    %mul3A_13 = arith.mulf %mul3A_12, %dot_general3A_11 : vector<2048x32xf32>
    %dot_general3A_14 = arith.constant dense<0.000000e+00> : vector<2048x32xf32>
    %dot_general3A_15 = tpu.matmul %get3A_1, %mul3A_13, %dot_general3A_14 {dimension_numbers = #tpu.dot_dimension_numbers<[1], [0], [0], [1], [0, 0, 1, 1], [], []>, transpose_lhs_hint = false} : vector<2048x2048xf32>, vector<2048x32xf32>, vector<2048x32xf32> -> vector<2048x32xf32>
    %mul3A_16 = vector.broadcast %broadcast_in_dim3A : vector<2048x1xf32> to vector<2048x32xf32>
    %mul3A_17 = arith.mulf %mul3A_16, %dot_general3A_15 : vector<2048x32xf32>
    %mul3A_18 = vector.broadcast %mul3A : vector<2048x1xf32> to vector<2048x32xf32>
    %mul3A_19 = arith.mulf %mul3A_18, %dot_general3A_11 : vector<2048x32xf32>
    %add3A_20 = arith.addf %mul3A_17, %mul3A_19 : vector<2048x32xf32>
    %get3A_21 = arith.constant 0 : index
    %get3A_22 = arith.constant 0 : index
    %get3A_23 = vector.load %arg3[%get3A_21, %get3A_22] : memref<1x32xf32, #tpu.memory_space<vmem>>, vector<1x32xf32>
    %add3A_24 = vector.broadcast %get3A_23 : vector<1x32xf32> to vector<2048x32xf32>
    %add3A_25 = arith.addf %add3A_20, %add3A_24 : vector<2048x32xf32>
    %max3A = arith.constant 0.000000e+00 : f32
    %max3A_26 = vector.broadcast %max3A : f32 to vector<2048x32xf32>
    %max3A_27 = arith.maximumf %add3A_25, %max3A_26 : vector<2048x32xf32>
    %get3A_28 = arith.constant 0 : index
    %get3A_29 = arith.constant 0 : index
    %get3A_30 = vector.load %arg4[%get3A_28, %get3A_29] : memref<32x32xf32, #tpu.memory_space<vmem>>, vector<32x32xf32>
    %dot_general3A_31 = arith.constant dense<0.000000e+00> : vector<2048x32xf32>
    %dot_general3A_32 = tpu.matmul %max3A_27, %get3A_30, %dot_general3A_31 {dimension_numbers = #tpu.dot_dimension_numbers<[1], [0], [0], [1], [0, 0, 1, 1], [], []>, transpose_lhs_hint = false} : vector<2048x32xf32>, vector<32x32xf32>, vector<2048x32xf32> -> vector<2048x32xf32>
    %mul3A_33 = vector.broadcast %broadcast_in_dim3A : vector<2048x1xf32> to vector<2048x32xf32>
    %mul3A_34 = arith.mulf %mul3A_33, %dot_general3A_32 : vector<2048x32xf32>
    %dot_general3A_35 = arith.constant dense<0.000000e+00> : vector<2048x32xf32>
    %dot_general3A_36 = tpu.matmul %get3A_1, %mul3A_34, %dot_general3A_35 {dimension_numbers = #tpu.dot_dimension_numbers<[1], [0], [0], [1], [0, 0, 1, 1], [], []>, transpose_lhs_hint = false} : vector<2048x2048xf32>, vector<2048x32xf32>, vector<2048x32xf32> -> vector<2048x32xf32>
    %mul3A_37 = vector.broadcast %broadcast_in_dim3A : vector<2048x1xf32> to vector<2048x32xf32>
    %mul3A_38 = arith.mulf %mul3A_37, %dot_general3A_36 : vector<2048x32xf32>
    %mul3A_39 = vector.broadcast %mul3A : vector<2048x1xf32> to vector<2048x32xf32>
    %mul3A_40 = arith.mulf %mul3A_39, %dot_general3A_32 : vector<2048x32xf32>
    %add3A_41 = arith.addf %mul3A_38, %mul3A_40 : vector<2048x32xf32>
    %get3A_42 = arith.constant 0 : index
    %get3A_43 = arith.constant 0 : index
    %get3A_44 = vector.load %arg5[%get3A_42, %get3A_43] : memref<1x32xf32, #tpu.memory_space<vmem>>, vector<1x32xf32>
    %add3A_45 = vector.broadcast %get3A_44 : vector<1x32xf32> to vector<2048x32xf32>
    %add3A_46 = arith.addf %add3A_41, %add3A_45 : vector<2048x32xf32>
    %max3A_47 = arith.constant 0.000000e+00 : f32
    %max3A_48 = vector.broadcast %max3A_47 : f32 to vector<2048x32xf32>
    %max3A_49 = arith.maximumf %add3A_46, %max3A_48 : vector<2048x32xf32>
    %reduce_max3A = arith.constant dense<0xFF800000> : vector<32xf32>
    %reduce_max3A_50 = vector.multi_reduction <maximumf>, %max3A_49, %reduce_max3A [0] : vector<2048x32xf32> to vector<32xf32>
    %broadcast_in_dim3A_51 = vector.shape_cast %reduce_max3A_50 : vector<32xf32> to vector<1x32xf32>
    %sub3A = vector.broadcast %broadcast_in_dim3A_51 : vector<1x32xf32> to vector<2048x32xf32>
    %sub3A_52 = arith.subf %max3A_49, %sub3A : vector<2048x32xf32>
    %exp3A = math.exp %sub3A_52 : vector<2048x32xf32>
    %reduce_sum3A_53 = arith.constant dense<0.000000e+00> : vector<32xf32>
    %reduce_sum3A_54 = vector.multi_reduction <add>, %exp3A, %reduce_sum3A_53 [0] : vector<2048x32xf32> to vector<32xf32>
    %broadcast_in_dim3A_55 = vector.shape_cast %reduce_sum3A_54 : vector<32xf32> to vector<1x32xf32>
    %div3A = vector.broadcast %broadcast_in_dim3A_55 : vector<1x32xf32> to vector<2048x32xf32>
    %div3A_56 = arith.divf %exp3A, %div3A : vector<2048x32xf32>
    %transpose3A = tpu.transpose %div3A_56, [1, 0] : vector<2048x32xf32> -> vector<32x2048xf32>
    %swap3A = arith.constant 0 : index
    %swap3A_57 = arith.constant 0 : index
    %swap3A_58 = vector.load %arg6[%swap3A, %swap3A_57] : memref<32x2048xf32, #tpu.memory_space<vmem>>, vector<32x2048xf32>
    tpu.vector_store %arg6[%swap3A, %swap3A_57], %transpose3A {strides = array<i32>} : memref<32x2048xf32, #tpu.memory_space<vmem>>, vector<32x2048xf32>,
    return
  }
}

</mosaic_0001>

<sc_bundles>
// kernel: kernel.5.cloned.1.call-start
scs
__scs_entry_jumppad:
0x0: {  	(pc) =	sbr.rel $0x88, $3  }
0x1: {  	(tag) =	ssettag $0x0;
	lr =	simm.s32 $0x1  }
0x2: {  	[smem:$0x3F9A] =	sst lr;
	_ =	strace $0xD0000000  }
0x3: {  	_ = 	snop  }
0x4: {  	_ = 	snop  }
0x5: {  	_ = 	snop  }
0x6: {  	_ = 	snop  }
0x7: {  	_ = 	snop  }
__scs_overlays_trampoline_lowered:
0x8: {  	[smem:$0x3FA9] =	sst s0  }
0x9: {  	[smem:$0x3FAA] =	sst s1  }
0xa: {  	[smem:$0x3FAB] =	sst s2  }
0xb: {  	[smem:$0x3FAC] =	sst s3  }
0xc: {  	[smem:$0x3FAD] =	sst s4  }
0xd: {  	[smem:$0x3FAE] =	sst s5  }
0xe: {  	[smem:$0x3FAF] =	sst s6  }
0xf: {  	[smem:$0x3FB0] =	sst s7  }
0x10: {  	[smem:$0x3FB1] =	sst s8  }
0x11: {  	[smem:$0x3FB2] =	sst s9;
	s0 =	simm.s32 @!p0 $0x0  }
0x12: {  	s1 =	sld [smem:$0x3F98];
	s0 =	simm.s32 @p0 $0x1  }
0x13: {  	[smem:$0x3FB3] =	sst s0;
	s0 =	simm.s32 @!p1 $0x0  }
0x14: {  	s2 =	sld [smem:$0x3F97];
	s0 =	simm.s32 @p1 $0x1  }
0x15: {  	[smem:$0x3FB4] =	sst s0;
	s0 =	simm.s32 @!p2 $0x0  }
0x16: {  	s3 =	sld [smem:$0x3FDB];
	s0 =	simm.s32 @p2 $0x1  }
0x17: {  	s4 =	simm.s32 $0x1BF5;
	[smem:$0x3FB6] =	sst s0  }
0x18: {  	s0 =	sld [smem:$0x3F99];
	_ =	swait.ge [sflag:s4], $0x0  }
0x19: {  	s7 =	sld [smem:$0x3F9A]  }
0x1a: {  	s8 =	sadd.s32 $0xFFFFE003, lr  }
0x1b: {  	s9 =	sadd.s32 $0xFFFFFEF7, lr;
	s5 =	simm.s32 $0xFFFFFFFF;
	p2 =	slt.u32 s8, $0xFFFFF086  }
0x1c: {  	p1 =	slt.u32 s9, $0xF7A;
	s5 =	simm.s32 @!p2 $0x0  }
0x1d: {  	s5 =	simm.s32 @p1 $0x1;
	p0 =	seq.s32 s7, s2  }
0x1e: {  	s7 =	smul.u32 @!p0 $0xF7A, s2;
	p2 =	seq.s32 @!p0 s5, $0x0  }
0x1f: {  	s9 =	smul.u32 $0xF7A, s1;
	s8 =	simm.s32 @!p0 $0x1BF5;
	p2 =	por !p2, p0  }
0x20: {  	[sflag:s8] =	ssyncset.s32 @!p0 $0xFFFFF086;
	s6 =	sadd.s32 @!p0 s3, s7;
	s7 =	simm.s32 @!p0 $0x108  }
0x21: {  	s3 =	sadd.s32 s3, s9;
	s6 =	sadd.s32 @!p0 $0x88, s6;
	s7 =	simm.s32 @p2 $0x1082  }
0x22: {  	[simem:s7], [sflag:s8] =	dma.local @!p0 [hbm:s6], $0xF7A  }
0x23: {  	s9 =	sor.u32 $0xD0000000, s2;
	s6 =	simm.s32 $0x108;
	_ =	swait.ge @!p0 [sflag:s8], $0x0  }
0x24: {  	s3 =	sadd.s32 $0x88, s3;
	s6 =	simm.s32 @!p1 $0x1082;
	[sflag:s4] =	ssyncset.s32 $0xFFFFF086  }
0x25: {  	[simem:s6], [sflag:s4] =	dma.local [hbm:s3], $0xF7A  }
0x26: {  	[smem:$0x3F9A] =	sst s1;
	(tag) =	ssettag s2;
	_ =	strace s9  }
0x27: {  	s1 =	sld [smem:$0x3FAA]  }
0x28: {  	s2 =	sld [smem:$0x3FAB]  }
0x29: {  	s4 =	sld [smem:$0x3FAD]  }
0x2a: {  	p0 =	seq.s32 s5, $0x0;
	s5 =	sld [smem:$0x3FAE]  }
0x2b: {  	s6 =	sld [smem:$0x3FAF]  }
0x2c: {  	s7 =	sld [smem:$0x3FB0]  }
0x2d: {  	s3 =	simm.s32 $0x108;
	s8 =	sld [smem:$0x3FB1]  }
0x2e: {  	s3 =	simm.s32 @!p0 $0x1082;
	s9 =	sld [smem:$0x3FB2]  }
0x2f: {  	lr =	sadd.s32 s0, s3;
	s0 =	sld [smem:$0x3FA9]  }
0x30: {  	s3 =	sld [smem:$0x3FAC]  }
0x31: {  	[smem:$0x3FB5] =	sst s10  }
0x32: {  	s10 =	sld [smem:$0x3FB3];
	_ =	sdelay $0x3  }
0x33: {  	p0 =	seq.s32 s10, $0x1;
	s10 =	sld [smem:$0x3FB5];
	_ =	sdelay $0x3  }
0x34: {  	[smem:$0x3FB5] =	sst s10  }
0x35: {  	s10 =	sld [smem:$0x3FB4];
	_ =	sdelay $0x3  }
0x36: {  	p1 =	seq.s32 s10, $0x1;
	s10 =	sld [smem:$0x3FB5];
	_ =	sdelay $0x3  }
0x37: {  	[smem:$0x3FB5] =	sst s10  }
0x38: {  	s10 =	sld [smem:$0x3FB6]  }
0x39: {  	_ = 	snop;
	(pc) =	sbr.ind lr, $3  }
0x3a: {  	_ = 	snop  }
0x3b: {  	_ = 	snop  }
0x3c: {  	p2 =	seq.s32 s10, $0x1;
	s10 =	sld [smem:$0x3FB5]  }
0x3d: {  	_ =	shalt  }
0x3e: {  	_ =	shalt  }
0x3f: {  	_ =	shalt  }
0x40: {  	_ =	shalt  }
0x41: {  	_ =	shalt  }
0x42: {  	_ =	shalt  }
0x43: {  	_ =	shalt  }
0x44: {  	_ =	shalt  }
0x45: {  	_ =	shalt  }
0x46: {  	_ =	shalt  }
0x47: {  	_ =	shalt  }
0x48: {  	_ =	shalt  }
0x49: {  	_ =	shalt  }
0x4a: {  	_ =	shalt  }
0x4b: {  	_ =	shalt  }
0x4c: {  	_ =	shalt  }
0x4d: {  	_ =	shalt  }
0x4e: {  	_ =	shalt  }
0x4f: {  	_ =	shalt  }
0x50: {  	_ =	shalt  }
0x51: {  	_ =	shalt  }
0x52: {  	_ =	shalt  }
0x53: {  	_ =	shalt  }
0x54: {  	_ =	shalt  }
0x55: {  	_ =	shalt  }
0x56: {  	_ =	shalt  }
0x57: {  	_ =	shalt  }
0x58: {  	_ =	shalt  }
0x59: {  	_ =	shalt  }
0x5a: {  	_ =	shalt  }
0x5b: {  	_ =	shalt  }
0x5c: {  	_ =	shalt  }
0x5d: {  	_ =	shalt  }
0x5e: {  	_ =	shalt  }
0x5f: {  	_ =	shalt  }
0x60: {  	_ =	shalt  }
0x61: {  	_ =	shalt  }
0x62: {  	_ =	shalt  }
0x63: {  	_ =	shalt  }
0x64: {  	_ =	shalt  }
0x65: {  	_ =	shalt  }
0x66: {  	_ =	shalt  }
0x67: {  	_ =	shalt  }
0x68: {  	_ =	shalt  }
0x69: {  	_ =	shalt  }
0x6a: {  	_ =	shalt  }
0x6b: {  	_ =	shalt  }
0x6c: {  	_ =	shalt  }
0x6d: {  	_ =	shalt  }
0x6e: {  	_ =	shalt  }
0x6f: {  	_ =	shalt  }
0x70: {  	_ =	shalt  }
0x71: {  	_ =	shalt  }
0x72: {  	_ =	shalt  }
0x73: {  	_ =	shalt  }
0x74: {  	_ =	shalt  }
0x75: {  	_ =	shalt  }
0x76: {  	_ =	shalt  }
0x77: {  	_ =	shalt  }
0x78: {  	_ =	shalt  }
0x79: {  	_ =	shalt  }
0x7a: {  	_ =	shalt  }
0x7b: {  	_ =	shalt  }
0x7c: {  	_ =	shalt  }
0x7d: {  	_ =	shalt  }
0x7e: {  	_ =	shalt  }
0x7f: {  	_ =	shalt  }
0x80: {  	_ =	shalt  }
0x81: {  	_ =	shalt  }
0x82: {  	_ =	shalt  }
0x83: {  	_ =	shalt  }
0x84: {  	_ =	shalt  }
0x85: {  	_ =	shalt  }
0x86: {  	_ =	shalt  }
0x87: {  	_ =	shalt  }
.Lfunc_end0:
.L_simem_size_0:
called_computation_lowered:
.L_overlay_start_0:
0x88: {  	s2 =	sld [smem:$0x3FD9]  }
0x89: {  	s3 =	sld [smem:$0x3FFE];
	_ =	sdelay $0x1  }
0x8a: {  	s1 =	srdreg.scid  }
0x8b: {  	s0 =	sand.u32 $0x1, s1  }
0x8c: {  	s17 =	sshll.u32 s0, $0xA;
	s2 =	sadd.s32 s3, s2  }
0x8d: {  	s2 =	sadd.s32 s2, s17  }
0x8e: {  	[smem:$0x3FC1] =	sst s2  }
0x8f: {  	_ = 	snop  }
0x90: {  	s2 =	sld [smem:$0x3FD0];
	(tm) =	ssettm $0x1  }
0x91: {  	s18 =	sld [smem:$0x3FFB];
	_ =	sdelay $0x3  }
0x92: {  	_ =	strace s18  }
0x93: {  	s3 =	sld [smem:$0x3FFC];
	_ =	sdelay $0x3  }
0x94: {  	_ =	strace s3  }
0x95: {  	s3 =	sld [smem:$0x3FFD];
	_ =	sdelay $0x3  }
0x96: {  	_ =	strace s3  }
0x97: {  	_ =	strace $0x8FFFFFFF  }
0x98: {  	s19 =	sld [smem:$0x3FDB];
	_ =	sdelay $0x1  }
0x99: {  	s4 =	simm.s32 $_scs_section_size  }
0x9a: {  	s5 =	simm.s32 $_size__tile_overlayer_lowered;
	s6 =	simm.s32 $_tile_overlayer_lowered  }
0x9b: {  	s22 =	simm.s32 $0x1BFF;
	s21 =	sshll.u32 s6, $0x1;
	s3 =	sadd.s32 s4, s19  }
0x9c: {  	s7 =	simm.s32 $0x0;
	s20 =	sshll.u32 s5, $0x1;
	s5 =	sadd.s32 s21, s3  }
0x9d: {  	[timem:s7], [sflag:s22] =	dma.local [hbm:s5], s20  }
0x9e: {  	_ =	swait.ge [sflag:s22], s20  }
0x9f: {  	s4 =	ssub.s32 $0x0, s20;
	[sflag:s22] =	ssyncset.done $0x0  }
0xa0: {  	[sflag:s22] =	ssyncadd.s32 s4;
	_ =	sdelay $0x1  }
0xa1: {  	s23 =	simm.s32 $0x1B8B  }
0xa2: {  	_ =	swait.ge [sflag:s23], $0x1  }
0xa3: {  	[sflag:s23] =	ssyncset.done $0x0  }
0xa4: {  	s25 =	simm.s32 $0x1B8E;
	s24 =	sld [smem:$0x3FFE];
	[sflag:s23] =	ssyncadd.s32 $0xFFFFFFFF  }
0xa5: {  	s26 =	simm.s32 $execute0_lowered;
	[smem:$0x3FD2] =	sst s25  }
0xa6: {  	s5 =	sshll.u32 s26, $0x1;
	_ =	strace $0x80000046;
	[dreg:$0x1] =	wrdreg $0xFFFFFFFF  }
0xa7: {  	s28 =	simm.s32 $_size_execute0_lowered;
	s3 =	sadd.s32 s3, s5;
	[dreg:$0x0] =	wrdreg $0x0  }
0xa8: {  	s5 =	sshll.u32 s28, $0x1;
	[dreg:$0x2] =	wrdreg s3  }
0xa9: {  	[dreg:$0x3] =	wrdreg s5  }
0xaa: {  	[dreg:$0x4] =	wrdreg $0xC0  }
0xab: {  	_ =	task [dreg:s7], $0x5FFFF  }
0xac: {  	[dreg:$0x1] =	wrdreg $0xFFFFFFFF  }
0xad: {  	[dreg:$0x0] =	wrdreg $0x60  }
0xae: {  	[dreg:$0x2] =	wrdreg s24  }
0xaf: {  	[dreg:$0x3] =	wrdreg s2  }
0xb0: {  	[dreg:$0x4] =	wrdreg $0x9  }
0xb1: {  	_ =	task.clear_ibuf [dreg:s7], $0x5FFFF;
	_ =	strace $0x90000046  }
0xb2: {  	s29 =	simm.s32 $0x9;
	_ =	strace $0x80000048  }
0xb3: {  	_ =	swait.ge [sflag:s29], $0x1  }
0xb4: {  	[sflag:s29] =	ssyncadd.s32 $0xFFFFFFFF  }
0xb5: {  	_ =	strace $0x90000048  }
0xb6: {  	_ =	sfence  }
0xb7: {  	s30 =	sld [smem:$0x0];
	_ =	sdelay $0x2  }
0xb8: {  	s31 =	sshll.u32 s1, $0xD;
	s1 =	sshrl.u32 s1, $0x2  }
0xb9: {  	s3 =	sand.u32 $0x4000, s31;
	s1 =	sadd.s32 s1, s30  }
0xba: {  	s0 =	sor.u32 s3, s0;
	s1 =	sshll.u32 s1, $0x11  }
0xbb: {  	s0 =	sor.u32 s1, s0  }
0xbc: {  	s0 =	sadd.s32 $0x8F2B, s0  }
0xbd: {  	[sflag:s0] =	ssyncadd.remote.s32 $0x1  }
0xbe: {  	_ =	sfence.sel $0xFFFF  }
0xbf: {  	[dreg:$0x0] =	wrdreg $0xFFFFFFFF;
	(pc) =	sbr.abs _section_cstart, $3  }
0xc0: {  	[dreg:$0x1] =	wrdreg $0xFFFFFFFF  }
0xc1: {  	_ =	task.clear_ibuf [dreg:s7], $0x2FFFF;
	_ =	strace $0x9FFFFFFF  }
0xc2: {  	(tm) =	ssettm $0x7FFFFFFF  }
0xc3: {  	_ =	shalt  }
tec
execute0_lowered:
.L_overlay_start_1:
0x0: {  	(tag) =	ssettag $0x1  }
0x1: {  	s4 =	rddreg [dreg:$0x0]  }
0x2: {  	s9 =	rddreg [dreg:$0x1]  }
0x3: {  	s0 =	rddreg [dreg:$0x2];
	s1 =	simm.s32 $0x0  }
0x4: {  	s2 =	srdreg.scid;
	s16 =	simm.s32 $0x9000;
	s17 =	simm.s32 $0x0  }
0x5: {  	[smem:$0x7FF] =	sst s1;
	s3 =	sadd.s32 $0x2800, s4;
	s10 =	sand.u32 $0x1, s2  }
0x6: {  	s2 =	stileid.u32;
	s4 =	sadd.s32 $0x82800, s4;
	_ =	strace $0x80000047  }
0x7: {  	s6 =	ssub.s32 $0x2, s10;
	s5 =	sshll.u32 s10, $0x4;
	s30 =	sshll.u32 s10, $0xE  }
0x8: {  	s13 =	sshll.u32 s2, $0xA;
	s14 =	sshll.u32 s10, $0x9;
	s15 =	sshll.u32 s2, $0x5  }
0x9: {  	s7 =	sshrl.u32 s6, $0x1;
	s5 =	sor.u32 s2, s5;
	s31 =	sor.u32 s15, s14  }
.Ltmp0:
0xa: {  	s14 =	simm.s32 $0x1;
	s15 =	simm.s32 $0x8000;
	(pc) =	sbr.rel .LBB2_1-.Ltmp0, $4  }
0xb: {  	s11 =	ssub.s32 s6, s7;
	s29 =	sshll.u32 s5, $0x1;
	s8 =	sxor.u32 $0x3F, s5  }
0xc: {  	s6 =	sshll.u32 s5, $0x5;
	s7 =	sadd.s32 s9, s29;
	s12 =	sshll.u32 s8, $0x1  }
0xd: {  	s8 =	sshll.u32 s8, $0x5;
	s10 =	smax.u32 s11, $0x1;
	s11 =	sor.u32 s30, s13  }
0xe: {  	v0 =	vlaneseq.u32;
	v1 =	vimm.s32 $0x0;
	s9 =	sadd.s32 s9, s12;
	s12 =	sor.u32 $0x1, s31;
	s13 =	sor.u32 $0x1, s8  }
.LBB2_17:
0xf: {  	p0 =	sle.s32 s19, s21  }
0x10: {  	s18 =	sadd.s32 @!p0 s18, s21  }
0x11: {  	s20 =	sand.u32 @!p0 $0x800, s21;
	s18 =	sshrl.u32 @!p0 s18, $0x3  }
0x12: {  	s21 =	simm.s32 @!p0 $0x0;
	s20 =	sor.u32 @!p0 $0x8000, s20;
	s18 =	sadd.s32 @!p0 s4, s18  }
0x13: {  	[hbm4b:s18+s21] =	stream.linear.scatter @!p0 [tilespmem:s20], [sflag:$0x1], $0x800, $0x38;
	[tilespmem:$0x9080] =	vst v63  }
0x14: {  	s18 =	simm.s32 @!p0 $0x1  }
0x15: {  	_ =	swait.ge @!p0 [sflag:s18], $0x800  }
0x16: {  	s17 =	sadd.s32 $0x1, s17;
	[sflag:s18] =	ssyncset.done @!p0 $0x0  }
0x17: {  	v2 =	vmov s19;
	[sflag:s18] =	ssyncadd.s32 @!p0 $0xFFFFF800;
	p0 =	sne.s32 s17, s10  }
.Ltmp1:
0x18: {  	[tilespmem:$0x9000] =	vst v2;
	(pc) =	sbr.rel @!p0 .LBB2_18-.Ltmp1, $4  }
0x19: {  	[hbm4b:s9+s1] =	stream.linear.scatter [tilespmem:s16], [sflag:$0x1], $0x10, $0x38;
	[tilespmem:$0x9080] =	vst v63  }
0x1a: {  	_ =	swait.ge [sflag:s14], $0x10  }
0x1b: {  	[sflag:s14] =	ssyncset.done $0x0  }
0x1c: {  	[sflag:s14] =	ssyncadd.s32 $0xFFFFFFF0  }
.LBB2_1:
0x1d: {  	s20 =	simm.s32 $0x10000;
	s18 =	simm.s32 $0x0  }
0x1e: {  	s19 =	simm.s32 $0x0;
	s21 =	simm.s32 $0x0;
	s22 =	simm.s32 $0x0  }
.LBB2_2:
0x1f: {  	s23 =	sadd.s32 s20, s11  }
0x20: {  	s30 =	sxor.u32 s5, s22;
	p0 =	seq.s32 s23, $0x10000  }
0x21: {  	s19 =	smov.u32 @p0 s21;
	p0 =	seq.s32 s30, $0x3F  }
0x22: {  	s18 =	smov.u32 @p0 s21;
	p0 =	sne.s32 s20, $0x400  }
.Ltmp2:
0x23: {  	_ = 	snop;
	(pc) =	sbr.rel @p0 .LBB2_2-.Ltmp2, $4  }
0x24: {  	_ = 	snop  }
0x25: {  	s31 =	sadd.s32 $0x400, s20  }
0x26: {  	s23 =	sand.u32 $0x1F800, s31  }
0x27: {  	s22 =	sadd.s32 $0x1, s22;
	s21 =	sadd.s32 s21, s23;
	s20 =	sadd.s32 $0xFFFFFC00, s20  }
0x28: {  	p1 =	por $0x1, $0x1;
	s22 =	simm.s32 $0x0  }
0x29: {  	s21 =	simm.s32 $0x0;
	s20 =	simm.s32 $0x0;
	s24 =	simm.s32 $0x0  }
.LBB2_4:
0x2a: {  	s23 =	sor.u32 s6, s24  }
0x2b: {  	s25 =	sshll.u32 s23, $0x8  }
0x2c: {  	s25 =	sadd.s32 s3, s25  }
0x2d: {  	[tilespmem:s22], [sflag:$0x1] =	stream.linear.gather [hbm4b:s25+s22], $0x8000, $0x38;
	[tilespmem:$0x9080] =	vst v63  }
0x2e: {  	_ =	swait.ge [sflag:s14], $0x8000  }
0x2f: {  	p0 =	por p1, p1;
	[sflag:s14] =	ssyncset.done $0x0  }
0x30: {  	s24 =	sadd.s32 s24, s12;
	s25 =	simm.s32 $0x0;
	[sflag:s14] =	ssyncadd.s32 $0xFFFF8000  }
.LBB2_5:
0x31: {  	s29 =	sand.u32 $0xFFFFFFF0, s24;
	s26 =	sshll.u32 s25, $0xB  }
0x32: {  	s26 =	sand.u32 $0x3FFFF800, s26;
	s28 =	sand.u32 $0x780, s29  }
0x33: {  	s30 =	sand.u32 $0x70, s29;
	s28 =	sadd.s32 s28, s26  }
0x34: {  	s28 =	sadd.s32 s30, s28  }
0x35: {  	v2 =	vld [tilespmem:s28+$0x0];
	_ =	sdelay $0x3  }
0x36: {  	v4 =	vor.u32 s29, v0;
	s28 =	sor.u32 s23, s25  }
0x37: {  	v3 =	vmov s28;
	vm0 =	vlt.f32 v2, $0.0e+00;
	vm1 =	vgt.f32 v2, $0.0e+00  }
0x38: {  	vm0 =	vmor vm1, vm0;
	vm1 =	vgt.u32 v4, v3  }
0x39: {  	vm0 =	vmand vm1, vm0  }
0x3a: {  	v4 =	vsel vm0, $0x1, v1  }
0x3b: {  	(xrf0) =	vadd.scan.msk.s32 $0xffff, v4;
	_ =	sdelay $0x1  }
0x3c: {  	s28 =	sshrl.u32 s24, $0x4  }
0x3d: {  	s28 =	sadd.s32 $0xFFFFFFFF, s28  }
0x3e: {  	s28 =	sadd.s32 $0x1, s28  }
0x3f: {  	p1 =	slt.u32 s28, $0x7F  }
.Ltmp3:
0x40: {  	s31 =	sadd.s32 $0xFFFFFFFF, s20;
	v4, _, _ =	vpop (xrf0);
	(pc) =	sbr.rel @!p1 .LBB2_7-.Ltmp3, $3  }
0x41: {  	v5 =	vadd.s32 s31, v4;
	(v2sf) =	vpush v4, $0xF  }
0x42: {  	v4 =	vand.u32 $0xFFF, v5;
	_ =	sdelay $0x1  }
0x43: {  	s29 =	sadd.s32 $0x10, s29  }
.LBB2_6:
0x44: {  	s30 =	sand.u32 $0x780, s29;
	s28 =	sadd.s32 $0x1, s28  }
0x45: {  	s31 =	sand.u32 $0x70, s29;
	s30 =	sadd.s32 s30, s26;
	p1 =	slt.u32 s28, $0x7F  }
0x46: {  	s30 =	sadd.s32 s31, s30;
	[tilespmem:v4+s15+$0x0] =	vst.idx.msk vm0, v2  }
0x47: {  	v2 =	vld [tilespmem:s30+$0x0];
	_ =	sdelay $0x4  }
0x48: {  	v4 =	vor.u32 s29, v0;
	vm0 =	vlt.f32 v2, $0.0e+00;
	vm1 =	vgt.f32 v2, $0.0e+00  }
0x49: {  	vm0 =	vmor vm1, vm0;
	vm1 =	vgt.u32 v4, v3  }
0x4a: {  	vm0 =	vmand vm1, vm0  }
0x4b: {  	v4 =	vsel vm0, $0x1, v1;
	s30 =	spop (v2sf)  }
0x4c: {  	(xrf0) =	vadd.scan.msk.s32 $0xffff, v4;
	s20 =	sadd.s32 s20, s30  }
0x4d: {  	s30 =	sadd.s32 $0xFFFFFFFF, s20;
	_ =	sdelay $0x4  }
.Ltmp4:
0x4e: {  	v4, _, _ =	vpop (xrf0);
	(pc) =	sbr.rel @p1 .LBB2_6-.Ltmp4, $3  }
0x4f: {  	v5 =	vadd.s32 s30, v4;
	(v2sf) =	vpush v4, $0xF  }
0x50: {  	v4 =	vand.u32 $0xFFF, v5;
	_ =	sdelay $0x1  }
0x51: {  	s29 =	sadd.s32 $0x10, s29  }
.LBB2_7:
0x52: {  	_ =	sdelay $0xa  }
0x53: {  	s26 =	spop (v2sf)  }
0x54: {  	s20 =	sadd.s32 s20, s26  }
0x55: {  	s26 =	ssub.s32 s20, s21  }
0x56: {  	p1 =	slt.s32 s26, $0x800  }
0x57: {  	s25 =	sadd.s32 $0x1, s25;
	s28 =	sadd.s32 @!p1 s19, s21  }
0x58: {  	p3 =	sne.s32 s25, $0x10;
	s29 =	sand.u32 @!p1 $0x800, s21;
	s28 =	sshrl.u32 @!p1 s28, $0x3  }
0x59: {  	[tilespmem:v4+s15+$0x0] =	vst.idx.msk vm0, v2;
	s30 =	simm.s32 @!p1 $0x0;
	s29 =	sor.u32 @!p1 $0x8000, s29;
	s28 =	sadd.s32 @!p1 s4, s28  }
0x5a: {  	[hbm4b:s28+s30] =	stream.linear.scatter @!p1 [tilespmem:s29], [sflag:$0x1], $0x800, $0x38;
	[tilespmem:$0x9080] =	vst v63  }
.Ltmp5:
0x5b: {  	_ = 	snop;
	(pc) =	sbr.rel @p3 .LBB2_5-.Ltmp5, $4  }
0x5c: {  	s28 =	simm.s32 @!p1 $0x1  }
0x5d: {  	_ =	swait.ge @!p1 [sflag:s28], $0x800  }
0x5e: {  	p2 =	sgt.s32 s26, $0x7FF;
	s26 =	sadd.s32 $0x800, s21;
	[sflag:s28] =	ssyncset.done @!p1 $0x0  }
0x5f: {  	s24 =	sadd.s32 $0x1, s24;
	s21 =	smov.u32 @p2 s26;
	[sflag:s28] =	ssyncadd.s32 @!p1 $0xFFFFF800  }
.Ltmp6:
0x60: {  	(pc) =	sbr.rel @p0 .LBB2_4-.Ltmp6, $2  }
0x61: {  	_ =	sdelay $0x2  }
0x62: {  	s24 =	simm.s32 $0x10;
	p1 =	por $0x0, $0x0  }
0x63: {  	p0 =	sle.s32 s20, s21  }
0x64: {  	s19 =	sadd.s32 @!p0 s19, s21  }
0x65: {  	s21 =	sand.u32 @!p0 $0x800, s21;
	s19 =	sshrl.u32 @!p0 s19, $0x3  }
0x66: {  	s22 =	simm.s32 @!p0 $0x0;
	s21 =	sor.u32 @!p0 $0x8000, s21;
	s19 =	sadd.s32 @!p0 s4, s19  }
0x67: {  	[hbm4b:s19+s22] =	stream.linear.scatter @!p0 [tilespmem:s21], [sflag:$0x1], $0x800, $0x38;
	[tilespmem:$0x9080] =	vst v63  }
0x68: {  	s19 =	simm.s32 @!p0 $0x1  }
0x69: {  	_ =	swait.ge @!p0 [sflag:s19], $0x800  }
0x6a: {  	[sflag:s19] =	ssyncset.done @!p0 $0x0  }
0x6b: {  	v2 =	vmov s20;
	[sflag:s19] =	ssyncadd.s32 @!p0 $0xFFFFF800  }
.Ltmp7:
0x6c: {  	s20 =	simm.s32 $0x0;
	[tilespmem:$0x9000] =	vst v2;
	(pc) =	sbr.rel .LBB2_10-.Ltmp7, $4  }
0x6d: {  	[hbm4b:s7+s20] =	stream.linear.scatter [tilespmem:s16], [sflag:$0x1], $0x10, $0x38;
	[tilespmem:$0x9080] =	vst v63  }
0x6e: {  	_ =	swait.ge [sflag:s14], $0x10  }
0x6f: {  	p1 =	por $0x1, $0x1;
	s23 =	simm.s32 $0x0;
	[sflag:s14] =	ssyncset.done $0x0  }
0x70: {  	s21 =	simm.s32 $0x0;
	s19 =	simm.s32 $0x0;
	[sflag:s14] =	ssyncadd.s32 $0xFFFFFFF0  }
.LBB2_16:
.Ltmp8:
0x71: {  	(pc) =	sbr.rel @!p0 .LBB2_17-.Ltmp8, $2  }
0x72: {  	_ =	sdelay $0x2  }
0x73: {  	s23 =	simm.s32 $0x10;
	p1 =	por $0x0, $0x0  }
.LBB2_10:
0x74: {  	s22 =	sor.u32 s8, s23  }
0x75: {  	s24 =	sshll.u32 s22, $0x8  }
.Ltmp9:
0x76: {  	s24 =	sadd.s32 s3, s24;
	(pc) =	sbr.rel .LBB2_11-.Ltmp9, $4  }
0x77: {  	[tilespmem:s20], [sflag:$0x1] =	stream.linear.gather [hbm4b:s24+s20], $0x8000, $0x38;
	[tilespmem:$0x9080] =	vst v63  }
0x78: {  	_ =	swait.ge [sflag:s14], $0x8000  }
0x79: {  	p0 =	por p1, p1;
	[sflag:s14] =	ssyncset.done $0x0  }
0x7a: {  	s23 =	sadd.s32 s23, s13;
	s24 =	simm.s32 $0x0;
	[sflag:s14] =	ssyncadd.s32 $0xFFFF8000  }
.LBB2_14:
0x7b: {  	_ =	sdelay $0x5  }
0x7c: {  	s25 =	spop (v2sf)  }
0x7d: {  	[tilespmem:v4+s15+$0x0] =	vst.idx.msk vm0, v2;
	s19 =	sadd.s32 s19, s25  }
.LBB2_15:
0x7e: {  	s25 =	ssub.s32 s19, s21  }
0x7f: {  	p1 =	slt.s32 s25, $0x800  }
0x80: {  	s24 =	sadd.s32 $0x1, s24;
	s26 =	sadd.s32 @!p1 s18, s21  }
0x81: {  	p3 =	sne.s32 s24, $0x10;
	s28 =	sand.u32 @!p1 $0x800, s21;
	s26 =	sshrl.u32 @!p1 s26, $0x3  }
0x82: {  	s29 =	simm.s32 @!p1 $0x0;
	s28 =	sor.u32 @!p1 $0x8000, s28;
	s26 =	sadd.s32 @!p1 s4, s26  }
0x83: {  	[hbm4b:s26+s29] =	stream.linear.scatter @!p1 [tilespmem:s28], [sflag:$0x1], $0x800, $0x38;
	[tilespmem:$0x9080] =	vst v63  }
.Ltmp10:
0x84: {  	_ = 	snop;
	(pc) =	sbr.rel @!p3 .LBB2_16-.Ltmp10, $4  }
0x85: {  	s26 =	simm.s32 @!p1 $0x1  }
0x86: {  	_ =	swait.ge @!p1 [sflag:s26], $0x800  }
0x87: {  	p2 =	sgt.s32 s25, $0x7FF;
	s25 =	sadd.s32 $0x800, s21;
	[sflag:s26] =	ssyncset.done @!p1 $0x0  }
0x88: {  	s23 =	sadd.s32 $0x1, s23;
	s21 =	smov.u32 @p2 s25;
	[sflag:s26] =	ssyncadd.s32 @!p1 $0xFFFFF800  }
.LBB2_11:
0x89: {  	s26 =	sor.u32 s22, s24  }
0x8a: {  	p1 =	sgt.u32 s26, $0x7FE  }
.Ltmp11:
0x8b: {  	_ = 	snop;
	(pc) =	sbr.rel @p1 .LBB2_15-.Ltmp11, $1  }
0x8c: {  	_ =	sdelay $0x3  }
0x8d: {  	s28 =	sand.u32 $0xFFFFFFF0, s23;
	s25 =	sshll.u32 s24, $0xB  }
0x8e: {  	s25 =	sand.u32 $0x3FFFF800, s25;
	s29 =	sand.u32 $0x780, s28  }
0x8f: {  	s30 =	sand.u32 $0x70, s28;
	s29 =	sadd.s32 s29, s25  }
0x90: {  	s29 =	sadd.s32 s30, s29  }
0x91: {  	v2 =	vld [tilespmem:s29+$0x0];
	_ =	sdelay $0x3  }
0x92: {  	v3 =	vmov s26  }
0x93: {  	v4 =	vor.u32 s28, v0;
	vm0 =	vlt.f32 v2, $0.0e+00;
	vm1 =	vgt.f32 v2, $0.0e+00  }
0x94: {  	vm0 =	vmor vm1, vm0;
	vm1 =	vgt.u32 v4, v3  }
0x95: {  	vm0 =	vmand vm1, vm0  }
0x96: {  	v4 =	vsel vm0, $0x1, v1  }
0x97: {  	(xrf0) =	vadd.scan.msk.s32 $0xffff, v4;
	_ =	sdelay $0x5  }
0x98: {  	v4, _, _ =	vpop (xrf0)  }
0x99: {  	s30 =	sshrl.u32 s23, $0x4;
	(v2sf) =	vpush v4, $0xF  }
0x9a: {  	s26 =	sadd.s32 $0xFFFFFFFF, s30  }
0x9b: {  	s26 =	sadd.s32 $0x1, s26  }
0x9c: {  	p1 =	slt.u32 s26, $0x7F  }
.Ltmp12:
0x9d: {  	s31 =	sadd.s32 $0xFFFFFFFF, s19;
	(pc) =	sbr.rel @!p1 .LBB2_14-.Ltmp12, $3  }
0x9e: {  	v5 =	vadd.s32 s31, v4  }
0x9f: {  	v4 =	vand.u32 $0xFFF, v5;
	_ =	sdelay $0x1  }
0xa0: {  	s28 =	sadd.s32 $0x10, s28  }
.LBB2_13:
0xa1: {  	s29 =	sand.u32 $0x780, s28;
	s26 =	sadd.s32 $0x1, s26  }
0xa2: {  	s30 =	sand.u32 $0x70, s28;
	s29 =	sadd.s32 s29, s25;
	p1 =	slt.u32 s26, $0x7F  }
0xa3: {  	s29 =	sadd.s32 s30, s29;
	[tilespmem:v4+s15+$0x0] =	vst.idx.msk vm0, v2  }
0xa4: {  	v2 =	vld [tilespmem:s29+$0x0];
	_ =	sdelay $0x4  }
0xa5: {  	v4 =	vor.u32 s28, v0;
	vm0 =	vlt.f32 v2, $0.0e+00;
	vm1 =	vgt.f32 v2, $0.0e+00  }
0xa6: {  	vm0 =	vmor vm1, vm0;
	vm1 =	vgt.u32 v4, v3  }
0xa7: {  	vm0 =	vmand vm1, vm0  }
0xa8: {  	v4 =	vsel vm0, $0x1, v1;
	s29 =	spop (v2sf)  }
0xa9: {  	(xrf0) =	vadd.scan.msk.s32 $0xffff, v4;
	s19 =	sadd.s32 s19, s29  }
0xaa: {  	s29 =	sadd.s32 $0xFFFFFFFF, s19;
	_ =	sdelay $0x4  }
.Ltmp13:
0xab: {  	v4, _, _ =	vpop (xrf0);
	(pc) =	sbr.rel @p1 .LBB2_13-.Ltmp13, $3  }
0xac: {  	v5 =	vadd.s32 s29, v4;
	(v2sf) =	vpush v4, $0xF  }
0xad: {  	v4 =	vand.u32 $0xFFF, v5;
	_ =	sdelay $0x1  }
0xae: {  	s28 =	sadd.s32 $0x10, s28  }
.Ltmp14:
0xaf: {  	_ = 	snop;
	(pc) =	sbr.rel .LBB2_14-.Ltmp14, $1  }
0xb0: {  	_ =	sdelay $0x3  }
.LBB2_18:
0xb1: {  	_ =	sfence.sel $0x180000  }
0xb2: {  	[bflag:$0x0] =	sbarrier.arrive $0xFFFF  }
0xb3: {  	p0 =	sne.s32 s2, $0x0;
	_ =	strace $0x90000047  }
0xb4: {  	s0 =	sadd.s32 @!p0 $0x100000, s0;
	[bflag:$0x2] =	sbarrier.arrive $0xFFFF  }
0xb5: {  	[sflag:s0] =	ssyncadd.tile.s32 @!p0 $0x1;
	_ =	shalt  }
.Lfunc_end2:
_tile_overlayer_lowered:
.L_overlay_start_2:
0xb6: {  	(tag) =	ssettag $0x2  }
0xb7: {  	s0 =	rddreg [dreg:$0x0];
	s2 =	stileid.u32  }
0xb8: {  	s1 =	rddreg [dreg:$0x1];
	p0 =	sne.s32 s2, $0x0  }
0xb9: {  	s3 =	rddreg [dreg:$0x2];
	[bflag:$0x3] =	sbarrier.arrive $0xFFFF;
	s2 =	simm.s32 @!p0 $0x1C01  }
0xba: {  	[timem:s3], [sflag:s2] =	dma.local @!p0 [hbm:s0], s1  }
0xbb: {  	s0 =	simm.s32 @!p0 $0x1  }
0xbc: {  	_ =	swait.ge @!p0 [sflag:s0], s1  }
0xbd: {  	s1 =	ssub.s32 @!p0 $0x0, s1;
	[sflag:s0] =	ssyncset.done @!p0 $0x0  }
0xbe: {  	[sflag:s0] =	ssyncadd.s32 @!p0 s1  }
0xbf: {  	[bflag:$0x3] =	sbarrier.arrive $0xFFFF  }
0xc0: {  	_ =	shalt  }

// kernel: kernel.8.cloned.1.call-start
scs
__scs_entry_jumppad:
0x0: {  	(pc) =	sbr.rel $0x88, $3  }
0x1: {  	(tag) =	ssettag $0x0;
	lr =	simm.s32 $0x1  }
0x2: {  	[smem:$0x3F9A] =	sst lr;
	_ =	strace $0xD0000000  }
0x3: {  	_ = 	snop  }
0x4: {  	_ = 	snop  }
0x5: {  	_ = 	snop  }
0x6: {  	_ = 	snop  }
0x7: {  	_ = 	snop  }
__scs_overlays_trampoline_lowered:
0x8: {  	[smem:$0x3FA9] =	sst s0  }
0x9: {  	[smem:$0x3FAA] =	sst s1  }
0xa: {  	[smem:$0x3FAB] =	sst s2  }
0xb: {  	[smem:$0x3FAC] =	sst s3  }
0xc: {  	[smem:$0x3FAD] =	sst s4  }
0xd: {  	[smem:$0x3FAE] =	sst s5  }
0xe: {  	[smem:$0x3FAF] =	sst s6  }
0xf: {  	[smem:$0x3FB0] =	sst s7  }
0x10: {  	[smem:$0x3FB1] =	sst s8  }
0x11: {  	[smem:$0x3FB2] =	sst s9;
	s0 =	simm.s32 @!p0 $0x0  }
0x12: {  	s1 =	sld [smem:$0x3F98];
	s0 =	simm.s32 @p0 $0x1  }
0x13: {  	[smem:$0x3FB3] =	sst s0;
	s0 =	simm.s32 @!p1 $0x0  }
0x14: {  	s2 =	sld [smem:$0x3F97];
	s0 =	simm.s32 @p1 $0x1  }
0x15: {  	[smem:$0x3FB4] =	sst s0;
	s0 =	simm.s32 @!p2 $0x0  }
0x16: {  	s3 =	sld [smem:$0x3FDB];
	s0 =	simm.s32 @p2 $0x1  }
0x17: {  	s4 =	simm.s32 $0x1BF5;
	[smem:$0x3FB6] =	sst s0  }
0x18: {  	s0 =	sld [smem:$0x3F99];
	_ =	swait.ge [sflag:s4], $0x0  }
0x19: {  	s7 =	sld [smem:$0x3F9A]  }
0x1a: {  	s8 =	sadd.s32 $0xFFFFE003, lr  }
0x1b: {  	s9 =	sadd.s32 $0xFFFFFEF7, lr;
	s5 =	simm.s32 $0xFFFFFFFF;
	p2 =	slt.u32 s8, $0xFFFFF086  }
0x1c: {  	p1 =	slt.u32 s9, $0xF7A;
	s5 =	simm.s32 @!p2 $0x0  }
0x1d: {  	s5 =	simm.s32 @p1 $0x1;
	p0 =	seq.s32 s7, s2  }
0x1e: {  	s7 =	smul.u32 @!p0 $0xF7A, s2;
	p2 =	seq.s32 @!p0 s5, $0x0  }
0x1f: {  	s9 =	smul.u32 $0xF7A, s1;
	s8 =	simm.s32 @!p0 $0x1BF5;
	p2 =	por !p2, p0  }
0x20: {  	[sflag:s8] =	ssyncset.s32 @!p0 $0xFFFFF086;
	s6 =	sadd.s32 @!p0 s3, s7;
	s7 =	simm.s32 @!p0 $0x108  }
0x21: {  	s3 =	sadd.s32 s3, s9;
	s6 =	sadd.s32 @!p0 $0x88, s6;
	s7 =	simm.s32 @p2 $0x1082  }
0x22: {  	[simem:s7], [sflag:s8] =	dma.local @!p0 [hbm:s6], $0xF7A  }
0x23: {  	s9 =	sor.u32 $0xD0000000, s2;
	s6 =	simm.s32 $0x108;
	_ =	swait.ge @!p0 [sflag:s8], $0x0  }
0x24: {  	s3 =	sadd.s32 $0x88, s3;
	s6 =	simm.s32 @!p1 $0x1082;
	[sflag:s4] =	ssyncset.s32 $0xFFFFF086  }
0x25: {  	[simem:s6], [sflag:s4] =	dma.local [hbm:s3], $0xF7A  }
0x26: {  	[smem:$0x3F9A] =	sst s1;
	(tag) =	ssettag s2;
	_ =	strace s9  }
0x27: {  	s1 =	sld [smem:$0x3FAA]  }
0x28: {  	s2 =	sld [smem:$0x3FAB]  }
0x29: {  	s4 =	sld [smem:$0x3FAD]  }
0x2a: {  	p0 =	seq.s32 s5, $0x0;
	s5 =	sld [smem:$0x3FAE]  }
0x2b: {  	s6 =	sld [smem:$0x3FAF]  }
0x2c: {  	s7 =	sld [smem:$0x3FB0]  }
0x2d: {  	s3 =	simm.s32 $0x108;
	s8 =	sld [smem:$0x3FB1]  }
0x2e: {  	s3 =	simm.s32 @!p0 $0x1082;
	s9 =	sld [smem:$0x3FB2]  }
0x2f: {  	lr =	sadd.s32 s0, s3;
	s0 =	sld [smem:$0x3FA9]  }
0x30: {  	s3 =	sld [smem:$0x3FAC]  }
0x31: {  	[smem:$0x3FB5] =	sst s10  }
0x32: {  	s10 =	sld [smem:$0x3FB3];
	_ =	sdelay $0x3  }
0x33: {  	p0 =	seq.s32 s10, $0x1;
	s10 =	sld [smem:$0x3FB5];
	_ =	sdelay $0x3  }
0x34: {  	[smem:$0x3FB5] =	sst s10  }
0x35: {  	s10 =	sld [smem:$0x3FB4];
	_ =	sdelay $0x3  }
0x36: {  	p1 =	seq.s32 s10, $0x1;
	s10 =	sld [smem:$0x3FB5];
	_ =	sdelay $0x3  }
0x37: {  	[smem:$0x3FB5] =	sst s10  }
0x38: {  	s10 =	sld [smem:$0x3FB6]  }
0x39: {  	_ = 	snop;
	(pc) =	sbr.ind lr, $3  }
0x3a: {  	_ = 	snop  }
0x3b: {  	_ = 	snop  }
0x3c: {  	p2 =	seq.s32 s10, $0x1;
	s10 =	sld [smem:$0x3FB5]  }
0x3d: {  	_ =	shalt  }
0x3e: {  	_ =	shalt  }
0x3f: {  	_ =	shalt  }
0x40: {  	_ =	shalt  }
0x41: {  	_ =	shalt  }
0x42: {  	_ =	shalt  }
0x43: {  	_ =	shalt  }
0x44: {  	_ =	shalt  }
0x45: {  	_ =	shalt  }
0x46: {  	_ =	shalt  }
0x47: {  	_ =	shalt  }
0x48: {  	_ =	shalt  }
0x49: {  	_ =	shalt  }
0x4a: {  	_ =	shalt  }
0x4b: {  	_ =	shalt  }
0x4c: {  	_ =	shalt  }
0x4d: {  	_ =	shalt  }
0x4e: {  	_ =	shalt  }
0x4f: {  	_ =	shalt  }
0x50: {  	_ =	shalt  }
0x51: {  	_ =	shalt  }
0x52: {  	_ =	shalt  }
0x53: {  	_ =	shalt  }
0x54: {  	_ =	shalt  }
0x55: {  	_ =	shalt  }
0x56: {  	_ =	shalt  }
0x57: {  	_ =	shalt  }
0x58: {  	_ =	shalt  }
0x59: {  	_ =	shalt  }
0x5a: {  	_ =	shalt  }
0x5b: {  	_ =	shalt  }
0x5c: {  	_ =	shalt  }
0x5d: {  	_ =	shalt  }
0x5e: {  	_ =	shalt  }
0x5f: {  	_ =	shalt  }
0x60: {  	_ =	shalt  }
0x61: {  	_ =	shalt  }
0x62: {  	_ =	shalt  }
0x63: {  	_ =	shalt  }
0x64: {  	_ =	shalt  }
0x65: {  	_ =	shalt  }
0x66: {  	_ =	shalt  }
0x67: {  	_ =	shalt  }
0x68: {  	_ =	shalt  }
0x69: {  	_ =	shalt  }
0x6a: {  	_ =	shalt  }
0x6b: {  	_ =	shalt  }
0x6c: {  	_ =	shalt  }
0x6d: {  	_ =	shalt  }
0x6e: {  	_ =	shalt  }
0x6f: {  	_ =	shalt  }
0x70: {  	_ =	shalt  }
0x71: {  	_ =	shalt  }
0x72: {  	_ =	shalt  }
0x73: {  	_ =	shalt  }
0x74: {  	_ =	shalt  }
0x75: {  	_ =	shalt  }
0x76: {  	_ =	shalt  }
0x77: {  	_ =	shalt  }
0x78: {  	_ =	shalt  }
0x79: {  	_ =	shalt  }
0x7a: {  	_ =	shalt  }
0x7b: {  	_ =	shalt  }
0x7c: {  	_ =	shalt  }
0x7d: {  	_ =	shalt  }
0x7e: {  	_ =	shalt  }
0x7f: {  	_ =	shalt  }
0x80: {  	_ =	shalt  }
0x81: {  	_ =	shalt  }
0x82: {  	_ =	shalt  }
0x83: {  	_ =	shalt  }
0x84: {  	_ =	shalt  }
0x85: {  	_ =	shalt  }
0x86: {  	_ =	shalt  }
0x87: {  	_ =	shalt  }
.Lfunc_end0:
.L_simem_size_0:
called_computation.1_lowered:
.L_overlay_start_0:
0x88: {  	s2 =	sld [smem:$0x3FD9]  }
0x89: {  	s3 =	sld [smem:$0x3FFE];
	_ =	sdelay $0x1  }
0x8a: {  	s1 =	srdreg.scid  }
0x8b: {  	s0 =	sand.u32 $0x1, s1  }
0x8c: {  	s17 =	sshll.u32 s0, $0xA;
	s2 =	sadd.s32 s3, s2  }
0x8d: {  	s2 =	sadd.s32 s2, s17  }
0x8e: {  	[smem:$0x3FC1] =	sst s2  }
0x8f: {  	_ = 	snop  }
0x90: {  	s2 =	sld [smem:$0x3FD0];
	(tm) =	ssettm $0x1  }
0x91: {  	s18 =	sld [smem:$0x3FFB];
	_ =	sdelay $0x3  }
0x92: {  	_ =	strace s18  }
0x93: {  	s3 =	sld [smem:$0x3FFC];
	_ =	sdelay $0x3  }
0x94: {  	_ =	strace s3  }
0x95: {  	s3 =	sld [smem:$0x3FFD];
	_ =	sdelay $0x3  }
0x96: {  	_ =	strace s3  }
0x97: {  	_ =	strace $0x8FFFFFFF  }
0x98: {  	s19 =	sld [smem:$0x3FDB];
	_ =	sdelay $0x1  }
0x99: {  	s4 =	simm.s32 $_scs_section_size  }
0x9a: {  	s5 =	simm.s32 $_size__tile_overlayer_lowered;
	s6 =	simm.s32 $_tile_overlayer_lowered  }
0x9b: {  	s22 =	simm.s32 $0x1BFF;
	s21 =	sshll.u32 s6, $0x1;
	s3 =	sadd.s32 s4, s19  }
0x9c: {  	s7 =	simm.s32 $0x0;
	s20 =	sshll.u32 s5, $0x1;
	s5 =	sadd.s32 s21, s3  }
0x9d: {  	[timem:s7], [sflag:s22] =	dma.local [hbm:s5], s20  }
0x9e: {  	_ =	swait.ge [sflag:s22], s20  }
0x9f: {  	s4 =	ssub.s32 $0x0, s20;
	[sflag:s22] =	ssyncset.done $0x0  }
0xa0: {  	[sflag:s22] =	ssyncadd.s32 s4;
	_ =	sdelay $0x1  }
0xa1: {  	s23 =	simm.s32 $0x1B8B  }
0xa2: {  	_ =	swait.ge [sflag:s23], $0x1  }
0xa3: {  	[sflag:s23] =	ssyncset.done $0x0  }
0xa4: {  	s25 =	simm.s32 $0x1B8E;
	s24 =	sld [smem:$0x3FFE];
	[sflag:s23] =	ssyncadd.s32 $0xFFFFFFFF  }
0xa5: {  	s26 =	simm.s32 $execute0_lowered;
	[smem:$0x3FD2] =	sst s25  }
0xa6: {  	s5 =	sshll.u32 s26, $0x1;
	_ =	strace $0x80000049;
	[dreg:$0x1] =	wrdreg $0xFFFFFFFF  }
0xa7: {  	s28 =	simm.s32 $_size_execute0_lowered;
	s3 =	sadd.s32 s3, s5;
	[dreg:$0x0] =	wrdreg $0x0  }
0xa8: {  	s5 =	sshll.u32 s28, $0x1;
	[dreg:$0x2] =	wrdreg s3  }
0xa9: {  	[dreg:$0x3] =	wrdreg s5  }
0xaa: {  	[dreg:$0x4] =	wrdreg $0xC0  }
0xab: {  	_ =	task [dreg:s7], $0x5FFFF  }
0xac: {  	[dreg:$0x1] =	wrdreg $0xFFFFFFFF  }
0xad: {  	[dreg:$0x0] =	wrdreg $0x60  }
0xae: {  	[dreg:$0x2] =	wrdreg s24  }
0xaf: {  	[dreg:$0x3] =	wrdreg s2  }
0xb0: {  	[dreg:$0x4] =	wrdreg $0x0  }
0xb1: {  	[dreg:$0x5] =	wrdreg $0x9  }
0xb2: {  	_ =	task.clear_ibuf [dreg:s7], $0x6FFFF;
	_ =	strace $0x90000049  }
0xb3: {  	s29 =	simm.s32 $0x9;
	_ =	strace $0x8000004B  }
0xb4: {  	_ =	swait.ge [sflag:s29], $0x1  }
0xb5: {  	[sflag:s29] =	ssyncadd.s32 $0xFFFFFFFF  }
0xb6: {  	_ =	strace $0x9000004B  }
0xb7: {  	_ =	sfence  }
0xb8: {  	s30 =	sld [smem:$0x0];
	_ =	sdelay $0x2  }
0xb9: {  	s31 =	sshll.u32 s1, $0xD;
	s1 =	sshrl.u32 s1, $0x2  }
0xba: {  	s3 =	sand.u32 $0x4000, s31;
	s1 =	sadd.s32 s1, s30  }
0xbb: {  	s0 =	sor.u32 s3, s0;
	s1 =	sshll.u32 s1, $0x11  }
0xbc: {  	s0 =	sor.u32 s1, s0  }
0xbd: {  	s0 =	sadd.s32 $0x8F2B, s0  }
0xbe: {  	[sflag:s0] =	ssyncadd.remote.s32 $0x1  }
0xbf: {  	_ =	sfence.sel $0xFFFF  }
0xc0: {  	[dreg:$0x0] =	wrdreg $0xFFFFFFFF;
	(pc) =	sbr.abs _section_cstart, $3  }
0xc1: {  	[dreg:$0x1] =	wrdreg $0xFFFFFFFF  }
0xc2: {  	_ =	task.clear_ibuf [dreg:s7], $0x2FFFF;
	_ =	strace $0x9FFFFFFF  }
0xc3: {  	(tm) =	ssettm $0x7FFFFFFF  }
tec
execute0_lowered:
.L_overlay_start_1:
0x0: {  	(tag) =	ssettag $0x1  }
0x1: {  	s0 =	rddreg [dreg:$0x0]  }
0x2: {  	s2 =	rddreg [dreg:$0x2];
	s3 =	simm.s32 $0x0;
	s1 =	srdreg.scid  }
0x3: {  	s7 =	stileid.u32;
	[smem:$0x7FF] =	sst s3  }
0x4: {  	s1 =	sand.u32 $0x1, s1;
	s13 =	sadd.s32 $0x82800, s0;
	s4 =	sadd.s32 $0x104C00, s0  }
0x5: {  	s15 =	sadd.s32 $0xC4C00, s0;
	_ =	strace $0x8000004A;
	[dreg:$0x6] =	wrdreg s13  }
0x6: {  	s0 =	sadd.s32 $0x2800, s0;
	s17 =	sshll.u32 s7, $0x10;
	[dreg:$0x7] =	wrdreg s4  }
0x7: {  	s8 =	sshll.u32 s7, $0x1;
	[dreg:$0x8] =	wrdreg s15;
	s9 =	sadd.s32 s17, s2  }
0x8: {  	s14 =	ssub.s32 $0x2, s1;
	s29 =	ssub.s32 $0x0, s8;
	[dreg:$0x9] =	wrdreg s9  }
0x9: {  	s5 =	sshll.u32 s1, $0x15;
	s31 =	sxor.u32 $0x3E, s8;
	[dreg:$0x4] =	wrdreg s29  }
0xa: {  	s6 =	sshllo.u32 s1, $0x1;
	s22 =	sadd.s32 $0x2000, s9;
	[dreg:$0x5] =	wrdreg s31  }
0xb: {  	s1 =	sshll.u32 s1, $0x1;
	s23 =	sadd.s32 $0x4000, s9;
	[dreg:$0xd] =	wrdreg s22  }
0xc: {  	s16 =	sshrl.u32 s14, $0x1;
	s24 =	sadd.s32 $0x6000, s9;
	[dreg:$0xe] =	wrdreg s23  }
0xd: {  	s5 =	sor.u32 s17, s5;
	s25 =	sadd.s32 $0x8000, s9;
	[dreg:$0xf] =	wrdreg s24  }
0xe: {  	s18 =	sshll.u32 s6, $0x14;
	s26 =	sadd.s32 $0xA000, s9;
	[dreg:$0x10] =	wrdreg s25  }
0xf: {  	s28 =	sadd.s32 $0xC000, s9;
	s30 =	sadd.s32 $0xE000, s9;
	[dreg:$0x11] =	wrdreg s26  }
0x10: {  	v0 =	vmov s1;
	s1 =	simm.s32 $0x0;
	s3 =	ssub.s32 s14, s16;
	[dreg:$0x12] =	wrdreg s28  }
0x11: {  	s5 =	sshrl.u32 s5, $0x3;
	s7 =	sor.u32 s17, s18;
	[dreg:$0x13] =	wrdreg s30  }
0x12: {  	s22 =	simm.s32 $0x2;
	s23 =	simm.s32 $0x14400;
	s19 =	sadd.s32 s0, s5  }
0x13: {  	s20 =	sshrl.u32 s7, $0x3;
	s21 =	smax.u32 s3, $0x1;
	[dreg:$0xa] =	wrdreg s19  }
0x14: {  	v2 =	vimm.f32 $0.0e+00;
	s24 =	simm.s32 $0x16480;
	s0 =	sadd.s32 s0, s20;
	[dreg:$0xc] =	wrdreg s21  }
0x15: {  	v3 =	vlaneseq.u32;
	v4 =	vimm.s32 $0x0;
	v1 =	vmov s6;
	s25 =	simm.s32 $0x18500;
	s26 =	simm.s32 $0x1A500;
	[dreg:$0xb] =	wrdreg s0  }
.LBB2_1:
0x16: {  	[dreg:$0x14] =	wrdreg s1  }
0x17: {  	s0 =	simm.s32 $0x12000;
	s19 =	rddreg [dreg:$0x1];
	s5 =	simm.s32 $0x0  }
0x18: {  	[tilespmem:s0], [sflag:$0x2] =	stream.linear.gather [hbm4b:s19+s5], $0x400, $0x38;
	[tilespmem:$0x1C500] =	vst v63  }
0x19: {  	_ =	swait.ge [sflag:s22], $0x400  }
0x1a: {  	[sflag:s22] =	ssyncset.done $0x0  }
0x1b: {  	[sflag:s22] =	ssyncadd.s32 $0xFFFFFC00  }
0x1c: {  	v5 =	vld [tilespmem:s0+$0x0];
	_ =	sdelay $0x4  }
0x1d: {  	(v2sf) =	vpush v5, $0x0  }
0x1e: {  	s4 =	simm.s32 $0x10400;
	s6 =	simm.s32 $0x1  }
0x1f: {  	s3 =	simm.s32 $0x0;
	s7 =	simm.s32 $0x12010;
	s1 =	simm.s32 $0x0  }
0x20: {  	s31 =	simm.s32 $0x0;
	s11 =	simm.s32 $0x2;
	s10 =	simm.s32 $0x0  }
0x21: {  	s29 =	simm.s32 $0x0;
	s30 =	simm.s32 $0x0;
	s16 =	simm.s32 $0x3  }
0x22: {  	s17 =	simm.s32 $0x0;
	s14 =	simm.s32 $0x0;
	s15 =	simm.s32 $0x0  }
0x23: {  	s5 =	sxor.u32 s8, s5;
	s28 =	sand.u32 $0x1F800, s4;
	s20 =	rddreg [dreg:$0x4]  }
0x24: {  	p2 =	seq.s32 s5, $0x3F;
	s5 =	simm.s32 $0x0;
	s21 =	rddreg [dreg:$0x5]  }
0x25: {  	s12 =	sadd.s32 $0x0, s28;
	s29 =	smov.u32 @p2 s29;
	s9 =	rddreg [dreg:$0x5]  }
0x26: {  	s13 =	rddreg [dreg:$0x4];
	s30 =	smov.u32 @p2 s30;
	p3 =	seq.s32 s21, $0x0  }
0x27: {  	p4 =	seq.s32 s9, $0x1;
	s19 =	sadd.s32 $0x1, s13;
	s9 =	simm.s32 $0x0;
	v5 =	vld [tilespmem:s7+$0x0]  }
0x28: {  	s13 =	simm.s32 $0x0;
	s0 =	sadd.s32 $0x0, s20;
	s31 =	smov.u32 @p3 s31  }
0x29: {  	p3 =	por p3, p3;
	p0 =	seq.s32 s0, $0x0;
	p1 =	seq.s32 s0, $0x1  }
0x2a: {  	s0 =	simm.s32 $0x0;
	s3 =	smov.u32 @p0 s3;
	s1 =	smov.u32 @p1 s1  }
0x2b: {  	s10 =	smov.u32 @p0 s10;
	s7 =	sxor.u32 s8, s6;
	s6 =	simm.s32 $0x12020  }
0x2c: {  	s5 =	smov.u32 @p1 s5;
	s0 =	smov.u32 @p3 s0;
	s18 =	spop (v2sf);
	(v2sf) =	vpush v5, $0x0;
	v5 =	vld [tilespmem:s6+$0x0]  }
.LBB2_2:
0x2d: {  	p5 =	sne.s32 s16, $0x3F;
	s9 =	smov.u32 @p0 s18  }
0x2e: {  	s17 =	sadd.s32 s17, s18;
	s21 =	smov.u32 s11;
	s11 =	smov.u32 s16  }
0x2f: {  	p0 =	seq.s32 s19, $0x0;
	s13 =	smov.u32 @p1 s18;
	s14 =	smov.u32 @p3 s18  }
0x30: {  	p1 =	seq.s32 s19, $0x1;
	s15 =	smov.u32 @p2 s18;
	p2 =	seq.s32 s7, $0x3F  }
0x31: {  	p3 =	por p4, p4;
	s18 =	rddreg [dreg:$0x5];
	s4 =	sadd.s32 $0xFFFFFC00, s4  }
0x32: {  	s20 =	rddreg [dreg:$0x4];
	s6 =	sadd.s32 $0x10, s6;
	s16 =	sadd.s32 $0x1, s16  }
.Ltmp0:
0x33: {  	s3 =	smov.u32 @p0 s17;
	s1 =	smov.u32 @p1 s17;
	(pc) =	sbr.rel @p5 .LBB2_2-.Ltmp0, $4  }
0x34: {  	s31 =	smov.u32 @p4 s17;
	s10 =	smov.u32 @p0 s12;
	s29 =	smov.u32 @p2 s17  }
0x35: {  	s5 =	smov.u32 @p1 s12;
	s0 =	smov.u32 @p3 s12;
	s28 =	sand.u32 $0x1F800, s4  }
0x36: {  	s30 =	smov.u32 @p2 s12;
	p4 =	seq.s32 s18, s21;
	s7 =	sxor.u32 s8, s21  }
0x37: {  	s19 =	sadd.s32 s21, s20;
	s12 =	sadd.s32 s12, s28;
	(v2sf) =	vpush v5, $0x0;
	v5 =	vld [tilespmem:s6+$0x0];
	s18 =	spop (v2sf)  }
0x38: {  	_ =	sdelay $0x4  }
0x39: {  	(v2sf) =	vpush v5, $0x0  }
0x3a: {  	s9 =	smov.u32 @p0 s18;
	s6 =	sadd.s32 s17, s18  }
0x3b: {  	p0 =	seq.s32 s19, $0x0;
	s13 =	smov.u32 @p1 s18;
	s14 =	smov.u32 @p3 s18  }
0x3c: {  	p3 =	seq.s32 s19, $0x1;
	s15 =	smov.u32 @p2 s18;
	s20 =	rddreg [dreg:$0x5]  }
0x3d: {  	p1 =	seq.s32 s7, $0x3F;
	s4 =	sadd.s32 $0xFFFFFC00, s4;
	s16 =	rddreg [dreg:$0x4]  }
0x3e: {  	s28 =	sxor.u32 s8, s11;
	s3 =	smov.u32 @p0 s6;
	s1 =	smov.u32 @p3 s6  }
0x3f: {  	s31 =	smov.u32 @p4 s6;
	s10 =	smov.u32 @p0 s12;
	s29 =	smov.u32 @p1 s6  }
0x40: {  	p4 =	por p4, p4;
	s5 =	smov.u32 @p3 s12;
	s4 =	sand.u32 $0x1F800, s4  }
0x41: {  	s30 =	smov.u32 @p1 s12;
	p2 =	seq.s32 s20, s11;
	s21 =	sadd.s32 s11, s16  }
0x42: {  	s0 =	smov.u32 @p4 s12;
	s4 =	sadd.s32 s12, s4;
	s12 =	spop (v2sf)  }
0x43: {  	s9 =	smov.u32 @p0 s12;
	s6 =	sadd.s32 s6, s12;
	p0 =	seq.s32 s21, $0x0  }
0x44: {  	s13 =	smov.u32 @p3 s12;
	s14 =	smov.u32 @p4 s12;
	p3 =	seq.s32 s21, $0x1  }
0x45: {  	s15 =	smov.u32 @p1 s12;
	p1 =	seq.s32 s28, $0x3F;
	s3 =	smov.u32 @p0 s6  }
0x46: {  	s1 =	smov.u32 @p3 s6;
	s31 =	smov.u32 @p2 s6;
	s10 =	smov.u32 @p0 s4  }
0x47: {  	s29 =	smov.u32 @p1 s6;
	p2 =	por p2, p2;
	s5 =	smov.u32 @p3 s4  }
0x48: {  	s30 =	smov.u32 @p1 s4;
	s0 =	smov.u32 @p2 s4;
	s6 =	spop (v2sf)  }
0x49: {  	s4 =	simm.s32 $0x40;
	s9 =	smov.u32 @p0 s6;
	s13 =	smov.u32 @p3 s6  }
0x4a: {  	s14 =	smov.u32 @p2 s6;
	s15 =	smov.u32 @p1 s6;
	s6 =	simm.s32 $0x0  }
.LBB2_4:
0x4b: {  	p0 =	sne.s32 s4, $0x7FC0;
	[tilespmem:s6+$0x10000] =	vst v2;
	s6 =	smov.u32 s4;
	s4 =	sadd.s32 $0x40, s4  }
.Ltmp1:
0x4c: {  	(pc) =	sbr.rel @p0 .LBB2_4-.Ltmp1, $2  }
0x4d: {  	_ =	sdelay $0x2  }
0x4e: {  	s6 =	sshra.s32 s6, $0x2  }
0x4f: {  	[tilespmem:s6+$0x10000] =	vst v2;
	s4 =	rddreg [dreg:$0x9];
	s11 =	simm.s32 $0x10000  }
0x50: {  	[spmem:s4] =	stream.linear.scatter [tilespmem:s11], [sflag:$0x2], $0x2000, $0x38;
	[tilespmem:$0x1C500] =	vst v63  }
0x51: {  	_ =	swait.ge [sflag:s22], $0x2000  }
0x52: {  	[sflag:s22] =	ssyncset.done $0x0  }
0x53: {  	s12 =	rddreg [dreg:$0xd];
	[sflag:s22] =	ssyncadd.s32 $0xFFFFE000  }
0x54: {  	[spmem:s12] =	stream.linear.scatter [tilespmem:s11], [sflag:$0x2], $0x2000, $0x38;
	[tilespmem:$0x1C500] =	vst v63  }
0x55: {  	_ =	swait.ge [sflag:s22], $0x2000  }
0x56: {  	[sflag:s22] =	ssyncset.done $0x0  }
0x57: {  	s16 =	rddreg [dreg:$0xe];
	[sflag:s22] =	ssyncadd.s32 $0xFFFFE000  }
0x58: {  	[spmem:s16] =	stream.linear.scatter [tilespmem:s11], [sflag:$0x2], $0x2000, $0x38;
	[tilespmem:$0x1C500] =	vst v63  }
0x59: {  	_ =	swait.ge [sflag:s22], $0x2000  }
0x5a: {  	[sflag:s22] =	ssyncset.done $0x0  }
0x5b: {  	s17 =	rddreg [dreg:$0xf];
	[sflag:s22] =	ssyncadd.s32 $0xFFFFE000  }
0x5c: {  	[spmem:s17] =	stream.linear.scatter [tilespmem:s11], [sflag:$0x2], $0x2000, $0x38;
	[tilespmem:$0x1C500] =	vst v63  }
0x5d: {  	_ =	swait.ge [sflag:s22], $0x2000  }
0x5e: {  	[sflag:s22] =	ssyncset.done $0x0  }
0x5f: {  	s18 =	rddreg [dreg:$0x10];
	[sflag:s22] =	ssyncadd.s32 $0xFFFFE000  }
0x60: {  	[spmem:s18] =	stream.linear.scatter [tilespmem:s11], [sflag:$0x2], $0x2000, $0x38;
	[tilespmem:$0x1C500] =	vst v63  }
0x61: {  	_ =	swait.ge [sflag:s22], $0x2000  }
0x62: {  	[sflag:s22] =	ssyncset.done $0x0  }
0x63: {  	s19 =	rddreg [dreg:$0x11];
	[sflag:s22] =	ssyncadd.s32 $0xFFFFE000  }
0x64: {  	[spmem:s19] =	stream.linear.scatter [tilespmem:s11], [sflag:$0x2], $0x2000, $0x38;
	[tilespmem:$0x1C500] =	vst v63  }
0x65: {  	_ =	swait.ge [sflag:s22], $0x2000  }
0x66: {  	[sflag:s22] =	ssyncset.done $0x0  }
0x67: {  	s20 =	rddreg [dreg:$0x12];
	[sflag:s22] =	ssyncadd.s32 $0xFFFFE000  }
0x68: {  	[spmem:s20] =	stream.linear.scatter [tilespmem:s11], [sflag:$0x2], $0x2000, $0x38;
	[tilespmem:$0x1C500] =	vst v63  }
0x69: {  	s28 =	sadd.s32 $0x1FFF, s9;
	_ =	swait.ge [sflag:s22], $0x2000  }
0x6a: {  	s4 =	sshra.s32 s28, $0xD;
	[sflag:s22] =	ssyncset.done $0x0  }
0x6b: {  	p0 =	slt.s32 s4, $0x1;
	s21 =	rddreg [dreg:$0x13];
	[sflag:s22] =	ssyncadd.s32 $0xFFFFE000  }
0x6c: {  	[spmem:s21] =	stream.linear.scatter [tilespmem:s11], [sflag:$0x2], $0x2000, $0x38;
	[tilespmem:$0x1C500] =	vst v63  }
.Ltmp2:
0x6d: {  	_ =	swait.ge [sflag:s22], $0x2000;
	(pc) =	sbr.rel @p0 .LBB2_6-.Ltmp2, $4  }
0x6e: {  	[sflag:s22] =	ssyncset.done $0x0  }
0x6f: {  	[dreg:$0x15] =	wrdreg s4;
	[sflag:s22] =	ssyncadd.s32 $0xFFFFE000  }
0x70: {  	[bflag:$0x0] =	sbarrier.arrive $0xFFFF  }
0x71: {  	v5 =	vmov s9  }
0x72: {  	s9 =	simm.s32 $0x0;
	s18 =	smov.u32 s3  }
0x73: {  	s16 =	simm.s32 $0x0;
	s11 =	simm.s32 $0x0;
	s19 =	simm.s32 $0x0  }
.LBB2_8:
0x74: {  	s4 =	sshll.u32 s19, $0xD  }
0x75: {  	s7 =	rddreg [dreg:$0x6];
	s6 =	sadd.s32 s10, s4;
	s4 =	sadd.s32 s3, s4  }
0x76: {  	s20 =	simm.s32 $0x12400;
	s6 =	sshrl.u32 s6, $0x3;
	s4 =	sand.u32 $0xFFFFFFF8, s4  }
0x77: {  	s12 =	simm.s32 $0x0;
	s6 =	sadd.s32 s7, s6;
	p1 =	slt.s32 s4, $0x1FDBF0  }
0x78: {  	[tilespmem:s20], [sflag:$0x2] =	stream.linear.gather [hbm4b:s6+s12], $0x2000, $0x38;
	[tilespmem:$0x1C500] =	vst v63  }
0x79: {  	s6 =	sand.u32 $0xFFFFFFF8, s18;
	s4 =	simm.s32 @!p1 $0x1FDBF0  }
0x7a: {  	p2 =	slt.s32 s6, $0x1FDBF0;
	_ =	swait.ge [sflag:s22], $0x2000;
	s4 =	sshrl.u32 s4, $0x3  }
0x7b: {  	s6 =	simm.s32 @!p2 $0x1FDBF0;
	[sflag:s22] =	ssyncset.done $0x0;
	s21 =	rddreg [dreg:$0x7]  }
0x7c: {  	s28 =	ssub.s32 s3, s6;
	[sflag:s22] =	ssyncadd.s32 $0xFFFFE000;
	s6 =	sadd.s32 s21, s4  }
0x7d: {  	[tilespmem:s23], [sflag:$0x2] =	stream.linear.gather [hbm4b:s6+s12], $0x2010, $0x38;
	[tilespmem:$0x1C500] =	vst v63  }
0x7e: {  	s7 =	sadd.s32 s9, s28  }
0x7f: {  	_ =	swait.ge [sflag:s22], $0x2010;
	v6 =	vadd.s32 s7, v3  }
0x80: {  	[sflag:s22] =	ssyncset.done $0x0;
	vm0 =	vlt.s32 v6, $0x200F;
	s17 =	rddreg [dreg:$0x8]  }
0x81: {  	[sflag:s22] =	ssyncadd.s32 $0xFFFFDFF0;
	s4 =	sadd.s32 s17, s4;
	v6 =	vnsel vm0, $0x200F, v6  }
0x82: {  	[tilespmem:s24], [sflag:$0x2] =	stream.linear.gather [hbm4b:s4+s12], $0x2010, $0x38;
	[tilespmem:$0x1C500] =	vst v63  }
0x83: {  	_ =	swait.ge [sflag:s22], $0x2010  }
0x84: {  	[sflag:s22] =	ssyncset.done $0x0  }
0x85: {  	[sflag:s22] =	ssyncadd.s32 $0xFFFFDFF0  }
0x86: {  	v7 =	vld.idx.msk [tilespmem:v6+s24+$0x0], $0xffff;
	_ =	sdelay $0x4  }
0x87: {  	v8 =	vor.u32 s9, v3;
	v9 =	vshra.s32 v7, $0x9  }
0x88: {  	vm1 =	vlt.s32 v8, v5;
	vm14 =	veq.s32 v9, v0  }
0x89: {  	vm0 =	vmand vm1, vm14  }
0x8a: {  	v8 =	vsel vm0, $0x1, v4  }
0x8b: {  	(xrf0) =	vadd.scan.msk.s32 $0xffff, v8;
	_ =	sdelay $0x5  }
0x8c: {  	v8, _, _ =	vpop (xrf0)  }
0x8d: {  	(v2sf) =	vpush v8, $0xF;
	_ =	sdelay $0xe  }
0x8e: {  	s20 =	spop (v2sf)  }
0x8f: {  	s12 =	sadd.s32 s11, s20  }
0x90: {  	s4 =	ssub.s32 s12, s16  }
0x91: {  	p2 =	slt.s32 s4, $0xFF0  }
0x92: {  	s21 =	sadd.s32 $0xFFFFFFFF, s11;
	v6 =	vld.idx.msk [tilespmem:v6+s23+$0x0], $0xffff;
	s4 =	sadd.s32 @!p2 $0x1000, s16  }
0x93: {  	s22 =	simm.s32 $0x0;
	v8 =	vadd.s32 s21, v8;
	s7 =	ssub.s32 @!p2 s4, s12  }
0x94: {  	v63 =	vld [tilespmem:s22+$0x12400];
	v8 =	vand.u32 $0x1FFF, v8;
	v10 =	vlaneseq.u32 @!p2;
	v11 =	vmov @!p2 s7  }
0x95: {  	v7 =	vshll.u32 v7, $0xB;
	vm1 =	vgt.s32 @!p2 v11, v10;
	v10 =	vadd.s32 @!p2 s12, v10  }
0x96: {  	v7 =	vand.u32 $0xFF800, v7;
	v10 =	vand.u32 @!p2 $0x1FFF, v10  }
0x97: {  	v6 =	vor.u32 v6, v7  }
0x98: {  	v6 =	vnsel vm0, $0x0, v6  }
0x99: {  	v7 =	vnsel vm0, $0x0, v63;
	[tilespmem:v8+s25+$0x0] =	vst.idx.msk vm0, v6  }
0x9a: {  	[tilespmem:v8+s26+$0x0] =	vst.idx.msk vm0, v7;
	s11 =	sadd.s32 $0x10, s9;
	v6 =	vimm.s32 @!p2 $0x0;
	s6 =	simm.s32 @!p2 $0x18500  }
0x9b: {  	p1 =	slt.s32 @!p2 s16, $0x1;
	s7 =	sadd.s32 s11, s28;
	[tilespmem:v10+s6+$0x0] =	vst.idx.msk @!p2 vm1, v6;
	v6 =	vimm.f32 @!p2 $0.0e+00;
	s6 =	simm.s32 @!p2 $0x1A500  }
0x9c: {  	s22 =	simm.s32 $0x80;
	p1 =	por p1, p2;
	[tilespmem:v10+s6+$0x0] =	vst.idx.msk @!p2 vm1, v6;
	v6 =	vadd.s32 s7, v3  }
0x9d: {  	s21 =	simm.s32 $0x40;
	s17 =	smov.u32 s4;
	s20 =	simm.s32 @!p1 $0x1;
	vm15 =	vlt.s32 v6, $0x200F  }
0x9e: {  	s4 =	smov.u32 @p2 s12;
	s17 =	smov.u32 @p2 s16;
	_ =	swait.ge @!p1 [sflag:s20], $0x1000;
	v6 =	vnsel vm15, $0x200F, v6  }
0x9f: {  	s16 =	sand.u32 @!p2 $0x1000, s16;
	s12 =	simm.s32 @!p2 $0x1000;
	[sflag:s20] =	ssyncset.done @!p1 $0x0  }
0xa0: {  	s6 =	sor.u32 @!p2 $0x1A500, s16;
	s7 =	sor.u32 @!p2 $0x18500, s16;
	[sflag:s20] =	ssyncadd.s32 @!p1 $0xFFFFF000  }
.LBB2_9:
0xa1: {  	s16 =	smov.u32 s17  }
0xa2: {  	[spmem:s2] =	stream.indirect.scatter.add.f32 @!p2 [tilespmem:s6], [sflag:$0x1], $0x1, s7, s12, $0xb8;
	[tilespmem:$0x1C500] =	vst v63  }
0xa3: {  	s6 =	smov.u32 s22;
	s22 =	sadd.s32 $0x40, s22;
	v7 =	vld.idx.msk [tilespmem:v6+s24+$0x0], $0xffff  }
0xa4: {  	p1 =	sne.s32 s22, $0x8000  }
0xa5: {  	v6 =	vld.idx.msk [tilespmem:v6+s23+$0x0], $0xffff;
	_ =	sdelay $0x3  }
0xa6: {  	v8 =	vor.u32 s11, v3;
	v9 =	vshra.s32 v7, $0x9;
	v7 =	vshll.u32 v7, $0xB  }
0xa7: {  	vm1 =	vlt.s32 v8, v5;
	vm0 =	veq.s32 v9, v0;
	v7 =	vand.u32 $0xFF800, v7  }
0xa8: {  	vm0 =	vmand vm1, vm0;
	v6 =	vor.u32 v6, v7  }
0xa9: {  	v6 =	vnsel vm0, $0x0, v6;
	v7 =	vsel vm0, $0x1, v4  }
0xaa: {  	(xrf0) =	vadd.scan.msk.s32 $0xffff, v7;
	_ =	sdelay $0x5  }
0xab: {  	s7 =	sadd.s32 $0xFFFFFFFF, s4;
	v7, _, _ =	vpop (xrf0)  }
0xac: {  	v8 =	vadd.s32 s7, v7;
	(v2sf) =	vpush v7, $0xF  }
0xad: {  	v7 =	vand.u32 $0x1FFF, v8;
	_ =	sdelay $0xd  }
0xae: {  	s7 =	spop (v2sf)  }
0xaf: {  	s12 =	sadd.s32 s4, s7  }
0xb0: {  	s4 =	ssub.s32 s12, s17  }
0xb1: {  	s17 =	sshra.s32 s21, $0x2;
	s21 =	smov.u32 s6;
	p2 =	slt.s32 s4, $0xFF0  }
0xb2: {  	s4 =	sadd.s32 @!p2 $0x1000, s16;
	p3 =	slt.s32 @!p2 s16, $0x1;
	s7 =	sand.u32 @!p2 $0x1000, s16  }
0xb3: {  	s20 =	ssub.s32 @!p2 s4, s12;
	s6 =	sor.u32 @!p2 $0x1A500, s7;
	s7 =	sor.u32 @!p2 $0x18500, s7  }
0xb4: {  	v8 =	vld [tilespmem:s17+$0x12400];
	s17 =	smov.u32 s4  }
0xb5: {  	v9 =	vlaneseq.u32 @!p2;
	v10 =	vmov @!p2 s20;
	s4 =	smov.u32 @p2 s12;
	s17 =	smov.u32 @p2 s16  }
0xb6: {  	v11 =	vadd.s32 @!p2 s12, v9;
	vm1 =	vgt.s32 @!p2 v10, v9  }
0xb7: {  	v9 =	vand.u32 @!p2 $0x1FFF, v11;
	_ =	sdelay $0x1  }
0xb8: {  	s11 =	sadd.s32 $0x10, s11  }
0xb9: {  	s12 =	sadd.s32 s11, s28;
	v8 =	vnsel vm0, $0x0, v8;
	[tilespmem:v7+s25+$0x0] =	vst.idx.msk vm0, v6  }
0xba: {  	v6 =	vadd.s32 s12, v3;
	s12 =	simm.s32 @!p2 $0x18500;
	[tilespmem:v7+s26+$0x0] =	vst.idx.msk vm0, v8;
	v7 =	vimm.s32 @!p2 $0x0  }
.Ltmp3:
0xbb: {  	p3 =	por p3, p2;
	vm0 =	vlt.s32 v6, $0x200F;
	[tilespmem:v9+s12+$0x0] =	vst.idx.msk @!p2 vm1, v7;
	v7 =	vimm.f32 @!p2 $0.0e+00;
	s12 =	simm.s32 @!p2 $0x1A500;
	(pc) =	sbr.rel @p1 .LBB2_9-.Ltmp3, $4  }
0xbc: {  	v6 =	vnsel vm0, $0x200F, v6;
	[tilespmem:v9+s12+$0x0] =	vst.idx.msk @!p2 vm1, v7;
	s12 =	simm.s32 @!p3 $0x1  }
0xbd: {  	_ =	swait.ge @!p3 [sflag:s12], $0x1000  }
0xbe: {  	[sflag:s12] =	ssyncset.done @!p3 $0x0  }
0xbf: {  	[sflag:s12] =	ssyncadd.s32 @!p3 $0xFFFFF000;
	s12 =	simm.s32 @!p2 $0x1000  }
0xc0: {  	_ =	sdelay $0x2  }
0xc1: {  	[spmem:s2] =	stream.indirect.scatter.add.f32 @!p2 [tilespmem:s6], [sflag:$0x1], $0x1, s7, s12, $0xb8;
	[tilespmem:$0x1C500] =	vst v63  }
0xc2: {  	v7 =	vld.idx.msk [tilespmem:v6+s24+$0x0], $0xffff;
	_ =	sdelay $0x4  }
0xc3: {  	v8 =	vor.u32 s11, v3;
	v9 =	vshra.s32 v7, $0x9  }
0xc4: {  	vm1 =	vlt.s32 v8, v5;
	vm0 =	veq.s32 v9, v0  }
0xc5: {  	vm0 =	vmand vm1, vm0  }
0xc6: {  	v62 =	vsel vm0, $0x1, v4  }
0xc7: {  	(xrf0) =	vadd.scan.msk.s32 $0xffff, v62;
	_ =	sdelay $0x5  }
0xc8: {  	v8, _, _ =	vpop (xrf0)  }
0xc9: {  	(v2sf) =	vpush v8, $0xF;
	_ =	sdelay $0xe  }
0xca: {  	s12 =	spop (v2sf)  }
0xcb: {  	s6 =	sadd.s32 s4, s12  }
0xcc: {  	s16 =	ssub.s32 s6, s17  }
0xcd: {  	p1 =	slt.s32 s16, $0xFF0  }
0xce: {  	s20 =	sadd.s32 $0xFFFFFFFF, s4;
	v6 =	vld.idx.msk [tilespmem:v6+s23+$0x0], $0xffff;
	s11 =	sadd.s32 @!p1 $0x1000, s17  }
0xcf: {  	s22 =	sshra.s32 s21, $0x2;
	v8 =	vadd.s32 s20, v8;
	s7 =	ssub.s32 @!p1 s11, s6  }
0xd0: {  	v63 =	vld [tilespmem:s22+$0x12400];
	v8 =	vand.u32 $0x1FFF, v8;
	v10 =	vlaneseq.u32 @!p1;
	v11 =	vmov @!p1 s7  }
0xd1: {  	v7 =	vshll.u32 v7, $0xB;
	vm1 =	vgt.s32 @!p1 v11, v10;
	v10 =	vadd.s32 @!p1 s6, v10  }
0xd2: {  	v7 =	vand.u32 $0xFF800, v7;
	v10 =	vand.u32 @!p1 $0x1FFF, v10  }
0xd3: {  	v6 =	vor.u32 v6, v7  }
0xd4: {  	v6 =	vnsel vm0, $0x0, v6  }
0xd5: {  	v7 =	vnsel vm0, $0x0, v63;
	[tilespmem:v8+s25+$0x0] =	vst.idx.msk vm0, v6  }
0xd6: {  	[tilespmem:v8+s26+$0x0] =	vst.idx.msk vm0, v7;
	p2 =	slt.s32 @!p1 s17, $0x1;
	v6 =	vimm.s32 @!p1 $0x0;
	s4 =	simm.s32 @!p1 $0x18500  }
0xd7: {  	p2 =	por p2, p1;
	[tilespmem:v10+s4+$0x0] =	vst.idx.msk @!p1 vm1, v6;
	v6 =	vimm.f32 @!p1 $0.0e+00;
	s4 =	simm.s32 @!p1 $0x1A500  }
0xd8: {  	[tilespmem:v10+s4+$0x0] =	vst.idx.msk @!p1 vm1, v6;
	s4 =	simm.s32 @!p2 $0x1  }
0xd9: {  	_ =	swait.ge @!p2 [sflag:s4], $0x1000  }
0xda: {  	s19 =	sadd.s32 $0x1, s19;
	[sflag:s4] =	ssyncset.done @!p2 $0x0;
	s28 =	rddreg [dreg:$0x15]  }
0xdb: {  	[sflag:s4] =	ssyncadd.s32 @!p2 $0xFFFFF000;
	p2 =	sne.s32 s19, s28  }
.Ltmp4:
0xdc: {  	s9 =	sadd.s32 $0x2000, s9;
	s18 =	sadd.s32 $0x2000, s18;
	(pc) =	sbr.rel @p2 .LBB2_8-.Ltmp4, $4  }
.Ltmp5:
0xdd: {  	s22 =	simm.s32 $0x2;
	s16 =	smov.u32 s11;
	(pc) =	sbr.rel @!p2 .LBB2_11-.Ltmp5, $4  }
0xde: {  	s11 =	smov.u32 @p1 s6;
	s7 =	sand.u32 @!p1 $0x1000, s17;
	s16 =	smov.u32 @p1 s17  }
0xdf: {  	s12 =	sor.u32 @!p1 $0x1A500, s7;
	s7 =	sor.u32 @!p1 $0x18500, s7;
	s4 =	simm.s32 @!p1 $0x1000  }
0xe0: {  	[spmem:s2] =	stream.indirect.scatter.add.f32 @!p1 [tilespmem:s12], [sflag:$0x1], $0x1, s7, s4, $0xb8;
	[tilespmem:$0x1C500] =	vst v63  }
0xe1: {  	_ = 	snop  }
.LBB2_6:
0xe2: {  	s11 =	simm.s32 $0x0;
	s16 =	simm.s32 $0x0  }
.LBB2_11:
0xe3: {  	s4 =	sadd.s32 $0x1FFF, s13  }
0xe4: {  	s4 =	sshra.s32 s4, $0xD  }
0xe5: {  	p1 =	slt.s32 s4, $0x1  }
.Ltmp6:
0xe6: {  	_ = 	snop;
	(pc) =	sbr.rel @p1 .LBB2_16-.Ltmp6, $2  }
0xe7: {  	_ =	sdelay $0x2  }
0xe8: {  	v6 =	vmov s13;
	[dreg:$0x16] =	wrdreg s4  }
0xe9: {  	s13 =	smov.u32 s1;
	s18 =	simm.s32 $0x0;
	s19 =	simm.s32 $0x0  }
.LBB2_13:
0xea: {  	s4 =	sshll.u32 s19, $0xD  }
0xeb: {  	s7 =	rddreg [dreg:$0x6];
	s6 =	sadd.s32 s5, s4;
	s4 =	sadd.s32 s1, s4  }
0xec: {  	s12 =	simm.s32 $0x12400;
	s6 =	sshrl.u32 s6, $0x3;
	s4 =	sand.u32 $0xFFFFFFF8, s4  }
0xed: {  	s9 =	simm.s32 $0x0;
	s6 =	sadd.s32 s7, s6;
	p2 =	slt.s32 s4, $0x1FDBF0  }
0xee: {  	[tilespmem:s12], [sflag:$0x2] =	stream.linear.gather [hbm4b:s6+s9], $0x2000, $0x38;
	[tilespmem:$0x1C500] =	vst v63  }
0xef: {  	s6 =	sand.u32 $0xFFFFFFF8, s13;
	s4 =	simm.s32 @!p2 $0x1FDBF0  }
0xf0: {  	p3 =	slt.s32 s6, $0x1FDBF0;
	_ =	swait.ge [sflag:s22], $0x2000;
	s4 =	sshrl.u32 s4, $0x3  }
0xf1: {  	s6 =	simm.s32 @!p3 $0x1FDBF0;
	[sflag:s22] =	ssyncset.done $0x0;
	s17 =	rddreg [dreg:$0x7]  }
0xf2: {  	s28 =	ssub.s32 s1, s6;
	[sflag:s22] =	ssyncadd.s32 $0xFFFFE000;
	s6 =	sadd.s32 s17, s4  }
0xf3: {  	[tilespmem:s23], [sflag:$0x2] =	stream.linear.gather [hbm4b:s6+s9], $0x2010, $0x38;
	[tilespmem:$0x1C500] =	vst v63  }
0xf4: {  	s20 =	sadd.s32 s18, s28  }
0xf5: {  	_ =	swait.ge [sflag:s22], $0x2010;
	v7 =	vadd.s32 s20, v3  }
0xf6: {  	[sflag:s22] =	ssyncset.done $0x0;
	vm0 =	vlt.s32 v7, $0x200F;
	s21 =	rddreg [dreg:$0x8]  }
0xf7: {  	[sflag:s22] =	ssyncadd.s32 $0xFFFFDFF0;
	s4 =	sadd.s32 s21, s4;
	v7 =	vnsel vm0, $0x200F, v7  }
0xf8: {  	[tilespmem:s24], [sflag:$0x2] =	stream.linear.gather [hbm4b:s4+s9], $0x2010, $0x38;
	[tilespmem:$0x1C500] =	vst v63  }
0xf9: {  	_ =	swait.ge [sflag:s22], $0x2010  }
0xfa: {  	[sflag:s22] =	ssyncset.done $0x0  }
0xfb: {  	[sflag:s22] =	ssyncadd.s32 $0xFFFFDFF0  }
0xfc: {  	v8 =	vld.idx.msk [tilespmem:v7+s24+$0x0], $0xffff;
	_ =	sdelay $0x4  }
0xfd: {  	v9 =	vor.u32 s18, v3;
	v10 =	vshra.s32 v8, $0x9  }
0xfe: {  	vm1 =	vlt.s32 v9, v6;
	vm14 =	veq.s32 v10, v0  }
0xff: {  	vm0 =	vmand vm1, vm14  }
0x100: {  	v62 =	vsel vm0, $0x1, v4  }
0x101: {  	(xrf0) =	vadd.scan.msk.s32 $0xffff, v62;
	_ =	sdelay $0x5  }
0x102: {  	v9, _, _ =	vpop (xrf0)  }
0x103: {  	(v2sf) =	vpush v9, $0xF;
	_ =	sdelay $0xe  }
0x104: {  	s22 =	spop (v2sf)  }
0x105: {  	s12 =	sadd.s32 s11, s22  }
0x106: {  	s4 =	ssub.s32 s12, s16  }
0x107: {  	p3 =	slt.s32 s4, $0xFF0  }
0x108: {  	s6 =	sadd.s32 $0xFFFFFFFF, s11;
	v7 =	vld.idx.msk [tilespmem:v7+s23+$0x0], $0xffff;
	s17 =	sadd.s32 @!p3 $0x1000, s16  }
0x109: {  	s7 =	simm.s32 $0x0;
	v9 =	vadd.s32 s6, v9;
	s6 =	ssub.s32 @!p3 s17, s12  }
0x10a: {  	v63 =	vld [tilespmem:s7+$0x12400];
	v9 =	vand.u32 $0x1FFF, v9;
	v11 =	vlaneseq.u32 @!p3;
	v12 =	vmov @!p3 s6  }
0x10b: {  	v8 =	vshll.u32 v8, $0xB;
	vm1 =	vgt.s32 @!p3 v12, v11;
	v11 =	vadd.s32 @!p3 s12, v11  }
0x10c: {  	v8 =	vand.u32 $0xFF800, v8;
	v11 =	vand.u32 @!p3 $0x1FFF, v11  }
0x10d: {  	v7 =	vor.u32 v7, v8  }
0x10e: {  	v7 =	vnsel vm0, $0x0, v7  }
0x10f: {  	v8 =	vnsel vm0, $0x0, v63;
	[tilespmem:v9+s25+$0x0] =	vst.idx.msk vm0, v7  }
0x110: {  	[tilespmem:v9+s26+$0x0] =	vst.idx.msk vm0, v8;
	s11 =	sadd.s32 $0x10, s18;
	v7 =	vimm.s32 @!p3 $0x0;
	s4 =	simm.s32 @!p3 $0x18500  }
0x111: {  	s9 =	sadd.s32 s11, s28;
	p2 =	slt.s32 @!p3 s16, $0x1;
	s6 =	simm.s32 @!p3 $0x1A500;
	[tilespmem:v11+s4+$0x0] =	vst.idx.msk @!p3 vm1, v7;
	v7 =	vimm.f32 @!p3 $0.0e+00  }
0x112: {  	s21 =	simm.s32 $0x40;
	p2 =	por p2, p3;
	[tilespmem:v11+s6+$0x0] =	vst.idx.msk @!p3 vm1, v7;
	v7 =	vadd.s32 s9, v3  }
0x113: {  	s22 =	simm.s32 $0x80;
	s20 =	simm.s32 @!p2 $0x1;
	s4 =	smov.u32 s17;
	vm15 =	vlt.s32 v7, $0x200F  }
0x114: {  	s17 =	smov.u32 @p3 s12;
	s12 =	simm.s32 @!p3 $0x1000;
	_ =	swait.ge @!p2 [sflag:s20], $0x1000;
	v7 =	vnsel vm15, $0x200F, v7  }
0x115: {  	s4 =	smov.u32 @p3 s16;
	s16 =	sand.u32 @!p3 $0x1000, s16;
	[sflag:s20] =	ssyncset.done @!p2 $0x0  }
0x116: {  	s6 =	sor.u32 @!p3 $0x1A500, s16;
	s7 =	sor.u32 @!p3 $0x18500, s16;
	[sflag:s20] =	ssyncadd.s32 @!p2 $0xFFFFF000  }
.LBB2_14:
0x117: {  	s16 =	smov.u32 s4  }
0x118: {  	[spmem:s2] =	stream.indirect.scatter.add.f32 @!p3 [tilespmem:s6], [sflag:$0x1], $0x1, s7, s12, $0xb8;
	[tilespmem:$0x1C500] =	vst v63  }
0x119: {  	s4 =	smov.u32 s22;
	s22 =	sadd.s32 $0x40, s22;
	v8 =	vld.idx.msk [tilespmem:v7+s24+$0x0], $0xffff  }
0x11a: {  	p2 =	sne.s32 s22, $0x8000  }
0x11b: {  	v7 =	vld.idx.msk [tilespmem:v7+s23+$0x0], $0xffff;
	_ =	sdelay $0x3  }
0x11c: {  	v9 =	vor.u32 s11, v3;
	v10 =	vshra.s32 v8, $0x9;
	v8 =	vshll.u32 v8, $0xB  }
0x11d: {  	vm1 =	vlt.s32 v9, v6;
	vm0 =	veq.s32 v10, v0;
	v8 =	vand.u32 $0xFF800, v8  }
0x11e: {  	vm0 =	vmand vm1, vm0;
	v7 =	vor.u32 v7, v8  }
0x11f: {  	v7 =	vnsel vm0, $0x0, v7;
	v8 =	vsel vm0, $0x1, v4  }
0x120: {  	(xrf0) =	vadd.scan.msk.s32 $0xffff, v8;
	_ =	sdelay $0x5  }
0x121: {  	s6 =	sadd.s32 $0xFFFFFFFF, s17;
	v8, _, _ =	vpop (xrf0)  }
0x122: {  	v9 =	vadd.s32 s6, v8;
	(v2sf) =	vpush v8, $0xF  }
0x123: {  	v8 =	vand.u32 $0x1FFF, v9;
	_ =	sdelay $0xd  }
0x124: {  	s6 =	spop (v2sf)  }
0x125: {  	s12 =	sadd.s32 s17, s6  }
0x126: {  	s6 =	ssub.s32 s12, s16  }
0x127: {  	p3 =	slt.s32 s6, $0xFF0  }
0x128: {  	s20 =	sshra.s32 s21, $0x2;
	s21 =	smov.u32 s4;
	s17 =	sadd.s32 @!p3 $0x1000, s16  }
0x129: {  	p4 =	slt.s32 @!p3 s16, $0x1;
	s4 =	sand.u32 @!p3 $0x1000, s16;
	s9 =	ssub.s32 @!p3 s17, s12  }
0x12a: {  	s6 =	sor.u32 @!p3 $0x1A500, s4;
	s7 =	sor.u32 @!p3 $0x18500, s4;
	s4 =	smov.u32 s17  }
0x12b: {  	v10 =	vlaneseq.u32 @!p3;
	s17 =	smov.u32 @p3 s12;
	v9 =	vld [tilespmem:s20+$0x12400];
	v11 =	vmov @!p3 s9;
	s4 =	smov.u32 @p3 s16  }
0x12c: {  	v12 =	vadd.s32 @!p3 s12, v10;
	vm1 =	vgt.s32 @!p3 v11, v10  }
0x12d: {  	v10 =	vand.u32 @!p3 $0x1FFF, v12;
	_ =	sdelay $0x1  }
0x12e: {  	s11 =	sadd.s32 $0x10, s11  }
0x12f: {  	s9 =	sadd.s32 s11, s28;
	v9 =	vnsel vm0, $0x0, v9;
	[tilespmem:v8+s25+$0x0] =	vst.idx.msk vm0, v7  }
0x130: {  	v7 =	vadd.s32 s9, v3;
	s9 =	simm.s32 @!p3 $0x18500;
	[tilespmem:v8+s26+$0x0] =	vst.idx.msk vm0, v9;
	v8 =	vimm.s32 @!p3 $0x0  }
.Ltmp7:
0x131: {  	p4 =	por p4, p3;
	vm0 =	vlt.s32 v7, $0x200F;
	[tilespmem:v10+s9+$0x0] =	vst.idx.msk @!p3 vm1, v8;
	v8 =	vimm.f32 @!p3 $0.0e+00;
	s9 =	simm.s32 @!p3 $0x1A500;
	(pc) =	sbr.rel @p2 .LBB2_14-.Ltmp7, $4  }
0x132: {  	v7 =	vnsel vm0, $0x200F, v7;
	[tilespmem:v10+s9+$0x0] =	vst.idx.msk @!p3 vm1, v8;
	s9 =	simm.s32 @!p4 $0x1  }
0x133: {  	_ =	swait.ge @!p4 [sflag:s9], $0x1000  }
0x134: {  	[sflag:s9] =	ssyncset.done @!p4 $0x0  }
0x135: {  	s12 =	simm.s32 @!p3 $0x1000;
	[sflag:s9] =	ssyncadd.s32 @!p4 $0xFFFFF000  }
0x136: {  	_ =	sdelay $0x2  }
0x137: {  	[spmem:s2] =	stream.indirect.scatter.add.f32 @!p3 [tilespmem:s6], [sflag:$0x1], $0x1, s7, s12, $0xb8;
	[tilespmem:$0x1C500] =	vst v63  }
0x138: {  	v8 =	vld.idx.msk [tilespmem:v7+s24+$0x0], $0xffff;
	_ =	sdelay $0x4  }
0x139: {  	v9 =	vor.u32 s11, v3;
	v10 =	vshra.s32 v8, $0x9  }
0x13a: {  	vm1 =	vlt.s32 v9, v6;
	vm0 =	veq.s32 v10, v0  }
0x13b: {  	vm0 =	vmand vm1, vm0  }
0x13c: {  	v62 =	vsel vm0, $0x1, v4  }
0x13d: {  	(xrf0) =	vadd.scan.msk.s32 $0xffff, v62;
	_ =	sdelay $0x5  }
0x13e: {  	v9, _, _ =	vpop (xrf0)  }
0x13f: {  	(v2sf) =	vpush v9, $0xF;
	_ =	sdelay $0xe  }
0x140: {  	s12 =	spop (v2sf)  }
0x141: {  	s6 =	sadd.s32 s17, s12  }
0x142: {  	s16 =	ssub.s32 s6, s4  }
0x143: {  	p2 =	slt.s32 s16, $0xFF0  }
0x144: {  	s20 =	sadd.s32 $0xFFFFFFFF, s17;
	v7 =	vld.idx.msk [tilespmem:v7+s23+$0x0], $0xffff;
	s11 =	sadd.s32 @!p2 $0x1000, s4  }
0x145: {  	s22 =	sshra.s32 s21, $0x2;
	v9 =	vadd.s32 s20, v9;
	s9 =	ssub.s32 @!p2 s11, s6  }
0x146: {  	v63 =	vld [tilespmem:s22+$0x12400];
	v9 =	vand.u32 $0x1FFF, v9;
	v11 =	vlaneseq.u32 @!p2;
	v12 =	vmov @!p2 s9  }
0x147: {  	v8 =	vshll.u32 v8, $0xB;
	vm1 =	vgt.s32 @!p2 v12, v11;
	v11 =	vadd.s32 @!p2 s6, v11  }
0x148: {  	v8 =	vand.u32 $0xFF800, v8;
	v11 =	vand.u32 @!p2 $0x1FFF, v11  }
0x149: {  	v7 =	vor.u32 v7, v8  }
0x14a: {  	v7 =	vnsel vm0, $0x0, v7  }
0x14b: {  	v8 =	vnsel vm0, $0x0, v63;
	[tilespmem:v9+s25+$0x0] =	vst.idx.msk vm0, v7  }
0x14c: {  	[tilespmem:v9+s26+$0x0] =	vst.idx.msk vm0, v8;
	p3 =	slt.s32 @!p2 s4, $0x1;
	v7 =	vimm.s32 @!p2 $0x0;
	s7 =	simm.s32 @!p2 $0x18500  }
0x14d: {  	p3 =	por p3, p2;
	[tilespmem:v11+s7+$0x0] =	vst.idx.msk @!p2 vm1, v7;
	v7 =	vimm.f32 @!p2 $0.0e+00;
	s7 =	simm.s32 @!p2 $0x1A500  }
0x14e: {  	[tilespmem:v11+s7+$0x0] =	vst.idx.msk @!p2 vm1, v7;
	s7 =	simm.s32 @!p3 $0x1  }
0x14f: {  	_ =	swait.ge @!p3 [sflag:s7], $0x1000  }
0x150: {  	s19 =	sadd.s32 $0x1, s19;
	[sflag:s7] =	ssyncset.done @!p3 $0x0;
	s28 =	rddreg [dreg:$0x16]  }
0x151: {  	[sflag:s7] =	ssyncadd.s32 @!p3 $0xFFFFF000;
	p3 =	sne.s32 s19, s28  }
.Ltmp8:
0x152: {  	s18 =	sadd.s32 $0x2000, s18;
	(pc) =	sbr.rel @p3 .LBB2_13-.Ltmp8, $4  }
0x153: {  	s13 =	sadd.s32 $0x2000, s13;
	s22 =	simm.s32 $0x2;
	s16 =	smov.u32 s11  }
0x154: {  	s11 =	smov.u32 @p2 s6;
	s9 =	sand.u32 @!p2 $0x1000, s4;
	s16 =	smov.u32 @p2 s4  }
0x155: {  	s12 =	sor.u32 @!p2 $0x1A500, s9;
	s9 =	sor.u32 @!p2 $0x18500, s9;
	s7 =	simm.s32 @!p2 $0x1000  }
0x156: {  	[spmem:s2] =	stream.indirect.scatter.add.f32 @!p2 [tilespmem:s12], [sflag:$0x1], $0x1, s9, s7, $0xb8;
	[tilespmem:$0x1C500] =	vst v63  }
.LBB2_16:
0x157: {  	s4 =	sadd.s32 $0x1FFF, s14  }
0x158: {  	s4 =	sshra.s32 s4, $0xD  }
0x159: {  	p2 =	slt.s32 s4, $0x1  }
.Ltmp9:
0x15a: {  	_ = 	snop;
	(pc) =	sbr.rel @p2 .LBB2_21-.Ltmp9, $2  }
0x15b: {  	_ =	sdelay $0x2  }
0x15c: {  	v7 =	vmov s14;
	[dreg:$0x17] =	wrdreg s4  }
0x15d: {  	s9 =	simm.s32 $0x0  }
0x15e: {  	s14 =	smov.u32 s31;
	s18 =	simm.s32 $0x0;
	s19 =	simm.s32 $0x0  }
.LBB2_18:
0x15f: {  	s4 =	sshll.u32 s19, $0xD  }
0x160: {  	s6 =	sadd.s32 s0, s4;
	s4 =	sadd.s32 s31, s4  }
0x161: {  	s7 =	rddreg [dreg:$0x6];
	s6 =	sshrl.u32 s6, $0x3;
	s4 =	sand.u32 $0xFFFFFFF8, s4  }
0x162: {  	s13 =	simm.s32 $0x12400;
	s6 =	sadd.s32 s7, s6;
	p3 =	slt.s32 s4, $0x1FDBF0  }
0x163: {  	[tilespmem:s13], [sflag:$0x2] =	stream.linear.gather [hbm4b:s6+s9], $0x2000, $0x38;
	[tilespmem:$0x1C500] =	vst v63  }
0x164: {  	s6 =	sand.u32 $0xFFFFFFF8, s14;
	s4 =	simm.s32 @!p3 $0x1FDBF0  }
0x165: {  	p4 =	slt.s32 s6, $0x1FDBF0;
	_ =	swait.ge [sflag:s22], $0x2000;
	s4 =	sshrl.u32 s4, $0x3  }
0x166: {  	s6 =	simm.s32 @!p4 $0x1FDBF0;
	[sflag:s22] =	ssyncset.done $0x0;
	s17 =	rddreg [dreg:$0x7]  }
0x167: {  	s28 =	ssub.s32 s31, s6;
	[sflag:s22] =	ssyncadd.s32 $0xFFFFE000;
	s6 =	sadd.s32 s17, s4  }
0x168: {  	[tilespmem:s23], [sflag:$0x2] =	stream.linear.gather [hbm4b:s6+s9], $0x2010, $0x38;
	[tilespmem:$0x1C500] =	vst v63  }
0x169: {  	s20 =	sadd.s32 s18, s28  }
0x16a: {  	_ =	swait.ge [sflag:s22], $0x2010;
	v8 =	vadd.s32 s20, v3  }
0x16b: {  	[sflag:s22] =	ssyncset.done $0x0;
	vm0 =	vlt.s32 v8, $0x200F;
	s21 =	rddreg [dreg:$0x8]  }
0x16c: {  	[sflag:s22] =	ssyncadd.s32 $0xFFFFDFF0;
	s4 =	sadd.s32 s21, s4;
	v8 =	vnsel vm0, $0x200F, v8  }
0x16d: {  	[tilespmem:s24], [sflag:$0x2] =	stream.linear.gather [hbm4b:s4+s9], $0x2010, $0x38;
	[tilespmem:$0x1C500] =	vst v63  }
0x16e: {  	_ =	swait.ge [sflag:s22], $0x2010  }
0x16f: {  	[sflag:s22] =	ssyncset.done $0x0  }
0x170: {  	[sflag:s22] =	ssyncadd.s32 $0xFFFFDFF0  }
0x171: {  	v9 =	vld.idx.msk [tilespmem:v8+s24+$0x0], $0xffff;
	_ =	sdelay $0x4  }
0x172: {  	v10 =	vor.u32 s18, v3;
	v11 =	vshra.s32 v9, $0x9  }
0x173: {  	vm1 =	vlt.s32 v10, v7;
	vm14 =	veq.s32 v11, v0  }
0x174: {  	vm0 =	vmand vm1, vm14  }
0x175: {  	v10 =	vsel vm0, $0x1, v4  }
0x176: {  	(xrf0) =	vadd.scan.msk.s32 $0xffff, v10;
	_ =	sdelay $0x5  }
0x177: {  	v10, _, _ =	vpop (xrf0)  }
0x178: {  	(v2sf) =	vpush v10, $0xF;
	_ =	sdelay $0xe  }
0x179: {  	s6 =	spop (v2sf)  }
0x17a: {  	s12 =	sadd.s32 s11, s6  }
0x17b: {  	s4 =	ssub.s32 s12, s16  }
0x17c: {  	p4 =	slt.s32 s4, $0xFF0  }
0x17d: {  	s7 =	sadd.s32 $0xFFFFFFFF, s11;
	v8 =	vld.idx.msk [tilespmem:v8+s23+$0x0], $0xffff;
	s17 =	sadd.s32 @!p4 $0x1000, s16  }
0x17e: {  	v10 =	vadd.s32 s7, v10;
	s11 =	simm.s32 $0x0;
	s6 =	ssub.s32 @!p4 s17, s12  }
0x17f: {  	v10 =	vand.u32 $0x1FFF, v10;
	v11 =	vld [tilespmem:s11+$0x12400];
	v12 =	vlaneseq.u32 @!p4;
	v13 =	vmov @!p4 s6  }
0x180: {  	v9 =	vshll.u32 v9, $0xB;
	vm1 =	vgt.s32 @!p4 v13, v12;
	v12 =	vadd.s32 @!p4 s12, v12  }
0x181: {  	v9 =	vand.u32 $0xFF800, v9;
	v12 =	vand.u32 @!p4 $0x1FFF, v12  }
0x182: {  	v8 =	vor.u32 v8, v9  }
0x183: {  	v8 =	vnsel vm0, $0x0, v8  }
0x184: {  	[tilespmem:v10+s25+$0x0] =	vst.idx.msk vm0, v8;
	v9 =	vnsel vm0, $0x0, v11  }
0x185: {  	s11 =	sadd.s32 $0x10, s18;
	v8 =	vimm.s32 @!p4 $0x0;
	s4 =	simm.s32 @!p4 $0x18500;
	[tilespmem:v10+s26+$0x0] =	vst.idx.msk vm0, v9  }
0x186: {  	s13 =	sadd.s32 s11, s28;
	p3 =	slt.s32 @!p4 s16, $0x1;
	s6 =	simm.s32 @!p4 $0x1A500;
	[tilespmem:v12+s4+$0x0] =	vst.idx.msk @!p4 vm1, v8;
	v8 =	vimm.f32 @!p4 $0.0e+00  }
0x187: {  	s21 =	simm.s32 $0x40;
	p3 =	por p3, p4;
	[tilespmem:v12+s6+$0x0] =	vst.idx.msk @!p4 vm1, v8;
	v8 =	vadd.s32 s13, v3  }
0x188: {  	s22 =	simm.s32 $0x80;
	s20 =	simm.s32 @!p3 $0x1;
	s4 =	smov.u32 s17;
	vm15 =	vlt.s32 v8, $0x200F  }
0x189: {  	s17 =	smov.u32 @p4 s12;
	s12 =	simm.s32 @!p4 $0x1000;
	_ =	swait.ge @!p3 [sflag:s20], $0x1000;
	v8 =	vnsel vm15, $0x200F, v8  }
0x18a: {  	s4 =	smov.u32 @p4 s16;
	s16 =	sand.u32 @!p4 $0x1000, s16;
	[sflag:s20] =	ssyncset.done @!p3 $0x0  }
0x18b: {  	s6 =	sor.u32 @!p4 $0x1A500, s16;
	s7 =	sor.u32 @!p4 $0x18500, s16;
	[sflag:s20] =	ssyncadd.s32 @!p3 $0xFFFFF000  }
.LBB2_19:
0x18c: {  	s16 =	smov.u32 s4  }
0x18d: {  	[spmem:s2] =	stream.indirect.scatter.add.f32 @!p4 [tilespmem:s6], [sflag:$0x1], $0x1, s7, s12, $0xb8;
	[tilespmem:$0x1C500] =	vst v63  }
0x18e: {  	s4 =	smov.u32 s22;
	s22 =	sadd.s32 $0x40, s22;
	v9 =	vld.idx.msk [tilespmem:v8+s24+$0x0], $0xffff  }
0x18f: {  	p3 =	sne.s32 s22, $0x8000  }
0x190: {  	v8 =	vld.idx.msk [tilespmem:v8+s23+$0x0], $0xffff;
	_ =	sdelay $0x3  }
0x191: {  	v10 =	vor.u32 s11, v3;
	v11 =	vshra.s32 v9, $0x9;
	v9 =	vshll.u32 v9, $0xB  }
0x192: {  	vm1 =	vlt.s32 v10, v7;
	vm0 =	veq.s32 v11, v0;
	v9 =	vand.u32 $0xFF800, v9  }
0x193: {  	vm0 =	vmand vm1, vm0;
	v8 =	vor.u32 v8, v9  }
0x194: {  	v8 =	vnsel vm0, $0x0, v8;
	v9 =	vsel vm0, $0x1, v4  }
0x195: {  	(xrf0) =	vadd.scan.msk.s32 $0xffff, v9;
	_ =	sdelay $0x5  }
0x196: {  	s6 =	sadd.s32 $0xFFFFFFFF, s17;
	v9, _, _ =	vpop (xrf0)  }
0x197: {  	v10 =	vadd.s32 s6, v9;
	(v2sf) =	vpush v9, $0xF  }
0x198: {  	v9 =	vand.u32 $0x1FFF, v10;
	_ =	sdelay $0xd  }
0x199: {  	s6 =	spop (v2sf)  }
0x19a: {  	s12 =	sadd.s32 s17, s6  }
0x19b: {  	s6 =	ssub.s32 s12, s16  }
0x19c: {  	p4 =	slt.s32 s6, $0xFF0  }
0x19d: {  	s20 =	sshra.s32 s21, $0x2;
	s21 =	smov.u32 s4;
	s17 =	sadd.s32 @!p4 $0x1000, s16  }
0x19e: {  	p5 =	slt.s32 @!p4 s16, $0x1;
	s4 =	sand.u32 @!p4 $0x1000, s16;
	s13 =	ssub.s32 @!p4 s17, s12  }
0x19f: {  	s6 =	sor.u32 @!p4 $0x1A500, s4;
	s7 =	sor.u32 @!p4 $0x18500, s4;
	s4 =	smov.u32 s17  }
0x1a0: {  	v11 =	vlaneseq.u32 @!p4;
	s17 =	smov.u32 @p4 s12;
	v10 =	vld [tilespmem:s20+$0x12400];
	v12 =	vmov @!p4 s13;
	s4 =	smov.u32 @p4 s16  }
0x1a1: {  	v13 =	vadd.s32 @!p4 s12, v11;
	vm1 =	vgt.s32 @!p4 v12, v11  }
0x1a2: {  	v11 =	vand.u32 @!p4 $0x1FFF, v13;
	_ =	sdelay $0x1  }
0x1a3: {  	s11 =	sadd.s32 $0x10, s11  }
0x1a4: {  	s12 =	sadd.s32 s11, s28;
	v10 =	vnsel vm0, $0x0, v10;
	[tilespmem:v9+s25+$0x0] =	vst.idx.msk vm0, v8  }
0x1a5: {  	v8 =	vadd.s32 s12, v3;
	s12 =	simm.s32 @!p4 $0x18500;
	[tilespmem:v9+s26+$0x0] =	vst.idx.msk vm0, v10;
	v9 =	vimm.s32 @!p4 $0x0  }
.Ltmp10:
0x1a6: {  	p5 =	por p5, p4;
	vm0 =	vlt.s32 v8, $0x200F;
	[tilespmem:v11+s12+$0x0] =	vst.idx.msk @!p4 vm1, v9;
	v9 =	vimm.f32 @!p4 $0.0e+00;
	s12 =	simm.s32 @!p4 $0x1A500;
	(pc) =	sbr.rel @p3 .LBB2_19-.Ltmp10, $4  }
0x1a7: {  	v8 =	vnsel vm0, $0x200F, v8;
	[tilespmem:v11+s12+$0x0] =	vst.idx.msk @!p4 vm1, v9;
	s12 =	simm.s32 @!p5 $0x1  }
0x1a8: {  	_ =	swait.ge @!p5 [sflag:s12], $0x1000  }
0x1a9: {  	[sflag:s12] =	ssyncset.done @!p5 $0x0  }
0x1aa: {  	[sflag:s12] =	ssyncadd.s32 @!p5 $0xFFFFF000;
	s12 =	simm.s32 @!p4 $0x1000  }
0x1ab: {  	_ =	sdelay $0x2  }
0x1ac: {  	[spmem:s2] =	stream.indirect.scatter.add.f32 @!p4 [tilespmem:s6], [sflag:$0x1], $0x1, s7, s12, $0xb8;
	[tilespmem:$0x1C500] =	vst v63  }
0x1ad: {  	v9 =	vld.idx.msk [tilespmem:v8+s24+$0x0], $0xffff;
	_ =	sdelay $0x4  }
0x1ae: {  	v10 =	vor.u32 s11, v3;
	v11 =	vshra.s32 v9, $0x9  }
0x1af: {  	vm1 =	vlt.s32 v10, v7;
	vm0 =	veq.s32 v11, v0  }
0x1b0: {  	vm0 =	vmand vm1, vm0  }
0x1b1: {  	v61 =	vsel vm0, $0x1, v4  }
0x1b2: {  	(xrf0) =	vadd.scan.msk.s32 $0xffff, v61;
	_ =	sdelay $0x5  }
0x1b3: {  	v10, _, _ =	vpop (xrf0)  }
0x1b4: {  	(v2sf) =	vpush v10, $0xF;
	_ =	sdelay $0xe  }
0x1b5: {  	s13 =	spop (v2sf)  }
0x1b6: {  	s6 =	sadd.s32 s17, s13  }
0x1b7: {  	s16 =	ssub.s32 s6, s4  }
0x1b8: {  	p3 =	slt.s32 s16, $0xFF0  }
0x1b9: {  	s20 =	sadd.s32 $0xFFFFFFFF, s17;
	v8 =	vld.idx.msk [tilespmem:v8+s23+$0x0], $0xffff;
	s11 =	sadd.s32 @!p3 $0x1000, s4  }
0x1ba: {  	s22 =	sshra.s32 s21, $0x2;
	v10 =	vadd.s32 s20, v10;
	s12 =	ssub.s32 @!p3 s11, s6  }
0x1bb: {  	v62 =	vld [tilespmem:s22+$0x12400];
	v10 =	vand.u32 $0x1FFF, v10;
	v12 =	vlaneseq.u32 @!p3;
	v13 =	vmov @!p3 s12  }
0x1bc: {  	v9 =	vshll.u32 v9, $0xB;
	vm1 =	vgt.s32 @!p3 v13, v12;
	v12 =	vadd.s32 @!p3 s6, v12  }
0x1bd: {  	v9 =	vand.u32 $0xFF800, v9;
	v12 =	vand.u32 @!p3 $0x1FFF, v12  }
0x1be: {  	v8 =	vor.u32 v8, v9  }
0x1bf: {  	v8 =	vnsel vm0, $0x0, v8  }
0x1c0: {  	v63 =	vnsel vm0, $0x0, v62;
	[tilespmem:v10+s25+$0x0] =	vst.idx.msk vm0, v8  }
0x1c1: {  	[tilespmem:v10+s26+$0x0] =	vst.idx.msk vm0, v63;
	p4 =	slt.s32 @!p3 s4, $0x1;
	v8 =	vimm.s32 @!p3 $0x0;
	s7 =	simm.s32 @!p3 $0x18500  }
0x1c2: {  	p4 =	por p4, p3;
	[tilespmem:v12+s7+$0x0] =	vst.idx.msk @!p3 vm1, v8;
	v8 =	vimm.f32 @!p3 $0.0e+00;
	s7 =	simm.s32 @!p3 $0x1A500  }
0x1c3: {  	[tilespmem:v12+s7+$0x0] =	vst.idx.msk @!p3 vm1, v8;
	s7 =	simm.s32 @!p4 $0x1  }
0x1c4: {  	_ =	swait.ge @!p4 [sflag:s7], $0x1000  }
0x1c5: {  	s19 =	sadd.s32 $0x1, s19;
	[sflag:s7] =	ssyncset.done @!p4 $0x0;
	s28 =	rddreg [dreg:$0x17]  }
0x1c6: {  	[sflag:s7] =	ssyncadd.s32 @!p4 $0xFFFFF000;
	p4 =	sne.s32 s19, s28  }
.Ltmp11:
0x1c7: {  	s18 =	sadd.s32 $0x2000, s18;
	(pc) =	sbr.rel @p4 .LBB2_18-.Ltmp11, $4  }
0x1c8: {  	s14 =	sadd.s32 $0x2000, s14;
	s22 =	simm.s32 $0x2;
	s16 =	smov.u32 s11  }
0x1c9: {  	s11 =	smov.u32 @p3 s6;
	s12 =	sand.u32 @!p3 $0x1000, s4;
	s16 =	smov.u32 @p3 s4  }
0x1ca: {  	s13 =	sor.u32 @!p3 $0x1A500, s12;
	s12 =	sor.u32 @!p3 $0x18500, s12;
	s7 =	simm.s32 @!p3 $0x1000  }
0x1cb: {  	[spmem:s2] =	stream.indirect.scatter.add.f32 @!p3 [tilespmem:s13], [sflag:$0x1], $0x1, s12, s7, $0xb8;
	[tilespmem:$0x1C500] =	vst v63  }
.LBB2_21:
0x1cc: {  	s4 =	sadd.s32 $0x1FFF, s15  }
0x1cd: {  	s14 =	sshra.s32 s4, $0xD  }
0x1ce: {  	p3 =	slt.s32 s14, $0x1  }
.Ltmp12:
0x1cf: {  	_ = 	snop;
	(pc) =	sbr.rel @p3 .LBB2_26-.Ltmp12, $2  }
0x1d0: {  	_ =	sdelay $0x2  }
0x1d1: {  	v8 =	vmov s15  }
0x1d2: {  	s9 =	simm.s32 $0x0  }
0x1d3: {  	s15 =	smov.u32 s29;
	s18 =	simm.s32 $0x0;
	s19 =	simm.s32 $0x0  }
.LBB2_23:
0x1d4: {  	s4 =	sshll.u32 s19, $0xD  }
0x1d5: {  	s6 =	sadd.s32 s30, s4;
	s4 =	sadd.s32 s29, s4  }
0x1d6: {  	s7 =	rddreg [dreg:$0x6];
	s6 =	sshrl.u32 s6, $0x3;
	s4 =	sand.u32 $0xFFFFFFF8, s4  }
0x1d7: {  	s13 =	simm.s32 $0x12400;
	s6 =	sadd.s32 s7, s6;
	p4 =	slt.s32 s4, $0x1FDBF0  }
0x1d8: {  	[tilespmem:s13], [sflag:$0x2] =	stream.linear.gather [hbm4b:s6+s9], $0x2000, $0x38;
	[tilespmem:$0x1C500] =	vst v63  }
0x1d9: {  	s6 =	sand.u32 $0xFFFFFFF8, s15;
	s4 =	simm.s32 @!p4 $0x1FDBF0  }
0x1da: {  	p5 =	slt.s32 s6, $0x1FDBF0;
	_ =	swait.ge [sflag:s22], $0x2000;
	s4 =	sshrl.u32 s4, $0x3  }
0x1db: {  	s6 =	simm.s32 @!p5 $0x1FDBF0;
	[sflag:s22] =	ssyncset.done $0x0;
	s17 =	rddreg [dreg:$0x7]  }
0x1dc: {  	s28 =	ssub.s32 s29, s6;
	[sflag:s22] =	ssyncadd.s32 $0xFFFFE000;
	s6 =	sadd.s32 s17, s4  }
0x1dd: {  	[tilespmem:s23], [sflag:$0x2] =	stream.linear.gather [hbm4b:s6+s9], $0x2010, $0x38;
	[tilespmem:$0x1C500] =	vst v63  }
0x1de: {  	s20 =	sadd.s32 s18, s28  }
0x1df: {  	_ =	swait.ge [sflag:s22], $0x2010;
	v9 =	vadd.s32 s20, v3  }
0x1e0: {  	[sflag:s22] =	ssyncset.done $0x0;
	vm0 =	vlt.s32 v9, $0x200F;
	s21 =	rddreg [dreg:$0x8]  }
0x1e1: {  	[sflag:s22] =	ssyncadd.s32 $0xFFFFDFF0;
	s4 =	sadd.s32 s21, s4;
	v9 =	vnsel vm0, $0x200F, v9  }
0x1e2: {  	[tilespmem:s24], [sflag:$0x2] =	stream.linear.gather [hbm4b:s4+s9], $0x2010, $0x38;
	[tilespmem:$0x1C500] =	vst v63  }
0x1e3: {  	_ =	swait.ge [sflag:s22], $0x2010  }
0x1e4: {  	[sflag:s22] =	ssyncset.done $0x0  }
0x1e5: {  	[sflag:s22] =	ssyncadd.s32 $0xFFFFDFF0  }
0x1e6: {  	v10 =	vld.idx.msk [tilespmem:v9+s24+$0x0], $0xffff;
	_ =	sdelay $0x4  }
0x1e7: {  	v11 =	vor.u32 s18, v3;
	v12 =	vshra.s32 v10, $0x9  }
0x1e8: {  	vm1 =	vlt.s32 v11, v8;
	vm14 =	veq.s32 v12, v0  }
0x1e9: {  	vm0 =	vmand vm1, vm14  }
0x1ea: {  	v11 =	vsel vm0, $0x1, v4  }
0x1eb: {  	(xrf0) =	vadd.scan.msk.s32 $0xffff, v11;
	_ =	sdelay $0x5  }
0x1ec: {  	v11, _, _ =	vpop (xrf0)  }
0x1ed: {  	(v2sf) =	vpush v11, $0xF;
	_ =	sdelay $0xe  }
0x1ee: {  	s7 =	spop (v2sf)  }
0x1ef: {  	s12 =	sadd.s32 s11, s7  }
0x1f0: {  	s4 =	ssub.s32 s12, s16  }
0x1f1: {  	p5 =	slt.s32 s4, $0xFF0  }
0x1f2: {  	v9 =	vld.idx.msk [tilespmem:v9+s23+$0x0], $0xffff;
	s11 =	sadd.s32 $0xFFFFFFFF, s11;
	s17 =	sadd.s32 @!p5 $0x1000, s16  }
0x1f3: {  	s13 =	simm.s32 $0x0;
	v11 =	vadd.s32 s11, v11;
	s6 =	ssub.s32 @!p5 s17, s12  }
0x1f4: {  	v63 =	vld [tilespmem:s13+$0x12400];
	v11 =	vand.u32 $0x1FFF, v11;
	v13 =	vlaneseq.u32 @!p5;
	v14 =	vmov @!p5 s6  }
0x1f5: {  	v10 =	vshll.u32 v10, $0xB;
	vm1 =	vgt.s32 @!p5 v14, v13;
	v13 =	vadd.s32 @!p5 s12, v13  }
0x1f6: {  	v10 =	vand.u32 $0xFF800, v10;
	v13 =	vand.u32 @!p5 $0x1FFF, v13  }
0x1f7: {  	v9 =	vor.u32 v9, v10  }
0x1f8: {  	v9 =	vnsel vm0, $0x0, v9  }
0x1f9: {  	v10 =	vnsel vm0, $0x0, v63;
	[tilespmem:v11+s25+$0x0] =	vst.idx.msk vm0, v9  }
0x1fa: {  	s11 =	sadd.s32 $0x10, s18;
	s4 =	simm.s32 @!p5 $0x18500;
	v9 =	vimm.s32 @!p5 $0x0;
	[tilespmem:v11+s26+$0x0] =	vst.idx.msk vm0, v10  }
0x1fb: {  	s20 =	sadd.s32 s11, s28;
	p4 =	slt.s32 @!p5 s16, $0x1;
	s6 =	simm.s32 @!p5 $0x1A500;
	[tilespmem:v13+s4+$0x0] =	vst.idx.msk @!p5 vm1, v9;
	v9 =	vimm.f32 @!p5 $0.0e+00  }
0x1fc: {  	s21 =	simm.s32 $0x40;
	p4 =	por p4, p5;
	[tilespmem:v13+s6+$0x0] =	vst.idx.msk @!p5 vm1, v9;
	v9 =	vadd.s32 s20, v3  }
0x1fd: {  	s22 =	simm.s32 $0x80;
	s13 =	simm.s32 @!p4 $0x1;
	s4 =	smov.u32 s17;
	vm15 =	vlt.s32 v9, $0x200F  }
0x1fe: {  	s17 =	smov.u32 @p5 s12;
	s12 =	simm.s32 @!p5 $0x1000;
	_ =	swait.ge @!p4 [sflag:s13], $0x1000;
	v9 =	vnsel vm15, $0x200F, v9  }
0x1ff: {  	s4 =	smov.u32 @p5 s16;
	s16 =	sand.u32 @!p5 $0x1000, s16;
	[sflag:s13] =	ssyncset.done @!p4 $0x0  }
0x200: {  	s6 =	sor.u32 @!p5 $0x1A500, s16;
	s7 =	sor.u32 @!p5 $0x18500, s16;
	[sflag:s13] =	ssyncadd.s32 @!p4 $0xFFFFF000  }
.LBB2_24:
0x201: {  	s16 =	smov.u32 s4  }
0x202: {  	[spmem:s2] =	stream.indirect.scatter.add.f32 @!p5 [tilespmem:s6], [sflag:$0x1], $0x1, s7, s12, $0xb8;
	[tilespmem:$0x1C500] =	vst v63  }
0x203: {  	s4 =	smov.u32 s22;
	s22 =	sadd.s32 $0x40, s22;
	v10 =	vld.idx.msk [tilespmem:v9+s24+$0x0], $0xffff  }
0x204: {  	p4 =	sne.s32 s22, $0x8000  }
0x205: {  	v9 =	vld.idx.msk [tilespmem:v9+s23+$0x0], $0xffff;
	_ =	sdelay $0x3  }
0x206: {  	v11 =	vor.u32 s11, v3;
	v12 =	vshra.s32 v10, $0x9;
	v10 =	vshll.u32 v10, $0xB  }
0x207: {  	vm1 =	vlt.s32 v11, v8;
	vm0 =	veq.s32 v12, v0;
	v10 =	vand.u32 $0xFF800, v10  }
0x208: {  	vm0 =	vmand vm1, vm0;
	v9 =	vor.u32 v9, v10  }
0x209: {  	v9 =	vnsel vm0, $0x0, v9;
	v10 =	vsel vm0, $0x1, v4  }
0x20a: {  	(xrf0) =	vadd.scan.msk.s32 $0xffff, v10;
	_ =	sdelay $0x5  }
0x20b: {  	s6 =	sadd.s32 $0xFFFFFFFF, s17;
	v10, _, _ =	vpop (xrf0)  }
0x20c: {  	v11 =	vadd.s32 s6, v10;
	(v2sf) =	vpush v10, $0xF  }
0x20d: {  	v10 =	vand.u32 $0x1FFF, v11;
	_ =	sdelay $0xd  }
0x20e: {  	s6 =	spop (v2sf)  }
0x20f: {  	s12 =	sadd.s32 s17, s6  }
0x210: {  	s6 =	ssub.s32 s12, s16  }
0x211: {  	p5 =	slt.s32 s6, $0xFF0  }
0x212: {  	s13 =	sshra.s32 s21, $0x2;
	s21 =	smov.u32 s4;
	s17 =	sadd.s32 @!p5 $0x1000, s16  }
0x213: {  	p6 =	slt.s32 @!p5 s16, $0x1;
	s4 =	sand.u32 @!p5 $0x1000, s16;
	s20 =	ssub.s32 @!p5 s17, s12  }
0x214: {  	s6 =	sor.u32 @!p5 $0x1A500, s4;
	s7 =	sor.u32 @!p5 $0x18500, s4;
	s4 =	smov.u32 s17  }
0x215: {  	v12 =	vlaneseq.u32 @!p5;
	s17 =	smov.u32 @p5 s12;
	v11 =	vld [tilespmem:s13+$0x12400];
	v13 =	vmov @!p5 s20;
	s4 =	smov.u32 @p5 s16  }
0x216: {  	v14 =	vadd.s32 @!p5 s12, v12;
	vm1 =	vgt.s32 @!p5 v13, v12  }
0x217: {  	v12 =	vand.u32 @!p5 $0x1FFF, v14;
	_ =	sdelay $0x1  }
0x218: {  	s11 =	sadd.s32 $0x10, s11  }
0x219: {  	s12 =	sadd.s32 s11, s28;
	v11 =	vnsel vm0, $0x0, v11;
	[tilespmem:v10+s25+$0x0] =	vst.idx.msk vm0, v9  }
0x21a: {  	v9 =	vadd.s32 s12, v3;
	s12 =	simm.s32 @!p5 $0x18500;
	[tilespmem:v10+s26+$0x0] =	vst.idx.msk vm0, v11;
	v10 =	vimm.s32 @!p5 $0x0  }
.Ltmp13:
0x21b: {  	p6 =	por p6, p5;
	vm0 =	vlt.s32 v9, $0x200F;
	[tilespmem:v12+s12+$0x0] =	vst.idx.msk @!p5 vm1, v10;
	v10 =	vimm.f32 @!p5 $0.0e+00;
	s12 =	simm.s32 @!p5 $0x1A500;
	(pc) =	sbr.rel @p4 .LBB2_24-.Ltmp13, $4  }
0x21c: {  	v9 =	vnsel vm0, $0x200F, v9;
	[tilespmem:v12+s12+$0x0] =	vst.idx.msk @!p5 vm1, v10;
	s12 =	simm.s32 @!p6 $0x1  }
0x21d: {  	_ =	swait.ge @!p6 [sflag:s12], $0x1000  }
0x21e: {  	[sflag:s12] =	ssyncset.done @!p6 $0x0  }
0x21f: {  	[sflag:s12] =	ssyncadd.s32 @!p6 $0xFFFFF000;
	s12 =	simm.s32 @!p5 $0x1000  }
0x220: {  	_ =	sdelay $0x2  }
0x221: {  	[spmem:s2] =	stream.indirect.scatter.add.f32 @!p5 [tilespmem:s6], [sflag:$0x1], $0x1, s7, s12, $0xb8;
	[tilespmem:$0x1C500] =	vst v63  }
0x222: {  	v10 =	vld.idx.msk [tilespmem:v9+s24+$0x0], $0xffff;
	_ =	sdelay $0x4  }
0x223: {  	v11 =	vor.u32 s11, v3;
	v12 =	vshra.s32 v10, $0x9  }
0x224: {  	vm1 =	vlt.s32 v11, v8;
	vm0 =	veq.s32 v12, v0  }
0x225: {  	vm0 =	vmand vm1, vm0  }
0x226: {  	v11 =	vsel vm0, $0x1, v4  }
0x227: {  	(xrf0) =	vadd.scan.msk.s32 $0xffff, v11;
	_ =	sdelay $0x5  }
0x228: {  	v11, _, _ =	vpop (xrf0)  }
0x229: {  	(v2sf) =	vpush v11, $0xF;
	_ =	sdelay $0xe  }
0x22a: {  	s16 =	spop (v2sf)  }
0x22b: {  	s6 =	sadd.s32 s17, s16  }
0x22c: {  	s20 =	ssub.s32 s6, s4  }
0x22d: {  	p4 =	slt.s32 s20, $0xFF0  }
0x22e: {  	s22 =	sadd.s32 $0xFFFFFFFF, s17;
	v9 =	vld.idx.msk [tilespmem:v9+s23+$0x0], $0xffff;
	s11 =	sadd.s32 @!p4 $0x1000, s4  }
0x22f: {  	s28 =	sshra.s32 s21, $0x2;
	v11 =	vadd.s32 s22, v11;
	s12 =	ssub.s32 @!p4 s11, s6  }
0x230: {  	v63 =	vld [tilespmem:s28+$0x12400];
	v11 =	vand.u32 $0x1FFF, v11;
	v13 =	vlaneseq.u32 @!p4;
	v14 =	vmov @!p4 s12  }
0x231: {  	v10 =	vshll.u32 v10, $0xB;
	vm1 =	vgt.s32 @!p4 v14, v13;
	v13 =	vadd.s32 @!p4 s6, v13  }
0x232: {  	v10 =	vand.u32 $0xFF800, v10;
	v13 =	vand.u32 @!p4 $0x1FFF, v13  }
0x233: {  	v9 =	vor.u32 v9, v10  }
0x234: {  	v9 =	vnsel vm0, $0x0, v9  }
0x235: {  	v10 =	vnsel vm0, $0x0, v63;
	[tilespmem:v11+s25+$0x0] =	vst.idx.msk vm0, v9  }
0x236: {  	[tilespmem:v11+s26+$0x0] =	vst.idx.msk vm0, v10;
	p5 =	slt.s32 @!p4 s4, $0x1;
	v9 =	vimm.s32 @!p4 $0x0;
	s7 =	simm.s32 @!p4 $0x18500  }
0x237: {  	p5 =	por p5, p4;
	[tilespmem:v13+s7+$0x0] =	vst.idx.msk @!p4 vm1, v9;
	v9 =	vimm.f32 @!p4 $0.0e+00;
	s7 =	simm.s32 @!p4 $0x1A500  }
0x238: {  	[tilespmem:v13+s7+$0x0] =	vst.idx.msk @!p4 vm1, v9;
	s7 =	simm.s32 @!p5 $0x1  }
0x239: {  	_ =	swait.ge @!p5 [sflag:s7], $0x1000  }
0x23a: {  	s19 =	sadd.s32 $0x1, s19;
	[sflag:s7] =	ssyncset.done @!p5 $0x0  }
0x23b: {  	[sflag:s7] =	ssyncadd.s32 @!p5 $0xFFFFF000;
	p5 =	sne.s32 s19, s14  }
.Ltmp14:
0x23c: {  	s18 =	sadd.s32 $0x2000, s18;
	(pc) =	sbr.rel @p5 .LBB2_23-.Ltmp14, $4  }
0x23d: {  	s15 =	sadd.s32 $0x2000, s15;
	s22 =	simm.s32 $0x2;
	s16 =	smov.u32 s11  }
0x23e: {  	s11 =	smov.u32 @p4 s6;
	s12 =	sand.u32 @!p4 $0x1000, s4;
	s16 =	smov.u32 @p4 s4  }
0x23f: {  	s13 =	sor.u32 @!p4 $0x1A500, s12;
	s12 =	sor.u32 @!p4 $0x18500, s12;
	s7 =	simm.s32 @!p4 $0x1000  }
0x240: {  	[spmem:s2] =	stream.indirect.scatter.add.f32 @!p4 [tilespmem:s13], [sflag:$0x1], $0x1, s12, s7, $0xb8;
	[tilespmem:$0x1C500] =	vst v63  }
.LBB2_26:
0x241: {  	p4 =	slt.s32 s16, $0x1;
	s4 =	ssub.s32 s16, s11  }
0x242: {  	s7 =	simm.s32 $0x0;
	s6 =	simm.s32 @!p4 $0x1;
	s4 =	sadd.s32 $0x1000, s4  }
0x243: {  	v10 =	vmov s11;
	v11 =	vor.u32 s7, v3;
	v9 =	vmov s4;
	_ =	swait.ge @!p4 [sflag:s6], $0x1000  }
0x244: {  	v12 =	vadd.s32 v10, v11;
	[sflag:s6] =	ssyncset.done @!p4 $0x0;
	vm0 =	vlt.s32 v11, v9  }
0x245: {  	s4 =	simm.s32 $0x10;
	v11 =	vand.u32 $0x1FFF, v12;
	[sflag:s6] =	ssyncadd.s32 @!p4 $0xFFFFF000;
	vm1 =	vmmov vm0  }
.LBB2_27:
0x246: {  	p4 =	sne.s32 s4, $0xFF0  }
.Ltmp15:
0x247: {  	_ = 	snop;
	(pc) =	sbr.rel @p4 .LBB2_27-.Ltmp15, $4  }
0x248: {  	_ = 	snop  }
0x249: {  	v12 =	vor.u32 s4, v3  }
0x24a: {  	s4 =	sadd.s32 $0x10, s4;
	v13 =	vadd.s32 v10, v12;
	[tilespmem:v11+s25+$0x0] =	vst.idx.msk vm0, v4;
	vm0 =	vlt.s32 v12, v9  }
0x24b: {  	[tilespmem:v11+s26+$0x0] =	vst.idx.msk vm1, v2;
	v11 =	vand.u32 $0x1FFF, v13;
	vm1 =	vmmov vm0  }
0x24c: {  	_ =	sdelay $0x3  }
0x24d: {  	p4 =	sge.s32 s16, s11  }
0x24e: {  	[tilespmem:v11+s25+$0x0] =	vst.idx.msk vm0, v4;
	s4 =	sand.u32 @!p4 $0x1000, s16  }
0x24f: {  	[tilespmem:v11+s26+$0x0] =	vst.idx.msk vm1, v2;
	s7 =	simm.s32 @!p4 $0x1000;
	s6 =	sor.u32 @!p4 $0x1A500, s4;
	s4 =	sor.u32 @!p4 $0x18500, s4  }
0x250: {  	[spmem:s2] =	stream.indirect.scatter.add.f32 @!p4 [tilespmem:s6], [sflag:$0x2], $0x1, s4, s7, $0xb8;
	[tilespmem:$0x1C500] =	vst v63  }
0x251: {  	s4 =	simm.s32 @!p4 $0x2  }
0x252: {  	_ =	swait.ge @!p4 [sflag:s4], $0x1000  }
0x253: {  	[sflag:s4] =	ssyncset.done @!p4 $0x0  }
0x254: {  	[sflag:s4] =	ssyncadd.s32 @!p4 $0xFFFFF000  }
0x255: {  	s9 =	stileid.u32;
	[bflag:$0x0] =	sbarrier.arrive $0xFFFF  }
0x256: {  	s4 =	sshll.u32 s9, $0x6;
	s12 =	rddreg [dreg:$0x9]  }
0x257: {  	s11 =	sor.u32 $0x1C02, s4;
	s13 =	rddreg [dreg:$0xa]  }
0x258: {  	[dreg:$0x18] =	wrdreg s11;
	s9 =	sshrl.u32 s12, $0x3  }
0x259: {  	[dreg:$0x19] =	wrdreg s9  }
0x25a: {  	[hbm:s13], [sflag:s11] =	dma.local [spmem:s9], $0x2000  }
0x25b: {  	_ =	swait.ge [sflag:s22], $0x2000  }
0x25c: {  	[sflag:s22] =	ssyncset.done $0x0  }
0x25d: {  	s15 =	simm.s32 $0x10000;
	[sflag:s22] =	ssyncadd.s32 $0xFFFFE000  }
0x25e: {  	[spmem:s12] =	stream.linear.scatter [tilespmem:s15], [sflag:$0x2], $0x2000, $0x38;
	[tilespmem:$0x1C500] =	vst v63  }
0x25f: {  	_ =	swait.ge [sflag:s22], $0x2000  }
0x260: {  	[sflag:s22] =	ssyncset.done $0x0  }
0x261: {  	s16 =	rddreg [dreg:$0xd];
	[sflag:s22] =	ssyncadd.s32 $0xFFFFE000  }
0x262: {  	[spmem:s16] =	stream.linear.scatter [tilespmem:s15], [sflag:$0x2], $0x2000, $0x38;
	[tilespmem:$0x1C500] =	vst v63  }
0x263: {  	_ =	swait.ge [sflag:s22], $0x2000  }
0x264: {  	[sflag:s22] =	ssyncset.done $0x0  }
0x265: {  	s17 =	rddreg [dreg:$0xe];
	[sflag:s22] =	ssyncadd.s32 $0xFFFFE000  }
0x266: {  	[spmem:s17] =	stream.linear.scatter [tilespmem:s15], [sflag:$0x2], $0x2000, $0x38;
	[tilespmem:$0x1C500] =	vst v63  }
0x267: {  	_ =	swait.ge [sflag:s22], $0x2000  }
0x268: {  	[sflag:s22] =	ssyncset.done $0x0  }
0x269: {  	s18 =	rddreg [dreg:$0xf];
	[sflag:s22] =	ssyncadd.s32 $0xFFFFE000  }
0x26a: {  	[spmem:s18] =	stream.linear.scatter [tilespmem:s15], [sflag:$0x2], $0x2000, $0x38;
	[tilespmem:$0x1C500] =	vst v63  }
0x26b: {  	_ =	swait.ge [sflag:s22], $0x2000  }
0x26c: {  	[sflag:s22] =	ssyncset.done $0x0  }
0x26d: {  	s19 =	rddreg [dreg:$0x10];
	[sflag:s22] =	ssyncadd.s32 $0xFFFFE000  }
0x26e: {  	[spmem:s19] =	stream.linear.scatter [tilespmem:s15], [sflag:$0x2], $0x2000, $0x38;
	[tilespmem:$0x1C500] =	vst v63  }
0x26f: {  	_ =	swait.ge [sflag:s22], $0x2000  }
0x270: {  	[sflag:s22] =	ssyncset.done $0x0  }
0x271: {  	s20 =	rddreg [dreg:$0x11];
	[sflag:s22] =	ssyncadd.s32 $0xFFFFE000  }
0x272: {  	[spmem:s20] =	stream.linear.scatter [tilespmem:s15], [sflag:$0x2], $0x2000, $0x38;
	[tilespmem:$0x1C500] =	vst v63  }
0x273: {  	_ =	swait.ge [sflag:s22], $0x2000  }
0x274: {  	[sflag:s22] =	ssyncset.done $0x0  }
0x275: {  	s21 =	rddreg [dreg:$0x12];
	[sflag:s22] =	ssyncadd.s32 $0xFFFFE000  }
0x276: {  	[spmem:s21] =	stream.linear.scatter [tilespmem:s15], [sflag:$0x2], $0x2000, $0x38;
	[tilespmem:$0x1C500] =	vst v63  }
0x277: {  	_ =	swait.ge [sflag:s22], $0x2000  }
0x278: {  	[sflag:s22] =	ssyncset.done $0x0  }
0x279: {  	s28 =	rddreg [dreg:$0x13];
	[sflag:s22] =	ssyncadd.s32 $0xFFFFE000  }
0x27a: {  	[spmem:s28] =	stream.linear.scatter [tilespmem:s15], [sflag:$0x2], $0x2000, $0x38;
	[tilespmem:$0x1C500] =	vst v63  }
.Ltmp16:
0x27b: {  	_ =	swait.ge [sflag:s22], $0x2000;
	(pc) =	sbr.rel @p0 .LBB2_29-.Ltmp16, $3  }
0x27c: {  	[sflag:s22] =	ssyncset.done $0x0  }
0x27d: {  	[sflag:s22] =	ssyncadd.s32 $0xFFFFE000  }
0x27e: {  	[bflag:$0x0] =	sbarrier.arrive $0xFFFF;
	_ =	sdelay $0x1  }
0x27f: {  	s19 =	simm.s32 $0x0;
	s9 =	simm.s32 $0x0;
	s15 =	smov.u32 s3  }
0x280: {  	s17 =	simm.s32 $0x0;
	s18 =	simm.s32 $0x0;
	s16 =	simm.s32 $0x0  }
.LBB2_50:
0x281: {  	s4 =	sshll.u32 s16, $0xD  }
0x282: {  	s6 =	sadd.s32 s10, s4;
	s4 =	sadd.s32 s3, s4  }
0x283: {  	s7 =	rddreg [dreg:$0x6];
	s6 =	sshrl.u32 s6, $0x3;
	s4 =	sand.u32 $0xFFFFFFF8, s4  }
0x284: {  	s12 =	simm.s32 $0x12400;
	s6 =	sadd.s32 s7, s6;
	p0 =	slt.s32 s4, $0x1FDBF0  }
0x285: {  	[tilespmem:s12], [sflag:$0x2] =	stream.linear.gather [hbm4b:s6+s19], $0x2000, $0x38;
	[tilespmem:$0x1C500] =	vst v63  }
0x286: {  	s6 =	sand.u32 $0xFFFFFFF8, s15;
	s4 =	simm.s32 @!p0 $0x1FDBF0  }
0x287: {  	p4 =	slt.s32 s6, $0x1FDBF0;
	_ =	swait.ge [sflag:s22], $0x2000;
	s4 =	sshrl.u32 s4, $0x3  }
0x288: {  	s6 =	simm.s32 @!p4 $0x1FDBF0;
	[sflag:s22] =	ssyncset.done $0x0;
	s13 =	rddreg [dreg:$0x7]  }
0x289: {  	s28 =	ssub.s32 s3, s6;
	[sflag:s22] =	ssyncadd.s32 $0xFFFFE000;
	s6 =	sadd.s32 s13, s4  }
0x28a: {  	[tilespmem:s23], [sflag:$0x2] =	stream.linear.gather [hbm4b:s6+s19], $0x2010, $0x38;
	[tilespmem:$0x1C500] =	vst v63  }
0x28b: {  	s20 =	sadd.s32 s9, s28  }
0x28c: {  	_ =	swait.ge [sflag:s22], $0x2010;
	v9 =	vadd.s32 s20, v3  }
0x28d: {  	[sflag:s22] =	ssyncset.done $0x0;
	vm0 =	vlt.s32 v9, $0x200F;
	s21 =	rddreg [dreg:$0x8]  }
0x28e: {  	[sflag:s22] =	ssyncadd.s32 $0xFFFFDFF0;
	s4 =	sadd.s32 s21, s4;
	v9 =	vnsel vm0, $0x200F, v9  }
0x28f: {  	[tilespmem:s24], [sflag:$0x2] =	stream.linear.gather [hbm4b:s4+s19], $0x2010, $0x38;
	[tilespmem:$0x1C500] =	vst v63  }
0x290: {  	_ =	swait.ge [sflag:s22], $0x2010  }
0x291: {  	[sflag:s22] =	ssyncset.done $0x0  }
0x292: {  	[sflag:s22] =	ssyncadd.s32 $0xFFFFDFF0  }
0x293: {  	v10 =	vld.idx.msk [tilespmem:v9+s24+$0x0], $0xffff;
	_ =	sdelay $0x4  }
0x294: {  	v11 =	vor.u32 s9, v3;
	v12 =	vshra.s32 v10, $0x9  }
0x295: {  	vm1 =	vlt.s32 v11, v5;
	vm14 =	veq.s32 v12, v1  }
0x296: {  	vm0 =	vmand vm1, vm14  }
0x297: {  	v11 =	vsel vm0, $0x1, v4  }
0x298: {  	(xrf0) =	vadd.scan.msk.s32 $0xffff, v11;
	_ =	sdelay $0x5  }
0x299: {  	v11, _, _ =	vpop (xrf0)  }
0x29a: {  	(v2sf) =	vpush v11, $0xF;
	_ =	sdelay $0xe  }
0x29b: {  	s7 =	spop (v2sf)  }
0x29c: {  	s12 =	sadd.s32 s18, s7  }
0x29d: {  	s4 =	ssub.s32 s12, s17  }
0x29e: {  	p4 =	slt.s32 s4, $0xFF0  }
0x29f: {  	s11 =	sadd.s32 $0xFFFFFFFF, s18;
	v9 =	vld.idx.msk [tilespmem:v9+s23+$0x0], $0xffff;
	s18 =	sadd.s32 @!p4 $0x1000, s17  }
0x2a0: {  	s13 =	simm.s32 $0x0;
	v11 =	vadd.s32 s11, v11;
	s6 =	ssub.s32 @!p4 s18, s12  }
0x2a1: {  	v63 =	vld [tilespmem:s13+$0x12400];
	v11 =	vand.u32 $0x1FFF, v11;
	v13 =	vlaneseq.u32 @!p4;
	v14 =	vmov @!p4 s6  }
0x2a2: {  	v10 =	vshll.u32 v10, $0xB;
	vm1 =	vgt.s32 @!p4 v14, v13;
	v13 =	vadd.s32 @!p4 s12, v13  }
0x2a3: {  	v10 =	vand.u32 $0xFF800, v10;
	v13 =	vand.u32 @!p4 $0x1FFF, v13  }
0x2a4: {  	v9 =	vor.u32 v9, v10  }
0x2a5: {  	v9 =	vnsel vm0, $0x0, v9  }
0x2a6: {  	v10 =	vnsel vm0, $0x0, v63;
	[tilespmem:v11+s25+$0x0] =	vst.idx.msk vm0, v9  }
0x2a7: {  	s11 =	sadd.s32 $0x10, s9;
	[tilespmem:v11+s26+$0x0] =	vst.idx.msk vm0, v10;
	v9 =	vimm.s32 @!p4 $0x0;
	s4 =	simm.s32 @!p4 $0x18500  }
0x2a8: {  	s20 =	sadd.s32 s11, s28;
	p0 =	slt.s32 @!p4 s17, $0x1;
	s6 =	simm.s32 @!p4 $0x1A500;
	[tilespmem:v13+s4+$0x0] =	vst.idx.msk @!p4 vm1, v9;
	v9 =	vimm.f32 @!p4 $0.0e+00  }
0x2a9: {  	s21 =	simm.s32 $0x40;
	p0 =	por p0, p4;
	[tilespmem:v13+s6+$0x0] =	vst.idx.msk @!p4 vm1, v9;
	v9 =	vadd.s32 s20, v3  }
0x2aa: {  	s22 =	simm.s32 $0x80;
	s13 =	simm.s32 @!p0 $0x1;
	s4 =	smov.u32 s18;
	vm15 =	vlt.s32 v9, $0x200F  }
0x2ab: {  	s18 =	smov.u32 @p4 s12;
	s12 =	simm.s32 @!p4 $0x1000;
	_ =	swait.ge @!p0 [sflag:s13], $0x1000;
	v9 =	vnsel vm15, $0x200F, v9  }
0x2ac: {  	s4 =	smov.u32 @p4 s17;
	s17 =	sand.u32 @!p4 $0x1000, s17;
	[sflag:s13] =	ssyncset.done @!p0 $0x0  }
0x2ad: {  	s6 =	sor.u32 @!p4 $0x1A500, s17;
	s7 =	sor.u32 @!p4 $0x18500, s17;
	[sflag:s13] =	ssyncadd.s32 @!p0 $0xFFFFF000  }
.LBB2_51:
0x2ae: {  	s17 =	smov.u32 s4  }
0x2af: {  	[spmem:s2] =	stream.indirect.scatter.add.f32 @!p4 [tilespmem:s6], [sflag:$0x1], $0x1, s7, s12, $0xb8;
	[tilespmem:$0x1C500] =	vst v63  }
0x2b0: {  	s4 =	smov.u32 s22;
	s22 =	sadd.s32 $0x40, s22;
	v10 =	vld.idx.msk [tilespmem:v9+s24+$0x0], $0xffff  }
0x2b1: {  	p0 =	sne.s32 s22, $0x8000  }
0x2b2: {  	v9 =	vld.idx.msk [tilespmem:v9+s23+$0x0], $0xffff;
	_ =	sdelay $0x3  }
0x2b3: {  	v11 =	vor.u32 s11, v3;
	v12 =	vshra.s32 v10, $0x9;
	v10 =	vshll.u32 v10, $0xB  }
0x2b4: {  	vm1 =	vlt.s32 v11, v5;
	vm0 =	veq.s32 v12, v1;
	v10 =	vand.u32 $0xFF800, v10  }
0x2b5: {  	vm0 =	vmand vm1, vm0;
	v9 =	vor.u32 v9, v10  }
0x2b6: {  	v9 =	vnsel vm0, $0x0, v9;
	v10 =	vsel vm0, $0x1, v4  }
0x2b7: {  	(xrf0) =	vadd.scan.msk.s32 $0xffff, v10;
	_ =	sdelay $0x5  }
0x2b8: {  	s6 =	sadd.s32 $0xFFFFFFFF, s18;
	v10, _, _ =	vpop (xrf0)  }
0x2b9: {  	v11 =	vadd.s32 s6, v10;
	(v2sf) =	vpush v10, $0xF  }
0x2ba: {  	v10 =	vand.u32 $0x1FFF, v11;
	_ =	sdelay $0xd  }
0x2bb: {  	s6 =	spop (v2sf)  }
0x2bc: {  	s12 =	sadd.s32 s18, s6  }
0x2bd: {  	s6 =	ssub.s32 s12, s17  }
0x2be: {  	p4 =	slt.s32 s6, $0xFF0  }
0x2bf: {  	s13 =	sshra.s32 s21, $0x2;
	s21 =	smov.u32 s4;
	s18 =	sadd.s32 @!p4 $0x1000, s17  }
0x2c0: {  	p5 =	slt.s32 @!p4 s17, $0x1;
	s4 =	sand.u32 @!p4 $0x1000, s17;
	s20 =	ssub.s32 @!p4 s18, s12  }
0x2c1: {  	s6 =	sor.u32 @!p4 $0x1A500, s4;
	s7 =	sor.u32 @!p4 $0x18500, s4;
	s4 =	smov.u32 s18  }
0x2c2: {  	v12 =	vlaneseq.u32 @!p4;
	s18 =	smov.u32 @p4 s12;
	v11 =	vld [tilespmem:s13+$0x12400];
	v13 =	vmov @!p4 s20;
	s4 =	smov.u32 @p4 s17  }
0x2c3: {  	v14 =	vadd.s32 @!p4 s12, v12;
	vm1 =	vgt.s32 @!p4 v13, v12  }
0x2c4: {  	v12 =	vand.u32 @!p4 $0x1FFF, v14;
	_ =	sdelay $0x1  }
0x2c5: {  	s11 =	sadd.s32 $0x10, s11  }
0x2c6: {  	s12 =	sadd.s32 s11, s28;
	v11 =	vnsel vm0, $0x0, v11;
	[tilespmem:v10+s25+$0x0] =	vst.idx.msk vm0, v9  }
0x2c7: {  	v9 =	vadd.s32 s12, v3;
	s12 =	simm.s32 @!p4 $0x18500;
	[tilespmem:v10+s26+$0x0] =	vst.idx.msk vm0, v11;
	v10 =	vimm.s32 @!p4 $0x0  }
.Ltmp17:
0x2c8: {  	p5 =	por p5, p4;
	vm0 =	vlt.s32 v9, $0x200F;
	[tilespmem:v12+s12+$0x0] =	vst.idx.msk @!p4 vm1, v10;
	v10 =	vimm.f32 @!p4 $0.0e+00;
	s12 =	simm.s32 @!p4 $0x1A500;
	(pc) =	sbr.rel @p0 .LBB2_51-.Ltmp17, $4  }
0x2c9: {  	v9 =	vnsel vm0, $0x200F, v9;
	[tilespmem:v12+s12+$0x0] =	vst.idx.msk @!p4 vm1, v10;
	s12 =	simm.s32 @!p5 $0x1  }
0x2ca: {  	_ =	swait.ge @!p5 [sflag:s12], $0x1000  }
0x2cb: {  	[sflag:s12] =	ssyncset.done @!p5 $0x0  }
0x2cc: {  	[sflag:s12] =	ssyncadd.s32 @!p5 $0xFFFFF000;
	s12 =	simm.s32 @!p4 $0x1000  }
0x2cd: {  	_ =	sdelay $0x2  }
0x2ce: {  	[spmem:s2] =	stream.indirect.scatter.add.f32 @!p4 [tilespmem:s6], [sflag:$0x1], $0x1, s7, s12, $0xb8;
	[tilespmem:$0x1C500] =	vst v63  }
0x2cf: {  	v10 =	vld.idx.msk [tilespmem:v9+s24+$0x0], $0xffff;
	_ =	sdelay $0x4  }
0x2d0: {  	v11 =	vor.u32 s11, v3;
	v12 =	vshra.s32 v10, $0x9  }
0x2d1: {  	vm1 =	vlt.s32 v11, v5;
	vm0 =	veq.s32 v12, v1  }
0x2d2: {  	vm0 =	vmand vm1, vm0  }
0x2d3: {  	v11 =	vsel vm0, $0x1, v4  }
0x2d4: {  	(xrf0) =	vadd.scan.msk.s32 $0xffff, v11;
	_ =	sdelay $0x5  }
0x2d5: {  	v11, _, _ =	vpop (xrf0)  }
0x2d6: {  	(v2sf) =	vpush v11, $0xF;
	_ =	sdelay $0xe  }
0x2d7: {  	s13 =	spop (v2sf)  }
0x2d8: {  	s6 =	sadd.s32 s18, s13  }
0x2d9: {  	s17 =	ssub.s32 s6, s4  }
0x2da: {  	p0 =	slt.s32 s17, $0xFF0  }
0x2db: {  	s20 =	sadd.s32 $0xFFFFFFFF, s18;
	v9 =	vld.idx.msk [tilespmem:v9+s23+$0x0], $0xffff;
	s18 =	sadd.s32 @!p0 $0x1000, s4  }
0x2dc: {  	s22 =	sshra.s32 s21, $0x2;
	v11 =	vadd.s32 s20, v11;
	s11 =	ssub.s32 @!p0 s18, s6  }
0x2dd: {  	v63 =	vld [tilespmem:s22+$0x12400];
	v11 =	vand.u32 $0x1FFF, v11;
	v13 =	vlaneseq.u32 @!p0;
	v14 =	vmov @!p0 s11  }
0x2de: {  	v10 =	vshll.u32 v10, $0xB;
	vm1 =	vgt.s32 @!p0 v14, v13;
	v13 =	vadd.s32 @!p0 s6, v13  }
0x2df: {  	v10 =	vand.u32 $0xFF800, v10;
	v13 =	vand.u32 @!p0 $0x1FFF, v13  }
0x2e0: {  	v9 =	vor.u32 v9, v10  }
0x2e1: {  	v9 =	vnsel vm0, $0x0, v9  }
0x2e2: {  	v10 =	vnsel vm0, $0x0, v63;
	[tilespmem:v11+s25+$0x0] =	vst.idx.msk vm0, v9  }
0x2e3: {  	[tilespmem:v11+s26+$0x0] =	vst.idx.msk vm0, v10;
	p4 =	slt.s32 @!p0 s4, $0x1;
	v9 =	vimm.s32 @!p0 $0x0;
	s7 =	simm.s32 @!p0 $0x18500  }
0x2e4: {  	p4 =	por p4, p0;
	[tilespmem:v13+s7+$0x0] =	vst.idx.msk @!p0 vm1, v9;
	v9 =	vimm.f32 @!p0 $0.0e+00;
	s7 =	simm.s32 @!p0 $0x1A500  }
0x2e5: {  	[tilespmem:v13+s7+$0x0] =	vst.idx.msk @!p0 vm1, v9;
	s7 =	simm.s32 @!p4 $0x1  }
0x2e6: {  	_ =	swait.ge @!p4 [sflag:s7], $0x1000  }
0x2e7: {  	s16 =	sadd.s32 $0x1, s16;
	[sflag:s7] =	ssyncset.done @!p4 $0x0;
	s28 =	rddreg [dreg:$0x15]  }
0x2e8: {  	[sflag:s7] =	ssyncadd.s32 @!p4 $0xFFFFF000;
	p4 =	seq.s32 s16, s28  }
.Ltmp18:
0x2e9: {  	s9 =	sadd.s32 $0x2000, s9;
	s15 =	sadd.s32 $0x2000, s15;
	(pc) =	sbr.rel @!p4 .LBB2_50-.Ltmp18, $4  }
.Ltmp19:
0x2ea: {  	s22 =	simm.s32 $0x2;
	s17 =	smov.u32 s18;
	(pc) =	sbr.rel @p4 .LBB2_30-.Ltmp19, $4  }
0x2eb: {  	s18 =	smov.u32 @p0 s6;
	s11 =	sand.u32 @!p0 $0x1000, s4;
	s17 =	smov.u32 @p0 s4  }
0x2ec: {  	s12 =	sor.u32 @!p0 $0x1A500, s11;
	s11 =	sor.u32 @!p0 $0x18500, s11;
	s7 =	simm.s32 @!p0 $0x1000  }
0x2ed: {  	[spmem:s2] =	stream.indirect.scatter.add.f32 @!p0 [tilespmem:s12], [sflag:$0x1], $0x1, s11, s7, $0xb8;
	[tilespmem:$0x1C500] =	vst v63  }
0x2ee: {  	_ = 	snop  }
.LBB2_29:
0x2ef: {  	s18 =	simm.s32 $0x0;
	s17 =	simm.s32 $0x0  }
.LBB2_30:
.Ltmp20:
0x2f0: {  	(pc) =	sbr.rel @p1 .LBB2_35-.Ltmp20, $1  }
0x2f1: {  	_ =	sdelay $0x3  }
0x2f2: {  	s3 =	simm.s32 $0x0  }
0x2f3: {  	s9 =	smov.u32 s1;
	s10 =	simm.s32 $0x0;
	s11 =	simm.s32 $0x0  }
.LBB2_32:
0x2f4: {  	s4 =	sshll.u32 s11, $0xD  }
0x2f5: {  	s6 =	sadd.s32 s5, s4;
	s4 =	sadd.s32 s1, s4  }
0x2f6: {  	s7 =	rddreg [dreg:$0x6];
	s6 =	sshrl.u32 s6, $0x3;
	s4 =	sand.u32 $0xFFFFFFF8, s4  }
0x2f7: {  	s28 =	simm.s32 $0x12400;
	s6 =	sadd.s32 s7, s6;
	p0 =	slt.s32 s4, $0x1FDBF0  }
0x2f8: {  	[tilespmem:s28], [sflag:$0x2] =	stream.linear.gather [hbm4b:s6+s3], $0x2000, $0x38;
	[tilespmem:$0x1C500] =	vst v63  }
0x2f9: {  	s6 =	sand.u32 $0xFFFFFFF8, s9;
	s4 =	simm.s32 @!p0 $0x1FDBF0  }
0x2fa: {  	p1 =	slt.s32 s6, $0x1FDBF0;
	_ =	swait.ge [sflag:s22], $0x2000;
	s4 =	sshrl.u32 s4, $0x3  }
0x2fb: {  	s6 =	simm.s32 @!p1 $0x1FDBF0;
	[sflag:s22] =	ssyncset.done $0x0;
	s12 =	rddreg [dreg:$0x7]  }
0x2fc: {  	s15 =	ssub.s32 s1, s6;
	[sflag:s22] =	ssyncadd.s32 $0xFFFFE000;
	s6 =	sadd.s32 s12, s4  }
0x2fd: {  	[tilespmem:s23], [sflag:$0x2] =	stream.linear.gather [hbm4b:s6+s3], $0x2010, $0x38;
	[tilespmem:$0x1C500] =	vst v63  }
0x2fe: {  	s13 =	sadd.s32 s10, s15  }
0x2ff: {  	_ =	swait.ge [sflag:s22], $0x2010;
	v5 =	vadd.s32 s13, v3  }
0x300: {  	[sflag:s22] =	ssyncset.done $0x0;
	vm0 =	vlt.s32 v5, $0x200F;
	s16 =	rddreg [dreg:$0x8]  }
0x301: {  	[sflag:s22] =	ssyncadd.s32 $0xFFFFDFF0;
	s4 =	sadd.s32 s16, s4;
	v5 =	vnsel vm0, $0x200F, v5  }
0x302: {  	[tilespmem:s24], [sflag:$0x2] =	stream.linear.gather [hbm4b:s4+s3], $0x2010, $0x38;
	[tilespmem:$0x1C500] =	vst v63  }
0x303: {  	_ =	swait.ge [sflag:s22], $0x2010  }
0x304: {  	[sflag:s22] =	ssyncset.done $0x0  }
0x305: {  	[sflag:s22] =	ssyncadd.s32 $0xFFFFDFF0  }
0x306: {  	v9 =	vld.idx.msk [tilespmem:v5+s24+$0x0], $0xffff;
	_ =	sdelay $0x4  }
0x307: {  	v10 =	vor.u32 s10, v3;
	v11 =	vshra.s32 v9, $0x9  }
0x308: {  	vm1 =	vlt.s32 v10, v6;
	vm14 =	veq.s32 v11, v1  }
0x309: {  	vm0 =	vmand vm1, vm14  }
0x30a: {  	v10 =	vsel vm0, $0x1, v4  }
0x30b: {  	(xrf0) =	vadd.scan.msk.s32 $0xffff, v10;
	_ =	sdelay $0x5  }
0x30c: {  	v10, _, _ =	vpop (xrf0)  }
0x30d: {  	(v2sf) =	vpush v10, $0xF;
	_ =	sdelay $0xe  }
0x30e: {  	s19 =	spop (v2sf)  }
0x30f: {  	s12 =	sadd.s32 s18, s19  }
0x310: {  	s4 =	ssub.s32 s12, s17  }
0x311: {  	p1 =	slt.s32 s4, $0xFF0  }
0x312: {  	s20 =	sadd.s32 $0xFFFFFFFF, s18;
	v5 =	vld.idx.msk [tilespmem:v5+s23+$0x0], $0xffff;
	s16 =	sadd.s32 @!p1 $0x1000, s17  }
0x313: {  	s21 =	simm.s32 $0x0;
	v10 =	vadd.s32 s20, v10;
	s6 =	ssub.s32 @!p1 s16, s12  }
0x314: {  	v11 =	vld [tilespmem:s21+$0x12400];
	v10 =	vand.u32 $0x1FFF, v10;
	v12 =	vlaneseq.u32 @!p1;
	v13 =	vmov @!p1 s6  }
0x315: {  	v9 =	vshll.u32 v9, $0xB;
	vm1 =	vgt.s32 @!p1 v13, v12;
	v12 =	vadd.s32 @!p1 s12, v12  }
0x316: {  	v9 =	vand.u32 $0xFF800, v9;
	v12 =	vand.u32 @!p1 $0x1FFF, v12  }
0x317: {  	v5 =	vor.u32 v5, v9  }
0x318: {  	v5 =	vnsel vm0, $0x0, v5  }
0x319: {  	v9 =	vnsel vm0, $0x0, v11;
	[tilespmem:v10+s25+$0x0] =	vst.idx.msk vm0, v5  }
0x31a: {  	[tilespmem:v10+s26+$0x0] =	vst.idx.msk vm0, v9;
	s18 =	sadd.s32 $0x10, s10;
	v5 =	vimm.s32 @!p1 $0x0;
	s4 =	simm.s32 @!p1 $0x18500  }
0x31b: {  	s28 =	sadd.s32 s18, s15;
	p0 =	slt.s32 @!p1 s17, $0x1;
	s6 =	simm.s32 @!p1 $0x1A500;
	[tilespmem:v12+s4+$0x0] =	vst.idx.msk @!p1 vm1, v5;
	v5 =	vimm.f32 @!p1 $0.0e+00  }
0x31c: {  	s21 =	simm.s32 $0x80;
	p0 =	por p0, p1;
	[tilespmem:v12+s6+$0x0] =	vst.idx.msk @!p1 vm1, v5;
	v5 =	vadd.s32 s28, v3  }
0x31d: {  	s19 =	simm.s32 $0x40;
	s13 =	simm.s32 @!p0 $0x1;
	s4 =	smov.u32 s16;
	vm15 =	vlt.s32 v5, $0x200F  }
0x31e: {  	s16 =	smov.u32 @p1 s12;
	s12 =	simm.s32 @!p1 $0x1000;
	_ =	swait.ge @!p0 [sflag:s13], $0x1000;
	v5 =	vnsel vm15, $0x200F, v5  }
0x31f: {  	s4 =	smov.u32 @p1 s17;
	s17 =	sand.u32 @!p1 $0x1000, s17;
	[sflag:s13] =	ssyncset.done @!p0 $0x0  }
0x320: {  	s6 =	sor.u32 @!p1 $0x1A500, s17;
	s7 =	sor.u32 @!p1 $0x18500, s17;
	[sflag:s13] =	ssyncadd.s32 @!p0 $0xFFFFF000  }
.LBB2_33:
0x321: {  	s17 =	smov.u32 s4  }
0x322: {  	[spmem:s2] =	stream.indirect.scatter.add.f32 @!p1 [tilespmem:s6], [sflag:$0x1], $0x1, s7, s12, $0xb8;
	[tilespmem:$0x1C500] =	vst v63  }
0x323: {  	s4 =	smov.u32 s21;
	s21 =	sadd.s32 $0x40, s21;
	v9 =	vld.idx.msk [tilespmem:v5+s24+$0x0], $0xffff  }
0x324: {  	p0 =	sne.s32 s21, $0x8000  }
0x325: {  	v5 =	vld.idx.msk [tilespmem:v5+s23+$0x0], $0xffff;
	_ =	sdelay $0x3  }
0x326: {  	v10 =	vor.u32 s18, v3;
	v11 =	vshra.s32 v9, $0x9;
	v9 =	vshll.u32 v9, $0xB  }
0x327: {  	vm1 =	vlt.s32 v10, v6;
	vm0 =	veq.s32 v11, v1;
	v9 =	vand.u32 $0xFF800, v9  }
0x328: {  	vm0 =	vmand vm1, vm0;
	v5 =	vor.u32 v5, v9  }
0x329: {  	v5 =	vnsel vm0, $0x0, v5;
	v9 =	vsel vm0, $0x1, v4  }
0x32a: {  	(xrf0) =	vadd.scan.msk.s32 $0xffff, v9;
	_ =	sdelay $0x5  }
0x32b: {  	s6 =	sadd.s32 $0xFFFFFFFF, s16;
	v9, _, _ =	vpop (xrf0)  }
0x32c: {  	v10 =	vadd.s32 s6, v9;
	(v2sf) =	vpush v9, $0xF  }
0x32d: {  	v9 =	vand.u32 $0x1FFF, v10;
	_ =	sdelay $0xd  }
0x32e: {  	s6 =	spop (v2sf)  }
0x32f: {  	s12 =	sadd.s32 s16, s6  }
0x330: {  	s6 =	ssub.s32 s12, s17  }
0x331: {  	p1 =	slt.s32 s6, $0xFF0  }
0x332: {  	s13 =	sshra.s32 s19, $0x2;
	s19 =	smov.u32 s4;
	s16 =	sadd.s32 @!p1 $0x1000, s17  }
0x333: {  	p4 =	slt.s32 @!p1 s17, $0x1;
	s4 =	sand.u32 @!p1 $0x1000, s17;
	s20 =	ssub.s32 @!p1 s16, s12  }
0x334: {  	s6 =	sor.u32 @!p1 $0x1A500, s4;
	s7 =	sor.u32 @!p1 $0x18500, s4;
	s4 =	smov.u32 s16  }
0x335: {  	v11 =	vlaneseq.u32 @!p1;
	s16 =	smov.u32 @p1 s12;
	v10 =	vld [tilespmem:s13+$0x12400];
	v12 =	vmov @!p1 s20;
	s4 =	smov.u32 @p1 s17  }
0x336: {  	v13 =	vadd.s32 @!p1 s12, v11;
	vm1 =	vgt.s32 @!p1 v12, v11  }
0x337: {  	v11 =	vand.u32 @!p1 $0x1FFF, v13;
	_ =	sdelay $0x1  }
0x338: {  	s18 =	sadd.s32 $0x10, s18  }
0x339: {  	s12 =	sadd.s32 s18, s15;
	v10 =	vnsel vm0, $0x0, v10;
	[tilespmem:v9+s25+$0x0] =	vst.idx.msk vm0, v5  }
0x33a: {  	v5 =	vadd.s32 s12, v3;
	s12 =	simm.s32 @!p1 $0x18500;
	[tilespmem:v9+s26+$0x0] =	vst.idx.msk vm0, v10;
	v9 =	vimm.s32 @!p1 $0x0  }
.Ltmp21:
0x33b: {  	p4 =	por p4, p1;
	vm0 =	vlt.s32 v5, $0x200F;
	[tilespmem:v11+s12+$0x0] =	vst.idx.msk @!p1 vm1, v9;
	v9 =	vimm.f32 @!p1 $0.0e+00;
	s12 =	simm.s32 @!p1 $0x1A500;
	(pc) =	sbr.rel @p0 .LBB2_33-.Ltmp21, $4  }
0x33c: {  	v5 =	vnsel vm0, $0x200F, v5;
	[tilespmem:v11+s12+$0x0] =	vst.idx.msk @!p1 vm1, v9;
	s12 =	simm.s32 @!p4 $0x1  }
0x33d: {  	_ =	swait.ge @!p4 [sflag:s12], $0x1000  }
0x33e: {  	[sflag:s12] =	ssyncset.done @!p4 $0x0  }
0x33f: {  	[sflag:s12] =	ssyncadd.s32 @!p4 $0xFFFFF000;
	s12 =	simm.s32 @!p1 $0x1000  }
0x340: {  	_ =	sdelay $0x2  }
0x341: {  	[spmem:s2] =	stream.indirect.scatter.add.f32 @!p1 [tilespmem:s6], [sflag:$0x1], $0x1, s7, s12, $0xb8;
	[tilespmem:$0x1C500] =	vst v63  }
0x342: {  	v9 =	vld.idx.msk [tilespmem:v5+s24+$0x0], $0xffff;
	_ =	sdelay $0x4  }
0x343: {  	v10 =	vor.u32 s18, v3;
	v11 =	vshra.s32 v9, $0x9  }
0x344: {  	vm1 =	vlt.s32 v10, v6;
	vm0 =	veq.s32 v11, v1  }
0x345: {  	vm0 =	vmand vm1, vm0  }
0x346: {  	v10 =	vsel vm0, $0x1, v4  }
0x347: {  	(xrf0) =	vadd.scan.msk.s32 $0xffff, v10;
	_ =	sdelay $0x5  }
0x348: {  	v10, _, _ =	vpop (xrf0)  }
0x349: {  	(v2sf) =	vpush v10, $0xF;
	_ =	sdelay $0xe  }
0x34a: {  	s17 =	spop (v2sf)  }
0x34b: {  	s6 =	sadd.s32 s16, s17  }
0x34c: {  	s18 =	ssub.s32 s6, s4  }
0x34d: {  	p0 =	slt.s32 s18, $0xFF0  }
0x34e: {  	s20 =	sadd.s32 $0xFFFFFFFF, s16;
	v5 =	vld.idx.msk [tilespmem:v5+s23+$0x0], $0xffff;
	s18 =	sadd.s32 @!p0 $0x1000, s4  }
0x34f: {  	s21 =	sshra.s32 s19, $0x2;
	v10 =	vadd.s32 s20, v10;
	s12 =	ssub.s32 @!p0 s18, s6  }
0x350: {  	v11 =	vld [tilespmem:s21+$0x12400];
	v10 =	vand.u32 $0x1FFF, v10;
	v12 =	vlaneseq.u32 @!p0;
	v13 =	vmov @!p0 s12  }
0x351: {  	v9 =	vshll.u32 v9, $0xB;
	vm1 =	vgt.s32 @!p0 v13, v12;
	v12 =	vadd.s32 @!p0 s6, v12  }
0x352: {  	v9 =	vand.u32 $0xFF800, v9;
	v12 =	vand.u32 @!p0 $0x1FFF, v12  }
0x353: {  	v5 =	vor.u32 v5, v9  }
0x354: {  	v5 =	vnsel vm0, $0x0, v5  }
0x355: {  	v9 =	vnsel vm0, $0x0, v11;
	[tilespmem:v10+s25+$0x0] =	vst.idx.msk vm0, v5  }
0x356: {  	[tilespmem:v10+s26+$0x0] =	vst.idx.msk vm0, v9;
	p1 =	slt.s32 @!p0 s4, $0x1;
	v5 =	vimm.s32 @!p0 $0x0;
	s7 =	simm.s32 @!p0 $0x18500  }
0x357: {  	p1 =	por p1, p0;
	[tilespmem:v12+s7+$0x0] =	vst.idx.msk @!p0 vm1, v5;
	v5 =	vimm.f32 @!p0 $0.0e+00;
	s7 =	simm.s32 @!p0 $0x1A500  }
0x358: {  	[tilespmem:v12+s7+$0x0] =	vst.idx.msk @!p0 vm1, v5;
	s7 =	simm.s32 @!p1 $0x1  }
0x359: {  	_ =	swait.ge @!p1 [sflag:s7], $0x1000  }
0x35a: {  	s11 =	sadd.s32 $0x1, s11;
	[sflag:s7] =	ssyncset.done @!p1 $0x0;
	s28 =	rddreg [dreg:$0x16]  }
0x35b: {  	[sflag:s7] =	ssyncadd.s32 @!p1 $0xFFFFF000;
	p1 =	seq.s32 s11, s28  }
.Ltmp22:
0x35c: {  	_ = 	snop;
	(pc) =	sbr.rel @!p1 .LBB2_32-.Ltmp22, $4  }
0x35d: {  	s10 =	sadd.s32 $0x2000, s10;
	s9 =	sadd.s32 $0x2000, s9;
	s17 =	smov.u32 s18  }
0x35e: {  	s18 =	smov.u32 @p0 s6;
	s12 =	sand.u32 @!p0 $0x1000, s4;
	s17 =	smov.u32 @p0 s4  }
0x35f: {  	s13 =	sor.u32 @!p0 $0x1A500, s12;
	s12 =	sor.u32 @!p0 $0x18500, s12;
	s7 =	simm.s32 @!p0 $0x1000  }
0x360: {  	[spmem:s2] =	stream.indirect.scatter.add.f32 @!p0 [tilespmem:s13], [sflag:$0x1], $0x1, s12, s7, $0xb8;
	[tilespmem:$0x1C500] =	vst v63  }
.LBB2_35:
.Ltmp23:
0x361: {  	(pc) =	sbr.rel @p2 .LBB2_40-.Ltmp23, $1  }
0x362: {  	_ =	sdelay $0x3  }
0x363: {  	s1 =	simm.s32 $0x0  }
0x364: {  	s3 =	smov.u32 s31;
	s5 =	simm.s32 $0x0;
	s9 =	simm.s32 $0x0  }
.LBB2_37:
0x365: {  	s4 =	sshll.u32 s9, $0xD  }
0x366: {  	s6 =	sadd.s32 s0, s4;
	s4 =	sadd.s32 s31, s4  }
0x367: {  	s7 =	rddreg [dreg:$0x6];
	s6 =	sshrl.u32 s6, $0x3;
	s4 =	sand.u32 $0xFFFFFFF8, s4  }
0x368: {  	s12 =	simm.s32 $0x12400;
	s6 =	sadd.s32 s7, s6;
	p0 =	slt.s32 s4, $0x1FDBF0  }
0x369: {  	[tilespmem:s12], [sflag:$0x2] =	stream.linear.gather [hbm4b:s6+s1], $0x2000, $0x38;
	[tilespmem:$0x1C500] =	vst v63  }
0x36a: {  	s6 =	sand.u32 $0xFFFFFFF8, s3;
	s4 =	simm.s32 @!p0 $0x1FDBF0  }
0x36b: {  	p1 =	slt.s32 s6, $0x1FDBF0;
	_ =	swait.ge [sflag:s22], $0x2000;
	s4 =	sshrl.u32 s4, $0x3  }
0x36c: {  	s6 =	simm.s32 @!p1 $0x1FDBF0;
	[sflag:s22] =	ssyncset.done $0x0;
	s13 =	rddreg [dreg:$0x7]  }
0x36d: {  	s10 =	ssub.s32 s31, s6;
	[sflag:s22] =	ssyncadd.s32 $0xFFFFE000;
	s6 =	sadd.s32 s13, s4  }
0x36e: {  	[tilespmem:s23], [sflag:$0x2] =	stream.linear.gather [hbm4b:s6+s1], $0x2010, $0x38;
	[tilespmem:$0x1C500] =	vst v63  }
0x36f: {  	s15 =	sadd.s32 s5, s10  }
0x370: {  	_ =	swait.ge [sflag:s22], $0x2010;
	v5 =	vadd.s32 s15, v3  }
0x371: {  	[sflag:s22] =	ssyncset.done $0x0;
	vm0 =	vlt.s32 v5, $0x200F;
	s16 =	rddreg [dreg:$0x8]  }
0x372: {  	[sflag:s22] =	ssyncadd.s32 $0xFFFFDFF0;
	s4 =	sadd.s32 s16, s4;
	v5 =	vnsel vm0, $0x200F, v5  }
0x373: {  	[tilespmem:s24], [sflag:$0x2] =	stream.linear.gather [hbm4b:s4+s1], $0x2010, $0x38;
	[tilespmem:$0x1C500] =	vst v63  }
0x374: {  	_ =	swait.ge [sflag:s22], $0x2010  }
0x375: {  	[sflag:s22] =	ssyncset.done $0x0  }
0x376: {  	[sflag:s22] =	ssyncadd.s32 $0xFFFFDFF0  }
0x377: {  	v6 =	vld.idx.msk [tilespmem:v5+s24+$0x0], $0xffff;
	_ =	sdelay $0x4  }
0x378: {  	v9 =	vor.u32 s5, v3;
	v10 =	vshra.s32 v6, $0x9  }
0x379: {  	vm1 =	vlt.s32 v9, v7;
	vm14 =	veq.s32 v10, v1  }
0x37a: {  	vm0 =	vmand vm1, vm14  }
0x37b: {  	v9 =	vsel vm0, $0x1, v4  }
0x37c: {  	(xrf0) =	vadd.scan.msk.s32 $0xffff, v9;
	_ =	sdelay $0x5  }
0x37d: {  	v9, _, _ =	vpop (xrf0)  }
0x37e: {  	(v2sf) =	vpush v9, $0xF;
	_ =	sdelay $0xe  }
0x37f: {  	s19 =	spop (v2sf)  }
0x380: {  	s13 =	sadd.s32 s18, s19  }
0x381: {  	s4 =	ssub.s32 s13, s17  }
0x382: {  	p1 =	slt.s32 s4, $0xFF0  }
0x383: {  	s20 =	sadd.s32 $0xFFFFFFFF, s18;
	v5 =	vld.idx.msk [tilespmem:v5+s23+$0x0], $0xffff;
	s11 =	sadd.s32 @!p1 $0x1000, s17  }
0x384: {  	s21 =	simm.s32 $0x0;
	v9 =	vadd.s32 s20, v9;
	s6 =	ssub.s32 @!p1 s11, s13  }
0x385: {  	v10 =	vld [tilespmem:s21+$0x12400];
	v9 =	vand.u32 $0x1FFF, v9;
	v11 =	vlaneseq.u32 @!p1;
	v12 =	vmov @!p1 s6  }
0x386: {  	v6 =	vshll.u32 v6, $0xB;
	vm1 =	vgt.s32 @!p1 v12, v11;
	v11 =	vadd.s32 @!p1 s13, v11  }
0x387: {  	v6 =	vand.u32 $0xFF800, v6;
	v11 =	vand.u32 @!p1 $0x1FFF, v11  }
0x388: {  	v5 =	vor.u32 v5, v6  }
0x389: {  	v5 =	vnsel vm0, $0x0, v5  }
0x38a: {  	v6 =	vnsel vm0, $0x0, v10;
	[tilespmem:v9+s25+$0x0] =	vst.idx.msk vm0, v5  }
0x38b: {  	s15 =	sadd.s32 $0x10, s5;
	[tilespmem:v9+s26+$0x0] =	vst.idx.msk vm0, v6;
	v5 =	vimm.s32 @!p1 $0x0;
	s4 =	simm.s32 @!p1 $0x18500  }
0x38c: {  	s28 =	sadd.s32 s15, s10;
	p0 =	slt.s32 @!p1 s17, $0x1;
	s6 =	simm.s32 @!p1 $0x1A500;
	[tilespmem:v11+s4+$0x0] =	vst.idx.msk @!p1 vm1, v5;
	v5 =	vimm.f32 @!p1 $0.0e+00  }
0x38d: {  	s12 =	simm.s32 $0x40;
	p0 =	por p0, p1;
	[tilespmem:v11+s6+$0x0] =	vst.idx.msk @!p1 vm1, v5;
	v5 =	vadd.s32 s28, v3  }
0x38e: {  	s16 =	simm.s32 $0x80;
	s18 =	simm.s32 @!p0 $0x1;
	s4 =	smov.u32 s11;
	vm15 =	vlt.s32 v5, $0x200F  }
0x38f: {  	s4 =	smov.u32 @p1 s17;
	s17 =	sand.u32 @!p1 $0x1000, s17;
	_ =	swait.ge @!p0 [sflag:s18], $0x1000;
	v5 =	vnsel vm15, $0x200F, v5  }
0x390: {  	s11 =	smov.u32 @p1 s13;
	s6 =	sor.u32 @!p1 $0x1A500, s17;
	[sflag:s18] =	ssyncset.done @!p0 $0x0  }
0x391: {  	s7 =	sor.u32 @!p1 $0x18500, s17;
	[sflag:s18] =	ssyncadd.s32 @!p0 $0xFFFFF000;
	s18 =	simm.s32 @!p1 $0x1000  }
.LBB2_38:
0x392: {  	s17 =	smov.u32 s4  }
0x393: {  	[spmem:s2] =	stream.indirect.scatter.add.f32 @!p1 [tilespmem:s6], [sflag:$0x1], $0x1, s7, s18, $0xb8;
	[tilespmem:$0x1C500] =	vst v63  }
0x394: {  	s4 =	smov.u32 s16;
	s16 =	sadd.s32 $0x40, s16;
	v6 =	vld.idx.msk [tilespmem:v5+s24+$0x0], $0xffff  }
0x395: {  	p0 =	sne.s32 s16, $0x8000  }
0x396: {  	v5 =	vld.idx.msk [tilespmem:v5+s23+$0x0], $0xffff;
	_ =	sdelay $0x3  }
0x397: {  	v9 =	vor.u32 s15, v3;
	v10 =	vshra.s32 v6, $0x9;
	v6 =	vshll.u32 v6, $0xB  }
0x398: {  	vm1 =	vlt.s32 v9, v7;
	vm0 =	veq.s32 v10, v1;
	v6 =	vand.u32 $0xFF800, v6  }
0x399: {  	vm0 =	vmand vm1, vm0;
	v5 =	vor.u32 v5, v6  }
0x39a: {  	v5 =	vnsel vm0, $0x0, v5;
	v6 =	vsel vm0, $0x1, v4  }
0x39b: {  	(xrf0) =	vadd.scan.msk.s32 $0xffff, v6;
	_ =	sdelay $0x5  }
0x39c: {  	s6 =	sadd.s32 $0xFFFFFFFF, s11;
	v6, _, _ =	vpop (xrf0)  }
0x39d: {  	v9 =	vadd.s32 s6, v6;
	(v2sf) =	vpush v6, $0xF  }
0x39e: {  	v6 =	vand.u32 $0x1FFF, v9;
	_ =	sdelay $0xd  }
0x39f: {  	s6 =	spop (v2sf)  }
0x3a0: {  	s13 =	sadd.s32 s11, s6  }
0x3a1: {  	s6 =	ssub.s32 s13, s17  }
0x3a2: {  	p1 =	slt.s32 s6, $0xFF0  }
0x3a3: {  	s18 =	sshra.s32 s12, $0x2;
	s12 =	smov.u32 s4;
	s11 =	sadd.s32 @!p1 $0x1000, s17  }
0x3a4: {  	p2 =	slt.s32 @!p1 s17, $0x1;
	s4 =	sand.u32 @!p1 $0x1000, s17;
	s19 =	ssub.s32 @!p1 s11, s13  }
0x3a5: {  	s6 =	sor.u32 @!p1 $0x1A500, s4;
	s7 =	sor.u32 @!p1 $0x18500, s4;
	s4 =	smov.u32 s11  }
0x3a6: {  	v10 =	vlaneseq.u32 @!p1;
	s11 =	smov.u32 @p1 s13;
	v9 =	vld [tilespmem:s18+$0x12400];
	v11 =	vmov @!p1 s19;
	s4 =	smov.u32 @p1 s17  }
0x3a7: {  	v12 =	vadd.s32 @!p1 s13, v10;
	vm1 =	vgt.s32 @!p1 v11, v10  }
0x3a8: {  	v10 =	vand.u32 @!p1 $0x1FFF, v12;
	_ =	sdelay $0x1  }
0x3a9: {  	s15 =	sadd.s32 $0x10, s15  }
0x3aa: {  	s13 =	sadd.s32 s15, s10;
	v9 =	vnsel vm0, $0x0, v9;
	[tilespmem:v6+s25+$0x0] =	vst.idx.msk vm0, v5  }
0x3ab: {  	v5 =	vadd.s32 s13, v3;
	s13 =	simm.s32 @!p1 $0x18500;
	[tilespmem:v6+s26+$0x0] =	vst.idx.msk vm0, v9;
	v6 =	vimm.s32 @!p1 $0x0  }
.Ltmp24:
0x3ac: {  	p2 =	por p2, p1;
	vm0 =	vlt.s32 v5, $0x200F;
	[tilespmem:v10+s13+$0x0] =	vst.idx.msk @!p1 vm1, v6;
	v6 =	vimm.f32 @!p1 $0.0e+00;
	s13 =	simm.s32 @!p1 $0x1A500;
	(pc) =	sbr.rel @p0 .LBB2_38-.Ltmp24, $4  }
0x3ad: {  	v5 =	vnsel vm0, $0x200F, v5;
	[tilespmem:v10+s13+$0x0] =	vst.idx.msk @!p1 vm1, v6;
	s13 =	simm.s32 @!p2 $0x1  }
0x3ae: {  	_ =	swait.ge @!p2 [sflag:s13], $0x1000  }
0x3af: {  	[sflag:s13] =	ssyncset.done @!p2 $0x0  }
0x3b0: {  	s18 =	simm.s32 @!p1 $0x1000;
	[sflag:s13] =	ssyncadd.s32 @!p2 $0xFFFFF000  }
0x3b1: {  	_ =	sdelay $0x2  }
0x3b2: {  	[spmem:s2] =	stream.indirect.scatter.add.f32 @!p1 [tilespmem:s6], [sflag:$0x1], $0x1, s7, s18, $0xb8;
	[tilespmem:$0x1C500] =	vst v63  }
0x3b3: {  	v6 =	vld.idx.msk [tilespmem:v5+s24+$0x0], $0xffff;
	_ =	sdelay $0x4  }
0x3b4: {  	v9 =	vor.u32 s15, v3;
	v10 =	vshra.s32 v6, $0x9  }
0x3b5: {  	vm1 =	vlt.s32 v9, v7;
	vm0 =	veq.s32 v10, v1  }
0x3b6: {  	vm0 =	vmand vm1, vm0  }
0x3b7: {  	v9 =	vsel vm0, $0x1, v4  }
0x3b8: {  	(xrf0) =	vadd.scan.msk.s32 $0xffff, v9;
	_ =	sdelay $0x5  }
0x3b9: {  	v9, _, _ =	vpop (xrf0)  }
0x3ba: {  	(v2sf) =	vpush v9, $0xF;
	_ =	sdelay $0xe  }
0x3bb: {  	s18 =	spop (v2sf)  }
0x3bc: {  	s6 =	sadd.s32 s11, s18  }
0x3bd: {  	s19 =	ssub.s32 s6, s4  }
0x3be: {  	p0 =	slt.s32 s19, $0xFF0  }
0x3bf: {  	s20 =	sadd.s32 $0xFFFFFFFF, s11;
	v5 =	vld.idx.msk [tilespmem:v5+s23+$0x0], $0xffff;
	s18 =	sadd.s32 @!p0 $0x1000, s4  }
0x3c0: {  	s21 =	sshra.s32 s12, $0x2;
	v9 =	vadd.s32 s20, v9;
	s10 =	ssub.s32 @!p0 s18, s6  }
0x3c1: {  	v10 =	vld [tilespmem:s21+$0x12400];
	v9 =	vand.u32 $0x1FFF, v9;
	v11 =	vlaneseq.u32 @!p0;
	v12 =	vmov @!p0 s10  }
0x3c2: {  	v6 =	vshll.u32 v6, $0xB;
	vm1 =	vgt.s32 @!p0 v12, v11;
	v11 =	vadd.s32 @!p0 s6, v11  }
0x3c3: {  	v6 =	vand.u32 $0xFF800, v6;
	v11 =	vand.u32 @!p0 $0x1FFF, v11  }
0x3c4: {  	v5 =	vor.u32 v5, v6  }
0x3c5: {  	v5 =	vnsel vm0, $0x0, v5  }
0x3c6: {  	v6 =	vnsel vm0, $0x0, v10;
	[tilespmem:v9+s25+$0x0] =	vst.idx.msk vm0, v5  }
0x3c7: {  	[tilespmem:v9+s26+$0x0] =	vst.idx.msk vm0, v6;
	p1 =	slt.s32 @!p0 s4, $0x1;
	v5 =	vimm.s32 @!p0 $0x0;
	s7 =	simm.s32 @!p0 $0x18500  }
0x3c8: {  	p1 =	por p1, p0;
	[tilespmem:v11+s7+$0x0] =	vst.idx.msk @!p0 vm1, v5;
	v5 =	vimm.f32 @!p0 $0.0e+00;
	s7 =	simm.s32 @!p0 $0x1A500  }
0x3c9: {  	[tilespmem:v11+s7+$0x0] =	vst.idx.msk @!p0 vm1, v5;
	s7 =	simm.s32 @!p1 $0x1  }
0x3ca: {  	_ =	swait.ge @!p1 [sflag:s7], $0x1000  }
0x3cb: {  	s9 =	sadd.s32 $0x1, s9;
	[sflag:s7] =	ssyncset.done @!p1 $0x0;
	s28 =	rddreg [dreg:$0x17]  }
0x3cc: {  	[sflag:s7] =	ssyncadd.s32 @!p1 $0xFFFFF000;
	p1 =	seq.s32 s9, s28  }
.Ltmp25:
0x3cd: {  	_ = 	snop;
	(pc) =	sbr.rel @!p1 .LBB2_37-.Ltmp25, $4  }
0x3ce: {  	s5 =	sadd.s32 $0x2000, s5;
	s3 =	sadd.s32 $0x2000, s3;
	s17 =	smov.u32 s18  }
0x3cf: {  	s18 =	smov.u32 @p0 s6;
	s10 =	sand.u32 @!p0 $0x1000, s4;
	s17 =	smov.u32 @p0 s4  }
0x3d0: {  	s11 =	sor.u32 @!p0 $0x1A500, s10;
	s10 =	sor.u32 @!p0 $0x18500, s10;
	s7 =	simm.s32 @!p0 $0x1000  }
0x3d1: {  	[spmem:s2] =	stream.indirect.scatter.add.f32 @!p0 [tilespmem:s11], [sflag:$0x1], $0x1, s10, s7, $0xb8;
	[tilespmem:$0x1C500] =	vst v63  }
.LBB2_40:
.Ltmp26:
0x3d2: {  	(pc) =	sbr.rel @p3 .LBB2_45-.Ltmp26, $1  }
0x3d3: {  	_ =	sdelay $0x3  }
0x3d4: {  	s0 =	simm.s32 $0x0  }
0x3d5: {  	s1 =	smov.u32 s29;
	s3 =	simm.s32 $0x0;
	s5 =	simm.s32 $0x0  }
.LBB2_42:
0x3d6: {  	s4 =	sshll.u32 s5, $0xD  }
0x3d7: {  	s6 =	sadd.s32 s30, s4;
	s4 =	sadd.s32 s29, s4  }
0x3d8: {  	s7 =	rddreg [dreg:$0x6];
	s6 =	sshrl.u32 s6, $0x3;
	s4 =	sand.u32 $0xFFFFFFF8, s4  }
0x3d9: {  	s13 =	simm.s32 $0x12400;
	s6 =	sadd.s32 s7, s6;
	p0 =	slt.s32 s4, $0x1FDBF0  }
0x3da: {  	[tilespmem:s13], [sflag:$0x2] =	stream.linear.gather [hbm4b:s6+s0], $0x2000, $0x38;
	[tilespmem:$0x1C500] =	vst v63  }
0x3db: {  	s6 =	sand.u32 $0xFFFFFFF8, s1;
	s4 =	simm.s32 @!p0 $0x1FDBF0  }
0x3dc: {  	p1 =	slt.s32 s6, $0x1FDBF0;
	_ =	swait.ge [sflag:s22], $0x2000;
	s4 =	sshrl.u32 s4, $0x3  }
0x3dd: {  	s6 =	simm.s32 @!p1 $0x1FDBF0;
	[sflag:s22] =	ssyncset.done $0x0;
	s15 =	rddreg [dreg:$0x7]  }
0x3de: {  	s9 =	ssub.s32 s29, s6;
	[sflag:s22] =	ssyncadd.s32 $0xFFFFE000;
	s6 =	sadd.s32 s15, s4  }
0x3df: {  	[tilespmem:s23], [sflag:$0x2] =	stream.linear.gather [hbm4b:s6+s0], $0x2010, $0x38;
	[tilespmem:$0x1C500] =	vst v63  }
0x3e0: {  	s16 =	sadd.s32 s3, s9  }
0x3e1: {  	_ =	swait.ge [sflag:s22], $0x2010;
	v5 =	vadd.s32 s16, v3  }
0x3e2: {  	[sflag:s22] =	ssyncset.done $0x0;
	vm0 =	vlt.s32 v5, $0x200F;
	s19 =	rddreg [dreg:$0x8]  }
0x3e3: {  	[sflag:s22] =	ssyncadd.s32 $0xFFFFDFF0;
	s4 =	sadd.s32 s19, s4;
	v5 =	vnsel vm0, $0x200F, v5  }
0x3e4: {  	[tilespmem:s24], [sflag:$0x2] =	stream.linear.gather [hbm4b:s4+s0], $0x2010, $0x38;
	[tilespmem:$0x1C500] =	vst v63  }
0x3e5: {  	_ =	swait.ge [sflag:s22], $0x2010  }
0x3e6: {  	[sflag:s22] =	ssyncset.done $0x0  }
0x3e7: {  	[sflag:s22] =	ssyncadd.s32 $0xFFFFDFF0  }
0x3e8: {  	v6 =	vld.idx.msk [tilespmem:v5+s24+$0x0], $0xffff;
	_ =	sdelay $0x4  }
0x3e9: {  	v7 =	vor.u32 s3, v3;
	v9 =	vshra.s32 v6, $0x9  }
0x3ea: {  	vm1 =	vlt.s32 v7, v8;
	vm14 =	veq.s32 v9, v1  }
0x3eb: {  	vm0 =	vmand vm1, vm14  }
0x3ec: {  	v7 =	vsel vm0, $0x1, v4  }
0x3ed: {  	(xrf0) =	vadd.scan.msk.s32 $0xffff, v7;
	_ =	sdelay $0x5  }
0x3ee: {  	v7, _, _ =	vpop (xrf0)  }
0x3ef: {  	(v2sf) =	vpush v7, $0xF;
	_ =	sdelay $0xe  }
0x3f0: {  	s20 =	spop (v2sf)  }
0x3f1: {  	s15 =	sadd.s32 s18, s20  }
0x3f2: {  	s4 =	ssub.s32 s15, s17  }
0x3f3: {  	p1 =	slt.s32 s4, $0xFF0  }
0x3f4: {  	s21 =	sadd.s32 $0xFFFFFFFF, s18;
	v5 =	vld.idx.msk [tilespmem:v5+s23+$0x0], $0xffff;
	s10 =	sadd.s32 @!p1 $0x1000, s17  }
0x3f5: {  	s28 =	simm.s32 $0x0;
	v7 =	vadd.s32 s21, v7;
	s6 =	ssub.s32 @!p1 s10, s15  }
0x3f6: {  	v9 =	vld [tilespmem:s28+$0x12400];
	v7 =	vand.u32 $0x1FFF, v7;
	v10 =	vlaneseq.u32 @!p1;
	v11 =	vmov @!p1 s6  }
0x3f7: {  	v6 =	vshll.u32 v6, $0xB;
	vm1 =	vgt.s32 @!p1 v11, v10;
	v10 =	vadd.s32 @!p1 s15, v10  }
0x3f8: {  	v6 =	vand.u32 $0xFF800, v6;
	v10 =	vand.u32 @!p1 $0x1FFF, v10  }
0x3f9: {  	v5 =	vor.u32 v5, v6  }
0x3fa: {  	v5 =	vnsel vm0, $0x0, v5  }
0x3fb: {  	v6 =	vnsel vm0, $0x0, v9;
	[tilespmem:v7+s25+$0x0] =	vst.idx.msk vm0, v5  }
0x3fc: {  	s12 =	sadd.s32 $0x10, s3;
	[tilespmem:v7+s26+$0x0] =	vst.idx.msk vm0, v6;
	v5 =	vimm.s32 @!p1 $0x0;
	s4 =	simm.s32 @!p1 $0x18500  }
0x3fd: {  	s31 =	sadd.s32 s12, s9;
	p0 =	slt.s32 @!p1 s17, $0x1;
	s6 =	simm.s32 @!p1 $0x1A500;
	[tilespmem:v10+s4+$0x0] =	vst.idx.msk @!p1 vm1, v5;
	v5 =	vimm.f32 @!p1 $0.0e+00  }
0x3fe: {  	s11 =	simm.s32 $0x40;
	p0 =	por p0, p1;
	[tilespmem:v10+s6+$0x0] =	vst.idx.msk @!p1 vm1, v5;
	v5 =	vadd.s32 s31, v3  }
0x3ff: {  	s13 =	simm.s32 $0x80;
	s16 =	simm.s32 @!p0 $0x1;
	s4 =	smov.u32 s10;
	vm15 =	vlt.s32 v5, $0x200F  }
0x400: {  	s4 =	smov.u32 @p1 s17;
	s17 =	sand.u32 @!p1 $0x1000, s17;
	_ =	swait.ge @!p0 [sflag:s16], $0x1000;
	v5 =	vnsel vm15, $0x200F, v5  }
0x401: {  	s10 =	smov.u32 @p1 s15;
	s6 =	sor.u32 @!p1 $0x1A500, s17;
	[sflag:s16] =	ssyncset.done @!p0 $0x0  }
0x402: {  	s7 =	sor.u32 @!p1 $0x18500, s17;
	[sflag:s16] =	ssyncadd.s32 @!p0 $0xFFFFF000;
	s16 =	simm.s32 @!p1 $0x1000  }
.LBB2_43:
0x403: {  	s15 =	smov.u32 s4  }
0x404: {  	[spmem:s2] =	stream.indirect.scatter.add.f32 @!p1 [tilespmem:s6], [sflag:$0x1], $0x1, s7, s16, $0xb8;
	[tilespmem:$0x1C500] =	vst v63  }
0x405: {  	s4 =	smov.u32 s13;
	s13 =	sadd.s32 $0x40, s13;
	v6 =	vld.idx.msk [tilespmem:v5+s24+$0x0], $0xffff  }
0x406: {  	p0 =	sne.s32 s13, $0x8000  }
0x407: {  	v5 =	vld.idx.msk [tilespmem:v5+s23+$0x0], $0xffff;
	_ =	sdelay $0x3  }
0x408: {  	v7 =	vor.u32 s12, v3;
	v9 =	vshra.s32 v6, $0x9;
	v6 =	vshll.u32 v6, $0xB  }
0x409: {  	vm1 =	vlt.s32 v7, v8;
	vm0 =	veq.s32 v9, v1;
	v6 =	vand.u32 $0xFF800, v6  }
0x40a: {  	vm0 =	vmand vm1, vm0;
	v5 =	vor.u32 v5, v6  }
0x40b: {  	v5 =	vnsel vm0, $0x0, v5;
	v6 =	vsel vm0, $0x1, v4  }
0x40c: {  	(xrf0) =	vadd.scan.msk.s32 $0xffff, v6;
	_ =	sdelay $0x5  }
0x40d: {  	s6 =	sadd.s32 $0xFFFFFFFF, s10;
	v6, _, _ =	vpop (xrf0)  }
0x40e: {  	v7 =	vadd.s32 s6, v6;
	(v2sf) =	vpush v6, $0xF  }
0x40f: {  	v6 =	vand.u32 $0x1FFF, v7;
	_ =	sdelay $0xd  }
0x410: {  	s6 =	spop (v2sf)  }
0x411: {  	s16 =	sadd.s32 s10, s6  }
0x412: {  	s6 =	ssub.s32 s16, s15  }
0x413: {  	p1 =	slt.s32 s6, $0xFF0  }
0x414: {  	s17 =	sshra.s32 s11, $0x2;
	s11 =	smov.u32 s4;
	s10 =	sadd.s32 @!p1 $0x1000, s15  }
0x415: {  	p2 =	slt.s32 @!p1 s15, $0x1;
	s4 =	sand.u32 @!p1 $0x1000, s15;
	s18 =	ssub.s32 @!p1 s10, s16  }
0x416: {  	s6 =	sor.u32 @!p1 $0x1A500, s4;
	s7 =	sor.u32 @!p1 $0x18500, s4;
	s4 =	smov.u32 s10  }
0x417: {  	v9 =	vlaneseq.u32 @!p1;
	s10 =	smov.u32 @p1 s16;
	v7 =	vld [tilespmem:s17+$0x12400];
	v10 =	vmov @!p1 s18;
	s4 =	smov.u32 @p1 s15  }
0x418: {  	v11 =	vadd.s32 @!p1 s16, v9;
	vm1 =	vgt.s32 @!p1 v10, v9  }
0x419: {  	v9 =	vand.u32 @!p1 $0x1FFF, v11;
	_ =	sdelay $0x1  }
0x41a: {  	s12 =	sadd.s32 $0x10, s12  }
0x41b: {  	s15 =	sadd.s32 s12, s9;
	v7 =	vnsel vm0, $0x0, v7;
	[tilespmem:v6+s25+$0x0] =	vst.idx.msk vm0, v5  }
0x41c: {  	v5 =	vadd.s32 s15, v3;
	s15 =	simm.s32 @!p1 $0x18500;
	[tilespmem:v6+s26+$0x0] =	vst.idx.msk vm0, v7;
	v6 =	vimm.s32 @!p1 $0x0  }
.Ltmp27:
0x41d: {  	p2 =	por p2, p1;
	vm0 =	vlt.s32 v5, $0x200F;
	[tilespmem:v9+s15+$0x0] =	vst.idx.msk @!p1 vm1, v6;
	v6 =	vimm.f32 @!p1 $0.0e+00;
	s15 =	simm.s32 @!p1 $0x1A500;
	(pc) =	sbr.rel @p0 .LBB2_43-.Ltmp27, $4  }
0x41e: {  	v5 =	vnsel vm0, $0x200F, v5;
	[tilespmem:v9+s15+$0x0] =	vst.idx.msk @!p1 vm1, v6;
	s15 =	simm.s32 @!p2 $0x1  }
0x41f: {  	_ =	swait.ge @!p2 [sflag:s15], $0x1000  }
0x420: {  	[sflag:s15] =	ssyncset.done @!p2 $0x0  }
0x421: {  	s16 =	simm.s32 @!p1 $0x1000;
	[sflag:s15] =	ssyncadd.s32 @!p2 $0xFFFFF000  }
0x422: {  	_ =	sdelay $0x2  }
0x423: {  	[spmem:s2] =	stream.indirect.scatter.add.f32 @!p1 [tilespmem:s6], [sflag:$0x1], $0x1, s7, s16, $0xb8;
	[tilespmem:$0x1C500] =	vst v63  }
0x424: {  	v6 =	vld.idx.msk [tilespmem:v5+s24+$0x0], $0xffff;
	_ =	sdelay $0x4  }
0x425: {  	v7 =	vor.u32 s12, v3;
	v9 =	vshra.s32 v6, $0x9  }
0x426: {  	vm1 =	vlt.s32 v7, v8;
	vm0 =	veq.s32 v9, v1  }
0x427: {  	vm0 =	vmand vm1, vm0  }
0x428: {  	v7 =	vsel vm0, $0x1, v4  }
0x429: {  	(xrf0) =	vadd.scan.msk.s32 $0xffff, v7;
	_ =	sdelay $0x5  }
0x42a: {  	v7, _, _ =	vpop (xrf0)  }
0x42b: {  	(v2sf) =	vpush v7, $0xF;
	_ =	sdelay $0xe  }
0x42c: {  	s20 =	spop (v2sf)  }
0x42d: {  	s6 =	sadd.s32 s10, s20  }
0x42e: {  	s21 =	ssub.s32 s6, s4  }
0x42f: {  	p0 =	slt.s32 s21, $0xFF0  }
0x430: {  	s28 =	sadd.s32 $0xFFFFFFFF, s10;
	v5 =	vld.idx.msk [tilespmem:v5+s23+$0x0], $0xffff;
	s18 =	sadd.s32 @!p0 $0x1000, s4  }
0x431: {  	s31 =	sshra.s32 s11, $0x2;
	v7 =	vadd.s32 s28, v7;
	s9 =	ssub.s32 @!p0 s18, s6  }
0x432: {  	v9 =	vld [tilespmem:s31+$0x12400];
	v7 =	vand.u32 $0x1FFF, v7;
	v10 =	vlaneseq.u32 @!p0;
	v11 =	vmov @!p0 s9  }
0x433: {  	v6 =	vshll.u32 v6, $0xB;
	vm1 =	vgt.s32 @!p0 v11, v10;
	v10 =	vadd.s32 @!p0 s6, v10  }
0x434: {  	v6 =	vand.u32 $0xFF800, v6;
	v10 =	vand.u32 @!p0 $0x1FFF, v10  }
0x435: {  	v5 =	vor.u32 v5, v6  }
0x436: {  	v5 =	vnsel vm0, $0x0, v5  }
0x437: {  	v6 =	vnsel vm0, $0x0, v9;
	[tilespmem:v7+s25+$0x0] =	vst.idx.msk vm0, v5  }
0x438: {  	[tilespmem:v7+s26+$0x0] =	vst.idx.msk vm0, v6;
	p1 =	slt.s32 @!p0 s4, $0x1;
	v5 =	vimm.s32 @!p0 $0x0;
	s7 =	simm.s32 @!p0 $0x18500  }
0x439: {  	p1 =	por p1, p0;
	[tilespmem:v10+s7+$0x0] =	vst.idx.msk @!p0 vm1, v5;
	v5 =	vimm.f32 @!p0 $0.0e+00;
	s7 =	simm.s32 @!p0 $0x1A500  }
0x43a: {  	[tilespmem:v10+s7+$0x0] =	vst.idx.msk @!p0 vm1, v5;
	s7 =	simm.s32 @!p1 $0x1  }
0x43b: {  	_ =	swait.ge @!p1 [sflag:s7], $0x1000  }
0x43c: {  	s5 =	sadd.s32 $0x1, s5;
	[sflag:s7] =	ssyncset.done @!p1 $0x0  }
0x43d: {  	[sflag:s7] =	ssyncadd.s32 @!p1 $0xFFFFF000;
	p1 =	sne.s32 s5, s14  }
.Ltmp28:
0x43e: {  	_ = 	snop;
	(pc) =	sbr.rel @p1 .LBB2_42-.Ltmp28, $4  }
0x43f: {  	s3 =	sadd.s32 $0x2000, s3;
	s1 =	sadd.s32 $0x2000, s1;
	s17 =	smov.u32 s18  }
0x440: {  	s18 =	smov.u32 @p0 s6;
	s9 =	sand.u32 @!p0 $0x1000, s4;
	s17 =	smov.u32 @p0 s4  }
0x441: {  	s10 =	sor.u32 @!p0 $0x1A500, s9;
	s9 =	sor.u32 @!p0 $0x18500, s9;
	s7 =	simm.s32 @!p0 $0x1000  }
0x442: {  	[spmem:s2] =	stream.indirect.scatter.add.f32 @!p0 [tilespmem:s10], [sflag:$0x1], $0x1, s9, s7, $0xb8;
	[tilespmem:$0x1C500] =	vst v63  }
.LBB2_45:
0x443: {  	p0 =	slt.s32 s17, $0x1;
	s0 =	ssub.s32 s17, s18  }
0x444: {  	s3 =	simm.s32 $0x0;
	s1 =	simm.s32 @!p0 $0x1;
	s0 =	sadd.s32 $0x1000, s0  }
0x445: {  	v6 =	vmov s18;
	v7 =	vor.u32 s3, v3;
	v5 =	vmov s0;
	_ =	swait.ge @!p0 [sflag:s1], $0x1000  }
0x446: {  	v8 =	vadd.s32 v6, v7;
	[sflag:s1] =	ssyncset.done @!p0 $0x0;
	vm0 =	vlt.s32 v7, v5  }
0x447: {  	s0 =	simm.s32 $0x10;
	v7 =	vand.u32 $0x1FFF, v8;
	[sflag:s1] =	ssyncadd.s32 @!p0 $0xFFFFF000;
	vm1 =	vmmov vm0  }
.LBB2_46:
0x448: {  	p0 =	sne.s32 s0, $0xFF0  }
.Ltmp29:
0x449: {  	_ = 	snop;
	(pc) =	sbr.rel @p0 .LBB2_46-.Ltmp29, $4  }
0x44a: {  	_ = 	snop  }
0x44b: {  	v8 =	vor.u32 s0, v3  }
0x44c: {  	s0 =	sadd.s32 $0x10, s0;
	v9 =	vadd.s32 v6, v8;
	[tilespmem:v7+s25+$0x0] =	vst.idx.msk vm0, v4;
	vm0 =	vlt.s32 v8, v5  }
0x44d: {  	[tilespmem:v7+s26+$0x0] =	vst.idx.msk vm1, v2;
	v7 =	vand.u32 $0x1FFF, v9;
	vm1 =	vmmov vm0  }
0x44e: {  	_ =	sdelay $0x3  }
0x44f: {  	p0 =	sge.s32 s17, s18  }
0x450: {  	[tilespmem:v7+s25+$0x0] =	vst.idx.msk vm0, v4;
	s0 =	sand.u32 @!p0 $0x1000, s17  }
0x451: {  	[tilespmem:v7+s26+$0x0] =	vst.idx.msk vm1, v2;
	s3 =	simm.s32 @!p0 $0x1000;
	s1 =	sor.u32 @!p0 $0x1A500, s0;
	s0 =	sor.u32 @!p0 $0x18500, s0  }
0x452: {  	[spmem:s2] =	stream.indirect.scatter.add.f32 @!p0 [tilespmem:s1], [sflag:$0x2], $0x1, s0, s3, $0xb8;
	[tilespmem:$0x1C500] =	vst v63  }
0x453: {  	s0 =	simm.s32 @!p0 $0x2  }
0x454: {  	_ =	swait.ge @!p0 [sflag:s0], $0x1000  }
0x455: {  	[sflag:s0] =	ssyncset.done @!p0 $0x0  }
0x456: {  	[sflag:s0] =	ssyncadd.s32 @!p0 $0xFFFFF000  }
0x457: {  	[bflag:$0x0] =	sbarrier.arrive $0xFFFF  }
0x458: {  	s21 =	rddreg [dreg:$0xb]  }
0x459: {  	s28 =	rddreg [dreg:$0x18]  }
0x45a: {  	s29 =	rddreg [dreg:$0x19]  }
0x45b: {  	[hbm:s21], [sflag:s28] =	dma.local [spmem:s29], $0x2000  }
0x45c: {  	_ =	swait.ge [sflag:s22], $0x2000  }
0x45d: {  	s30 =	rddreg [dreg:$0x14]  }
0x45e: {  	s31 =	rddreg [dreg:$0xc];
	s1 =	sadd.s32 $0x1, s30  }
0x45f: {  	p0 =	sne.s32 s1, s31  }
.Ltmp30:
0x460: {  	_ = 	snop;
	(pc) =	sbr.rel @p0 .LBB2_1-.Ltmp30, $3  }
0x461: {  	_ =	sdelay $0x1  }
0x462: {  	[sflag:s22] =	ssyncset.done $0x0  }
0x463: {  	[sflag:s22] =	ssyncadd.s32 $0xFFFFE000  }
0x464: {  	_ =	sfence.sel $0x180000  }
0x465: {  	[bflag:$0x0] =	sbarrier.arrive $0xFFFF  }
0x466: {  	_ =	strace $0x9000004A  }
0x467: {  	s0 =	stileid.u32;
	[bflag:$0x2] =	sbarrier.arrive $0xFFFF  }
0x468: {  	p0 =	sne.s32 s0, $0x0;
	s0 =	rddreg [dreg:$0x3]  }
0x469: {  	s0 =	sadd.s32 @!p0 $0x100000, s0  }
0x46a: {  	[sflag:s0] =	ssyncadd.tile.s32 @!p0 $0x1;
	_ =	shalt  }
.Lfunc_end2:
_tile_overlayer_lowered:
.L_overlay_start_2:
0x46b: {  	(tag) =	ssettag $0x2  }
0x46c: {  	s0 =	rddreg [dreg:$0x0];
	s2 =	stileid.u32  }
0x46d: {  	s1 =	rddreg [dreg:$0x1];
	p0 =	sne.s32 s2, $0x0  }
0x46e: {  	s3 =	rddreg [dreg:$0x2];
	[bflag:$0x3] =	sbarrier.arrive $0xFFFF;
	s2 =	simm.s32 @!p0 $0x1C02  }
0x46f: {  	[timem:s3], [sflag:s2] =	dma.local @!p0 [hbm:s0], s1  }
0x470: {  	s0 =	simm.s32 @!p0 $0x2  }
0x471: {  	_ =	swait.ge @!p0 [sflag:s0], s1  }
0x472: {  	s1 =	ssub.s32 @!p0 $0x0, s1;
	[sflag:s0] =	ssyncset.done @!p0 $0x0  }
0x473: {  	[sflag:s0] =	ssyncadd.s32 @!p0 s1  }
0x474: {  	[bflag:$0x3] =	sbarrier.arrive $0xFFFF  }
0x475: {  	_ =	shalt  }

</sc_bundles>
